<compile_context>
chip_gen: v7x
topology: tpu7x:2x2x1
jax: 0.10.2.dev20260603
libtpu: 0.0.44.dev20260713+nightly
codegen_flags: <defaults>
</compile_context>

<pallas_src>
import functools

import jax
import jax.numpy as jnp
from jax import lax
from jax.experimental import pallas as pl
from jax.experimental.pallas import tpu as pltpu
from jax.experimental.pallas import tpu_sc as plsc


def _aff_body(dn_ref, sp_ref, sc_ref, out_ref):
    dn = dn_ref[0, 0]
    sp = sp_ref[0]
    sc = sc_ref[0]
    M, TN = sp.shape[0], dn.shape[1]
    aa = jnp.sum(dn * dn, axis=0, keepdims=True)
    bb = jnp.sum(sp * sp, axis=1, keepdims=True)
    ab = jax.lax.dot_general(sp, dn, (((1,), (0,)), ((), ())),
                             preferred_element_type=jnp.float32)
    d2 = (aa + bb) - 2.0 * ab
    m1 = jnp.min(d2, axis=0, keepdims=True)
    d2b = jnp.where(d2 == m1, jnp.inf, d2)
    m2 = jnp.min(d2b, axis=0, keepdims=True)
    sel = (d2 <= m2).astype(jnp.float32)
    aff = jax.lax.dot_general(sc, sel, (((0,), (0,)), ((), ())),
                              preferred_element_type=jnp.float32)
    out_ref[0, 0] = aff * 0.5


def _view_body(ad_ref, tv_ref, nvs_ref, idx_ref, val_ref):
    tv = tv_ref[...]
    V = tv.shape[1]
    bbv = jnp.sum(tv * tv, axis=0, keepdims=True)
    nvs = nvs_ref[0]
    M = nvs.shape[0]
    iota = jax.lax.broadcasted_iota(jnp.int32, (M, V), 1)
    g = []
    for j in range(3):
        dj = ad_ref[0, j]
        aaj = jnp.sum(dj * dj, axis=1, keepdims=True)
        dots = jax.lax.dot_general(dj, tv, (((1,), (0,)), ((), ())),
                                   preferred_element_type=jnp.float32)
        dv = jnp.sqrt(jnp.maximum((aaj + bbv) - 2.0 * dots, 0.0))
        mv = jnp.min(dv, axis=1, keepdims=True)
        vi = jnp.min(jnp.where(dv == mv, iota, V), axis=1, keepdims=True)
        g.append(vi)
    nv0, nv1, nv2 = (nvs[:, j:j + 1] for j in range(3))
    v0 = jnp.where(g[0] == g[2], nv2, jnp.where(g[0] == g[1], nv1, nv0))
    v1 = jnp.where(g[1] == g[2], nv2, nv1)
    idx_ref[0] = jnp.concatenate(g, axis=1)
    val_ref[0] = jnp.concatenate([v0, v1, nv2], axis=1)


def _make_sc_scatter(B, M, V):
    info = plsc.get_sparse_core_info()
    nw = info.num_cores * info.num_subcores
    n_entries = B * M * 3
    epw = n_entries // nw
    rows_pw = epw // 3
    n_chunks = 2
    rows_pc = rows_pw // n_chunks
    epc = epw // n_chunks
    mesh = plsc.VectorSubcoreMesh(core_axis_name="c", subcore_axis_name="s")

    @functools.partial(
        pl.kernel, mesh=mesh,
        out_type=jax.ShapeDtypeStruct((B, M, V), jnp.float32),
        compiler_params=pltpu.CompilerParams(needs_layout_passes=False),
        scratch_types=[
            pltpu.VMEM((epw,), jnp.int32),
            pltpu.VMEM((epw,), jnp.float32),
            pltpu.VMEM((rows_pc, V), jnp.float32),
        ],
    )
    def sc_scatter(idx_hbm, val_hbm, out_hbm, idx_v, val_v, buf_v):
        wid = lax.axis_index("s") * info.num_cores + lax.axis_index("c")
        ebase = wid * epw
        pltpu.sync_copy(idx_hbm.at[pl.ds(ebase, epw)], idx_v)
        pltpu.sync_copy(val_hbm.at[pl.ds(ebase, epw)], val_v)
        zero16 = jnp.zeros((16,), jnp.float32)
        lane = lax.iota(jnp.int32, 16)

        def zrow(r, _):
            for u in range(V // 16):
                buf_v[r, pl.ds(u * 16, 16)] = zero16
            return 0

        lax.fori_loop(0, rows_pc, zrow, 0)
        for chunk in range(n_chunks):
            row_base = wid * rows_pw + chunk * rows_pc
            for grp in range(epc // 16):
                off = chunk * epc + grp * 16
                lrow = (ebase + off + lane) // 3 - row_base
                lcol = idx_v[pl.ds(off, 16)]
                plsc.store_scatter(buf_v, [lrow, lcol], val_v[pl.ds(off, 16)])
            bb = row_base // M
            mr = row_base - bb * M
            pltpu.sync_copy(buf_v, out_hbm.at[bb, pl.ds(mr, rows_pc)])
            if chunk + 1 < n_chunks:
                for grp in range(epc // 16):
                    off = chunk * epc + grp * 16
                    lrow = (ebase + off + lane) // 3 - row_base
                    lcol = idx_v[pl.ds(off, 16)]
                    plsc.store_scatter(buf_v, [lrow, lcol], zero16)

    return sc_scatter


def kernel(dense_points, sparse_points, normalized_scores,
           approach_directions, normalized_view_score, template_views):
    B, N, _ = dense_points.shape
    M = sparse_points.shape[1]
    V = template_views.shape[0]
    NT = 5
    TN = N // NT

    dnT = dense_points.reshape(B, NT, TN, 3).transpose(0, 1, 3, 2)
    sc2 = normalized_scores[:, :, None]
    adT = approach_directions.transpose(0, 2, 1, 3)
    tvT = template_views.T

    sidx, sval = pl.pallas_call(
        _view_body,
        grid=(B,),
        in_specs=[
            pl.BlockSpec((1, 3, M, 3), lambda b: (b, 0, 0, 0)),
            pl.BlockSpec((3, V), lambda b: (0, 0)),
            pl.BlockSpec((1, M, 3), lambda b: (b, 0, 0)),
        ],
        out_specs=[
            pl.BlockSpec((1, M, 3), lambda b: (b, 0, 0)),
            pl.BlockSpec((1, M, 3), lambda b: (b, 0, 0)),
        ],
        out_shape=[
            jax.ShapeDtypeStruct((B, M, 3), jnp.int32),
            jax.ShapeDtypeStruct((B, M, 3), jnp.float32),
        ],
        compiler_params=pltpu.CompilerParams(
            dimension_semantics=("parallel",)),
    )(adT, tvT, normalized_view_score)

    sc_scatter = _make_sc_scatter(B, M, V)
    vs = sc_scatter(sidx.reshape(-1), sval.reshape(-1))

    aff4 = pl.pallas_call(
        _aff_body,
        grid=(B, NT),
        in_specs=[
            pl.BlockSpec((1, 1, 3, TN), lambda b, t: (b, t, 0, 0)),
            pl.BlockSpec((1, M, 3), lambda b, t: (b, 0, 0)),
            pl.BlockSpec((1, M, 1), lambda b, t: (b, 0, 0)),
        ],
        out_specs=pl.BlockSpec((1, 1, 1, TN), lambda b, t: (b, t, 0, 0)),
        out_shape=jax.ShapeDtypeStruct((B, NT, 1, TN), jnp.float32),
        compiler_params=pltpu.CompilerParams(
            dimension_semantics=("parallel", "parallel")),
    )(dnT, sparse_points, sc2)
    aff = aff4.reshape(B, N)

    return aff, vs

# --- scband reference (transcript-rebuilt; emitter-appended) ---
"""Pipeline reference for scband-sim-grasp-net-19705309954200 (READ-ONLY COPY).

The authoritative reference and input builder live on the scoring server;
editing this copy changes nothing except your own understanding.
"""

import jax, jax.numpy as jnp
import numpy as np

NUM_VIEW = 800
M_POINT = 2048


def generate_grasp_views(N=NUM_VIEW):
    phi = (np.sqrt(5.0) - 1.0) / 2.0
    idxs = np.arange(N, dtype=np.float64)
    z = (2.0 * idxs + 1.0) / N - 1.0
    r = np.sqrt(np.maximum(1.0 - z * z, 0.0))
    x = r * np.cos(2.0 * np.pi * idxs * phi)
    y = r * np.sin(2.0 * np.pi * idxs * phi)
    return np.stack([x, y, z], axis=1).astype(np.float32)


def _cdist(a, b):
    aa = jnp.sum(a * a, axis=1, keepdims=True)
    bb = jnp.sum(b * b, axis=1)[None, :]
    d2 = aa + bb - 2.0 * (a @ b.T)
    return jnp.sqrt(jnp.maximum(d2, 0.0))


def setup_inputs(seed: int = 0):
    key = jax.random.key(seed)
    k1, k2, k3, k4, k5 = jax.random.split(key, 5)
    B, N, M, V = 4, 10000, M_POINT, NUM_VIEW
    dense_points = jax.random.normal(k1, (B, N, 3), dtype=jnp.float32)
    sparse_points = jax.random.normal(k2, (B, M, 3), dtype=jnp.float32)
    normalized_scores = jax.random.uniform(k3, (B, M), dtype=jnp.float32)
    ad = jax.random.normal(k4, (B, M, 3, 3), dtype=jnp.float32)
    approach_directions = ad / (jnp.linalg.norm(ad, axis=-1, keepdims=True) + 1e-8)
    normalized_view_score = jax.random.uniform(k5, (B, M, 3), dtype=jnp.float32)
    template_views = jnp.asarray(generate_grasp_views(V))
    return {
        'dense_points': dense_points,
        'sparse_points': sparse_points,
        'normalized_scores': normalized_scores,
        'approach_directions': approach_directions,
        'normalized_view_score': normalized_view_score,
        'template_views': template_views,
    }


def reference(dense_points, sparse_points, normalized_scores, approach_directions, normalized_view_score, template_views):
    B = dense_points.shape[0]
    M = sparse_points.shape[1]
    V = template_views.shape[0]
    aff_list = []
    vs_list = []
    for i in range(B):
        # distances = torch.cdist(dense_points[i], valid_sparse_points)
        d = _cdist(dense_points[i], sparse_points[i])
        # _, indices = torch.topk(distances, k=2, largest=False, dim=1)
        _, idx = jax.lax.top_k(-d, 2)
        # affordance_score = torch.mean(valid_normalized_scores[indices], dim=1)
        aff = jnp.mean(normalized_scores[i][idx], axis=1)
        # view_inds = knn(grasp_views_, grasp_views_trans_, k=1) - 1
        dirs = approach_directions[i].reshape(-1, 3)
        dv = _cdist(dirs, template_views)
        view_inds = jnp.argmin(dv, axis=1).reshape(M, 3)
        # view_scores[row_indices, view_inds_reshaped] = valid_normalized_view_score
        rows = jnp.broadcast_to(jnp.arange(M)[:, None], (M, 3))
        vs = jnp.zeros((M, V), dtype=dense_points.dtype).at[rows, view_inds].set(normalized_view_score[i])
        aff_list.append(aff)
        vs_list.append(vs)
    return jnp.stack(aff_list, 0), jnp.stack(vs_list, 0)

if __name__ == "__main__":
    import jax
    _d = setup_inputs()
    print(jax.jit(kernel)(*tuple(_d.values())))

</pallas_src>

<mosaic_0001>
#map = affine_map<(d0, d1) -> (0)>
#map1 = affine_map<(d0, d1) -> (0, 0, 0)>
module attributes {stable_mosaic.version = 14 : i64} {
  func.func @sc_scatter(%arg0: i32, %arg1: i32, %arg2: memref<24576xi32, #tpu.memory_space<hbm>>, %arg3: memref<24576xf32, #tpu.memory_space<hbm>>, %arg4: memref<4x2048x800xf32, #tpu.memory_space<hbm>>, %arg5: memref<768xi32, #tpu.memory_space<vmem>>, %arg6: memref<768xf32, #tpu.memory_space<vmem>>, %arg7: memref<128x800xf32, #tpu.memory_space<vmem>>) attributes {dimension_semantics = [#tpu.dimension_semantics<core_parallel>, #tpu.dimension_semantics<subcore_parallel>], iteration_bounds = array<i64: 2, 16>, scalar_prefetch = 0 : i64, scratch_operands = 3 : i64, tpu.core_type = #tpu.core_type<sc_vector_subcore>, window_params = [{transform_indices = #map}, {transform_indices = #map}, {transform_indices = #map1}]} {
    %mul3A = arith.constant 2 : i32
    %mul3A_0 = arith.muli %arg1, %mul3A : i32
    %add3A = arith.addi %mul3A_0, %arg0 : i32
    %mul3A_1 = arith.constant 768 : i32
    %mul3A_2 = arith.muli %add3A, %mul3A_1 : i32
    "tpu.region"() ({
      %run_scoped3A = tpu.sem_alloc : memref<!tpu.dma_semaphore, #tpu.memory_space<semaphore_mem>>
      %dma_start3A = tpu.memref_slice %arg2[%mul3A_2] : memref<24576xi32, #tpu.memory_space<hbm>> -> memref<768xi32, #tpu.memory_space<hbm>>
      %dma_start3A_2967 = tpu.memref_slice %arg2[%mul3A_2] : memref<24576xi32, #tpu.memory_space<hbm>> -> memref<768xi32, #tpu.memory_space<hbm>>
      tpu.enqueue_dma source(%dma_start3A_2967 : memref<768xi32, #tpu.memory_space<hbm>>) target(%arg5 : memref<768xi32, #tpu.memory_space<vmem>>) target_semaphore(%run_scoped3A : memref<!tpu.dma_semaphore, #tpu.memory_space<semaphore_mem>>)
      %dma_wait3A = tpu.memref_slice %arg2[%mul3A_2] : memref<24576xi32, #tpu.memory_space<hbm>> -> memref<768xi32, #tpu.memory_space<hbm>>
      %dma_wait3A_2968 = tpu.memref_slice %arg2[%mul3A_2] : memref<24576xi32, #tpu.memory_space<hbm>> -> memref<768xi32, #tpu.memory_space<hbm>>
      tpu.wait_dma2 semaphore(%run_scoped3A : memref<!tpu.dma_semaphore, #tpu.memory_space<semaphore_mem>>) src(%dma_wait3A_2968 : memref<768xi32, #tpu.memory_space<hbm>>) dst(%arg5 : memref<768xi32, #tpu.memory_space<vmem>>)
      tpu.yield
    }) : () -> ()
    "tpu.region"() ({
      %run_scoped3A = tpu.sem_alloc : memref<!tpu.dma_semaphore, #tpu.memory_space<semaphore_mem>>
      %dma_start3A = tpu.memref_slice %arg3[%mul3A_2] : memref<24576xf32, #tpu.memory_space<hbm>> -> memref<768xf32, #tpu.memory_space<hbm>>
      %dma_start3A_2967 = tpu.memref_slice %arg3[%mul3A_2] : memref<24576xf32, #tpu.memory_space<hbm>> -> memref<768xf32, #tpu.memory_space<hbm>>
      tpu.enqueue_dma source(%dma_start3A_2967 : memref<768xf32, #tpu.memory_space<hbm>>) target(%arg6 : memref<768xf32, #tpu.memory_space<vmem>>) target_semaphore(%run_scoped3A : memref<!tpu.dma_semaphore, #tpu.memory_space<semaphore_mem>>)
      %dma_wait3A = tpu.memref_slice %arg3[%mul3A_2] : memref<24576xf32, #tpu.memory_space<hbm>> -> memref<768xf32, #tpu.memory_space<hbm>>
      %dma_wait3A_2968 = tpu.memref_slice %arg3[%mul3A_2] : memref<24576xf32, #tpu.memory_space<hbm>> -> memref<768xf32, #tpu.memory_space<hbm>>
      tpu.wait_dma2 semaphore(%run_scoped3A : memref<!tpu.dma_semaphore, #tpu.memory_space<semaphore_mem>>) src(%dma_wait3A_2968 : memref<768xf32, #tpu.memory_space<hbm>>) dst(%arg6 : memref<768xf32, #tpu.memory_space<vmem>>)
      tpu.yield
    }) : () -> ()
    %broadcast_in_dim3A = arith.constant 0.000000e+00 : f32
    %broadcast_in_dim3A_3 = vector.broadcast %broadcast_in_dim3A : f32 to vector<16xf32>
    %iota3A = tpu.iota {dimensions = array<i32: 0>} : vector<16xi32>
    %scan3A = arith.constant 0 : i32
    %scan3A_4 = arith.constant 0 : i32
    %scan3A_5 = arith.constant 128 : i32
    %scan3A_6 = arith.addi %scan3A_4, %scan3A_5 : i32
    %scan3A_7 = arith.constant 1 : i32
    %scan3A_8 = scf.for %scan3A_2967 = %scan3A_4 to %scan3A_6 step %scan3A_7 iter_args(%scan3A_2968 = %scan3A) -> (i32)  : i32 {
      %swap3A = arith.index_cast %scan3A_2967 : i32 to index
      %swap3A_2969 = arith.constant 0 : index
      %swap3A_2970 = tpu.vector_load %arg7[%swap3A, %swap3A_2969] {strides = array<i32>} : memref<128x800xf32, #tpu.memory_space<vmem>>, vector<16xf32>,
      tpu.vector_store %arg7[%swap3A, %swap3A_2969], %broadcast_in_dim3A_3 {strides = array<i32>} : memref<128x800xf32, #tpu.memory_space<vmem>>, vector<16xf32>,
      %swap3A_2971 = arith.index_cast %scan3A_2967 : i32 to index
      %swap3A_2972 = arith.constant 16 : index
      %swap3A_2973 = tpu.vector_load %arg7[%swap3A_2971, %swap3A_2972] {strides = array<i32>} : memref<128x800xf32, #tpu.memory_space<vmem>>, vector<16xf32>,
      tpu.vector_store %arg7[%swap3A_2971, %swap3A_2972], %broadcast_in_dim3A_3 {strides = array<i32>} : memref<128x800xf32, #tpu.memory_space<vmem>>, vector<16xf32>,
      %swap3A_2974 = arith.index_cast %scan3A_2967 : i32 to index
      %swap3A_2975 = arith.constant 32 : index
      %swap3A_2976 = tpu.vector_load %arg7[%swap3A_2974, %swap3A_2975] {strides = array<i32>} : memref<128x800xf32, #tpu.memory_space<vmem>>, vector<16xf32>,
      tpu.vector_store %arg7[%swap3A_2974, %swap3A_2975], %broadcast_in_dim3A_3 {strides = array<i32>} : memref<128x800xf32, #tpu.memory_space<vmem>>, vector<16xf32>,
      %swap3A_2977 = arith.index_cast %scan3A_2967 : i32 to index
      %swap3A_2978 = arith.constant 48 : index
      %swap3A_2979 = tpu.vector_load %arg7[%swap3A_2977, %swap3A_2978] {strides = array<i32>} : memref<128x800xf32, #tpu.memory_space<vmem>>, vector<16xf32>,
      tpu.vector_store %arg7[%swap3A_2977, %swap3A_2978], %broadcast_in_dim3A_3 {strides = array<i32>} : memref<128x800xf32, #tpu.memory_space<vmem>>, vector<16xf32>,
      %swap3A_2980 = arith.index_cast %scan3A_2967 : i32 to index
      %swap3A_2981 = arith.constant 64 : index
      %swap3A_2982 = tpu.vector_load %arg7[%swap3A_2980, %swap3A_2981] {strides = array<i32>} : memref<128x800xf32, #tpu.memory_space<vmem>>, vector<16xf32>,
      tpu.vector_store %arg7[%swap3A_2980, %swap3A_2981], %broadcast_in_dim3A_3 {strides = array<i32>} : memref<128x800xf32, #tpu.memory_space<vmem>>, vector<16xf32>,
      %swap3A_2983 = arith.index_cast %scan3A_2967 : i32 to index
      %swap3A_2984 = arith.constant 80 : index
      %swap3A_2985 = tpu.vector_load %arg7[%swap3A_2983, %swap3A_2984] {strides = array<i32>} : memref<128x800xf32, #tpu.memory_space<vmem>>, vector<16xf32>,
      tpu.vector_store %arg7[%swap3A_2983, %swap3A_2984], %broadcast_in_dim3A_3 {strides = array<i32>} : memref<128x800xf32, #tpu.memory_space<vmem>>, vector<16xf32>,
      %swap3A_2986 = arith.index_cast %scan3A_2967 : i32 to index
      %swap3A_2987 = arith.constant 96 : index
      %swap3A_2988 = tpu.vector_load %arg7[%swap3A_2986, %swap3A_2987] {strides = array<i32>} : memref<128x800xf32, #tpu.memory_space<vmem>>, vector<16xf32>,
      tpu.vector_store %arg7[%swap3A_2986, %swap3A_2987], %broadcast_in_dim3A_3 {strides = array<i32>} : memref<128x800xf32, #tpu.memory_space<vmem>>, vector<16xf32>,
      %swap3A_2989 = arith.index_cast %scan3A_2967 : i32 to index
      %swap3A_2990 = arith.constant 112 : index
      %swap3A_2991 = tpu.vector_load %arg7[%swap3A_2989, %swap3A_2990] {strides = array<i32>} : memref<128x800xf32, #tpu.memory_space<vmem>>, vector<16xf32>,
      tpu.vector_store %arg7[%swap3A_2989, %swap3A_2990], %broadcast_in_dim3A_3 {strides = array<i32>} : memref<128x800xf32, #tpu.memory_space<vmem>>, vector<16xf32>,
      %swap3A_2992 = arith.index_cast %scan3A_2967 : i32 to index
      %swap3A_2993 = arith.constant 128 : index
      %swap3A_2994 = tpu.vector_load %arg7[%swap3A_2992, %swap3A_2993] {strides = array<i32>} : memref<128x800xf32, #tpu.memory_space<vmem>>, vector<16xf32>,
      tpu.vector_store %arg7[%swap3A_2992, %swap3A_2993], %broadcast_in_dim3A_3 {strides = array<i32>} : memref<128x800xf32, #tpu.memory_space<vmem>>, vector<16xf32>,
      %swap3A_2995 = arith.index_cast %scan3A_2967 : i32 to index
      %swap3A_2996 = arith.constant 144 : index
      %swap3A_2997 = tpu.vector_load %arg7[%swap3A_2995, %swap3A_2996] {strides = array<i32>} : memref<128x800xf32, #tpu.memory_space<vmem>>, vector<16xf32>,
      tpu.vector_store %arg7[%swap3A_2995, %swap3A_2996], %broadcast_in_dim3A_3 {strides = array<i32>} : memref<128x800xf32, #tpu.memory_space<vmem>>, vector<16xf32>,
      %swap3A_2998 = arith.index_cast %scan3A_2967 : i32 to index
      %swap3A_2999 = arith.constant 160 : index
      %swap3A_3000 = tpu.vector_load %arg7[%swap3A_2998, %swap3A_2999] {strides = array<i32>} : memref<128x800xf32, #tpu.memory_space<vmem>>, vector<16xf32>,
      tpu.vector_store %arg7[%swap3A_2998, %swap3A_2999], %broadcast_in_dim3A_3 {strides = array<i32>} : memref<128x800xf32, #tpu.memory_space<vmem>>, vector<16xf32>,
      %swap3A_3001 = arith.index_cast %scan3A_2967 : i32 to index
      %swap3A_3002 = arith.constant 176 : index
      %swap3A_3003 = tpu.vector_load %arg7[%swap3A_3001, %swap3A_3002] {strides = array<i32>} : memref<128x800xf32, #tpu.memory_space<vmem>>, vector<16xf32>,
      tpu.vector_store %arg7[%swap3A_3001, %swap3A_3002], %broadcast_in_dim3A_3 {strides = array<i32>} : memref<128x800xf32, #tpu.memory_space<vmem>>, vector<16xf32>,
      %swap3A_3004 = arith.index_cast %scan3A_2967 : i32 to index
      %swap3A_3005 = arith.constant 192 : index
      %swap3A_3006 = tpu.vector_load %arg7[%swap3A_3004, %swap3A_3005] {strides = array<i32>} : memref<128x800xf32, #tpu.memory_space<vmem>>, vector<16xf32>,
      tpu.vector_store %arg7[%swap3A_3004, %swap3A_3005], %broadcast_in_dim3A_3 {strides = array<i32>} : memref<128x800xf32, #tpu.memory_space<vmem>>, vector<16xf32>,
      %swap3A_3007 = arith.index_cast %scan3A_2967 : i32 to index
      %swap3A_3008 = arith.constant 208 : index
      %swap3A_3009 = tpu.vector_load %arg7[%swap3A_3007, %swap3A_3008] {strides = array<i32>} : memref<128x800xf32, #tpu.memory_space<vmem>>, vector<16xf32>,
      tpu.vector_store %arg7[%swap3A_3007, %swap3A_3008], %broadcast_in_dim3A_3 {strides = array<i32>} : memref<128x800xf32, #tpu.memory_space<vmem>>, vector<16xf32>,
      %swap3A_3010 = arith.index_cast %scan3A_2967 : i32 to index
      %swap3A_3011 = arith.constant 224 : index
      %swap3A_3012 = tpu.vector_load %arg7[%swap3A_3010, %swap3A_3011] {strides = array<i32>} : memref<128x800xf32, #tpu.memory_space<vmem>>, vector<16xf32>,
      tpu.vector_store %arg7[%swap3A_3010, %swap3A_3011], %broadcast_in_dim3A_3 {strides = array<i32>} : memref<128x800xf32, #tpu.memory_space<vmem>>, vector<16xf32>,
      %swap3A_3013 = arith.index_cast %scan3A_2967 : i32 to index
      %swap3A_3014 = arith.constant 240 : index
      %swap3A_3015 = tpu.vector_load %arg7[%swap3A_3013, %swap3A_3014] {strides = array<i32>} : memref<128x800xf32, #tpu.memory_space<vmem>>, vector<16xf32>,
      tpu.vector_store %arg7[%swap3A_3013, %swap3A_3014], %broadcast_in_dim3A_3 {strides = array<i32>} : memref<128x800xf32, #tpu.memory_space<vmem>>, vector<16xf32>,
      %swap3A_3016 = arith.index_cast %scan3A_2967 : i32 to index
      %swap3A_3017 = arith.constant 256 : index
      %swap3A_3018 = tpu.vector_load %arg7[%swap3A_3016, %swap3A_3017] {strides = array<i32>} : memref<128x800xf32, #tpu.memory_space<vmem>>, vector<16xf32>,
      tpu.vector_store %arg7[%swap3A_3016, %swap3A_3017], %broadcast_in_dim3A_3 {strides = array<i32>} : memref<128x800xf32, #tpu.memory_space<vmem>>, vector<16xf32>,
      %swap3A_3019 = arith.index_cast %scan3A_2967 : i32 to index
      %swap3A_3020 = arith.constant 272 : index
      %swap3A_3021 = tpu.vector_load %arg7[%swap3A_3019, %swap3A_3020] {strides = array<i32>} : memref<128x800xf32, #tpu.memory_space<vmem>>, vector<16xf32>,
      tpu.vector_store %arg7[%swap3A_3019, %swap3A_3020], %broadcast_in_dim3A_3 {strides = array<i32>} : memref<128x800xf32, #tpu.memory_space<vmem>>, vector<16xf32>,
      %swap3A_3022 = arith.index_cast %scan3A_2967 : i32 to index
      %swap3A_3023 = arith.constant 288 : index
      %swap3A_3024 = tpu.vector_load %arg7[%swap3A_3022, %swap3A_3023] {strides = array<i32>} : memref<128x800xf32, #tpu.memory_space<vmem>>, vector<16xf32>,
      tpu.vector_store %arg7[%swap3A_3022, %swap3A_3023], %broadcast_in_dim3A_3 {strides = array<i32>} : memref<128x800xf32, #tpu.memory_space<vmem>>, vector<16xf32>,
      %swap3A_3025 = arith.index_cast %scan3A_2967 : i32 to index
      %swap3A_3026 = arith.constant 304 : index
      %swap3A_3027 = tpu.vector_load %arg7[%swap3A_3025, %swap3A_3026] {strides = array<i32>} : memref<128x800xf32, #tpu.memory_space<vmem>>, vector<16xf32>,
      tpu.vector_store %arg7[%swap3A_3025, %swap3A_3026], %broadcast_in_dim3A_3 {strides = array<i32>} : memref<128x800xf32, #tpu.memory_space<vmem>>, vector<16xf32>,
      %swap3A_3028 = arith.index_cast %scan3A_2967 : i32 to index
      %swap3A_3029 = arith.constant 320 : index
      %swap3A_3030 = tpu.vector_load %arg7[%swap3A_3028, %swap3A_3029] {strides = array<i32>} : memref<128x800xf32, #tpu.memory_space<vmem>>, vector<16xf32>,
      tpu.vector_store %arg7[%swap3A_3028, %swap3A_3029], %broadcast_in_dim3A_3 {strides = array<i32>} : memref<128x800xf32, #tpu.memory_space<vmem>>, vector<16xf32>,
      %swap3A_3031 = arith.index_cast %scan3A_2967 : i32 to index
      %swap3A_3032 = arith.constant 336 : index
      %swap3A_3033 = tpu.vector_load %arg7[%swap3A_3031, %swap3A_3032] {strides = array<i32>} : memref<128x800xf32, #tpu.memory_space<vmem>>, vector<16xf32>,
      tpu.vector_store %arg7[%swap3A_3031, %swap3A_3032], %broadcast_in_dim3A_3 {strides = array<i32>} : memref<128x800xf32, #tpu.memory_space<vmem>>, vector<16xf32>,
      %swap3A_3034 = arith.index_cast %scan3A_2967 : i32 to index
      %swap3A_3035 = arith.constant 352 : index
      %swap3A_3036 = tpu.vector_load %arg7[%swap3A_3034, %swap3A_3035] {strides = array<i32>} : memref<128x800xf32, #tpu.memory_space<vmem>>, vector<16xf32>,
      tpu.vector_store %arg7[%swap3A_3034, %swap3A_3035], %broadcast_in_dim3A_3 {strides = array<i32>} : memref<128x800xf32, #tpu.memory_space<vmem>>, vector<16xf32>,
      %swap3A_3037 = arith.index_cast %scan3A_2967 : i32 to index
      %swap3A_3038 = arith.constant 368 : index
      %swap3A_3039 = tpu.vector_load %arg7[%swap3A_3037, %swap3A_3038] {strides = array<i32>} : memref<128x800xf32, #tpu.memory_space<vmem>>, vector<16xf32>,
      tpu.vector_store %arg7[%swap3A_3037, %swap3A_3038], %broadcast_in_dim3A_3 {strides = array<i32>} : memref<128x800xf32, #tpu.memory_space<vmem>>, vector<16xf32>,
      %swap3A_3040 = arith.index_cast %scan3A_2967 : i32 to index
      %swap3A_3041 = arith.constant 384 : index
      %swap3A_3042 = tpu.vector_load %arg7[%swap3A_3040, %swap3A_3041] {strides = array<i32>} : memref<128x800xf32, #tpu.memory_space<vmem>>, vector<16xf32>,
      tpu.vector_store %arg7[%swap3A_3040, %swap3A_3041], %broadcast_in_dim3A_3 {strides = array<i32>} : memref<128x800xf32, #tpu.memory_space<vmem>>, vector<16xf32>,
      %swap3A_3043 = arith.index_cast %scan3A_2967 : i32 to index
      %swap3A_3044 = arith.constant 400 : index
      %swap3A_3045 = tpu.vector_load %arg7[%swap3A_3043, %swap3A_3044] {strides = array<i32>} : memref<128x800xf32, #tpu.memory_space<vmem>>, vector<16xf32>,
      tpu.vector_store %arg7[%swap3A_3043, %swap3A_3044], %broadcast_in_dim3A_3 {strides = array<i32>} : memref<128x800xf32, #tpu.memory_space<vmem>>, vector<16xf32>,
      %swap3A_3046 = arith.index_cast %scan3A_2967 : i32 to index
      %swap3A_3047 = arith.constant 416 : index
      %swap3A_3048 = tpu.vector_load %arg7[%swap3A_3046, %swap3A_3047] {strides = array<i32>} : memref<128x800xf32, #tpu.memory_space<vmem>>, vector<16xf32>,
      tpu.vector_store %arg7[%swap3A_3046, %swap3A_3047], %broadcast_in_dim3A_3 {strides = array<i32>} : memref<128x800xf32, #tpu.memory_space<vmem>>, vector<16xf32>,
      %swap3A_3049 = arith.index_cast %scan3A_2967 : i32 to index
      %swap3A_3050 = arith.constant 432 : index
      %swap3A_3051 = tpu.vector_load %arg7[%swap3A_3049, %swap3A_3050] {strides = array<i32>} : memref<128x800xf32, #tpu.memory_space<vmem>>, vector<16xf32>,
      tpu.vector_store %arg7[%swap3A_3049, %swap3A_3050], %broadcast_in_dim3A_3 {strides = array<i32>} : memref<128x800xf32, #tpu.memory_space<vmem>>, vector<16xf32>,
      %swap3A_3052 = arith.index_cast %scan3A_2967 : i32 to index
      %swap3A_3053 = arith.constant 448 : index
      %swap3A_3054 = tpu.vector_load %arg7[%swap3A_3052, %swap3A_3053] {strides = array<i32>} : memref<128x800xf32, #tpu.memory_space<vmem>>, vector<16xf32>,
      tpu.vector_store %arg7[%swap3A_3052, %swap3A_3053], %broadcast_in_dim3A_3 {strides = array<i32>} : memref<128x800xf32, #tpu.memory_space<vmem>>, vector<16xf32>,
      %swap3A_3055 = arith.index_cast %scan3A_2967 : i32 to index
      %swap3A_3056 = arith.constant 464 : index
      %swap3A_3057 = tpu.vector_load %arg7[%swap3A_3055, %swap3A_3056] {strides = array<i32>} : memref<128x800xf32, #tpu.memory_space<vmem>>, vector<16xf32>,
      tpu.vector_store %arg7[%swap3A_3055, %swap3A_3056], %broadcast_in_dim3A_3 {strides = array<i32>} : memref<128x800xf32, #tpu.memory_space<vmem>>, vector<16xf32>,
      %swap3A_3058 = arith.index_cast %scan3A_2967 : i32 to index
      %swap3A_3059 = arith.constant 480 : index
      %swap3A_3060 = tpu.vector_load %arg7[%swap3A_3058, %swap3A_3059] {strides = array<i32>} : memref<128x800xf32, #tpu.memory_space<vmem>>, vector<16xf32>,
      tpu.vector_store %arg7[%swap3A_3058, %swap3A_3059], %broadcast_in_dim3A_3 {strides = array<i32>} : memref<128x800xf32, #tpu.memory_space<vmem>>, vector<16xf32>,
      %swap3A_3061 = arith.index_cast %scan3A_2967 : i32 to index
      %swap3A_3062 = arith.constant 496 : index
      %swap3A_3063 = tpu.vector_load %arg7[%swap3A_3061, %swap3A_3062] {strides = array<i32>} : memref<128x800xf32, #tpu.memory_space<vmem>>, vector<16xf32>,
      tpu.vector_store %arg7[%swap3A_3061, %swap3A_3062], %broadcast_in_dim3A_3 {strides = array<i32>} : memref<128x800xf32, #tpu.memory_space<vmem>>, vector<16xf32>,
      %swap3A_3064 = arith.index_cast %scan3A_2967 : i32 to index
      %swap3A_3065 = arith.constant 512 : index
      %swap3A_3066 = tpu.vector_load %arg7[%swap3A_3064, %swap3A_3065] {strides = array<i32>} : memref<128x800xf32, #tpu.memory_space<vmem>>, vector<16xf32>,
      tpu.vector_store %arg7[%swap3A_3064, %swap3A_3065], %broadcast_in_dim3A_3 {strides = array<i32>} : memref<128x800xf32, #tpu.memory_space<vmem>>, vector<16xf32>,
      %swap3A_3067 = arith.index_cast %scan3A_2967 : i32 to index
      %swap3A_3068 = arith.constant 528 : index
      %swap3A_3069 = tpu.vector_load %arg7[%swap3A_3067, %swap3A_3068] {strides = array<i32>} : memref<128x800xf32, #tpu.memory_space<vmem>>, vector<16xf32>,
      tpu.vector_store %arg7[%swap3A_3067, %swap3A_3068], %broadcast_in_dim3A_3 {strides = array<i32>} : memref<128x800xf32, #tpu.memory_space<vmem>>, vector<16xf32>,
      %swap3A_3070 = arith.index_cast %scan3A_2967 : i32 to index
      %swap3A_3071 = arith.constant 544 : index
      %swap3A_3072 = tpu.vector_load %arg7[%swap3A_3070, %swap3A_3071] {strides = array<i32>} : memref<128x800xf32, #tpu.memory_space<vmem>>, vector<16xf32>,
      tpu.vector_store %arg7[%swap3A_3070, %swap3A_3071], %broadcast_in_dim3A_3 {strides = array<i32>} : memref<128x800xf32, #tpu.memory_space<vmem>>, vector<16xf32>,
      %swap3A_3073 = arith.index_cast %scan3A_2967 : i32 to index
      %swap3A_3074 = arith.constant 560 : index
      %swap3A_3075 = tpu.vector_load %arg7[%swap3A_3073, %swap3A_3074] {strides = array<i32>} : memref<128x800xf32, #tpu.memory_space<vmem>>, vector<16xf32>,
      tpu.vector_store %arg7[%swap3A_3073, %swap3A_3074], %broadcast_in_dim3A_3 {strides = array<i32>} : memref<128x800xf32, #tpu.memory_space<vmem>>, vector<16xf32>,
      %swap3A_3076 = arith.index_cast %scan3A_2967 : i32 to index
      %swap3A_3077 = arith.constant 576 : index
      %swap3A_3078 = tpu.vector_load %arg7[%swap3A_3076, %swap3A_3077] {strides = array<i32>} : memref<128x800xf32, #tpu.memory_space<vmem>>, vector<16xf32>,
      tpu.vector_store %arg7[%swap3A_3076, %swap3A_3077], %broadcast_in_dim3A_3 {strides = array<i32>} : memref<128x800xf32, #tpu.memory_space<vmem>>, vector<16xf32>,
      %swap3A_3079 = arith.index_cast %scan3A_2967 : i32 to index
      %swap3A_3080 = arith.constant 592 : index
      %swap3A_3081 = tpu.vector_load %arg7[%swap3A_3079, %swap3A_3080] {strides = array<i32>} : memref<128x800xf32, #tpu.memory_space<vmem>>, vector<16xf32>,
      tpu.vector_store %arg7[%swap3A_3079, %swap3A_3080], %broadcast_in_dim3A_3 {strides = array<i32>} : memref<128x800xf32, #tpu.memory_space<vmem>>, vector<16xf32>,
      %swap3A_3082 = arith.index_cast %scan3A_2967 : i32 to index
      %swap3A_3083 = arith.constant 608 : index
      %swap3A_3084 = tpu.vector_load %arg7[%swap3A_3082, %swap3A_3083] {strides = array<i32>} : memref<128x800xf32, #tpu.memory_space<vmem>>, vector<16xf32>,
      tpu.vector_store %arg7[%swap3A_3082, %swap3A_3083], %broadcast_in_dim3A_3 {strides = array<i32>} : memref<128x800xf32, #tpu.memory_space<vmem>>, vector<16xf32>,
      %swap3A_3085 = arith.index_cast %scan3A_2967 : i32 to index
      %swap3A_3086 = arith.constant 624 : index
      %swap3A_3087 = tpu.vector_load %arg7[%swap3A_3085, %swap3A_3086] {strides = array<i32>} : memref<128x800xf32, #tpu.memory_space<vmem>>, vector<16xf32>,
      tpu.vector_store %arg7[%swap3A_3085, %swap3A_3086], %broadcast_in_dim3A_3 {strides = array<i32>} : memref<128x800xf32, #tpu.memory_space<vmem>>, vector<16xf32>,
      %swap3A_3088 = arith.index_cast %scan3A_2967 : i32 to index
      %swap3A_3089 = arith.constant 640 : index
      %swap3A_3090 = tpu.vector_load %arg7[%swap3A_3088, %swap3A_3089] {strides = array<i32>} : memref<128x800xf32, #tpu.memory_space<vmem>>, vector<16xf32>,
      tpu.vector_store %arg7[%swap3A_3088, %swap3A_3089], %broadcast_in_dim3A_3 {strides = array<i32>} : memref<128x800xf32, #tpu.memory_space<vmem>>, vector<16xf32>,
      %swap3A_3091 = arith.index_cast %scan3A_2967 : i32 to index
      %swap3A_3092 = arith.constant 656 : index
      %swap3A_3093 = tpu.vector_load %arg7[%swap3A_3091, %swap3A_3092] {strides = array<i32>} : memref<128x800xf32, #tpu.memory_space<vmem>>, vector<16xf32>,
      tpu.vector_store %arg7[%swap3A_3091, %swap3A_3092], %broadcast_in_dim3A_3 {strides = array<i32>} : memref<128x800xf32, #tpu.memory_space<vmem>>, vector<16xf32>,
      %swap3A_3094 = arith.index_cast %scan3A_2967 : i32 to index
      %swap3A_3095 = arith.constant 672 : index
      %swap3A_3096 = tpu.vector_load %arg7[%swap3A_3094, %swap3A_3095] {strides = array<i32>} : memref<128x800xf32, #tpu.memory_space<vmem>>, vector<16xf32>,
      tpu.vector_store %arg7[%swap3A_3094, %swap3A_3095], %broadcast_in_dim3A_3 {strides = array<i32>} : memref<128x800xf32, #tpu.memory_space<vmem>>, vector<16xf32>,
      %swap3A_3097 = arith.index_cast %scan3A_2967 : i32 to index
      %swap3A_3098 = arith.constant 688 : index
      %swap3A_3099 = tpu.vector_load %arg7[%swap3A_3097, %swap3A_3098] {strides = array<i32>} : memref<128x800xf32, #tpu.memory_space<vmem>>, vector<16xf32>,
      tpu.vector_store %arg7[%swap3A_3097, %swap3A_3098], %broadcast_in_dim3A_3 {strides = array<i32>} : memref<128x800xf32, #tpu.memory_space<vmem>>, vector<16xf32>,
      %swap3A_3100 = arith.index_cast %scan3A_2967 : i32 to index
      %swap3A_3101 = arith.constant 704 : index
      %swap3A_3102 = tpu.vector_load %arg7[%swap3A_3100, %swap3A_3101] {strides = array<i32>} : memref<128x800xf32, #tpu.memory_space<vmem>>, vector<16xf32>,
      tpu.vector_store %arg7[%swap3A_3100, %swap3A_3101], %broadcast_in_dim3A_3 {strides = array<i32>} : memref<128x800xf32, #tpu.memory_space<vmem>>, vector<16xf32>,
      %swap3A_3103 = arith.index_cast %scan3A_2967 : i32 to index
      %swap3A_3104 = arith.constant 720 : index
      %swap3A_3105 = tpu.vector_load %arg7[%swap3A_3103, %swap3A_3104] {strides = array<i32>} : memref<128x800xf32, #tpu.memory_space<vmem>>, vector<16xf32>,
      tpu.vector_store %arg7[%swap3A_3103, %swap3A_3104], %broadcast_in_dim3A_3 {strides = array<i32>} : memref<128x800xf32, #tpu.memory_space<vmem>>, vector<16xf32>,
      %swap3A_3106 = arith.index_cast %scan3A_2967 : i32 to index
      %swap3A_3107 = arith.constant 736 : index
      %swap3A_3108 = tpu.vector_load %arg7[%swap3A_3106, %swap3A_3107] {strides = array<i32>} : memref<128x800xf32, #tpu.memory_space<vmem>>, vector<16xf32>,
      tpu.vector_store %arg7[%swap3A_3106, %swap3A_3107], %broadcast_in_dim3A_3 {strides = array<i32>} : memref<128x800xf32, #tpu.memory_space<vmem>>, vector<16xf32>,
      %swap3A_3109 = arith.index_cast %scan3A_2967 : i32 to index
      %swap3A_3110 = arith.constant 752 : index
      %swap3A_3111 = tpu.vector_load %arg7[%swap3A_3109, %swap3A_3110] {strides = array<i32>} : memref<128x800xf32, #tpu.memory_space<vmem>>, vector<16xf32>,
      tpu.vector_store %arg7[%swap3A_3109, %swap3A_3110], %broadcast_in_dim3A_3 {strides = array<i32>} : memref<128x800xf32, #tpu.memory_space<vmem>>, vector<16xf32>,
      %swap3A_3112 = arith.index_cast %scan3A_2967 : i32 to index
      %swap3A_3113 = arith.constant 768 : index
      %swap3A_3114 = tpu.vector_load %arg7[%swap3A_3112, %swap3A_3113] {strides = array<i32>} : memref<128x800xf32, #tpu.memory_space<vmem>>, vector<16xf32>,
      tpu.vector_store %arg7[%swap3A_3112, %swap3A_3113], %broadcast_in_dim3A_3 {strides = array<i32>} : memref<128x800xf32, #tpu.memory_space<vmem>>, vector<16xf32>,
      %swap3A_3115 = arith.index_cast %scan3A_2967 : i32 to index
      %swap3A_3116 = arith.constant 784 : index
      %swap3A_3117 = tpu.vector_load %arg7[%swap3A_3115, %swap3A_3116] {strides = array<i32>} : memref<128x800xf32, #tpu.memory_space<vmem>>, vector<16xf32>,
      tpu.vector_store %arg7[%swap3A_3115, %swap3A_3116], %broadcast_in_dim3A_3 {strides = array<i32>} : memref<128x800xf32, #tpu.memory_space<vmem>>, vector<16xf32>,
      %scan3A_3118 = arith.constant 0 : i32
      scf.yield %scan3A_3118 : i32
    }
    %scan3A_9 = arith.constant 128 : i32
    %mul3A_10 = arith.constant 256 : i32
    %mul3A_11 = arith.muli %add3A, %mul3A_10 : i32
    %add3A_12 = arith.constant 0 : i32
    %add3A_13 = arith.addi %mul3A_11, %add3A_12 : i32
    %add3A_14 = arith.constant 0 : i32
    %add3A_15 = arith.addi %mul3A_2, %add3A_14 : i32
    %add3A_16 = vector.broadcast %add3A_15 : i32 to vector<16xi32>
    %add3A_17 = arith.addi %add3A_16, %iota3A : vector<16xi32>
    %jit3A = arith.constant 3 : i32
    %div3A = vector.broadcast %jit3A : i32 to vector<16xi32>
    %div3A_18 = arith.divsi %add3A_17, %div3A : vector<16xi32>
    %sign3A = arith.constant 0 : i32
    %sign3A_19 = vector.broadcast %sign3A : i32 to vector<16xi32>
    %sign3A_20 = arith.cmpi sgt, %add3A_17, %sign3A_19 : vector<16xi32>
    %sign3A_21 = arith.extui %sign3A_20 : vector<16xi1> to vector<16xi32>
    %sign3A_22 = arith.constant 0 : i32
    %sign3A_23 = vector.broadcast %sign3A_22 : i32 to vector<16xi32>
    %sign3A_24 = arith.cmpi slt, %add3A_17, %sign3A_23 : vector<16xi32>
    %sign3A_25 = arith.extui %sign3A_24 : vector<16xi1> to vector<16xi32>
    %sign3A_26 = arith.subi %sign3A_21, %sign3A_25 : vector<16xi32>
    %sign3A_27 = arith.constant 0 : i32
    %sign3A_28 = arith.cmpi sgt, %jit3A, %sign3A_27 : i32
    %sign3A_29 = arith.extui %sign3A_28 : i1 to i32
    %sign3A_30 = arith.constant 0 : i32
    %sign3A_31 = arith.cmpi slt, %jit3A, %sign3A_30 : i32
    %sign3A_32 = arith.extui %sign3A_31 : i1 to i32
    %sign3A_33 = arith.subi %sign3A_29, %sign3A_32 : i32
    %ne3A = vector.broadcast %sign3A_33 : i32 to vector<16xi32>
    %ne3A_34 = arith.cmpi ne, %sign3A_26, %ne3A : vector<16xi32>
    %rem3A = vector.broadcast %jit3A : i32 to vector<16xi32>
    %rem3A_35 = arith.remsi %add3A_17, %rem3A : vector<16xi32>
    %ne3A_36 = arith.constant 0 : i32
    %ne3A_37 = vector.broadcast %ne3A_36 : i32 to vector<16xi32>
    %ne3A_38 = arith.cmpi ne, %rem3A_35, %ne3A_37 : vector<16xi32>
    %and3A = arith.andi %ne3A_34, %ne3A_38 : vector<16xi1>
    %sub3A = arith.constant 1 : i32
    %sub3A_39 = vector.broadcast %sub3A : i32 to vector<16xi32>
    %sub3A_40 = arith.subi %div3A_18, %sub3A_39 : vector<16xi32>
    %select_n3A = arith.select %and3A, %sub3A_40, %div3A_18 : vector<16xi1>, vector<16xi32>
    %sub3A_41 = vector.broadcast %add3A_13 : i32 to vector<16xi32>
    %sub3A_42 = arith.subi %select_n3A, %sub3A_41 : vector<16xi32>
    %get3A = arith.constant 0 : index
    %get3A_43 = tpu.vector_load %arg5[%get3A] {strides = array<i32>} : memref<768xi32, #tpu.memory_space<vmem>>, vector<16xi32>,
    %get3A_44 = arith.constant 0 : index
    %get3A_45 = tpu.vector_load %arg6[%get3A_44] {strides = array<i32>} : memref<768xf32, #tpu.memory_space<vmem>>, vector<16xf32>,
    tpu.vector_store_idx %arg7[%sub3A_42, %get3A_43], %get3A_45 : memref<128x800xf32, #tpu.memory_space<vmem>>[vector<16xi32>, vector<16xi32>], vector<16xf32>,
    %add3A_46 = arith.constant 16 : i32
    %add3A_47 = arith.addi %mul3A_2, %add3A_46 : i32
    %add3A_48 = vector.broadcast %add3A_47 : i32 to vector<16xi32>
    %add3A_49 = arith.addi %add3A_48, %iota3A : vector<16xi32>
    %jit3A_50 = arith.constant 3 : i32
    %div3A_51 = vector.broadcast %jit3A_50 : i32 to vector<16xi32>
    %div3A_52 = arith.divsi %add3A_49, %div3A_51 : vector<16xi32>
    %sign3A_53 = arith.constant 0 : i32
    %sign3A_54 = vector.broadcast %sign3A_53 : i32 to vector<16xi32>
    %sign3A_55 = arith.cmpi sgt, %add3A_49, %sign3A_54 : vector<16xi32>
    %sign3A_56 = arith.extui %sign3A_55 : vector<16xi1> to vector<16xi32>
    %sign3A_57 = arith.constant 0 : i32
    %sign3A_58 = vector.broadcast %sign3A_57 : i32 to vector<16xi32>
    %sign3A_59 = arith.cmpi slt, %add3A_49, %sign3A_58 : vector<16xi32>
    %sign3A_60 = arith.extui %sign3A_59 : vector<16xi1> to vector<16xi32>
    %sign3A_61 = arith.subi %sign3A_56, %sign3A_60 : vector<16xi32>
    %sign3A_62 = arith.constant 0 : i32
    %sign3A_63 = arith.cmpi sgt, %jit3A_50, %sign3A_62 : i32
    %sign3A_64 = arith.extui %sign3A_63 : i1 to i32
    %sign3A_65 = arith.constant 0 : i32
    %sign3A_66 = arith.cmpi slt, %jit3A_50, %sign3A_65 : i32
    %sign3A_67 = arith.extui %sign3A_66 : i1 to i32
    %sign3A_68 = arith.subi %sign3A_64, %sign3A_67 : i32
    %ne3A_69 = vector.broadcast %sign3A_68 : i32 to vector<16xi32>
    %ne3A_70 = arith.cmpi ne, %sign3A_61, %ne3A_69 : vector<16xi32>
    %rem3A_71 = vector.broadcast %jit3A_50 : i32 to vector<16xi32>
    %rem3A_72 = arith.remsi %add3A_49, %rem3A_71 : vector<16xi32>
    %ne3A_73 = arith.constant 0 : i32
    %ne3A_74 = vector.broadcast %ne3A_73 : i32 to vector<16xi32>
    %ne3A_75 = arith.cmpi ne, %rem3A_72, %ne3A_74 : vector<16xi32>
    %and3A_76 = arith.andi %ne3A_70, %ne3A_75 : vector<16xi1>
    %sub3A_77 = arith.constant 1 : i32
    %sub3A_78 = vector.broadcast %sub3A_77 : i32 to vector<16xi32>
    %sub3A_79 = arith.subi %div3A_52, %sub3A_78 : vector<16xi32>
    %select_n3A_80 = arith.select %and3A_76, %sub3A_79, %div3A_52 : vector<16xi1>, vector<16xi32>
    %sub3A_81 = vector.broadcast %add3A_13 : i32 to vector<16xi32>
    %sub3A_82 = arith.subi %select_n3A_80, %sub3A_81 : vector<16xi32>
    %get3A_83 = arith.constant 16 : index
    %get3A_84 = tpu.vector_load %arg5[%get3A_83] {strides = array<i32>} : memref<768xi32, #tpu.memory_space<vmem>>, vector<16xi32>,
    %get3A_85 = arith.constant 16 : index
    %get3A_86 = tpu.vector_load %arg6[%get3A_85] {strides = array<i32>} : memref<768xf32, #tpu.memory_space<vmem>>, vector<16xf32>,
    tpu.vector_store_idx %arg7[%sub3A_82, %get3A_84], %get3A_86 : memref<128x800xf32, #tpu.memory_space<vmem>>[vector<16xi32>, vector<16xi32>], vector<16xf32>,
    %add3A_87 = arith.constant 32 : i32
    %add3A_88 = arith.addi %mul3A_2, %add3A_87 : i32
    %add3A_89 = vector.broadcast %add3A_88 : i32 to vector<16xi32>
    %add3A_90 = arith.addi %add3A_89, %iota3A : vector<16xi32>
    %jit3A_91 = arith.constant 3 : i32
    %div3A_92 = vector.broadcast %jit3A_91 : i32 to vector<16xi32>
    %div3A_93 = arith.divsi %add3A_90, %div3A_92 : vector<16xi32>
    %sign3A_94 = arith.constant 0 : i32
    %sign3A_95 = vector.broadcast %sign3A_94 : i32 to vector<16xi32>
    %sign3A_96 = arith.cmpi sgt, %add3A_90, %sign3A_95 : vector<16xi32>
    %sign3A_97 = arith.extui %sign3A_96 : vector<16xi1> to vector<16xi32>
    %sign3A_98 = arith.constant 0 : i32
    %sign3A_99 = vector.broadcast %sign3A_98 : i32 to vector<16xi32>
    %sign3A_100 = arith.cmpi slt, %add3A_90, %sign3A_99 : vector<16xi32>
    %sign3A_101 = arith.extui %sign3A_100 : vector<16xi1> to vector<16xi32>
    %sign3A_102 = arith.subi %sign3A_97, %sign3A_101 : vector<16xi32>
    %sign3A_103 = arith.constant 0 : i32
    %sign3A_104 = arith.cmpi sgt, %jit3A_91, %sign3A_103 : i32
    %sign3A_105 = arith.extui %sign3A_104 : i1 to i32
    %sign3A_106 = arith.constant 0 : i32
    %sign3A_107 = arith.cmpi slt, %jit3A_91, %sign3A_106 : i32
    %sign3A_108 = arith.extui %sign3A_107 : i1 to i32
    %sign3A_109 = arith.subi %sign3A_105, %sign3A_108 : i32
    %ne3A_110 = vector.broadcast %sign3A_109 : i32 to vector<16xi32>
    %ne3A_111 = arith.cmpi ne, %sign3A_102, %ne3A_110 : vector<16xi32>
    %rem3A_112 = vector.broadcast %jit3A_91 : i32 to vector<16xi32>
    %rem3A_113 = arith.remsi %add3A_90, %rem3A_112 : vector<16xi32>
    %ne3A_114 = arith.constant 0 : i32
    %ne3A_115 = vector.broadcast %ne3A_114 : i32 to vector<16xi32>
    %ne3A_116 = arith.cmpi ne, %rem3A_113, %ne3A_115 : vector<16xi32>
    %and3A_117 = arith.andi %ne3A_111, %ne3A_116 : vector<16xi1>
    %sub3A_118 = arith.constant 1 : i32
    %sub3A_119 = vector.broadcast %sub3A_118 : i32 to vector<16xi32>
    %sub3A_120 = arith.subi %div3A_93, %sub3A_119 : vector<16xi32>
    %select_n3A_121 = arith.select %and3A_117, %sub3A_120, %div3A_93 : vector<16xi1>, vector<16xi32>
    %sub3A_122 = vector.broadcast %add3A_13 : i32 to vector<16xi32>
    %sub3A_123 = arith.subi %select_n3A_121, %sub3A_122 : vector<16xi32>
    %get3A_124 = arith.constant 32 : index
    %get3A_125 = tpu.vector_load %arg5[%get3A_124] {strides = array<i32>} : memref<768xi32, #tpu.memory_space<vmem>>, vector<16xi32>,
    %get3A_126 = arith.constant 32 : index
    %get3A_127 = tpu.vector_load %arg6[%get3A_126] {strides = array<i32>} : memref<768xf32, #tpu.memory_space<vmem>>, vector<16xf32>,
    tpu.vector_store_idx %arg7[%sub3A_123, %get3A_125], %get3A_127 : memref<128x800xf32, #tpu.memory_space<vmem>>[vector<16xi32>, vector<16xi32>], vector<16xf32>,
    %add3A_128 = arith.constant 48 : i32
    %add3A_129 = arith.addi %mul3A_2, %add3A_128 : i32
    %add3A_130 = vector.broadcast %add3A_129 : i32 to vector<16xi32>
    %add3A_131 = arith.addi %add3A_130, %iota3A : vector<16xi32>
    %jit3A_132 = arith.constant 3 : i32
    %div3A_133 = vector.broadcast %jit3A_132 : i32 to vector<16xi32>
    %div3A_134 = arith.divsi %add3A_131, %div3A_133 : vector<16xi32>
    %sign3A_135 = arith.constant 0 : i32
    %sign3A_136 = vector.broadcast %sign3A_135 : i32 to vector<16xi32>
    %sign3A_137 = arith.cmpi sgt, %add3A_131, %sign3A_136 : vector<16xi32>
    %sign3A_138 = arith.extui %sign3A_137 : vector<16xi1> to vector<16xi32>
    %sign3A_139 = arith.constant 0 : i32
    %sign3A_140 = vector.broadcast %sign3A_139 : i32 to vector<16xi32>
    %sign3A_141 = arith.cmpi slt, %add3A_131, %sign3A_140 : vector<16xi32>
    %sign3A_142 = arith.extui %sign3A_141 : vector<16xi1> to vector<16xi32>
    %sign3A_143 = arith.subi %sign3A_138, %sign3A_142 : vector<16xi32>
    %sign3A_144 = arith.constant 0 : i32
    %sign3A_145 = arith.cmpi sgt, %jit3A_132, %sign3A_144 : i32
    %sign3A_146 = arith.extui %sign3A_145 : i1 to i32
    %sign3A_147 = arith.constant 0 : i32
    %sign3A_148 = arith.cmpi slt, %jit3A_132, %sign3A_147 : i32
    %sign3A_149 = arith.extui %sign3A_148 : i1 to i32
    %sign3A_150 = arith.subi %sign3A_146, %sign3A_149 : i32
    %ne3A_151 = vector.broadcast %sign3A_150 : i32 to vector<16xi32>
    %ne3A_152 = arith.cmpi ne, %sign3A_143, %ne3A_151 : vector<16xi32>
    %rem3A_153 = vector.broadcast %jit3A_132 : i32 to vector<16xi32>
    %rem3A_154 = arith.remsi %add3A_131, %rem3A_153 : vector<16xi32>
    %ne3A_155 = arith.constant 0 : i32
    %ne3A_156 = vector.broadcast %ne3A_155 : i32 to vector<16xi32>
    %ne3A_157 = arith.cmpi ne, %rem3A_154, %ne3A_156 : vector<16xi32>
    %and3A_158 = arith.andi %ne3A_152, %ne3A_157 : vector<16xi1>
    %sub3A_159 = arith.constant 1 : i32
    %sub3A_160 = vector.broadcast %sub3A_159 : i32 to vector<16xi32>
    %sub3A_161 = arith.subi %div3A_134, %sub3A_160 : vector<16xi32>
    %select_n3A_162 = arith.select %and3A_158, %sub3A_161, %div3A_134 : vector<16xi1>, vector<16xi32>
    %sub3A_163 = vector.broadcast %add3A_13 : i32 to vector<16xi32>
    %sub3A_164 = arith.subi %select_n3A_162, %sub3A_163 : vector<16xi32>
    %get3A_165 = arith.constant 48 : index
    %get3A_166 = tpu.vector_load %arg5[%get3A_165] {strides = array<i32>} : memref<768xi32, #tpu.memory_space<vmem>>, vector<16xi32>,
    %get3A_167 = arith.constant 48 : index
    %get3A_168 = tpu.vector_load %arg6[%get3A_167] {strides = array<i32>} : memref<768xf32, #tpu.memory_space<vmem>>, vector<16xf32>,
    tpu.vector_store_idx %arg7[%sub3A_164, %get3A_166], %get3A_168 : memref<128x800xf32, #tpu.memory_space<vmem>>[vector<16xi32>, vector<16xi32>], vector<16xf32>,
    %add3A_169 = arith.constant 64 : i32
    %add3A_170 = arith.addi %mul3A_2, %add3A_169 : i32
    %add3A_171 = vector.broadcast %add3A_170 : i32 to vector<16xi32>
    %add3A_172 = arith.addi %add3A_171, %iota3A : vector<16xi32>
    %jit3A_173 = arith.constant 3 : i32
    %div3A_174 = vector.broadcast %jit3A_173 : i32 to vector<16xi32>
    %div3A_175 = arith.divsi %add3A_172, %div3A_174 : vector<16xi32>
    %sign3A_176 = arith.constant 0 : i32
    %sign3A_177 = vector.broadcast %sign3A_176 : i32 to vector<16xi32>
    %sign3A_178 = arith.cmpi sgt, %add3A_172, %sign3A_177 : vector<16xi32>
    %sign3A_179 = arith.extui %sign3A_178 : vector<16xi1> to vector<16xi32>
    %sign3A_180 = arith.constant 0 : i32
    %sign3A_181 = vector.broadcast %sign3A_180 : i32 to vector<16xi32>
    %sign3A_182 = arith.cmpi slt, %add3A_172, %sign3A_181 : vector<16xi32>
    %sign3A_183 = arith.extui %sign3A_182 : vector<16xi1> to vector<16xi32>
    %sign3A_184 = arith.subi %sign3A_179, %sign3A_183 : vector<16xi32>
    %sign3A_185 = arith.constant 0 : i32
    %sign3A_186 = arith.cmpi sgt, %jit3A_173, %sign3A_185 : i32
    %sign3A_187 = arith.extui %sign3A_186 : i1 to i32
    %sign3A_188 = arith.constant 0 : i32
    %sign3A_189 = arith.cmpi slt, %jit3A_173, %sign3A_188 : i32
    %sign3A_190 = arith.extui %sign3A_189 : i1 to i32
    %sign3A_191 = arith.subi %sign3A_187, %sign3A_190 : i32
    %ne3A_192 = vector.broadcast %sign3A_191 : i32 to vector<16xi32>
    %ne3A_193 = arith.cmpi ne, %sign3A_184, %ne3A_192 : vector<16xi32>
    %rem3A_194 = vector.broadcast %jit3A_173 : i32 to vector<16xi32>
    %rem3A_195 = arith.remsi %add3A_172, %rem3A_194 : vector<16xi32>
    %ne3A_196 = arith.constant 0 : i32
    %ne3A_197 = vector.broadcast %ne3A_196 : i32 to vector<16xi32>
    %ne3A_198 = arith.cmpi ne, %rem3A_195, %ne3A_197 : vector<16xi32>
    %and3A_199 = arith.andi %ne3A_193, %ne3A_198 : vector<16xi1>
    %sub3A_200 = arith.constant 1 : i32
    %sub3A_201 = vector.broadcast %sub3A_200 : i32 to vector<16xi32>
    %sub3A_202 = arith.subi %div3A_175, %sub3A_201 : vector<16xi32>
    %select_n3A_203 = arith.select %and3A_199, %sub3A_202, %div3A_175 : vector<16xi1>, vector<16xi32>
    %sub3A_204 = vector.broadcast %add3A_13 : i32 to vector<16xi32>
    %sub3A_205 = arith.subi %select_n3A_203, %sub3A_204 : vector<16xi32>
    %get3A_206 = arith.constant 64 : index
    %get3A_207 = tpu.vector_load %arg5[%get3A_206] {strides = array<i32>} : memref<768xi32, #tpu.memory_space<vmem>>, vector<16xi32>,
    %get3A_208 = arith.constant 64 : index
    %get3A_209 = tpu.vector_load %arg6[%get3A_208] {strides = array<i32>} : memref<768xf32, #tpu.memory_space<vmem>>, vector<16xf32>,
    tpu.vector_store_idx %arg7[%sub3A_205, %get3A_207], %get3A_209 : memref<128x800xf32, #tpu.memory_space<vmem>>[vector<16xi32>, vector<16xi32>], vector<16xf32>,
    %add3A_210 = arith.constant 80 : i32
    %add3A_211 = arith.addi %mul3A_2, %add3A_210 : i32
    %add3A_212 = vector.broadcast %add3A_211 : i32 to vector<16xi32>
    %add3A_213 = arith.addi %add3A_212, %iota3A : vector<16xi32>
    %jit3A_214 = arith.constant 3 : i32
    %div3A_215 = vector.broadcast %jit3A_214 : i32 to vector<16xi32>
    %div3A_216 = arith.divsi %add3A_213, %div3A_215 : vector<16xi32>
    %sign3A_217 = arith.constant 0 : i32
    %sign3A_218 = vector.broadcast %sign3A_217 : i32 to vector<16xi32>
    %sign3A_219 = arith.cmpi sgt, %add3A_213, %sign3A_218 : vector<16xi32>
    %sign3A_220 = arith.extui %sign3A_219 : vector<16xi1> to vector<16xi32>
    %sign3A_221 = arith.constant 0 : i32
    %sign3A_222 = vector.broadcast %sign3A_221 : i32 to vector<16xi32>
    %sign3A_223 = arith.cmpi slt, %add3A_213, %sign3A_222 : vector<16xi32>
    %sign3A_224 = arith.extui %sign3A_223 : vector<16xi1> to vector<16xi32>
    %sign3A_225 = arith.subi %sign3A_220, %sign3A_224 : vector<16xi32>
    %sign3A_226 = arith.constant 0 : i32
    %sign3A_227 = arith.cmpi sgt, %jit3A_214, %sign3A_226 : i32
    %sign3A_228 = arith.extui %sign3A_227 : i1 to i32
    %sign3A_229 = arith.constant 0 : i32
    %sign3A_230 = arith.cmpi slt, %jit3A_214, %sign3A_229 : i32
    %sign3A_231 = arith.extui %sign3A_230 : i1 to i32
    %sign3A_232 = arith.subi %sign3A_228, %sign3A_231 : i32
    %ne3A_233 = vector.broadcast %sign3A_232 : i32 to vector<16xi32>
    %ne3A_234 = arith.cmpi ne, %sign3A_225, %ne3A_233 : vector<16xi32>
    %rem3A_235 = vector.broadcast %jit3A_214 : i32 to vector<16xi32>
    %rem3A_236 = arith.remsi %add3A_213, %rem3A_235 : vector<16xi32>
    %ne3A_237 = arith.constant 0 : i32
    %ne3A_238 = vector.broadcast %ne3A_237 : i32 to vector<16xi32>
    %ne3A_239 = arith.cmpi ne, %rem3A_236, %ne3A_238 : vector<16xi32>
    %and3A_240 = arith.andi %ne3A_234, %ne3A_239 : vector<16xi1>
    %sub3A_241 = arith.constant 1 : i32
    %sub3A_242 = vector.broadcast %sub3A_241 : i32 to vector<16xi32>
    %sub3A_243 = arith.subi %div3A_216, %sub3A_242 : vector<16xi32>
    %select_n3A_244 = arith.select %and3A_240, %sub3A_243, %div3A_216 : vector<16xi1>, vector<16xi32>
    %sub3A_245 = vector.broadcast %add3A_13 : i32 to vector<16xi32>
    %sub3A_246 = arith.subi %select_n3A_244, %sub3A_245 : vector<16xi32>
    %get3A_247 = arith.constant 80 : index
    %get3A_248 = tpu.vector_load %arg5[%get3A_247] {strides = array<i32>} : memref<768xi32, #tpu.memory_space<vmem>>, vector<16xi32>,
    %get3A_249 = arith.constant 80 : index
    %get3A_250 = tpu.vector_load %arg6[%get3A_249] {strides = array<i32>} : memref<768xf32, #tpu.memory_space<vmem>>, vector<16xf32>,
    tpu.vector_store_idx %arg7[%sub3A_246, %get3A_248], %get3A_250 : memref<128x800xf32, #tpu.memory_space<vmem>>[vector<16xi32>, vector<16xi32>], vector<16xf32>,
    %add3A_251 = arith.constant 96 : i32
    %add3A_252 = arith.addi %mul3A_2, %add3A_251 : i32
    %add3A_253 = vector.broadcast %add3A_252 : i32 to vector<16xi32>
    %add3A_254 = arith.addi %add3A_253, %iota3A : vector<16xi32>
    %jit3A_255 = arith.constant 3 : i32
    %div3A_256 = vector.broadcast %jit3A_255 : i32 to vector<16xi32>
    %div3A_257 = arith.divsi %add3A_254, %div3A_256 : vector<16xi32>
    %sign3A_258 = arith.constant 0 : i32
    %sign3A_259 = vector.broadcast %sign3A_258 : i32 to vector<16xi32>
    %sign3A_260 = arith.cmpi sgt, %add3A_254, %sign3A_259 : vector<16xi32>
    %sign3A_261 = arith.extui %sign3A_260 : vector<16xi1> to vector<16xi32>
    %sign3A_262 = arith.constant 0 : i32
    %sign3A_263 = vector.broadcast %sign3A_262 : i32 to vector<16xi32>
    %sign3A_264 = arith.cmpi slt, %add3A_254, %sign3A_263 : vector<16xi32>
    %sign3A_265 = arith.extui %sign3A_264 : vector<16xi1> to vector<16xi32>
    %sign3A_266 = arith.subi %sign3A_261, %sign3A_265 : vector<16xi32>
    %sign3A_267 = arith.constant 0 : i32
    %sign3A_268 = arith.cmpi sgt, %jit3A_255, %sign3A_267 : i32
    %sign3A_269 = arith.extui %sign3A_268 : i1 to i32
    %sign3A_270 = arith.constant 0 : i32
    %sign3A_271 = arith.cmpi slt, %jit3A_255, %sign3A_270 : i32
    %sign3A_272 = arith.extui %sign3A_271 : i1 to i32
    %sign3A_273 = arith.subi %sign3A_269, %sign3A_272 : i32
    %ne3A_274 = vector.broadcast %sign3A_273 : i32 to vector<16xi32>
    %ne3A_275 = arith.cmpi ne, %sign3A_266, %ne3A_274 : vector<16xi32>
    %rem3A_276 = vector.broadcast %jit3A_255 : i32 to vector<16xi32>
    %rem3A_277 = arith.remsi %add3A_254, %rem3A_276 : vector<16xi32>
    %ne3A_278 = arith.constant 0 : i32
    %ne3A_279 = vector.broadcast %ne3A_278 : i32 to vector<16xi32>
    %ne3A_280 = arith.cmpi ne, %rem3A_277, %ne3A_279 : vector<16xi32>
    %and3A_281 = arith.andi %ne3A_275, %ne3A_280 : vector<16xi1>
    %sub3A_282 = arith.constant 1 : i32
    %sub3A_283 = vector.broadcast %sub3A_282 : i32 to vector<16xi32>
    %sub3A_284 = arith.subi %div3A_257, %sub3A_283 : vector<16xi32>
    %select_n3A_285 = arith.select %and3A_281, %sub3A_284, %div3A_257 : vector<16xi1>, vector<16xi32>
    %sub3A_286 = vector.broadcast %add3A_13 : i32 to vector<16xi32>
    %sub3A_287 = arith.subi %select_n3A_285, %sub3A_286 : vector<16xi32>
    %get3A_288 = arith.constant 96 : index
    %get3A_289 = tpu.vector_load %arg5[%get3A_288] {strides = array<i32>} : memref<768xi32, #tpu.memory_space<vmem>>, vector<16xi32>,
    %get3A_290 = arith.constant 96 : index
    %get3A_291 = tpu.vector_load %arg6[%get3A_290] {strides = array<i32>} : memref<768xf32, #tpu.memory_space<vmem>>, vector<16xf32>,
    tpu.vector_store_idx %arg7[%sub3A_287, %get3A_289], %get3A_291 : memref<128x800xf32, #tpu.memory_space<vmem>>[vector<16xi32>, vector<16xi32>], vector<16xf32>,
    %add3A_292 = arith.constant 112 : i32
    %add3A_293 = arith.addi %mul3A_2, %add3A_292 : i32
    %add3A_294 = vector.broadcast %add3A_293 : i32 to vector<16xi32>
    %add3A_295 = arith.addi %add3A_294, %iota3A : vector<16xi32>
    %jit3A_296 = arith.constant 3 : i32
    %div3A_297 = vector.broadcast %jit3A_296 : i32 to vector<16xi32>
    %div3A_298 = arith.divsi %add3A_295, %div3A_297 : vector<16xi32>
    %sign3A_299 = arith.constant 0 : i32
    %sign3A_300 = vector.broadcast %sign3A_299 : i32 to vector<16xi32>
    %sign3A_301 = arith.cmpi sgt, %add3A_295, %sign3A_300 : vector<16xi32>
    %sign3A_302 = arith.extui %sign3A_301 : vector<16xi1> to vector<16xi32>
    %sign3A_303 = arith.constant 0 : i32
    %sign3A_304 = vector.broadcast %sign3A_303 : i32 to vector<16xi32>
    %sign3A_305 = arith.cmpi slt, %add3A_295, %sign3A_304 : vector<16xi32>
    %sign3A_306 = arith.extui %sign3A_305 : vector<16xi1> to vector<16xi32>
    %sign3A_307 = arith.subi %sign3A_302, %sign3A_306 : vector<16xi32>
    %sign3A_308 = arith.constant 0 : i32
    %sign3A_309 = arith.cmpi sgt, %jit3A_296, %sign3A_308 : i32
    %sign3A_310 = arith.extui %sign3A_309 : i1 to i32
    %sign3A_311 = arith.constant 0 : i32
    %sign3A_312 = arith.cmpi slt, %jit3A_296, %sign3A_311 : i32
    %sign3A_313 = arith.extui %sign3A_312 : i1 to i32
    %sign3A_314 = arith.subi %sign3A_310, %sign3A_313 : i32
    %ne3A_315 = vector.broadcast %sign3A_314 : i32 to vector<16xi32>
    %ne3A_316 = arith.cmpi ne, %sign3A_307, %ne3A_315 : vector<16xi32>
    %rem3A_317 = vector.broadcast %jit3A_296 : i32 to vector<16xi32>
    %rem3A_318 = arith.remsi %add3A_295, %rem3A_317 : vector<16xi32>
    %ne3A_319 = arith.constant 0 : i32
    %ne3A_320 = vector.broadcast %ne3A_319 : i32 to vector<16xi32>
    %ne3A_321 = arith.cmpi ne, %rem3A_318, %ne3A_320 : vector<16xi32>
    %and3A_322 = arith.andi %ne3A_316, %ne3A_321 : vector<16xi1>
    %sub3A_323 = arith.constant 1 : i32
    %sub3A_324 = vector.broadcast %sub3A_323 : i32 to vector<16xi32>
    %sub3A_325 = arith.subi %div3A_298, %sub3A_324 : vector<16xi32>
    %select_n3A_326 = arith.select %and3A_322, %sub3A_325, %div3A_298 : vector<16xi1>, vector<16xi32>
    %sub3A_327 = vector.broadcast %add3A_13 : i32 to vector<16xi32>
    %sub3A_328 = arith.subi %select_n3A_326, %sub3A_327 : vector<16xi32>
    %get3A_329 = arith.constant 112 : index
    %get3A_330 = tpu.vector_load %arg5[%get3A_329] {strides = array<i32>} : memref<768xi32, #tpu.memory_space<vmem>>, vector<16xi32>,
    %get3A_331 = arith.constant 112 : index
    %get3A_332 = tpu.vector_load %arg6[%get3A_331] {strides = array<i32>} : memref<768xf32, #tpu.memory_space<vmem>>, vector<16xf32>,
    tpu.vector_store_idx %arg7[%sub3A_328, %get3A_330], %get3A_332 : memref<128x800xf32, #tpu.memory_space<vmem>>[vector<16xi32>, vector<16xi32>], vector<16xf32>,
    %add3A_333 = arith.constant 128 : i32
    %add3A_334 = arith.addi %mul3A_2, %add3A_333 : i32
    %add3A_335 = vector.broadcast %add3A_334 : i32 to vector<16xi32>
    %add3A_336 = arith.addi %add3A_335, %iota3A : vector<16xi32>
    %jit3A_337 = arith.constant 3 : i32
    %div3A_338 = vector.broadcast %jit3A_337 : i32 to vector<16xi32>
    %div3A_339 = arith.divsi %add3A_336, %div3A_338 : vector<16xi32>
    %sign3A_340 = arith.constant 0 : i32
    %sign3A_341 = vector.broadcast %sign3A_340 : i32 to vector<16xi32>
    %sign3A_342 = arith.cmpi sgt, %add3A_336, %sign3A_341 : vector<16xi32>
    %sign3A_343 = arith.extui %sign3A_342 : vector<16xi1> to vector<16xi32>
    %sign3A_344 = arith.constant 0 : i32
    %sign3A_345 = vector.broadcast %sign3A_344 : i32 to vector<16xi32>
    %sign3A_346 = arith.cmpi slt, %add3A_336, %sign3A_345 : vector<16xi32>
    %sign3A_347 = arith.extui %sign3A_346 : vector<16xi1> to vector<16xi32>
    %sign3A_348 = arith.subi %sign3A_343, %sign3A_347 : vector<16xi32>
    %sign3A_349 = arith.constant 0 : i32
    %sign3A_350 = arith.cmpi sgt, %jit3A_337, %sign3A_349 : i32
    %sign3A_351 = arith.extui %sign3A_350 : i1 to i32
    %sign3A_352 = arith.constant 0 : i32
    %sign3A_353 = arith.cmpi slt, %jit3A_337, %sign3A_352 : i32
    %sign3A_354 = arith.extui %sign3A_353 : i1 to i32
    %sign3A_355 = arith.subi %sign3A_351, %sign3A_354 : i32
    %ne3A_356 = vector.broadcast %sign3A_355 : i32 to vector<16xi32>
    %ne3A_357 = arith.cmpi ne, %sign3A_348, %ne3A_356 : vector<16xi32>
    %rem3A_358 = vector.broadcast %jit3A_337 : i32 to vector<16xi32>
    %rem3A_359 = arith.remsi %add3A_336, %rem3A_358 : vector<16xi32>
    %ne3A_360 = arith.constant 0 : i32
    %ne3A_361 = vector.broadcast %ne3A_360 : i32 to vector<16xi32>
    %ne3A_362 = arith.cmpi ne, %rem3A_359, %ne3A_361 : vector<16xi32>
    %and3A_363 = arith.andi %ne3A_357, %ne3A_362 : vector<16xi1>
    %sub3A_364 = arith.constant 1 : i32
    %sub3A_365 = vector.broadcast %sub3A_364 : i32 to vector<16xi32>
    %sub3A_366 = arith.subi %div3A_339, %sub3A_365 : vector<16xi32>
    %select_n3A_367 = arith.select %and3A_363, %sub3A_366, %div3A_339 : vector<16xi1>, vector<16xi32>
    %sub3A_368 = vector.broadcast %add3A_13 : i32 to vector<16xi32>
    %sub3A_369 = arith.subi %select_n3A_367, %sub3A_368 : vector<16xi32>
    %get3A_370 = arith.constant 128 : index
    %get3A_371 = tpu.vector_load %arg5[%get3A_370] {strides = array<i32>} : memref<768xi32, #tpu.memory_space<vmem>>, vector<16xi32>,
    %get3A_372 = arith.constant 128 : index
    %get3A_373 = tpu.vector_load %arg6[%get3A_372] {strides = array<i32>} : memref<768xf32, #tpu.memory_space<vmem>>, vector<16xf32>,
    tpu.vector_store_idx %arg7[%sub3A_369, %get3A_371], %get3A_373 : memref<128x800xf32, #tpu.memory_space<vmem>>[vector<16xi32>, vector<16xi32>], vector<16xf32>,
    %add3A_374 = arith.constant 144 : i32
    %add3A_375 = arith.addi %mul3A_2, %add3A_374 : i32
    %add3A_376 = vector.broadcast %add3A_375 : i32 to vector<16xi32>
    %add3A_377 = arith.addi %add3A_376, %iota3A : vector<16xi32>
    %jit3A_378 = arith.constant 3 : i32
    %div3A_379 = vector.broadcast %jit3A_378 : i32 to vector<16xi32>
    %div3A_380 = arith.divsi %add3A_377, %div3A_379 : vector<16xi32>
    %sign3A_381 = arith.constant 0 : i32
    %sign3A_382 = vector.broadcast %sign3A_381 : i32 to vector<16xi32>
    %sign3A_383 = arith.cmpi sgt, %add3A_377, %sign3A_382 : vector<16xi32>
    %sign3A_384 = arith.extui %sign3A_383 : vector<16xi1> to vector<16xi32>
    %sign3A_385 = arith.constant 0 : i32
    %sign3A_386 = vector.broadcast %sign3A_385 : i32 to vector<16xi32>
    %sign3A_387 = arith.cmpi slt, %add3A_377, %sign3A_386 : vector<16xi32>
    %sign3A_388 = arith.extui %sign3A_387 : vector<16xi1> to vector<16xi32>
    %sign3A_389 = arith.subi %sign3A_384, %sign3A_388 : vector<16xi32>
    %sign3A_390 = arith.constant 0 : i32
    %sign3A_391 = arith.cmpi sgt, %jit3A_378, %sign3A_390 : i32
    %sign3A_392 = arith.extui %sign3A_391 : i1 to i32
    %sign3A_393 = arith.constant 0 : i32
    %sign3A_394 = arith.cmpi slt, %jit3A_378, %sign3A_393 : i32
    %sign3A_395 = arith.extui %sign3A_394 : i1 to i32
    %sign3A_396 = arith.subi %sign3A_392, %sign3A_395 : i32
    %ne3A_397 = vector.broadcast %sign3A_396 : i32 to vector<16xi32>
    %ne3A_398 = arith.cmpi ne, %sign3A_389, %ne3A_397 : vector<16xi32>
    %rem3A_399 = vector.broadcast %jit3A_378 : i32 to vector<16xi32>
    %rem3A_400 = arith.remsi %add3A_377, %rem3A_399 : vector<16xi32>
    %ne3A_401 = arith.constant 0 : i32
    %ne3A_402 = vector.broadcast %ne3A_401 : i32 to vector<16xi32>
    %ne3A_403 = arith.cmpi ne, %rem3A_400, %ne3A_402 : vector<16xi32>
    %and3A_404 = arith.andi %ne3A_398, %ne3A_403 : vector<16xi1>
    %sub3A_405 = arith.constant 1 : i32
    %sub3A_406 = vector.broadcast %sub3A_405 : i32 to vector<16xi32>
    %sub3A_407 = arith.subi %div3A_380, %sub3A_406 : vector<16xi32>
    %select_n3A_408 = arith.select %and3A_404, %sub3A_407, %div3A_380 : vector<16xi1>, vector<16xi32>
    %sub3A_409 = vector.broadcast %add3A_13 : i32 to vector<16xi32>
    %sub3A_410 = arith.subi %select_n3A_408, %sub3A_409 : vector<16xi32>
    %get3A_411 = arith.constant 144 : index
    %get3A_412 = tpu.vector_load %arg5[%get3A_411] {strides = array<i32>} : memref<768xi32, #tpu.memory_space<vmem>>, vector<16xi32>,
    %get3A_413 = arith.constant 144 : index
    %get3A_414 = tpu.vector_load %arg6[%get3A_413] {strides = array<i32>} : memref<768xf32, #tpu.memory_space<vmem>>, vector<16xf32>,
    tpu.vector_store_idx %arg7[%sub3A_410, %get3A_412], %get3A_414 : memref<128x800xf32, #tpu.memory_space<vmem>>[vector<16xi32>, vector<16xi32>], vector<16xf32>,
    %add3A_415 = arith.constant 160 : i32
    %add3A_416 = arith.addi %mul3A_2, %add3A_415 : i32
    %add3A_417 = vector.broadcast %add3A_416 : i32 to vector<16xi32>
    %add3A_418 = arith.addi %add3A_417, %iota3A : vector<16xi32>
    %jit3A_419 = arith.constant 3 : i32
    %div3A_420 = vector.broadcast %jit3A_419 : i32 to vector<16xi32>
    %div3A_421 = arith.divsi %add3A_418, %div3A_420 : vector<16xi32>
    %sign3A_422 = arith.constant 0 : i32
    %sign3A_423 = vector.broadcast %sign3A_422 : i32 to vector<16xi32>
    %sign3A_424 = arith.cmpi sgt, %add3A_418, %sign3A_423 : vector<16xi32>
    %sign3A_425 = arith.extui %sign3A_424 : vector<16xi1> to vector<16xi32>
    %sign3A_426 = arith.constant 0 : i32
    %sign3A_427 = vector.broadcast %sign3A_426 : i32 to vector<16xi32>
    %sign3A_428 = arith.cmpi slt, %add3A_418, %sign3A_427 : vector<16xi32>
    %sign3A_429 = arith.extui %sign3A_428 : vector<16xi1> to vector<16xi32>
    %sign3A_430 = arith.subi %sign3A_425, %sign3A_429 : vector<16xi32>
    %sign3A_431 = arith.constant 0 : i32
    %sign3A_432 = arith.cmpi sgt, %jit3A_419, %sign3A_431 : i32
    %sign3A_433 = arith.extui %sign3A_432 : i1 to i32
    %sign3A_434 = arith.constant 0 : i32
    %sign3A_435 = arith.cmpi slt, %jit3A_419, %sign3A_434 : i32
    %sign3A_436 = arith.extui %sign3A_435 : i1 to i32
    %sign3A_437 = arith.subi %sign3A_433, %sign3A_436 : i32
    %ne3A_438 = vector.broadcast %sign3A_437 : i32 to vector<16xi32>
    %ne3A_439 = arith.cmpi ne, %sign3A_430, %ne3A_438 : vector<16xi32>
    %rem3A_440 = vector.broadcast %jit3A_419 : i32 to vector<16xi32>
    %rem3A_441 = arith.remsi %add3A_418, %rem3A_440 : vector<16xi32>
    %ne3A_442 = arith.constant 0 : i32
    %ne3A_443 = vector.broadcast %ne3A_442 : i32 to vector<16xi32>
    %ne3A_444 = arith.cmpi ne, %rem3A_441, %ne3A_443 : vector<16xi32>
    %and3A_445 = arith.andi %ne3A_439, %ne3A_444 : vector<16xi1>
    %sub3A_446 = arith.constant 1 : i32
    %sub3A_447 = vector.broadcast %sub3A_446 : i32 to vector<16xi32>
    %sub3A_448 = arith.subi %div3A_421, %sub3A_447 : vector<16xi32>
    %select_n3A_449 = arith.select %and3A_445, %sub3A_448, %div3A_421 : vector<16xi1>, vector<16xi32>
    %sub3A_450 = vector.broadcast %add3A_13 : i32 to vector<16xi32>
    %sub3A_451 = arith.subi %select_n3A_449, %sub3A_450 : vector<16xi32>
    %get3A_452 = arith.constant 160 : index
    %get3A_453 = tpu.vector_load %arg5[%get3A_452] {strides = array<i32>} : memref<768xi32, #tpu.memory_space<vmem>>, vector<16xi32>,
    %get3A_454 = arith.constant 160 : index
    %get3A_455 = tpu.vector_load %arg6[%get3A_454] {strides = array<i32>} : memref<768xf32, #tpu.memory_space<vmem>>, vector<16xf32>,
    tpu.vector_store_idx %arg7[%sub3A_451, %get3A_453], %get3A_455 : memref<128x800xf32, #tpu.memory_space<vmem>>[vector<16xi32>, vector<16xi32>], vector<16xf32>,
    %add3A_456 = arith.constant 176 : i32
    %add3A_457 = arith.addi %mul3A_2, %add3A_456 : i32
    %add3A_458 = vector.broadcast %add3A_457 : i32 to vector<16xi32>
    %add3A_459 = arith.addi %add3A_458, %iota3A : vector<16xi32>
    %jit3A_460 = arith.constant 3 : i32
    %div3A_461 = vector.broadcast %jit3A_460 : i32 to vector<16xi32>
    %div3A_462 = arith.divsi %add3A_459, %div3A_461 : vector<16xi32>
    %sign3A_463 = arith.constant 0 : i32
    %sign3A_464 = vector.broadcast %sign3A_463 : i32 to vector<16xi32>
    %sign3A_465 = arith.cmpi sgt, %add3A_459, %sign3A_464 : vector<16xi32>
    %sign3A_466 = arith.extui %sign3A_465 : vector<16xi1> to vector<16xi32>
    %sign3A_467 = arith.constant 0 : i32
    %sign3A_468 = vector.broadcast %sign3A_467 : i32 to vector<16xi32>
    %sign3A_469 = arith.cmpi slt, %add3A_459, %sign3A_468 : vector<16xi32>
    %sign3A_470 = arith.extui %sign3A_469 : vector<16xi1> to vector<16xi32>
    %sign3A_471 = arith.subi %sign3A_466, %sign3A_470 : vector<16xi32>
    %sign3A_472 = arith.constant 0 : i32
    %sign3A_473 = arith.cmpi sgt, %jit3A_460, %sign3A_472 : i32
    %sign3A_474 = arith.extui %sign3A_473 : i1 to i32
    %sign3A_475 = arith.constant 0 : i32
    %sign3A_476 = arith.cmpi slt, %jit3A_460, %sign3A_475 : i32
    %sign3A_477 = arith.extui %sign3A_476 : i1 to i32
    %sign3A_478 = arith.subi %sign3A_474, %sign3A_477 : i32
    %ne3A_479 = vector.broadcast %sign3A_478 : i32 to vector<16xi32>
    %ne3A_480 = arith.cmpi ne, %sign3A_471, %ne3A_479 : vector<16xi32>
    %rem3A_481 = vector.broadcast %jit3A_460 : i32 to vector<16xi32>
    %rem3A_482 = arith.remsi %add3A_459, %rem3A_481 : vector<16xi32>
    %ne3A_483 = arith.constant 0 : i32
    %ne3A_484 = vector.broadcast %ne3A_483 : i32 to vector<16xi32>
    %ne3A_485 = arith.cmpi ne, %rem3A_482, %ne3A_484 : vector<16xi32>
    %and3A_486 = arith.andi %ne3A_480, %ne3A_485 : vector<16xi1>
    %sub3A_487 = arith.constant 1 : i32
    %sub3A_488 = vector.broadcast %sub3A_487 : i32 to vector<16xi32>
    %sub3A_489 = arith.subi %div3A_462, %sub3A_488 : vector<16xi32>
    %select_n3A_490 = arith.select %and3A_486, %sub3A_489, %div3A_462 : vector<16xi1>, vector<16xi32>
    %sub3A_491 = vector.broadcast %add3A_13 : i32 to vector<16xi32>
    %sub3A_492 = arith.subi %select_n3A_490, %sub3A_491 : vector<16xi32>
    %get3A_493 = arith.constant 176 : index
    %get3A_494 = tpu.vector_load %arg5[%get3A_493] {strides = array<i32>} : memref<768xi32, #tpu.memory_space<vmem>>, vector<16xi32>,
    %get3A_495 = arith.constant 176 : index
    %get3A_496 = tpu.vector_load %arg6[%get3A_495] {strides = array<i32>} : memref<768xf32, #tpu.memory_space<vmem>>, vector<16xf32>,
    tpu.vector_store_idx %arg7[%sub3A_492, %get3A_494], %get3A_496 : memref<128x800xf32, #tpu.memory_space<vmem>>[vector<16xi32>, vector<16xi32>], vector<16xf32>,
    %add3A_497 = arith.constant 192 : i32
    %add3A_498 = arith.addi %mul3A_2, %add3A_497 : i32
    %add3A_499 = vector.broadcast %add3A_498 : i32 to vector<16xi32>
    %add3A_500 = arith.addi %add3A_499, %iota3A : vector<16xi32>
    %jit3A_501 = arith.constant 3 : i32
    %div3A_502 = vector.broadcast %jit3A_501 : i32 to vector<16xi32>
    %div3A_503 = arith.divsi %add3A_500, %div3A_502 : vector<16xi32>
    %sign3A_504 = arith.constant 0 : i32
    %sign3A_505 = vector.broadcast %sign3A_504 : i32 to vector<16xi32>
    %sign3A_506 = arith.cmpi sgt, %add3A_500, %sign3A_505 : vector<16xi32>
    %sign3A_507 = arith.extui %sign3A_506 : vector<16xi1> to vector<16xi32>
    %sign3A_508 = arith.constant 0 : i32
    %sign3A_509 = vector.broadcast %sign3A_508 : i32 to vector<16xi32>
    %sign3A_510 = arith.cmpi slt, %add3A_500, %sign3A_509 : vector<16xi32>
    %sign3A_511 = arith.extui %sign3A_510 : vector<16xi1> to vector<16xi32>
    %sign3A_512 = arith.subi %sign3A_507, %sign3A_511 : vector<16xi32>
    %sign3A_513 = arith.constant 0 : i32
    %sign3A_514 = arith.cmpi sgt, %jit3A_501, %sign3A_513 : i32
    %sign3A_515 = arith.extui %sign3A_514 : i1 to i32
    %sign3A_516 = arith.constant 0 : i32
    %sign3A_517 = arith.cmpi slt, %jit3A_501, %sign3A_516 : i32
    %sign3A_518 = arith.extui %sign3A_517 : i1 to i32
    %sign3A_519 = arith.subi %sign3A_515, %sign3A_518 : i32
    %ne3A_520 = vector.broadcast %sign3A_519 : i32 to vector<16xi32>
    %ne3A_521 = arith.cmpi ne, %sign3A_512, %ne3A_520 : vector<16xi32>
    %rem3A_522 = vector.broadcast %jit3A_501 : i32 to vector<16xi32>
    %rem3A_523 = arith.remsi %add3A_500, %rem3A_522 : vector<16xi32>
    %ne3A_524 = arith.constant 0 : i32
    %ne3A_525 = vector.broadcast %ne3A_524 : i32 to vector<16xi32>
    %ne3A_526 = arith.cmpi ne, %rem3A_523, %ne3A_525 : vector<16xi32>
    %and3A_527 = arith.andi %ne3A_521, %ne3A_526 : vector<16xi1>
    %sub3A_528 = arith.constant 1 : i32
    %sub3A_529 = vector.broadcast %sub3A_528 : i32 to vector<16xi32>
    %sub3A_530 = arith.subi %div3A_503, %sub3A_529 : vector<16xi32>
    %select_n3A_531 = arith.select %and3A_527, %sub3A_530, %div3A_503 : vector<16xi1>, vector<16xi32>
    %sub3A_532 = vector.broadcast %add3A_13 : i32 to vector<16xi32>
    %sub3A_533 = arith.subi %select_n3A_531, %sub3A_532 : vector<16xi32>
    %get3A_534 = arith.constant 192 : index
    %get3A_535 = tpu.vector_load %arg5[%get3A_534] {strides = array<i32>} : memref<768xi32, #tpu.memory_space<vmem>>, vector<16xi32>,
    %get3A_536 = arith.constant 192 : index
    %get3A_537 = tpu.vector_load %arg6[%get3A_536] {strides = array<i32>} : memref<768xf32, #tpu.memory_space<vmem>>, vector<16xf32>,
    tpu.vector_store_idx %arg7[%sub3A_533, %get3A_535], %get3A_537 : memref<128x800xf32, #tpu.memory_space<vmem>>[vector<16xi32>, vector<16xi32>], vector<16xf32>,
    %add3A_538 = arith.constant 208 : i32
    %add3A_539 = arith.addi %mul3A_2, %add3A_538 : i32
    %add3A_540 = vector.broadcast %add3A_539 : i32 to vector<16xi32>
    %add3A_541 = arith.addi %add3A_540, %iota3A : vector<16xi32>
    %jit3A_542 = arith.constant 3 : i32
    %div3A_543 = vector.broadcast %jit3A_542 : i32 to vector<16xi32>
    %div3A_544 = arith.divsi %add3A_541, %div3A_543 : vector<16xi32>
    %sign3A_545 = arith.constant 0 : i32
    %sign3A_546 = vector.broadcast %sign3A_545 : i32 to vector<16xi32>
    %sign3A_547 = arith.cmpi sgt, %add3A_541, %sign3A_546 : vector<16xi32>
    %sign3A_548 = arith.extui %sign3A_547 : vector<16xi1> to vector<16xi32>
    %sign3A_549 = arith.constant 0 : i32
    %sign3A_550 = vector.broadcast %sign3A_549 : i32 to vector<16xi32>
    %sign3A_551 = arith.cmpi slt, %add3A_541, %sign3A_550 : vector<16xi32>
    %sign3A_552 = arith.extui %sign3A_551 : vector<16xi1> to vector<16xi32>
    %sign3A_553 = arith.subi %sign3A_548, %sign3A_552 : vector<16xi32>
    %sign3A_554 = arith.constant 0 : i32
    %sign3A_555 = arith.cmpi sgt, %jit3A_542, %sign3A_554 : i32
    %sign3A_556 = arith.extui %sign3A_555 : i1 to i32
    %sign3A_557 = arith.constant 0 : i32
    %sign3A_558 = arith.cmpi slt, %jit3A_542, %sign3A_557 : i32
    %sign3A_559 = arith.extui %sign3A_558 : i1 to i32
    %sign3A_560 = arith.subi %sign3A_556, %sign3A_559 : i32
    %ne3A_561 = vector.broadcast %sign3A_560 : i32 to vector<16xi32>
    %ne3A_562 = arith.cmpi ne, %sign3A_553, %ne3A_561 : vector<16xi32>
    %rem3A_563 = vector.broadcast %jit3A_542 : i32 to vector<16xi32>
    %rem3A_564 = arith.remsi %add3A_541, %rem3A_563 : vector<16xi32>
    %ne3A_565 = arith.constant 0 : i32
    %ne3A_566 = vector.broadcast %ne3A_565 : i32 to vector<16xi32>
    %ne3A_567 = arith.cmpi ne, %rem3A_564, %ne3A_566 : vector<16xi32>
    %and3A_568 = arith.andi %ne3A_562, %ne3A_567 : vector<16xi1>
    %sub3A_569 = arith.constant 1 : i32
    %sub3A_570 = vector.broadcast %sub3A_569 : i32 to vector<16xi32>
    %sub3A_571 = arith.subi %div3A_544, %sub3A_570 : vector<16xi32>
    %select_n3A_572 = arith.select %and3A_568, %sub3A_571, %div3A_544 : vector<16xi1>, vector<16xi32>
    %sub3A_573 = vector.broadcast %add3A_13 : i32 to vector<16xi32>
    %sub3A_574 = arith.subi %select_n3A_572, %sub3A_573 : vector<16xi32>
    %get3A_575 = arith.constant 208 : index
    %get3A_576 = tpu.vector_load %arg5[%get3A_575] {strides = array<i32>} : memref<768xi32, #tpu.memory_space<vmem>>, vector<16xi32>,
    %get3A_577 = arith.constant 208 : index
    %get3A_578 = tpu.vector_load %arg6[%get3A_577] {strides = array<i32>} : memref<768xf32, #tpu.memory_space<vmem>>, vector<16xf32>,
    tpu.vector_store_idx %arg7[%sub3A_574, %get3A_576], %get3A_578 : memref<128x800xf32, #tpu.memory_space<vmem>>[vector<16xi32>, vector<16xi32>], vector<16xf32>,
    %add3A_579 = arith.constant 224 : i32
    %add3A_580 = arith.addi %mul3A_2, %add3A_579 : i32
    %add3A_581 = vector.broadcast %add3A_580 : i32 to vector<16xi32>
    %add3A_582 = arith.addi %add3A_581, %iota3A : vector<16xi32>
    %jit3A_583 = arith.constant 3 : i32
    %div3A_584 = vector.broadcast %jit3A_583 : i32 to vector<16xi32>
    %div3A_585 = arith.divsi %add3A_582, %div3A_584 : vector<16xi32>
    %sign3A_586 = arith.constant 0 : i32
    %sign3A_587 = vector.broadcast %sign3A_586 : i32 to vector<16xi32>
    %sign3A_588 = arith.cmpi sgt, %add3A_582, %sign3A_587 : vector<16xi32>
    %sign3A_589 = arith.extui %sign3A_588 : vector<16xi1> to vector<16xi32>
    %sign3A_590 = arith.constant 0 : i32
    %sign3A_591 = vector.broadcast %sign3A_590 : i32 to vector<16xi32>
    %sign3A_592 = arith.cmpi slt, %add3A_582, %sign3A_591 : vector<16xi32>
    %sign3A_593 = arith.extui %sign3A_592 : vector<16xi1> to vector<16xi32>
    %sign3A_594 = arith.subi %sign3A_589, %sign3A_593 : vector<16xi32>
    %sign3A_595 = arith.constant 0 : i32
    %sign3A_596 = arith.cmpi sgt, %jit3A_583, %sign3A_595 : i32
    %sign3A_597 = arith.extui %sign3A_596 : i1 to i32
    %sign3A_598 = arith.constant 0 : i32
    %sign3A_599 = arith.cmpi slt, %jit3A_583, %sign3A_598 : i32
    %sign3A_600 = arith.extui %sign3A_599 : i1 to i32
    %sign3A_601 = arith.subi %sign3A_597, %sign3A_600 : i32
    %ne3A_602 = vector.broadcast %sign3A_601 : i32 to vector<16xi32>
    %ne3A_603 = arith.cmpi ne, %sign3A_594, %ne3A_602 : vector<16xi32>
    %rem3A_604 = vector.broadcast %jit3A_583 : i32 to vector<16xi32>
    %rem3A_605 = arith.remsi %add3A_582, %rem3A_604 : vector<16xi32>
    %ne3A_606 = arith.constant 0 : i32
    %ne3A_607 = vector.broadcast %ne3A_606 : i32 to vector<16xi32>
    %ne3A_608 = arith.cmpi ne, %rem3A_605, %ne3A_607 : vector<16xi32>
    %and3A_609 = arith.andi %ne3A_603, %ne3A_608 : vector<16xi1>
    %sub3A_610 = arith.constant 1 : i32
    %sub3A_611 = vector.broadcast %sub3A_610 : i32 to vector<16xi32>
    %sub3A_612 = arith.subi %div3A_585, %sub3A_611 : vector<16xi32>
    %select_n3A_613 = arith.select %and3A_609, %sub3A_612, %div3A_585 : vector<16xi1>, vector<16xi32>
    %sub3A_614 = vector.broadcast %add3A_13 : i32 to vector<16xi32>
    %sub3A_615 = arith.subi %select_n3A_613, %sub3A_614 : vector<16xi32>
    %get3A_616 = arith.constant 224 : index
    %get3A_617 = tpu.vector_load %arg5[%get3A_616] {strides = array<i32>} : memref<768xi32, #tpu.memory_space<vmem>>, vector<16xi32>,
    %get3A_618 = arith.constant 224 : index
    %get3A_619 = tpu.vector_load %arg6[%get3A_618] {strides = array<i32>} : memref<768xf32, #tpu.memory_space<vmem>>, vector<16xf32>,
    tpu.vector_store_idx %arg7[%sub3A_615, %get3A_617], %get3A_619 : memref<128x800xf32, #tpu.memory_space<vmem>>[vector<16xi32>, vector<16xi32>], vector<16xf32>,
    %add3A_620 = arith.constant 240 : i32
    %add3A_621 = arith.addi %mul3A_2, %add3A_620 : i32
    %add3A_622 = vector.broadcast %add3A_621 : i32 to vector<16xi32>
    %add3A_623 = arith.addi %add3A_622, %iota3A : vector<16xi32>
    %jit3A_624 = arith.constant 3 : i32
    %div3A_625 = vector.broadcast %jit3A_624 : i32 to vector<16xi32>
    %div3A_626 = arith.divsi %add3A_623, %div3A_625 : vector<16xi32>
    %sign3A_627 = arith.constant 0 : i32
    %sign3A_628 = vector.broadcast %sign3A_627 : i32 to vector<16xi32>
    %sign3A_629 = arith.cmpi sgt, %add3A_623, %sign3A_628 : vector<16xi32>
    %sign3A_630 = arith.extui %sign3A_629 : vector<16xi1> to vector<16xi32>
    %sign3A_631 = arith.constant 0 : i32
    %sign3A_632 = vector.broadcast %sign3A_631 : i32 to vector<16xi32>
    %sign3A_633 = arith.cmpi slt, %add3A_623, %sign3A_632 : vector<16xi32>
    %sign3A_634 = arith.extui %sign3A_633 : vector<16xi1> to vector<16xi32>
    %sign3A_635 = arith.subi %sign3A_630, %sign3A_634 : vector<16xi32>
    %sign3A_636 = arith.constant 0 : i32
    %sign3A_637 = arith.cmpi sgt, %jit3A_624, %sign3A_636 : i32
    %sign3A_638 = arith.extui %sign3A_637 : i1 to i32
    %sign3A_639 = arith.constant 0 : i32
    %sign3A_640 = arith.cmpi slt, %jit3A_624, %sign3A_639 : i32
    %sign3A_641 = arith.extui %sign3A_640 : i1 to i32
    %sign3A_642 = arith.subi %sign3A_638, %sign3A_641 : i32
    %ne3A_643 = vector.broadcast %sign3A_642 : i32 to vector<16xi32>
    %ne3A_644 = arith.cmpi ne, %sign3A_635, %ne3A_643 : vector<16xi32>
    %rem3A_645 = vector.broadcast %jit3A_624 : i32 to vector<16xi32>
    %rem3A_646 = arith.remsi %add3A_623, %rem3A_645 : vector<16xi32>
    %ne3A_647 = arith.constant 0 : i32
    %ne3A_648 = vector.broadcast %ne3A_647 : i32 to vector<16xi32>
    %ne3A_649 = arith.cmpi ne, %rem3A_646, %ne3A_648 : vector<16xi32>
    %and3A_650 = arith.andi %ne3A_644, %ne3A_649 : vector<16xi1>
    %sub3A_651 = arith.constant 1 : i32
    %sub3A_652 = vector.broadcast %sub3A_651 : i32 to vector<16xi32>
    %sub3A_653 = arith.subi %div3A_626, %sub3A_652 : vector<16xi32>
    %select_n3A_654 = arith.select %and3A_650, %sub3A_653, %div3A_626 : vector<16xi1>, vector<16xi32>
    %sub3A_655 = vector.broadcast %add3A_13 : i32 to vector<16xi32>
    %sub3A_656 = arith.subi %select_n3A_654, %sub3A_655 : vector<16xi32>
    %get3A_657 = arith.constant 240 : index
    %get3A_658 = tpu.vector_load %arg5[%get3A_657] {strides = array<i32>} : memref<768xi32, #tpu.memory_space<vmem>>, vector<16xi32>,
    %get3A_659 = arith.constant 240 : index
    %get3A_660 = tpu.vector_load %arg6[%get3A_659] {strides = array<i32>} : memref<768xf32, #tpu.memory_space<vmem>>, vector<16xf32>,
    tpu.vector_store_idx %arg7[%sub3A_656, %get3A_658], %get3A_660 : memref<128x800xf32, #tpu.memory_space<vmem>>[vector<16xi32>, vector<16xi32>], vector<16xf32>,
    %add3A_661 = arith.constant 256 : i32
    %add3A_662 = arith.addi %mul3A_2, %add3A_661 : i32
    %add3A_663 = vector.broadcast %add3A_662 : i32 to vector<16xi32>
    %add3A_664 = arith.addi %add3A_663, %iota3A : vector<16xi32>
    %jit3A_665 = arith.constant 3 : i32
    %div3A_666 = vector.broadcast %jit3A_665 : i32 to vector<16xi32>
    %div3A_667 = arith.divsi %add3A_664, %div3A_666 : vector<16xi32>
    %sign3A_668 = arith.constant 0 : i32
    %sign3A_669 = vector.broadcast %sign3A_668 : i32 to vector<16xi32>
    %sign3A_670 = arith.cmpi sgt, %add3A_664, %sign3A_669 : vector<16xi32>
    %sign3A_671 = arith.extui %sign3A_670 : vector<16xi1> to vector<16xi32>
    %sign3A_672 = arith.constant 0 : i32
    %sign3A_673 = vector.broadcast %sign3A_672 : i32 to vector<16xi32>
    %sign3A_674 = arith.cmpi slt, %add3A_664, %sign3A_673 : vector<16xi32>
    %sign3A_675 = arith.extui %sign3A_674 : vector<16xi1> to vector<16xi32>
    %sign3A_676 = arith.subi %sign3A_671, %sign3A_675 : vector<16xi32>
    %sign3A_677 = arith.constant 0 : i32
    %sign3A_678 = arith.cmpi sgt, %jit3A_665, %sign3A_677 : i32
    %sign3A_679 = arith.extui %sign3A_678 : i1 to i32
    %sign3A_680 = arith.constant 0 : i32
    %sign3A_681 = arith.cmpi slt, %jit3A_665, %sign3A_680 : i32
    %sign3A_682 = arith.extui %sign3A_681 : i1 to i32
    %sign3A_683 = arith.subi %sign3A_679, %sign3A_682 : i32
    %ne3A_684 = vector.broadcast %sign3A_683 : i32 to vector<16xi32>
    %ne3A_685 = arith.cmpi ne, %sign3A_676, %ne3A_684 : vector<16xi32>
    %rem3A_686 = vector.broadcast %jit3A_665 : i32 to vector<16xi32>
    %rem3A_687 = arith.remsi %add3A_664, %rem3A_686 : vector<16xi32>
    %ne3A_688 = arith.constant 0 : i32
    %ne3A_689 = vector.broadcast %ne3A_688 : i32 to vector<16xi32>
    %ne3A_690 = arith.cmpi ne, %rem3A_687, %ne3A_689 : vector<16xi32>
    %and3A_691 = arith.andi %ne3A_685, %ne3A_690 : vector<16xi1>
    %sub3A_692 = arith.constant 1 : i32
    %sub3A_693 = vector.broadcast %sub3A_692 : i32 to vector<16xi32>
    %sub3A_694 = arith.subi %div3A_667, %sub3A_693 : vector<16xi32>
    %select_n3A_695 = arith.select %and3A_691, %sub3A_694, %div3A_667 : vector<16xi1>, vector<16xi32>
    %sub3A_696 = vector.broadcast %add3A_13 : i32 to vector<16xi32>
    %sub3A_697 = arith.subi %select_n3A_695, %sub3A_696 : vector<16xi32>
    %get3A_698 = arith.constant 256 : index
    %get3A_699 = tpu.vector_load %arg5[%get3A_698] {strides = array<i32>} : memref<768xi32, #tpu.memory_space<vmem>>, vector<16xi32>,
    %get3A_700 = arith.constant 256 : index
    %get3A_701 = tpu.vector_load %arg6[%get3A_700] {strides = array<i32>} : memref<768xf32, #tpu.memory_space<vmem>>, vector<16xf32>,
    tpu.vector_store_idx %arg7[%sub3A_697, %get3A_699], %get3A_701 : memref<128x800xf32, #tpu.memory_space<vmem>>[vector<16xi32>, vector<16xi32>], vector<16xf32>,
    %add3A_702 = arith.constant 272 : i32
    %add3A_703 = arith.addi %mul3A_2, %add3A_702 : i32
    %add3A_704 = vector.broadcast %add3A_703 : i32 to vector<16xi32>
    %add3A_705 = arith.addi %add3A_704, %iota3A : vector<16xi32>
    %jit3A_706 = arith.constant 3 : i32
    %div3A_707 = vector.broadcast %jit3A_706 : i32 to vector<16xi32>
    %div3A_708 = arith.divsi %add3A_705, %div3A_707 : vector<16xi32>
    %sign3A_709 = arith.constant 0 : i32
    %sign3A_710 = vector.broadcast %sign3A_709 : i32 to vector<16xi32>
    %sign3A_711 = arith.cmpi sgt, %add3A_705, %sign3A_710 : vector<16xi32>
    %sign3A_712 = arith.extui %sign3A_711 : vector<16xi1> to vector<16xi32>
    %sign3A_713 = arith.constant 0 : i32
    %sign3A_714 = vector.broadcast %sign3A_713 : i32 to vector<16xi32>
    %sign3A_715 = arith.cmpi slt, %add3A_705, %sign3A_714 : vector<16xi32>
    %sign3A_716 = arith.extui %sign3A_715 : vector<16xi1> to vector<16xi32>
    %sign3A_717 = arith.subi %sign3A_712, %sign3A_716 : vector<16xi32>
    %sign3A_718 = arith.constant 0 : i32
    %sign3A_719 = arith.cmpi sgt, %jit3A_706, %sign3A_718 : i32
    %sign3A_720 = arith.extui %sign3A_719 : i1 to i32
    %sign3A_721 = arith.constant 0 : i32
    %sign3A_722 = arith.cmpi slt, %jit3A_706, %sign3A_721 : i32
    %sign3A_723 = arith.extui %sign3A_722 : i1 to i32
    %sign3A_724 = arith.subi %sign3A_720, %sign3A_723 : i32
    %ne3A_725 = vector.broadcast %sign3A_724 : i32 to vector<16xi32>
    %ne3A_726 = arith.cmpi ne, %sign3A_717, %ne3A_725 : vector<16xi32>
    %rem3A_727 = vector.broadcast %jit3A_706 : i32 to vector<16xi32>
    %rem3A_728 = arith.remsi %add3A_705, %rem3A_727 : vector<16xi32>
    %ne3A_729 = arith.constant 0 : i32
    %ne3A_730 = vector.broadcast %ne3A_729 : i32 to vector<16xi32>
    %ne3A_731 = arith.cmpi ne, %rem3A_728, %ne3A_730 : vector<16xi32>
    %and3A_732 = arith.andi %ne3A_726, %ne3A_731 : vector<16xi1>
    %sub3A_733 = arith.constant 1 : i32
    %sub3A_734 = vector.broadcast %sub3A_733 : i32 to vector<16xi32>
    %sub3A_735 = arith.subi %div3A_708, %sub3A_734 : vector<16xi32>
    %select_n3A_736 = arith.select %and3A_732, %sub3A_735, %div3A_708 : vector<16xi1>, vector<16xi32>
    %sub3A_737 = vector.broadcast %add3A_13 : i32 to vector<16xi32>
    %sub3A_738 = arith.subi %select_n3A_736, %sub3A_737 : vector<16xi32>
    %get3A_739 = arith.constant 272 : index
    %get3A_740 = tpu.vector_load %arg5[%get3A_739] {strides = array<i32>} : memref<768xi32, #tpu.memory_space<vmem>>, vector<16xi32>,
    %get3A_741 = arith.constant 272 : index
    %get3A_742 = tpu.vector_load %arg6[%get3A_741] {strides = array<i32>} : memref<768xf32, #tpu.memory_space<vmem>>, vector<16xf32>,
    tpu.vector_store_idx %arg7[%sub3A_738, %get3A_740], %get3A_742 : memref<128x800xf32, #tpu.memory_space<vmem>>[vector<16xi32>, vector<16xi32>], vector<16xf32>,
    %add3A_743 = arith.constant 288 : i32
    %add3A_744 = arith.addi %mul3A_2, %add3A_743 : i32
    %add3A_745 = vector.broadcast %add3A_744 : i32 to vector<16xi32>
    %add3A_746 = arith.addi %add3A_745, %iota3A : vector<16xi32>
    %jit3A_747 = arith.constant 3 : i32
    %div3A_748 = vector.broadcast %jit3A_747 : i32 to vector<16xi32>
    %div3A_749 = arith.divsi %add3A_746, %div3A_748 : vector<16xi32>
    %sign3A_750 = arith.constant 0 : i32
    %sign3A_751 = vector.broadcast %sign3A_750 : i32 to vector<16xi32>
    %sign3A_752 = arith.cmpi sgt, %add3A_746, %sign3A_751 : vector<16xi32>
    %sign3A_753 = arith.extui %sign3A_752 : vector<16xi1> to vector<16xi32>
    %sign3A_754 = arith.constant 0 : i32
    %sign3A_755 = vector.broadcast %sign3A_754 : i32 to vector<16xi32>
    %sign3A_756 = arith.cmpi slt, %add3A_746, %sign3A_755 : vector<16xi32>
    %sign3A_757 = arith.extui %sign3A_756 : vector<16xi1> to vector<16xi32>
    %sign3A_758 = arith.subi %sign3A_753, %sign3A_757 : vector<16xi32>
    %sign3A_759 = arith.constant 0 : i32
    %sign3A_760 = arith.cmpi sgt, %jit3A_747, %sign3A_759 : i32
    %sign3A_761 = arith.extui %sign3A_760 : i1 to i32
    %sign3A_762 = arith.constant 0 : i32
    %sign3A_763 = arith.cmpi slt, %jit3A_747, %sign3A_762 : i32
    %sign3A_764 = arith.extui %sign3A_763 : i1 to i32
    %sign3A_765 = arith.subi %sign3A_761, %sign3A_764 : i32
    %ne3A_766 = vector.broadcast %sign3A_765 : i32 to vector<16xi32>
    %ne3A_767 = arith.cmpi ne, %sign3A_758, %ne3A_766 : vector<16xi32>
    %rem3A_768 = vector.broadcast %jit3A_747 : i32 to vector<16xi32>
    %rem3A_769 = arith.remsi %add3A_746, %rem3A_768 : vector<16xi32>
    %ne3A_770 = arith.constant 0 : i32
    %ne3A_771 = vector.broadcast %ne3A_770 : i32 to vector<16xi32>
    %ne3A_772 = arith.cmpi ne, %rem3A_769, %ne3A_771 : vector<16xi32>
    %and3A_773 = arith.andi %ne3A_767, %ne3A_772 : vector<16xi1>
    %sub3A_774 = arith.constant 1 : i32
    %sub3A_775 = vector.broadcast %sub3A_774 : i32 to vector<16xi32>
    %sub3A_776 = arith.subi %div3A_749, %sub3A_775 : vector<16xi32>
    %select_n3A_777 = arith.select %and3A_773, %sub3A_776, %div3A_749 : vector<16xi1>, vector<16xi32>
    %sub3A_778 = vector.broadcast %add3A_13 : i32 to vector<16xi32>
    %sub3A_779 = arith.subi %select_n3A_777, %sub3A_778 : vector<16xi32>
    %get3A_780 = arith.constant 288 : index
    %get3A_781 = tpu.vector_load %arg5[%get3A_780] {strides = array<i32>} : memref<768xi32, #tpu.memory_space<vmem>>, vector<16xi32>,
    %get3A_782 = arith.constant 288 : index
    %get3A_783 = tpu.vector_load %arg6[%get3A_782] {strides = array<i32>} : memref<768xf32, #tpu.memory_space<vmem>>, vector<16xf32>,
    tpu.vector_store_idx %arg7[%sub3A_779, %get3A_781], %get3A_783 : memref<128x800xf32, #tpu.memory_space<vmem>>[vector<16xi32>, vector<16xi32>], vector<16xf32>,
    %add3A_784 = arith.constant 304 : i32
    %add3A_785 = arith.addi %mul3A_2, %add3A_784 : i32
    %add3A_786 = vector.broadcast %add3A_785 : i32 to vector<16xi32>
    %add3A_787 = arith.addi %add3A_786, %iota3A : vector<16xi32>
    %jit3A_788 = arith.constant 3 : i32
    %div3A_789 = vector.broadcast %jit3A_788 : i32 to vector<16xi32>
    %div3A_790 = arith.divsi %add3A_787, %div3A_789 : vector<16xi32>
    %sign3A_791 = arith.constant 0 : i32
    %sign3A_792 = vector.broadcast %sign3A_791 : i32 to vector<16xi32>
    %sign3A_793 = arith.cmpi sgt, %add3A_787, %sign3A_792 : vector<16xi32>
    %sign3A_794 = arith.extui %sign3A_793 : vector<16xi1> to vector<16xi32>
    %sign3A_795 = arith.constant 0 : i32
    %sign3A_796 = vector.broadcast %sign3A_795 : i32 to vector<16xi32>
    %sign3A_797 = arith.cmpi slt, %add3A_787, %sign3A_796 : vector<16xi32>
    %sign3A_798 = arith.extui %sign3A_797 : vector<16xi1> to vector<16xi32>
    %sign3A_799 = arith.subi %sign3A_794, %sign3A_798 : vector<16xi32>
    %sign3A_800 = arith.constant 0 : i32
    %sign3A_801 = arith.cmpi sgt, %jit3A_788, %sign3A_800 : i32
    %sign3A_802 = arith.extui %sign3A_801 : i1 to i32
    %sign3A_803 = arith.constant 0 : i32
    %sign3A_804 = arith.cmpi slt, %jit3A_788, %sign3A_803 : i32
    %sign3A_805 = arith.extui %sign3A_804 : i1 to i32
    %sign3A_806 = arith.subi %sign3A_802, %sign3A_805 : i32
    %ne3A_807 = vector.broadcast %sign3A_806 : i32 to vector<16xi32>
    %ne3A_808 = arith.cmpi ne, %sign3A_799, %ne3A_807 : vector<16xi32>
    %rem3A_809 = vector.broadcast %jit3A_788 : i32 to vector<16xi32>
    %rem3A_810 = arith.remsi %add3A_787, %rem3A_809 : vector<16xi32>
    %ne3A_811 = arith.constant 0 : i32
    %ne3A_812 = vector.broadcast %ne3A_811 : i32 to vector<16xi32>
    %ne3A_813 = arith.cmpi ne, %rem3A_810, %ne3A_812 : vector<16xi32>
    %and3A_814 = arith.andi %ne3A_808, %ne3A_813 : vector<16xi1>
    %sub3A_815 = arith.constant 1 : i32
    %sub3A_816 = vector.broadcast %sub3A_815 : i32 to vector<16xi32>
    %sub3A_817 = arith.subi %div3A_790, %sub3A_816 : vector<16xi32>
    %select_n3A_818 = arith.select %and3A_814, %sub3A_817, %div3A_790 : vector<16xi1>, vector<16xi32>
    %sub3A_819 = vector.broadcast %add3A_13 : i32 to vector<16xi32>
    %sub3A_820 = arith.subi %select_n3A_818, %sub3A_819 : vector<16xi32>
    %get3A_821 = arith.constant 304 : index
    %get3A_822 = tpu.vector_load %arg5[%get3A_821] {strides = array<i32>} : memref<768xi32, #tpu.memory_space<vmem>>, vector<16xi32>,
    %get3A_823 = arith.constant 304 : index
    %get3A_824 = tpu.vector_load %arg6[%get3A_823] {strides = array<i32>} : memref<768xf32, #tpu.memory_space<vmem>>, vector<16xf32>,
    tpu.vector_store_idx %arg7[%sub3A_820, %get3A_822], %get3A_824 : memref<128x800xf32, #tpu.memory_space<vmem>>[vector<16xi32>, vector<16xi32>], vector<16xf32>,
    %add3A_825 = arith.constant 320 : i32
    %add3A_826 = arith.addi %mul3A_2, %add3A_825 : i32
    %add3A_827 = vector.broadcast %add3A_826 : i32 to vector<16xi32>
    %add3A_828 = arith.addi %add3A_827, %iota3A : vector<16xi32>
    %jit3A_829 = arith.constant 3 : i32
    %div3A_830 = vector.broadcast %jit3A_829 : i32 to vector<16xi32>
    %div3A_831 = arith.divsi %add3A_828, %div3A_830 : vector<16xi32>
    %sign3A_832 = arith.constant 0 : i32
    %sign3A_833 = vector.broadcast %sign3A_832 : i32 to vector<16xi32>
    %sign3A_834 = arith.cmpi sgt, %add3A_828, %sign3A_833 : vector<16xi32>
    %sign3A_835 = arith.extui %sign3A_834 : vector<16xi1> to vector<16xi32>
    %sign3A_836 = arith.constant 0 : i32
    %sign3A_837 = vector.broadcast %sign3A_836 : i32 to vector<16xi32>
    %sign3A_838 = arith.cmpi slt, %add3A_828, %sign3A_837 : vector<16xi32>
    %sign3A_839 = arith.extui %sign3A_838 : vector<16xi1> to vector<16xi32>
    %sign3A_840 = arith.subi %sign3A_835, %sign3A_839 : vector<16xi32>
    %sign3A_841 = arith.constant 0 : i32
    %sign3A_842 = arith.cmpi sgt, %jit3A_829, %sign3A_841 : i32
    %sign3A_843 = arith.extui %sign3A_842 : i1 to i32
    %sign3A_844 = arith.constant 0 : i32
    %sign3A_845 = arith.cmpi slt, %jit3A_829, %sign3A_844 : i32
    %sign3A_846 = arith.extui %sign3A_845 : i1 to i32
    %sign3A_847 = arith.subi %sign3A_843, %sign3A_846 : i32
    %ne3A_848 = vector.broadcast %sign3A_847 : i32 to vector<16xi32>
    %ne3A_849 = arith.cmpi ne, %sign3A_840, %ne3A_848 : vector<16xi32>
    %rem3A_850 = vector.broadcast %jit3A_829 : i32 to vector<16xi32>
    %rem3A_851 = arith.remsi %add3A_828, %rem3A_850 : vector<16xi32>
    %ne3A_852 = arith.constant 0 : i32
    %ne3A_853 = vector.broadcast %ne3A_852 : i32 to vector<16xi32>
    %ne3A_854 = arith.cmpi ne, %rem3A_851, %ne3A_853 : vector<16xi32>
    %and3A_855 = arith.andi %ne3A_849, %ne3A_854 : vector<16xi1>
    %sub3A_856 = arith.constant 1 : i32
    %sub3A_857 = vector.broadcast %sub3A_856 : i32 to vector<16xi32>
    %sub3A_858 = arith.subi %div3A_831, %sub3A_857 : vector<16xi32>
    %select_n3A_859 = arith.select %and3A_855, %sub3A_858, %div3A_831 : vector<16xi1>, vector<16xi32>
    %sub3A_860 = vector.broadcast %add3A_13 : i32 to vector<16xi32>
    %sub3A_861 = arith.subi %select_n3A_859, %sub3A_860 : vector<16xi32>
    %get3A_862 = arith.constant 320 : index
    %get3A_863 = tpu.vector_load %arg5[%get3A_862] {strides = array<i32>} : memref<768xi32, #tpu.memory_space<vmem>>, vector<16xi32>,
    %get3A_864 = arith.constant 320 : index
    %get3A_865 = tpu.vector_load %arg6[%get3A_864] {strides = array<i32>} : memref<768xf32, #tpu.memory_space<vmem>>, vector<16xf32>,
    tpu.vector_store_idx %arg7[%sub3A_861, %get3A_863], %get3A_865 : memref<128x800xf32, #tpu.memory_space<vmem>>[vector<16xi32>, vector<16xi32>], vector<16xf32>,
    %add3A_866 = arith.constant 336 : i32
    %add3A_867 = arith.addi %mul3A_2, %add3A_866 : i32
    %add3A_868 = vector.broadcast %add3A_867 : i32 to vector<16xi32>
    %add3A_869 = arith.addi %add3A_868, %iota3A : vector<16xi32>
    %jit3A_870 = arith.constant 3 : i32
    %div3A_871 = vector.broadcast %jit3A_870 : i32 to vector<16xi32>
    %div3A_872 = arith.divsi %add3A_869, %div3A_871 : vector<16xi32>
    %sign3A_873 = arith.constant 0 : i32
    %sign3A_874 = vector.broadcast %sign3A_873 : i32 to vector<16xi32>
    %sign3A_875 = arith.cmpi sgt, %add3A_869, %sign3A_874 : vector<16xi32>
    %sign3A_876 = arith.extui %sign3A_875 : vector<16xi1> to vector<16xi32>
    %sign3A_877 = arith.constant 0 : i32
    %sign3A_878 = vector.broadcast %sign3A_877 : i32 to vector<16xi32>
    %sign3A_879 = arith.cmpi slt, %add3A_869, %sign3A_878 : vector<16xi32>
    %sign3A_880 = arith.extui %sign3A_879 : vector<16xi1> to vector<16xi32>
    %sign3A_881 = arith.subi %sign3A_876, %sign3A_880 : vector<16xi32>
    %sign3A_882 = arith.constant 0 : i32
    %sign3A_883 = arith.cmpi sgt, %jit3A_870, %sign3A_882 : i32
    %sign3A_884 = arith.extui %sign3A_883 : i1 to i32
    %sign3A_885 = arith.constant 0 : i32
    %sign3A_886 = arith.cmpi slt, %jit3A_870, %sign3A_885 : i32
    %sign3A_887 = arith.extui %sign3A_886 : i1 to i32
    %sign3A_888 = arith.subi %sign3A_884, %sign3A_887 : i32
    %ne3A_889 = vector.broadcast %sign3A_888 : i32 to vector<16xi32>
    %ne3A_890 = arith.cmpi ne, %sign3A_881, %ne3A_889 : vector<16xi32>
    %rem3A_891 = vector.broadcast %jit3A_870 : i32 to vector<16xi32>
    %rem3A_892 = arith.remsi %add3A_869, %rem3A_891 : vector<16xi32>
    %ne3A_893 = arith.constant 0 : i32
    %ne3A_894 = vector.broadcast %ne3A_893 : i32 to vector<16xi32>
    %ne3A_895 = arith.cmpi ne, %rem3A_892, %ne3A_894 : vector<16xi32>
    %and3A_896 = arith.andi %ne3A_890, %ne3A_895 : vector<16xi1>
    %sub3A_897 = arith.constant 1 : i32
    %sub3A_898 = vector.broadcast %sub3A_897 : i32 to vector<16xi32>
    %sub3A_899 = arith.subi %div3A_872, %sub3A_898 : vector<16xi32>
    %select_n3A_900 = arith.select %and3A_896, %sub3A_899, %div3A_872 : vector<16xi1>, vector<16xi32>
    %sub3A_901 = vector.broadcast %add3A_13 : i32 to vector<16xi32>
    %sub3A_902 = arith.subi %select_n3A_900, %sub3A_901 : vector<16xi32>
    %get3A_903 = arith.constant 336 : index
    %get3A_904 = tpu.vector_load %arg5[%get3A_903] {strides = array<i32>} : memref<768xi32, #tpu.memory_space<vmem>>, vector<16xi32>,
    %get3A_905 = arith.constant 336 : index
    %get3A_906 = tpu.vector_load %arg6[%get3A_905] {strides = array<i32>} : memref<768xf32, #tpu.memory_space<vmem>>, vector<16xf32>,
    tpu.vector_store_idx %arg7[%sub3A_902, %get3A_904], %get3A_906 : memref<128x800xf32, #tpu.memory_space<vmem>>[vector<16xi32>, vector<16xi32>], vector<16xf32>,
    %add3A_907 = arith.constant 352 : i32
    %add3A_908 = arith.addi %mul3A_2, %add3A_907 : i32
    %add3A_909 = vector.broadcast %add3A_908 : i32 to vector<16xi32>
    %add3A_910 = arith.addi %add3A_909, %iota3A : vector<16xi32>
    %jit3A_911 = arith.constant 3 : i32
    %div3A_912 = vector.broadcast %jit3A_911 : i32 to vector<16xi32>
    %div3A_913 = arith.divsi %add3A_910, %div3A_912 : vector<16xi32>
    %sign3A_914 = arith.constant 0 : i32
    %sign3A_915 = vector.broadcast %sign3A_914 : i32 to vector<16xi32>
    %sign3A_916 = arith.cmpi sgt, %add3A_910, %sign3A_915 : vector<16xi32>
    %sign3A_917 = arith.extui %sign3A_916 : vector<16xi1> to vector<16xi32>
    %sign3A_918 = arith.constant 0 : i32
    %sign3A_919 = vector.broadcast %sign3A_918 : i32 to vector<16xi32>
    %sign3A_920 = arith.cmpi slt, %add3A_910, %sign3A_919 : vector<16xi32>
    %sign3A_921 = arith.extui %sign3A_920 : vector<16xi1> to vector<16xi32>
    %sign3A_922 = arith.subi %sign3A_917, %sign3A_921 : vector<16xi32>
    %sign3A_923 = arith.constant 0 : i32
    %sign3A_924 = arith.cmpi sgt, %jit3A_911, %sign3A_923 : i32
    %sign3A_925 = arith.extui %sign3A_924 : i1 to i32
    %sign3A_926 = arith.constant 0 : i32
    %sign3A_927 = arith.cmpi slt, %jit3A_911, %sign3A_926 : i32
    %sign3A_928 = arith.extui %sign3A_927 : i1 to i32
    %sign3A_929 = arith.subi %sign3A_925, %sign3A_928 : i32
    %ne3A_930 = vector.broadcast %sign3A_929 : i32 to vector<16xi32>
    %ne3A_931 = arith.cmpi ne, %sign3A_922, %ne3A_930 : vector<16xi32>
    %rem3A_932 = vector.broadcast %jit3A_911 : i32 to vector<16xi32>
    %rem3A_933 = arith.remsi %add3A_910, %rem3A_932 : vector<16xi32>
    %ne3A_934 = arith.constant 0 : i32
    %ne3A_935 = vector.broadcast %ne3A_934 : i32 to vector<16xi32>
    %ne3A_936 = arith.cmpi ne, %rem3A_933, %ne3A_935 : vector<16xi32>
    %and3A_937 = arith.andi %ne3A_931, %ne3A_936 : vector<16xi1>
    %sub3A_938 = arith.constant 1 : i32
    %sub3A_939 = vector.broadcast %sub3A_938 : i32 to vector<16xi32>
    %sub3A_940 = arith.subi %div3A_913, %sub3A_939 : vector<16xi32>
    %select_n3A_941 = arith.select %and3A_937, %sub3A_940, %div3A_913 : vector<16xi1>, vector<16xi32>
    %sub3A_942 = vector.broadcast %add3A_13 : i32 to vector<16xi32>
    %sub3A_943 = arith.subi %select_n3A_941, %sub3A_942 : vector<16xi32>
    %get3A_944 = arith.constant 352 : index
    %get3A_945 = tpu.vector_load %arg5[%get3A_944] {strides = array<i32>} : memref<768xi32, #tpu.memory_space<vmem>>, vector<16xi32>,
    %get3A_946 = arith.constant 352 : index
    %get3A_947 = tpu.vector_load %arg6[%get3A_946] {strides = array<i32>} : memref<768xf32, #tpu.memory_space<vmem>>, vector<16xf32>,
    tpu.vector_store_idx %arg7[%sub3A_943, %get3A_945], %get3A_947 : memref<128x800xf32, #tpu.memory_space<vmem>>[vector<16xi32>, vector<16xi32>], vector<16xf32>,
    %add3A_948 = arith.constant 368 : i32
    %add3A_949 = arith.addi %mul3A_2, %add3A_948 : i32
    %add3A_950 = vector.broadcast %add3A_949 : i32 to vector<16xi32>
    %add3A_951 = arith.addi %add3A_950, %iota3A : vector<16xi32>
    %jit3A_952 = arith.constant 3 : i32
    %div3A_953 = vector.broadcast %jit3A_952 : i32 to vector<16xi32>
    %div3A_954 = arith.divsi %add3A_951, %div3A_953 : vector<16xi32>
    %sign3A_955 = arith.constant 0 : i32
    %sign3A_956 = vector.broadcast %sign3A_955 : i32 to vector<16xi32>
    %sign3A_957 = arith.cmpi sgt, %add3A_951, %sign3A_956 : vector<16xi32>
    %sign3A_958 = arith.extui %sign3A_957 : vector<16xi1> to vector<16xi32>
    %sign3A_959 = arith.constant 0 : i32
    %sign3A_960 = vector.broadcast %sign3A_959 : i32 to vector<16xi32>
    %sign3A_961 = arith.cmpi slt, %add3A_951, %sign3A_960 : vector<16xi32>
    %sign3A_962 = arith.extui %sign3A_961 : vector<16xi1> to vector<16xi32>
    %sign3A_963 = arith.subi %sign3A_958, %sign3A_962 : vector<16xi32>
    %sign3A_964 = arith.constant 0 : i32
    %sign3A_965 = arith.cmpi sgt, %jit3A_952, %sign3A_964 : i32
    %sign3A_966 = arith.extui %sign3A_965 : i1 to i32
    %sign3A_967 = arith.constant 0 : i32
    %sign3A_968 = arith.cmpi slt, %jit3A_952, %sign3A_967 : i32
    %sign3A_969 = arith.extui %sign3A_968 : i1 to i32
    %sign3A_970 = arith.subi %sign3A_966, %sign3A_969 : i32
    %ne3A_971 = vector.broadcast %sign3A_970 : i32 to vector<16xi32>
    %ne3A_972 = arith.cmpi ne, %sign3A_963, %ne3A_971 : vector<16xi32>
    %rem3A_973 = vector.broadcast %jit3A_952 : i32 to vector<16xi32>
    %rem3A_974 = arith.remsi %add3A_951, %rem3A_973 : vector<16xi32>
    %ne3A_975 = arith.constant 0 : i32
    %ne3A_976 = vector.broadcast %ne3A_975 : i32 to vector<16xi32>
    %ne3A_977 = arith.cmpi ne, %rem3A_974, %ne3A_976 : vector<16xi32>
    %and3A_978 = arith.andi %ne3A_972, %ne3A_977 : vector<16xi1>
    %sub3A_979 = arith.constant 1 : i32
    %sub3A_980 = vector.broadcast %sub3A_979 : i32 to vector<16xi32>
    %sub3A_981 = arith.subi %div3A_954, %sub3A_980 : vector<16xi32>
    %select_n3A_982 = arith.select %and3A_978, %sub3A_981, %div3A_954 : vector<16xi1>, vector<16xi32>
    %sub3A_983 = vector.broadcast %add3A_13 : i32 to vector<16xi32>
    %sub3A_984 = arith.subi %select_n3A_982, %sub3A_983 : vector<16xi32>
    %get3A_985 = arith.constant 368 : index
    %get3A_986 = tpu.vector_load %arg5[%get3A_985] {strides = array<i32>} : memref<768xi32, #tpu.memory_space<vmem>>, vector<16xi32>,
    %get3A_987 = arith.constant 368 : index
    %get3A_988 = tpu.vector_load %arg6[%get3A_987] {strides = array<i32>} : memref<768xf32, #tpu.memory_space<vmem>>, vector<16xf32>,
    tpu.vector_store_idx %arg7[%sub3A_984, %get3A_986], %get3A_988 : memref<128x800xf32, #tpu.memory_space<vmem>>[vector<16xi32>, vector<16xi32>], vector<16xf32>,
    %jit3A_989 = arith.constant 2048 : i32
    %div3A_990 = arith.divsi %add3A_13, %jit3A_989 : i32
    %sign3A_991 = arith.constant 0 : i32
    %sign3A_992 = arith.cmpi sgt, %add3A_13, %sign3A_991 : i32
    %sign3A_993 = arith.extui %sign3A_992 : i1 to i32
    %sign3A_994 = arith.constant 0 : i32
    %sign3A_995 = arith.cmpi slt, %add3A_13, %sign3A_994 : i32
    %sign3A_996 = arith.extui %sign3A_995 : i1 to i32
    %sign3A_997 = arith.subi %sign3A_993, %sign3A_996 : i32
    %sign3A_998 = arith.constant 0 : i32
    %sign3A_999 = arith.cmpi sgt, %jit3A_989, %sign3A_998 : i32
    %sign3A_1000 = arith.extui %sign3A_999 : i1 to i32
    %sign3A_1001 = arith.constant 0 : i32
    %sign3A_1002 = arith.cmpi slt, %jit3A_989, %sign3A_1001 : i32
    %sign3A_1003 = arith.extui %sign3A_1002 : i1 to i32
    %sign3A_1004 = arith.subi %sign3A_1000, %sign3A_1003 : i32
    %ne3A_1005 = arith.cmpi ne, %sign3A_997, %sign3A_1004 : i32
    %rem3A_1006 = arith.remsi %add3A_13, %jit3A_989 : i32
    %ne3A_1007 = arith.constant 0 : i32
    %ne3A_1008 = arith.cmpi ne, %rem3A_1006, %ne3A_1007 : i32
    %and3A_1009 = arith.andi %ne3A_1005, %ne3A_1008 : i1
    %sub3A_1010 = arith.constant 1 : i32
    %sub3A_1011 = arith.subi %div3A_990, %sub3A_1010 : i32
    %select_n3A_1012 = arith.select %and3A_1009, %sub3A_1011, %div3A_990 : i32
    %mul3A_1013 = arith.constant 2048 : i32
    %mul3A_1014 = arith.muli %select_n3A_1012, %mul3A_1013 : i32
    %sub3A_1015 = arith.subi %add3A_13, %mul3A_1014 : i32
    "tpu.region"() ({
      %run_scoped3A = tpu.sem_alloc : memref<!tpu.dma_semaphore, #tpu.memory_space<semaphore_mem>>
      %dma_start3A = arith.constant 0 : i32
      %dma_start3A_2967 = tpu.memref_slice %arg4[%select_n3A_1012, %sub3A_1015, %dma_start3A] : memref<4x2048x800xf32, #tpu.memory_space<hbm>> -> memref<1x128x800xf32, #tpu.memory_space<hbm>>
      %dma_start3A_2968 = tpu.memref_squeeze %dma_start3A_2967 : memref<1x128x800xf32, #tpu.memory_space<hbm>> -> memref<128x800xf32, #tpu.memory_space<hbm>>
      %dma_start3A_2969 = arith.constant 0 : i32
      %dma_start3A_2970 = tpu.memref_slice %arg4[%select_n3A_1012, %sub3A_1015, %dma_start3A_2969] : memref<4x2048x800xf32, #tpu.memory_space<hbm>> -> memref<1x128x800xf32, #tpu.memory_space<hbm>>
      %dma_start3A_2971 = tpu.memref_squeeze %dma_start3A_2970 : memref<1x128x800xf32, #tpu.memory_space<hbm>> -> memref<128x800xf32, #tpu.memory_space<hbm>>
      tpu.enqueue_dma source(%arg7 : memref<128x800xf32, #tpu.memory_space<vmem>>) target(%dma_start3A_2971 : memref<128x800xf32, #tpu.memory_space<hbm>>) target_semaphore(%run_scoped3A : memref<!tpu.dma_semaphore, #tpu.memory_space<semaphore_mem>>)
      %dma_wait3A = arith.constant 0 : i32
      %dma_wait3A_2972 = tpu.memref_slice %arg4[%select_n3A_1012, %sub3A_1015, %dma_wait3A] : memref<4x2048x800xf32, #tpu.memory_space<hbm>> -> memref<1x128x800xf32, #tpu.memory_space<hbm>>
      %dma_wait3A_2973 = tpu.memref_squeeze %dma_wait3A_2972 : memref<1x128x800xf32, #tpu.memory_space<hbm>> -> memref<128x800xf32, #tpu.memory_space<hbm>>
      %dma_wait3A_2974 = arith.constant 0 : i32
      %dma_wait3A_2975 = tpu.memref_slice %arg4[%select_n3A_1012, %sub3A_1015, %dma_wait3A_2974] : memref<4x2048x800xf32, #tpu.memory_space<hbm>> -> memref<1x128x800xf32, #tpu.memory_space<hbm>>
      %dma_wait3A_2976 = tpu.memref_squeeze %dma_wait3A_2975 : memref<1x128x800xf32, #tpu.memory_space<hbm>> -> memref<128x800xf32, #tpu.memory_space<hbm>>
      tpu.wait_dma2 semaphore(%run_scoped3A : memref<!tpu.dma_semaphore, #tpu.memory_space<semaphore_mem>>) src(%arg7 : memref<128x800xf32, #tpu.memory_space<vmem>>) dst(%dma_wait3A_2976 : memref<128x800xf32, #tpu.memory_space<hbm>>)
      tpu.yield
    }) : () -> ()
    %add3A_1016 = arith.constant 0 : i32
    %add3A_1017 = arith.addi %mul3A_2, %add3A_1016 : i32
    %add3A_1018 = vector.broadcast %add3A_1017 : i32 to vector<16xi32>
    %add3A_1019 = arith.addi %add3A_1018, %iota3A : vector<16xi32>
    %jit3A_1020 = arith.constant 3 : i32
    %div3A_1021 = vector.broadcast %jit3A_1020 : i32 to vector<16xi32>
    %div3A_1022 = arith.divsi %add3A_1019, %div3A_1021 : vector<16xi32>
    %sign3A_1023 = arith.constant 0 : i32
    %sign3A_1024 = vector.broadcast %sign3A_1023 : i32 to vector<16xi32>
    %sign3A_1025 = arith.cmpi sgt, %add3A_1019, %sign3A_1024 : vector<16xi32>
    %sign3A_1026 = arith.extui %sign3A_1025 : vector<16xi1> to vector<16xi32>
    %sign3A_1027 = arith.constant 0 : i32
    %sign3A_1028 = vector.broadcast %sign3A_1027 : i32 to vector<16xi32>
    %sign3A_1029 = arith.cmpi slt, %add3A_1019, %sign3A_1028 : vector<16xi32>
    %sign3A_1030 = arith.extui %sign3A_1029 : vector<16xi1> to vector<16xi32>
    %sign3A_1031 = arith.subi %sign3A_1026, %sign3A_1030 : vector<16xi32>
    %sign3A_1032 = arith.constant 0 : i32
    %sign3A_1033 = arith.cmpi sgt, %jit3A_1020, %sign3A_1032 : i32
    %sign3A_1034 = arith.extui %sign3A_1033 : i1 to i32
    %sign3A_1035 = arith.constant 0 : i32
    %sign3A_1036 = arith.cmpi slt, %jit3A_1020, %sign3A_1035 : i32
    %sign3A_1037 = arith.extui %sign3A_1036 : i1 to i32
    %sign3A_1038 = arith.subi %sign3A_1034, %sign3A_1037 : i32
    %ne3A_1039 = vector.broadcast %sign3A_1038 : i32 to vector<16xi32>
    %ne3A_1040 = arith.cmpi ne, %sign3A_1031, %ne3A_1039 : vector<16xi32>
    %rem3A_1041 = vector.broadcast %jit3A_1020 : i32 to vector<16xi32>
    %rem3A_1042 = arith.remsi %add3A_1019, %rem3A_1041 : vector<16xi32>
    %ne3A_1043 = arith.constant 0 : i32
    %ne3A_1044 = vector.broadcast %ne3A_1043 : i32 to vector<16xi32>
    %ne3A_1045 = arith.cmpi ne, %rem3A_1042, %ne3A_1044 : vector<16xi32>
    %and3A_1046 = arith.andi %ne3A_1040, %ne3A_1045 : vector<16xi1>
    %sub3A_1047 = arith.constant 1 : i32
    %sub3A_1048 = vector.broadcast %sub3A_1047 : i32 to vector<16xi32>
    %sub3A_1049 = arith.subi %div3A_1022, %sub3A_1048 : vector<16xi32>
    %select_n3A_1050 = arith.select %and3A_1046, %sub3A_1049, %div3A_1022 : vector<16xi1>, vector<16xi32>
    %sub3A_1051 = vector.broadcast %add3A_13 : i32 to vector<16xi32>
    %sub3A_1052 = arith.subi %select_n3A_1050, %sub3A_1051 : vector<16xi32>
    %get3A_1053 = arith.constant 0 : index
    %get3A_1054 = tpu.vector_load %arg5[%get3A_1053] {strides = array<i32>} : memref<768xi32, #tpu.memory_space<vmem>>, vector<16xi32>,
    tpu.vector_store_idx %arg7[%sub3A_1052, %get3A_1054], %broadcast_in_dim3A_3 : memref<128x800xf32, #tpu.memory_space<vmem>>[vector<16xi32>, vector<16xi32>], vector<16xf32>,
    %add3A_1055 = arith.constant 16 : i32
    %add3A_1056 = arith.addi %mul3A_2, %add3A_1055 : i32
    %add3A_1057 = vector.broadcast %add3A_1056 : i32 to vector<16xi32>
    %add3A_1058 = arith.addi %add3A_1057, %iota3A : vector<16xi32>
    %jit3A_1059 = arith.constant 3 : i32
    %div3A_1060 = vector.broadcast %jit3A_1059 : i32 to vector<16xi32>
    %div3A_1061 = arith.divsi %add3A_1058, %div3A_1060 : vector<16xi32>
    %sign3A_1062 = arith.constant 0 : i32
    %sign3A_1063 = vector.broadcast %sign3A_1062 : i32 to vector<16xi32>
    %sign3A_1064 = arith.cmpi sgt, %add3A_1058, %sign3A_1063 : vector<16xi32>
    %sign3A_1065 = arith.extui %sign3A_1064 : vector<16xi1> to vector<16xi32>
    %sign3A_1066 = arith.constant 0 : i32
    %sign3A_1067 = vector.broadcast %sign3A_1066 : i32 to vector<16xi32>
    %sign3A_1068 = arith.cmpi slt, %add3A_1058, %sign3A_1067 : vector<16xi32>
    %sign3A_1069 = arith.extui %sign3A_1068 : vector<16xi1> to vector<16xi32>
    %sign3A_1070 = arith.subi %sign3A_1065, %sign3A_1069 : vector<16xi32>
    %sign3A_1071 = arith.constant 0 : i32
    %sign3A_1072 = arith.cmpi sgt, %jit3A_1059, %sign3A_1071 : i32
    %sign3A_1073 = arith.extui %sign3A_1072 : i1 to i32
    %sign3A_1074 = arith.constant 0 : i32
    %sign3A_1075 = arith.cmpi slt, %jit3A_1059, %sign3A_1074 : i32
    %sign3A_1076 = arith.extui %sign3A_1075 : i1 to i32
    %sign3A_1077 = arith.subi %sign3A_1073, %sign3A_1076 : i32
    %ne3A_1078 = vector.broadcast %sign3A_1077 : i32 to vector<16xi32>
    %ne3A_1079 = arith.cmpi ne, %sign3A_1070, %ne3A_1078 : vector<16xi32>
    %rem3A_1080 = vector.broadcast %jit3A_1059 : i32 to vector<16xi32>
    %rem3A_1081 = arith.remsi %add3A_1058, %rem3A_1080 : vector<16xi32>
    %ne3A_1082 = arith.constant 0 : i32
    %ne3A_1083 = vector.broadcast %ne3A_1082 : i32 to vector<16xi32>
    %ne3A_1084 = arith.cmpi ne, %rem3A_1081, %ne3A_1083 : vector<16xi32>
    %and3A_1085 = arith.andi %ne3A_1079, %ne3A_1084 : vector<16xi1>
    %sub3A_1086 = arith.constant 1 : i32
    %sub3A_1087 = vector.broadcast %sub3A_1086 : i32 to vector<16xi32>
    %sub3A_1088 = arith.subi %div3A_1061, %sub3A_1087 : vector<16xi32>
    %select_n3A_1089 = arith.select %and3A_1085, %sub3A_1088, %div3A_1061 : vector<16xi1>, vector<16xi32>
    %sub3A_1090 = vector.broadcast %add3A_13 : i32 to vector<16xi32>
    %sub3A_1091 = arith.subi %select_n3A_1089, %sub3A_1090 : vector<16xi32>
    %get3A_1092 = arith.constant 16 : index
    %get3A_1093 = tpu.vector_load %arg5[%get3A_1092] {strides = array<i32>} : memref<768xi32, #tpu.memory_space<vmem>>, vector<16xi32>,
    tpu.vector_store_idx %arg7[%sub3A_1091, %get3A_1093], %broadcast_in_dim3A_3 : memref<128x800xf32, #tpu.memory_space<vmem>>[vector<16xi32>, vector<16xi32>], vector<16xf32>,
    %add3A_1094 = arith.constant 32 : i32
    %add3A_1095 = arith.addi %mul3A_2, %add3A_1094 : i32
    %add3A_1096 = vector.broadcast %add3A_1095 : i32 to vector<16xi32>
    %add3A_1097 = arith.addi %add3A_1096, %iota3A : vector<16xi32>
    %jit3A_1098 = arith.constant 3 : i32
    %div3A_1099 = vector.broadcast %jit3A_1098 : i32 to vector<16xi32>
    %div3A_1100 = arith.divsi %add3A_1097, %div3A_1099 : vector<16xi32>
    %sign3A_1101 = arith.constant 0 : i32
    %sign3A_1102 = vector.broadcast %sign3A_1101 : i32 to vector<16xi32>
    %sign3A_1103 = arith.cmpi sgt, %add3A_1097, %sign3A_1102 : vector<16xi32>
    %sign3A_1104 = arith.extui %sign3A_1103 : vector<16xi1> to vector<16xi32>
    %sign3A_1105 = arith.constant 0 : i32
    %sign3A_1106 = vector.broadcast %sign3A_1105 : i32 to vector<16xi32>
    %sign3A_1107 = arith.cmpi slt, %add3A_1097, %sign3A_1106 : vector<16xi32>
    %sign3A_1108 = arith.extui %sign3A_1107 : vector<16xi1> to vector<16xi32>
    %sign3A_1109 = arith.subi %sign3A_1104, %sign3A_1108 : vector<16xi32>
    %sign3A_1110 = arith.constant 0 : i32
    %sign3A_1111 = arith.cmpi sgt, %jit3A_1098, %sign3A_1110 : i32
    %sign3A_1112 = arith.extui %sign3A_1111 : i1 to i32
    %sign3A_1113 = arith.constant 0 : i32
    %sign3A_1114 = arith.cmpi slt, %jit3A_1098, %sign3A_1113 : i32
    %sign3A_1115 = arith.extui %sign3A_1114 : i1 to i32
    %sign3A_1116 = arith.subi %sign3A_1112, %sign3A_1115 : i32
    %ne3A_1117 = vector.broadcast %sign3A_1116 : i32 to vector<16xi32>
    %ne3A_1118 = arith.cmpi ne, %sign3A_1109, %ne3A_1117 : vector<16xi32>
    %rem3A_1119 = vector.broadcast %jit3A_1098 : i32 to vector<16xi32>
    %rem3A_1120 = arith.remsi %add3A_1097, %rem3A_1119 : vector<16xi32>
    %ne3A_1121 = arith.constant 0 : i32
    %ne3A_1122 = vector.broadcast %ne3A_1121 : i32 to vector<16xi32>
    %ne3A_1123 = arith.cmpi ne, %rem3A_1120, %ne3A_1122 : vector<16xi32>
    %and3A_1124 = arith.andi %ne3A_1118, %ne3A_1123 : vector<16xi1>
    %sub3A_1125 = arith.constant 1 : i32
    %sub3A_1126 = vector.broadcast %sub3A_1125 : i32 to vector<16xi32>
    %sub3A_1127 = arith.subi %div3A_1100, %sub3A_1126 : vector<16xi32>
    %select_n3A_1128 = arith.select %and3A_1124, %sub3A_1127, %div3A_1100 : vector<16xi1>, vector<16xi32>
    %sub3A_1129 = vector.broadcast %add3A_13 : i32 to vector<16xi32>
    %sub3A_1130 = arith.subi %select_n3A_1128, %sub3A_1129 : vector<16xi32>
    %get3A_1131 = arith.constant 32 : index
    %get3A_1132 = tpu.vector_load %arg5[%get3A_1131] {strides = array<i32>} : memref<768xi32, #tpu.memory_space<vmem>>, vector<16xi32>,
    tpu.vector_store_idx %arg7[%sub3A_1130, %get3A_1132], %broadcast_in_dim3A_3 : memref<128x800xf32, #tpu.memory_space<vmem>>[vector<16xi32>, vector<16xi32>], vector<16xf32>,
    %add3A_1133 = arith.constant 48 : i32
    %add3A_1134 = arith.addi %mul3A_2, %add3A_1133 : i32
    %add3A_1135 = vector.broadcast %add3A_1134 : i32 to vector<16xi32>
    %add3A_1136 = arith.addi %add3A_1135, %iota3A : vector<16xi32>
    %jit3A_1137 = arith.constant 3 : i32
    %div3A_1138 = vector.broadcast %jit3A_1137 : i32 to vector<16xi32>
    %div3A_1139 = arith.divsi %add3A_1136, %div3A_1138 : vector<16xi32>
    %sign3A_1140 = arith.constant 0 : i32
    %sign3A_1141 = vector.broadcast %sign3A_1140 : i32 to vector<16xi32>
    %sign3A_1142 = arith.cmpi sgt, %add3A_1136, %sign3A_1141 : vector<16xi32>
    %sign3A_1143 = arith.extui %sign3A_1142 : vector<16xi1> to vector<16xi32>
    %sign3A_1144 = arith.constant 0 : i32
    %sign3A_1145 = vector.broadcast %sign3A_1144 : i32 to vector<16xi32>
    %sign3A_1146 = arith.cmpi slt, %add3A_1136, %sign3A_1145 : vector<16xi32>
    %sign3A_1147 = arith.extui %sign3A_1146 : vector<16xi1> to vector<16xi32>
    %sign3A_1148 = arith.subi %sign3A_1143, %sign3A_1147 : vector<16xi32>
    %sign3A_1149 = arith.constant 0 : i32
    %sign3A_1150 = arith.cmpi sgt, %jit3A_1137, %sign3A_1149 : i32
    %sign3A_1151 = arith.extui %sign3A_1150 : i1 to i32
    %sign3A_1152 = arith.constant 0 : i32
    %sign3A_1153 = arith.cmpi slt, %jit3A_1137, %sign3A_1152 : i32
    %sign3A_1154 = arith.extui %sign3A_1153 : i1 to i32
    %sign3A_1155 = arith.subi %sign3A_1151, %sign3A_1154 : i32
    %ne3A_1156 = vector.broadcast %sign3A_1155 : i32 to vector<16xi32>
    %ne3A_1157 = arith.cmpi ne, %sign3A_1148, %ne3A_1156 : vector<16xi32>
    %rem3A_1158 = vector.broadcast %jit3A_1137 : i32 to vector<16xi32>
    %rem3A_1159 = arith.remsi %add3A_1136, %rem3A_1158 : vector<16xi32>
    %ne3A_1160 = arith.constant 0 : i32
    %ne3A_1161 = vector.broadcast %ne3A_1160 : i32 to vector<16xi32>
    %ne3A_1162 = arith.cmpi ne, %rem3A_1159, %ne3A_1161 : vector<16xi32>
    %and3A_1163 = arith.andi %ne3A_1157, %ne3A_1162 : vector<16xi1>
    %sub3A_1164 = arith.constant 1 : i32
    %sub3A_1165 = vector.broadcast %sub3A_1164 : i32 to vector<16xi32>
    %sub3A_1166 = arith.subi %div3A_1139, %sub3A_1165 : vector<16xi32>
    %select_n3A_1167 = arith.select %and3A_1163, %sub3A_1166, %div3A_1139 : vector<16xi1>, vector<16xi32>
    %sub3A_1168 = vector.broadcast %add3A_13 : i32 to vector<16xi32>
    %sub3A_1169 = arith.subi %select_n3A_1167, %sub3A_1168 : vector<16xi32>
    %get3A_1170 = arith.constant 48 : index
    %get3A_1171 = tpu.vector_load %arg5[%get3A_1170] {strides = array<i32>} : memref<768xi32, #tpu.memory_space<vmem>>, vector<16xi32>,
    tpu.vector_store_idx %arg7[%sub3A_1169, %get3A_1171], %broadcast_in_dim3A_3 : memref<128x800xf32, #tpu.memory_space<vmem>>[vector<16xi32>, vector<16xi32>], vector<16xf32>,
    %add3A_1172 = arith.constant 64 : i32
    %add3A_1173 = arith.addi %mul3A_2, %add3A_1172 : i32
    %add3A_1174 = vector.broadcast %add3A_1173 : i32 to vector<16xi32>
    %add3A_1175 = arith.addi %add3A_1174, %iota3A : vector<16xi32>
    %jit3A_1176 = arith.constant 3 : i32
    %div3A_1177 = vector.broadcast %jit3A_1176 : i32 to vector<16xi32>
    %div3A_1178 = arith.divsi %add3A_1175, %div3A_1177 : vector<16xi32>
    %sign3A_1179 = arith.constant 0 : i32
    %sign3A_1180 = vector.broadcast %sign3A_1179 : i32 to vector<16xi32>
    %sign3A_1181 = arith.cmpi sgt, %add3A_1175, %sign3A_1180 : vector<16xi32>
    %sign3A_1182 = arith.extui %sign3A_1181 : vector<16xi1> to vector<16xi32>
    %sign3A_1183 = arith.constant 0 : i32
    %sign3A_1184 = vector.broadcast %sign3A_1183 : i32 to vector<16xi32>
    %sign3A_1185 = arith.cmpi slt, %add3A_1175, %sign3A_1184 : vector<16xi32>
    %sign3A_1186 = arith.extui %sign3A_1185 : vector<16xi1> to vector<16xi32>
    %sign3A_1187 = arith.subi %sign3A_1182, %sign3A_1186 : vector<16xi32>
    %sign3A_1188 = arith.constant 0 : i32
    %sign3A_1189 = arith.cmpi sgt, %jit3A_1176, %sign3A_1188 : i32
    %sign3A_1190 = arith.extui %sign3A_1189 : i1 to i32
    %sign3A_1191 = arith.constant 0 : i32
    %sign3A_1192 = arith.cmpi slt, %jit3A_1176, %sign3A_1191 : i32
    %sign3A_1193 = arith.extui %sign3A_1192 : i1 to i32
    %sign3A_1194 = arith.subi %sign3A_1190, %sign3A_1193 : i32
    %ne3A_1195 = vector.broadcast %sign3A_1194 : i32 to vector<16xi32>
    %ne3A_1196 = arith.cmpi ne, %sign3A_1187, %ne3A_1195 : vector<16xi32>
    %rem3A_1197 = vector.broadcast %jit3A_1176 : i32 to vector<16xi32>
    %rem3A_1198 = arith.remsi %add3A_1175, %rem3A_1197 : vector<16xi32>
    %ne3A_1199 = arith.constant 0 : i32
    %ne3A_1200 = vector.broadcast %ne3A_1199 : i32 to vector<16xi32>
    %ne3A_1201 = arith.cmpi ne, %rem3A_1198, %ne3A_1200 : vector<16xi32>
    %and3A_1202 = arith.andi %ne3A_1196, %ne3A_1201 : vector<16xi1>
    %sub3A_1203 = arith.constant 1 : i32
    %sub3A_1204 = vector.broadcast %sub3A_1203 : i32 to vector<16xi32>
    %sub3A_1205 = arith.subi %div3A_1178, %sub3A_1204 : vector<16xi32>
    %select_n3A_1206 = arith.select %and3A_1202, %sub3A_1205, %div3A_1178 : vector<16xi1>, vector<16xi32>
    %sub3A_1207 = vector.broadcast %add3A_13 : i32 to vector<16xi32>
    %sub3A_1208 = arith.subi %select_n3A_1206, %sub3A_1207 : vector<16xi32>
    %get3A_1209 = arith.constant 64 : index
    %get3A_1210 = tpu.vector_load %arg5[%get3A_1209] {strides = array<i32>} : memref<768xi32, #tpu.memory_space<vmem>>, vector<16xi32>,
    tpu.vector_store_idx %arg7[%sub3A_1208, %get3A_1210], %broadcast_in_dim3A_3 : memref<128x800xf32, #tpu.memory_space<vmem>>[vector<16xi32>, vector<16xi32>], vector<16xf32>,
    %add3A_1211 = arith.constant 80 : i32
    %add3A_1212 = arith.addi %mul3A_2, %add3A_1211 : i32
    %add3A_1213 = vector.broadcast %add3A_1212 : i32 to vector<16xi32>
    %add3A_1214 = arith.addi %add3A_1213, %iota3A : vector<16xi32>
    %jit3A_1215 = arith.constant 3 : i32
    %div3A_1216 = vector.broadcast %jit3A_1215 : i32 to vector<16xi32>
    %div3A_1217 = arith.divsi %add3A_1214, %div3A_1216 : vector<16xi32>
    %sign3A_1218 = arith.constant 0 : i32
    %sign3A_1219 = vector.broadcast %sign3A_1218 : i32 to vector<16xi32>
    %sign3A_1220 = arith.cmpi sgt, %add3A_1214, %sign3A_1219 : vector<16xi32>
    %sign3A_1221 = arith.extui %sign3A_1220 : vector<16xi1> to vector<16xi32>
    %sign3A_1222 = arith.constant 0 : i32
    %sign3A_1223 = vector.broadcast %sign3A_1222 : i32 to vector<16xi32>
    %sign3A_1224 = arith.cmpi slt, %add3A_1214, %sign3A_1223 : vector<16xi32>
    %sign3A_1225 = arith.extui %sign3A_1224 : vector<16xi1> to vector<16xi32>
    %sign3A_1226 = arith.subi %sign3A_1221, %sign3A_1225 : vector<16xi32>
    %sign3A_1227 = arith.constant 0 : i32
    %sign3A_1228 = arith.cmpi sgt, %jit3A_1215, %sign3A_1227 : i32
    %sign3A_1229 = arith.extui %sign3A_1228 : i1 to i32
    %sign3A_1230 = arith.constant 0 : i32
    %sign3A_1231 = arith.cmpi slt, %jit3A_1215, %sign3A_1230 : i32
    %sign3A_1232 = arith.extui %sign3A_1231 : i1 to i32
    %sign3A_1233 = arith.subi %sign3A_1229, %sign3A_1232 : i32
    %ne3A_1234 = vector.broadcast %sign3A_1233 : i32 to vector<16xi32>
    %ne3A_1235 = arith.cmpi ne, %sign3A_1226, %ne3A_1234 : vector<16xi32>
    %rem3A_1236 = vector.broadcast %jit3A_1215 : i32 to vector<16xi32>
    %rem3A_1237 = arith.remsi %add3A_1214, %rem3A_1236 : vector<16xi32>
    %ne3A_1238 = arith.constant 0 : i32
    %ne3A_1239 = vector.broadcast %ne3A_1238 : i32 to vector<16xi32>
    %ne3A_1240 = arith.cmpi ne, %rem3A_1237, %ne3A_1239 : vector<16xi32>
    %and3A_1241 = arith.andi %ne3A_1235, %ne3A_1240 : vector<16xi1>
    %sub3A_1242 = arith.constant 1 : i32
    %sub3A_1243 = vector.broadcast %sub3A_1242 : i32 to vector<16xi32>
    %sub3A_1244 = arith.subi %div3A_1217, %sub3A_1243 : vector<16xi32>
    %select_n3A_1245 = arith.select %and3A_1241, %sub3A_1244, %div3A_1217 : vector<16xi1>, vector<16xi32>
    %sub3A_1246 = vector.broadcast %add3A_13 : i32 to vector<16xi32>
    %sub3A_1247 = arith.subi %select_n3A_1245, %sub3A_1246 : vector<16xi32>
    %get3A_1248 = arith.constant 80 : index
    %get3A_1249 = tpu.vector_load %arg5[%get3A_1248] {strides = array<i32>} : memref<768xi32, #tpu.memory_space<vmem>>, vector<16xi32>,
    tpu.vector_store_idx %arg7[%sub3A_1247, %get3A_1249], %broadcast_in_dim3A_3 : memref<128x800xf32, #tpu.memory_space<vmem>>[vector<16xi32>, vector<16xi32>], vector<16xf32>,
    %add3A_1250 = arith.constant 96 : i32
    %add3A_1251 = arith.addi %mul3A_2, %add3A_1250 : i32
    %add3A_1252 = vector.broadcast %add3A_1251 : i32 to vector<16xi32>
    %add3A_1253 = arith.addi %add3A_1252, %iota3A : vector<16xi32>
    %jit3A_1254 = arith.constant 3 : i32
    %div3A_1255 = vector.broadcast %jit3A_1254 : i32 to vector<16xi32>
    %div3A_1256 = arith.divsi %add3A_1253, %div3A_1255 : vector<16xi32>
    %sign3A_1257 = arith.constant 0 : i32
    %sign3A_1258 = vector.broadcast %sign3A_1257 : i32 to vector<16xi32>
    %sign3A_1259 = arith.cmpi sgt, %add3A_1253, %sign3A_1258 : vector<16xi32>
    %sign3A_1260 = arith.extui %sign3A_1259 : vector<16xi1> to vector<16xi32>
    %sign3A_1261 = arith.constant 0 : i32
    %sign3A_1262 = vector.broadcast %sign3A_1261 : i32 to vector<16xi32>
    %sign3A_1263 = arith.cmpi slt, %add3A_1253, %sign3A_1262 : vector<16xi32>
    %sign3A_1264 = arith.extui %sign3A_1263 : vector<16xi1> to vector<16xi32>
    %sign3A_1265 = arith.subi %sign3A_1260, %sign3A_1264 : vector<16xi32>
    %sign3A_1266 = arith.constant 0 : i32
    %sign3A_1267 = arith.cmpi sgt, %jit3A_1254, %sign3A_1266 : i32
    %sign3A_1268 = arith.extui %sign3A_1267 : i1 to i32
    %sign3A_1269 = arith.constant 0 : i32
    %sign3A_1270 = arith.cmpi slt, %jit3A_1254, %sign3A_1269 : i32
    %sign3A_1271 = arith.extui %sign3A_1270 : i1 to i32
    %sign3A_1272 = arith.subi %sign3A_1268, %sign3A_1271 : i32
    %ne3A_1273 = vector.broadcast %sign3A_1272 : i32 to vector<16xi32>
    %ne3A_1274 = arith.cmpi ne, %sign3A_1265, %ne3A_1273 : vector<16xi32>
    %rem3A_1275 = vector.broadcast %jit3A_1254 : i32 to vector<16xi32>
    %rem3A_1276 = arith.remsi %add3A_1253, %rem3A_1275 : vector<16xi32>
    %ne3A_1277 = arith.constant 0 : i32
    %ne3A_1278 = vector.broadcast %ne3A_1277 : i32 to vector<16xi32>
    %ne3A_1279 = arith.cmpi ne, %rem3A_1276, %ne3A_1278 : vector<16xi32>
    %and3A_1280 = arith.andi %ne3A_1274, %ne3A_1279 : vector<16xi1>
    %sub3A_1281 = arith.constant 1 : i32
    %sub3A_1282 = vector.broadcast %sub3A_1281 : i32 to vector<16xi32>
    %sub3A_1283 = arith.subi %div3A_1256, %sub3A_1282 : vector<16xi32>
    %select_n3A_1284 = arith.select %and3A_1280, %sub3A_1283, %div3A_1256 : vector<16xi1>, vector<16xi32>
    %sub3A_1285 = vector.broadcast %add3A_13 : i32 to vector<16xi32>
    %sub3A_1286 = arith.subi %select_n3A_1284, %sub3A_1285 : vector<16xi32>
    %get3A_1287 = arith.constant 96 : index
    %get3A_1288 = tpu.vector_load %arg5[%get3A_1287] {strides = array<i32>} : memref<768xi32, #tpu.memory_space<vmem>>, vector<16xi32>,
    tpu.vector_store_idx %arg7[%sub3A_1286, %get3A_1288], %broadcast_in_dim3A_3 : memref<128x800xf32, #tpu.memory_space<vmem>>[vector<16xi32>, vector<16xi32>], vector<16xf32>,
    %add3A_1289 = arith.constant 112 : i32
    %add3A_1290 = arith.addi %mul3A_2, %add3A_1289 : i32
    %add3A_1291 = vector.broadcast %add3A_1290 : i32 to vector<16xi32>
    %add3A_1292 = arith.addi %add3A_1291, %iota3A : vector<16xi32>
    %jit3A_1293 = arith.constant 3 : i32
    %div3A_1294 = vector.broadcast %jit3A_1293 : i32 to vector<16xi32>
    %div3A_1295 = arith.divsi %add3A_1292, %div3A_1294 : vector<16xi32>
    %sign3A_1296 = arith.constant 0 : i32
    %sign3A_1297 = vector.broadcast %sign3A_1296 : i32 to vector<16xi32>
    %sign3A_1298 = arith.cmpi sgt, %add3A_1292, %sign3A_1297 : vector<16xi32>
    %sign3A_1299 = arith.extui %sign3A_1298 : vector<16xi1> to vector<16xi32>
    %sign3A_1300 = arith.constant 0 : i32
    %sign3A_1301 = vector.broadcast %sign3A_1300 : i32 to vector<16xi32>
    %sign3A_1302 = arith.cmpi slt, %add3A_1292, %sign3A_1301 : vector<16xi32>
    %sign3A_1303 = arith.extui %sign3A_1302 : vector<16xi1> to vector<16xi32>
    %sign3A_1304 = arith.subi %sign3A_1299, %sign3A_1303 : vector<16xi32>
    %sign3A_1305 = arith.constant 0 : i32
    %sign3A_1306 = arith.cmpi sgt, %jit3A_1293, %sign3A_1305 : i32
    %sign3A_1307 = arith.extui %sign3A_1306 : i1 to i32
    %sign3A_1308 = arith.constant 0 : i32
    %sign3A_1309 = arith.cmpi slt, %jit3A_1293, %sign3A_1308 : i32
    %sign3A_1310 = arith.extui %sign3A_1309 : i1 to i32
    %sign3A_1311 = arith.subi %sign3A_1307, %sign3A_1310 : i32
    %ne3A_1312 = vector.broadcast %sign3A_1311 : i32 to vector<16xi32>
    %ne3A_1313 = arith.cmpi ne, %sign3A_1304, %ne3A_1312 : vector<16xi32>
    %rem3A_1314 = vector.broadcast %jit3A_1293 : i32 to vector<16xi32>
    %rem3A_1315 = arith.remsi %add3A_1292, %rem3A_1314 : vector<16xi32>
    %ne3A_1316 = arith.constant 0 : i32
    %ne3A_1317 = vector.broadcast %ne3A_1316 : i32 to vector<16xi32>
    %ne3A_1318 = arith.cmpi ne, %rem3A_1315, %ne3A_1317 : vector<16xi32>
    %and3A_1319 = arith.andi %ne3A_1313, %ne3A_1318 : vector<16xi1>
    %sub3A_1320 = arith.constant 1 : i32
    %sub3A_1321 = vector.broadcast %sub3A_1320 : i32 to vector<16xi32>
    %sub3A_1322 = arith.subi %div3A_1295, %sub3A_1321 : vector<16xi32>
    %select_n3A_1323 = arith.select %and3A_1319, %sub3A_1322, %div3A_1295 : vector<16xi1>, vector<16xi32>
    %sub3A_1324 = vector.broadcast %add3A_13 : i32 to vector<16xi32>
    %sub3A_1325 = arith.subi %select_n3A_1323, %sub3A_1324 : vector<16xi32>
    %get3A_1326 = arith.constant 112 : index
    %get3A_1327 = tpu.vector_load %arg5[%get3A_1326] {strides = array<i32>} : memref<768xi32, #tpu.memory_space<vmem>>, vector<16xi32>,
    tpu.vector_store_idx %arg7[%sub3A_1325, %get3A_1327], %broadcast_in_dim3A_3 : memref<128x800xf32, #tpu.memory_space<vmem>>[vector<16xi32>, vector<16xi32>], vector<16xf32>,
    %add3A_1328 = arith.constant 128 : i32
    %add3A_1329 = arith.addi %mul3A_2, %add3A_1328 : i32
    %add3A_1330 = vector.broadcast %add3A_1329 : i32 to vector<16xi32>
    %add3A_1331 = arith.addi %add3A_1330, %iota3A : vector<16xi32>
    %jit3A_1332 = arith.constant 3 : i32
    %div3A_1333 = vector.broadcast %jit3A_1332 : i32 to vector<16xi32>
    %div3A_1334 = arith.divsi %add3A_1331, %div3A_1333 : vector<16xi32>
    %sign3A_1335 = arith.constant 0 : i32
    %sign3A_1336 = vector.broadcast %sign3A_1335 : i32 to vector<16xi32>
    %sign3A_1337 = arith.cmpi sgt, %add3A_1331, %sign3A_1336 : vector<16xi32>
    %sign3A_1338 = arith.extui %sign3A_1337 : vector<16xi1> to vector<16xi32>
    %sign3A_1339 = arith.constant 0 : i32
    %sign3A_1340 = vector.broadcast %sign3A_1339 : i32 to vector<16xi32>
    %sign3A_1341 = arith.cmpi slt, %add3A_1331, %sign3A_1340 : vector<16xi32>
    %sign3A_1342 = arith.extui %sign3A_1341 : vector<16xi1> to vector<16xi32>
    %sign3A_1343 = arith.subi %sign3A_1338, %sign3A_1342 : vector<16xi32>
    %sign3A_1344 = arith.constant 0 : i32
    %sign3A_1345 = arith.cmpi sgt, %jit3A_1332, %sign3A_1344 : i32
    %sign3A_1346 = arith.extui %sign3A_1345 : i1 to i32
    %sign3A_1347 = arith.constant 0 : i32
    %sign3A_1348 = arith.cmpi slt, %jit3A_1332, %sign3A_1347 : i32
    %sign3A_1349 = arith.extui %sign3A_1348 : i1 to i32
    %sign3A_1350 = arith.subi %sign3A_1346, %sign3A_1349 : i32
    %ne3A_1351 = vector.broadcast %sign3A_1350 : i32 to vector<16xi32>
    %ne3A_1352 = arith.cmpi ne, %sign3A_1343, %ne3A_1351 : vector<16xi32>
    %rem3A_1353 = vector.broadcast %jit3A_1332 : i32 to vector<16xi32>
    %rem3A_1354 = arith.remsi %add3A_1331, %rem3A_1353 : vector<16xi32>
    %ne3A_1355 = arith.constant 0 : i32
    %ne3A_1356 = vector.broadcast %ne3A_1355 : i32 to vector<16xi32>
    %ne3A_1357 = arith.cmpi ne, %rem3A_1354, %ne3A_1356 : vector<16xi32>
    %and3A_1358 = arith.andi %ne3A_1352, %ne3A_1357 : vector<16xi1>
    %sub3A_1359 = arith.constant 1 : i32
    %sub3A_1360 = vector.broadcast %sub3A_1359 : i32 to vector<16xi32>
    %sub3A_1361 = arith.subi %div3A_1334, %sub3A_1360 : vector<16xi32>
    %select_n3A_1362 = arith.select %and3A_1358, %sub3A_1361, %div3A_1334 : vector<16xi1>, vector<16xi32>
    %sub3A_1363 = vector.broadcast %add3A_13 : i32 to vector<16xi32>
    %sub3A_1364 = arith.subi %select_n3A_1362, %sub3A_1363 : vector<16xi32>
    %get3A_1365 = arith.constant 128 : index
    %get3A_1366 = tpu.vector_load %arg5[%get3A_1365] {strides = array<i32>} : memref<768xi32, #tpu.memory_space<vmem>>, vector<16xi32>,
    tpu.vector_store_idx %arg7[%sub3A_1364, %get3A_1366], %broadcast_in_dim3A_3 : memref<128x800xf32, #tpu.memory_space<vmem>>[vector<16xi32>, vector<16xi32>], vector<16xf32>,
    %add3A_1367 = arith.constant 144 : i32
    %add3A_1368 = arith.addi %mul3A_2, %add3A_1367 : i32
    %add3A_1369 = vector.broadcast %add3A_1368 : i32 to vector<16xi32>
    %add3A_1370 = arith.addi %add3A_1369, %iota3A : vector<16xi32>
    %jit3A_1371 = arith.constant 3 : i32
    %div3A_1372 = vector.broadcast %jit3A_1371 : i32 to vector<16xi32>
    %div3A_1373 = arith.divsi %add3A_1370, %div3A_1372 : vector<16xi32>
    %sign3A_1374 = arith.constant 0 : i32
    %sign3A_1375 = vector.broadcast %sign3A_1374 : i32 to vector<16xi32>
    %sign3A_1376 = arith.cmpi sgt, %add3A_1370, %sign3A_1375 : vector<16xi32>
    %sign3A_1377 = arith.extui %sign3A_1376 : vector<16xi1> to vector<16xi32>
    %sign3A_1378 = arith.constant 0 : i32
    %sign3A_1379 = vector.broadcast %sign3A_1378 : i32 to vector<16xi32>
    %sign3A_1380 = arith.cmpi slt, %add3A_1370, %sign3A_1379 : vector<16xi32>
    %sign3A_1381 = arith.extui %sign3A_1380 : vector<16xi1> to vector<16xi32>
    %sign3A_1382 = arith.subi %sign3A_1377, %sign3A_1381 : vector<16xi32>
    %sign3A_1383 = arith.constant 0 : i32
    %sign3A_1384 = arith.cmpi sgt, %jit3A_1371, %sign3A_1383 : i32
    %sign3A_1385 = arith.extui %sign3A_1384 : i1 to i32
    %sign3A_1386 = arith.constant 0 : i32
    %sign3A_1387 = arith.cmpi slt, %jit3A_1371, %sign3A_1386 : i32
    %sign3A_1388 = arith.extui %sign3A_1387 : i1 to i32
    %sign3A_1389 = arith.subi %sign3A_1385, %sign3A_1388 : i32
    %ne3A_1390 = vector.broadcast %sign3A_1389 : i32 to vector<16xi32>
    %ne3A_1391 = arith.cmpi ne, %sign3A_1382, %ne3A_1390 : vector<16xi32>
    %rem3A_1392 = vector.broadcast %jit3A_1371 : i32 to vector<16xi32>
    %rem3A_1393 = arith.remsi %add3A_1370, %rem3A_1392 : vector<16xi32>
    %ne3A_1394 = arith.constant 0 : i32
    %ne3A_1395 = vector.broadcast %ne3A_1394 : i32 to vector<16xi32>
    %ne3A_1396 = arith.cmpi ne, %rem3A_1393, %ne3A_1395 : vector<16xi32>
    %and3A_1397 = arith.andi %ne3A_1391, %ne3A_1396 : vector<16xi1>
    %sub3A_1398 = arith.constant 1 : i32
    %sub3A_1399 = vector.broadcast %sub3A_1398 : i32 to vector<16xi32>
    %sub3A_1400 = arith.subi %div3A_1373, %sub3A_1399 : vector<16xi32>
    %select_n3A_1401 = arith.select %and3A_1397, %sub3A_1400, %div3A_1373 : vector<16xi1>, vector<16xi32>
    %sub3A_1402 = vector.broadcast %add3A_13 : i32 to vector<16xi32>
    %sub3A_1403 = arith.subi %select_n3A_1401, %sub3A_1402 : vector<16xi32>
    %get3A_1404 = arith.constant 144 : index
    %get3A_1405 = tpu.vector_load %arg5[%get3A_1404] {strides = array<i32>} : memref<768xi32, #tpu.memory_space<vmem>>, vector<16xi32>,
    tpu.vector_store_idx %arg7[%sub3A_1403, %get3A_1405], %broadcast_in_dim3A_3 : memref<128x800xf32, #tpu.memory_space<vmem>>[vector<16xi32>, vector<16xi32>], vector<16xf32>,
    %add3A_1406 = arith.constant 160 : i32
    %add3A_1407 = arith.addi %mul3A_2, %add3A_1406 : i32
    %add3A_1408 = vector.broadcast %add3A_1407 : i32 to vector<16xi32>
    %add3A_1409 = arith.addi %add3A_1408, %iota3A : vector<16xi32>
    %jit3A_1410 = arith.constant 3 : i32
    %div3A_1411 = vector.broadcast %jit3A_1410 : i32 to vector<16xi32>
    %div3A_1412 = arith.divsi %add3A_1409, %div3A_1411 : vector<16xi32>
    %sign3A_1413 = arith.constant 0 : i32
    %sign3A_1414 = vector.broadcast %sign3A_1413 : i32 to vector<16xi32>
    %sign3A_1415 = arith.cmpi sgt, %add3A_1409, %sign3A_1414 : vector<16xi32>
    %sign3A_1416 = arith.extui %sign3A_1415 : vector<16xi1> to vector<16xi32>
    %sign3A_1417 = arith.constant 0 : i32
    %sign3A_1418 = vector.broadcast %sign3A_1417 : i32 to vector<16xi32>
    %sign3A_1419 = arith.cmpi slt, %add3A_1409, %sign3A_1418 : vector<16xi32>
    %sign3A_1420 = arith.extui %sign3A_1419 : vector<16xi1> to vector<16xi32>
    %sign3A_1421 = arith.subi %sign3A_1416, %sign3A_1420 : vector<16xi32>
    %sign3A_1422 = arith.constant 0 : i32
    %sign3A_1423 = arith.cmpi sgt, %jit3A_1410, %sign3A_1422 : i32
    %sign3A_1424 = arith.extui %sign3A_1423 : i1 to i32
    %sign3A_1425 = arith.constant 0 : i32
    %sign3A_1426 = arith.cmpi slt, %jit3A_1410, %sign3A_1425 : i32
    %sign3A_1427 = arith.extui %sign3A_1426 : i1 to i32
    %sign3A_1428 = arith.subi %sign3A_1424, %sign3A_1427 : i32
    %ne3A_1429 = vector.broadcast %sign3A_1428 : i32 to vector<16xi32>
    %ne3A_1430 = arith.cmpi ne, %sign3A_1421, %ne3A_1429 : vector<16xi32>
    %rem3A_1431 = vector.broadcast %jit3A_1410 : i32 to vector<16xi32>
    %rem3A_1432 = arith.remsi %add3A_1409, %rem3A_1431 : vector<16xi32>
    %ne3A_1433 = arith.constant 0 : i32
    %ne3A_1434 = vector.broadcast %ne3A_1433 : i32 to vector<16xi32>
    %ne3A_1435 = arith.cmpi ne, %rem3A_1432, %ne3A_1434 : vector<16xi32>
    %and3A_1436 = arith.andi %ne3A_1430, %ne3A_1435 : vector<16xi1>
    %sub3A_1437 = arith.constant 1 : i32
    %sub3A_1438 = vector.broadcast %sub3A_1437 : i32 to vector<16xi32>
    %sub3A_1439 = arith.subi %div3A_1412, %sub3A_1438 : vector<16xi32>
    %select_n3A_1440 = arith.select %and3A_1436, %sub3A_1439, %div3A_1412 : vector<16xi1>, vector<16xi32>
    %sub3A_1441 = vector.broadcast %add3A_13 : i32 to vector<16xi32>
    %sub3A_1442 = arith.subi %select_n3A_1440, %sub3A_1441 : vector<16xi32>
    %get3A_1443 = arith.constant 160 : index
    %get3A_1444 = tpu.vector_load %arg5[%get3A_1443] {strides = array<i32>} : memref<768xi32, #tpu.memory_space<vmem>>, vector<16xi32>,
    tpu.vector_store_idx %arg7[%sub3A_1442, %get3A_1444], %broadcast_in_dim3A_3 : memref<128x800xf32, #tpu.memory_space<vmem>>[vector<16xi32>, vector<16xi32>], vector<16xf32>,
    %add3A_1445 = arith.constant 176 : i32
    %add3A_1446 = arith.addi %mul3A_2, %add3A_1445 : i32
    %add3A_1447 = vector.broadcast %add3A_1446 : i32 to vector<16xi32>
    %add3A_1448 = arith.addi %add3A_1447, %iota3A : vector<16xi32>
    %jit3A_1449 = arith.constant 3 : i32
    %div3A_1450 = vector.broadcast %jit3A_1449 : i32 to vector<16xi32>
    %div3A_1451 = arith.divsi %add3A_1448, %div3A_1450 : vector<16xi32>
    %sign3A_1452 = arith.constant 0 : i32
    %sign3A_1453 = vector.broadcast %sign3A_1452 : i32 to vector<16xi32>
    %sign3A_1454 = arith.cmpi sgt, %add3A_1448, %sign3A_1453 : vector<16xi32>
    %sign3A_1455 = arith.extui %sign3A_1454 : vector<16xi1> to vector<16xi32>
    %sign3A_1456 = arith.constant 0 : i32
    %sign3A_1457 = vector.broadcast %sign3A_1456 : i32 to vector<16xi32>
    %sign3A_1458 = arith.cmpi slt, %add3A_1448, %sign3A_1457 : vector<16xi32>
    %sign3A_1459 = arith.extui %sign3A_1458 : vector<16xi1> to vector<16xi32>
    %sign3A_1460 = arith.subi %sign3A_1455, %sign3A_1459 : vector<16xi32>
    %sign3A_1461 = arith.constant 0 : i32
    %sign3A_1462 = arith.cmpi sgt, %jit3A_1449, %sign3A_1461 : i32
    %sign3A_1463 = arith.extui %sign3A_1462 : i1 to i32
    %sign3A_1464 = arith.constant 0 : i32
    %sign3A_1465 = arith.cmpi slt, %jit3A_1449, %sign3A_1464 : i32
    %sign3A_1466 = arith.extui %sign3A_1465 : i1 to i32
    %sign3A_1467 = arith.subi %sign3A_1463, %sign3A_1466 : i32
    %ne3A_1468 = vector.broadcast %sign3A_1467 : i32 to vector<16xi32>
    %ne3A_1469 = arith.cmpi ne, %sign3A_1460, %ne3A_1468 : vector<16xi32>
    %rem3A_1470 = vector.broadcast %jit3A_1449 : i32 to vector<16xi32>
    %rem3A_1471 = arith.remsi %add3A_1448, %rem3A_1470 : vector<16xi32>
    %ne3A_1472 = arith.constant 0 : i32
    %ne3A_1473 = vector.broadcast %ne3A_1472 : i32 to vector<16xi32>
    %ne3A_1474 = arith.cmpi ne, %rem3A_1471, %ne3A_1473 : vector<16xi32>
    %and3A_1475 = arith.andi %ne3A_1469, %ne3A_1474 : vector<16xi1>
    %sub3A_1476 = arith.constant 1 : i32
    %sub3A_1477 = vector.broadcast %sub3A_1476 : i32 to vector<16xi32>
    %sub3A_1478 = arith.subi %div3A_1451, %sub3A_1477 : vector<16xi32>
    %select_n3A_1479 = arith.select %and3A_1475, %sub3A_1478, %div3A_1451 : vector<16xi1>, vector<16xi32>
    %sub3A_1480 = vector.broadcast %add3A_13 : i32 to vector<16xi32>
    %sub3A_1481 = arith.subi %select_n3A_1479, %sub3A_1480 : vector<16xi32>
    %get3A_1482 = arith.constant 176 : index
    %get3A_1483 = tpu.vector_load %arg5[%get3A_1482] {strides = array<i32>} : memref<768xi32, #tpu.memory_space<vmem>>, vector<16xi32>,
    tpu.vector_store_idx %arg7[%sub3A_1481, %get3A_1483], %broadcast_in_dim3A_3 : memref<128x800xf32, #tpu.memory_space<vmem>>[vector<16xi32>, vector<16xi32>], vector<16xf32>,
    %add3A_1484 = arith.constant 192 : i32
    %add3A_1485 = arith.addi %mul3A_2, %add3A_1484 : i32
    %add3A_1486 = vector.broadcast %add3A_1485 : i32 to vector<16xi32>
    %add3A_1487 = arith.addi %add3A_1486, %iota3A : vector<16xi32>
    %jit3A_1488 = arith.constant 3 : i32
    %div3A_1489 = vector.broadcast %jit3A_1488 : i32 to vector<16xi32>
    %div3A_1490 = arith.divsi %add3A_1487, %div3A_1489 : vector<16xi32>
    %sign3A_1491 = arith.constant 0 : i32
    %sign3A_1492 = vector.broadcast %sign3A_1491 : i32 to vector<16xi32>
    %sign3A_1493 = arith.cmpi sgt, %add3A_1487, %sign3A_1492 : vector<16xi32>
    %sign3A_1494 = arith.extui %sign3A_1493 : vector<16xi1> to vector<16xi32>
    %sign3A_1495 = arith.constant 0 : i32
    %sign3A_1496 = vector.broadcast %sign3A_1495 : i32 to vector<16xi32>
    %sign3A_1497 = arith.cmpi slt, %add3A_1487, %sign3A_1496 : vector<16xi32>
    %sign3A_1498 = arith.extui %sign3A_1497 : vector<16xi1> to vector<16xi32>
    %sign3A_1499 = arith.subi %sign3A_1494, %sign3A_1498 : vector<16xi32>
    %sign3A_1500 = arith.constant 0 : i32
    %sign3A_1501 = arith.cmpi sgt, %jit3A_1488, %sign3A_1500 : i32
    %sign3A_1502 = arith.extui %sign3A_1501 : i1 to i32
    %sign3A_1503 = arith.constant 0 : i32
    %sign3A_1504 = arith.cmpi slt, %jit3A_1488, %sign3A_1503 : i32
    %sign3A_1505 = arith.extui %sign3A_1504 : i1 to i32
    %sign3A_1506 = arith.subi %sign3A_1502, %sign3A_1505 : i32
    %ne3A_1507 = vector.broadcast %sign3A_1506 : i32 to vector<16xi32>
    %ne3A_1508 = arith.cmpi ne, %sign3A_1499, %ne3A_1507 : vector<16xi32>
    %rem3A_1509 = vector.broadcast %jit3A_1488 : i32 to vector<16xi32>
    %rem3A_1510 = arith.remsi %add3A_1487, %rem3A_1509 : vector<16xi32>
    %ne3A_1511 = arith.constant 0 : i32
    %ne3A_1512 = vector.broadcast %ne3A_1511 : i32 to vector<16xi32>
    %ne3A_1513 = arith.cmpi ne, %rem3A_1510, %ne3A_1512 : vector<16xi32>
    %and3A_1514 = arith.andi %ne3A_1508, %ne3A_1513 : vector<16xi1>
    %sub3A_1515 = arith.constant 1 : i32
    %sub3A_1516 = vector.broadcast %sub3A_1515 : i32 to vector<16xi32>
    %sub3A_1517 = arith.subi %div3A_1490, %sub3A_1516 : vector<16xi32>
    %select_n3A_1518 = arith.select %and3A_1514, %sub3A_1517, %div3A_1490 : vector<16xi1>, vector<16xi32>
    %sub3A_1519 = vector.broadcast %add3A_13 : i32 to vector<16xi32>
    %sub3A_1520 = arith.subi %select_n3A_1518, %sub3A_1519 : vector<16xi32>
    %get3A_1521 = arith.constant 192 : index
    %get3A_1522 = tpu.vector_load %arg5[%get3A_1521] {strides = array<i32>} : memref<768xi32, #tpu.memory_space<vmem>>, vector<16xi32>,
    tpu.vector_store_idx %arg7[%sub3A_1520, %get3A_1522], %broadcast_in_dim3A_3 : memref<128x800xf32, #tpu.memory_space<vmem>>[vector<16xi32>, vector<16xi32>], vector<16xf32>,
    %add3A_1523 = arith.constant 208 : i32
    %add3A_1524 = arith.addi %mul3A_2, %add3A_1523 : i32
    %add3A_1525 = vector.broadcast %add3A_1524 : i32 to vector<16xi32>
    %add3A_1526 = arith.addi %add3A_1525, %iota3A : vector<16xi32>
    %jit3A_1527 = arith.constant 3 : i32
    %div3A_1528 = vector.broadcast %jit3A_1527 : i32 to vector<16xi32>
    %div3A_1529 = arith.divsi %add3A_1526, %div3A_1528 : vector<16xi32>
    %sign3A_1530 = arith.constant 0 : i32
    %sign3A_1531 = vector.broadcast %sign3A_1530 : i32 to vector<16xi32>
    %sign3A_1532 = arith.cmpi sgt, %add3A_1526, %sign3A_1531 : vector<16xi32>
    %sign3A_1533 = arith.extui %sign3A_1532 : vector<16xi1> to vector<16xi32>
    %sign3A_1534 = arith.constant 0 : i32
    %sign3A_1535 = vector.broadcast %sign3A_1534 : i32 to vector<16xi32>
    %sign3A_1536 = arith.cmpi slt, %add3A_1526, %sign3A_1535 : vector<16xi32>
    %sign3A_1537 = arith.extui %sign3A_1536 : vector<16xi1> to vector<16xi32>
    %sign3A_1538 = arith.subi %sign3A_1533, %sign3A_1537 : vector<16xi32>
    %sign3A_1539 = arith.constant 0 : i32
    %sign3A_1540 = arith.cmpi sgt, %jit3A_1527, %sign3A_1539 : i32
    %sign3A_1541 = arith.extui %sign3A_1540 : i1 to i32
    %sign3A_1542 = arith.constant 0 : i32
    %sign3A_1543 = arith.cmpi slt, %jit3A_1527, %sign3A_1542 : i32
    %sign3A_1544 = arith.extui %sign3A_1543 : i1 to i32
    %sign3A_1545 = arith.subi %sign3A_1541, %sign3A_1544 : i32
    %ne3A_1546 = vector.broadcast %sign3A_1545 : i32 to vector<16xi32>
    %ne3A_1547 = arith.cmpi ne, %sign3A_1538, %ne3A_1546 : vector<16xi32>
    %rem3A_1548 = vector.broadcast %jit3A_1527 : i32 to vector<16xi32>
    %rem3A_1549 = arith.remsi %add3A_1526, %rem3A_1548 : vector<16xi32>
    %ne3A_1550 = arith.constant 0 : i32
    %ne3A_1551 = vector.broadcast %ne3A_1550 : i32 to vector<16xi32>
    %ne3A_1552 = arith.cmpi ne, %rem3A_1549, %ne3A_1551 : vector<16xi32>
    %and3A_1553 = arith.andi %ne3A_1547, %ne3A_1552 : vector<16xi1>
    %sub3A_1554 = arith.constant 1 : i32
    %sub3A_1555 = vector.broadcast %sub3A_1554 : i32 to vector<16xi32>
    %sub3A_1556 = arith.subi %div3A_1529, %sub3A_1555 : vector<16xi32>
    %select_n3A_1557 = arith.select %and3A_1553, %sub3A_1556, %div3A_1529 : vector<16xi1>, vector<16xi32>
    %sub3A_1558 = vector.broadcast %add3A_13 : i32 to vector<16xi32>
    %sub3A_1559 = arith.subi %select_n3A_1557, %sub3A_1558 : vector<16xi32>
    %get3A_1560 = arith.constant 208 : index
    %get3A_1561 = tpu.vector_load %arg5[%get3A_1560] {strides = array<i32>} : memref<768xi32, #tpu.memory_space<vmem>>, vector<16xi32>,
    tpu.vector_store_idx %arg7[%sub3A_1559, %get3A_1561], %broadcast_in_dim3A_3 : memref<128x800xf32, #tpu.memory_space<vmem>>[vector<16xi32>, vector<16xi32>], vector<16xf32>,
    %add3A_1562 = arith.constant 224 : i32
    %add3A_1563 = arith.addi %mul3A_2, %add3A_1562 : i32
    %add3A_1564 = vector.broadcast %add3A_1563 : i32 to vector<16xi32>
    %add3A_1565 = arith.addi %add3A_1564, %iota3A : vector<16xi32>
    %jit3A_1566 = arith.constant 3 : i32
    %div3A_1567 = vector.broadcast %jit3A_1566 : i32 to vector<16xi32>
    %div3A_1568 = arith.divsi %add3A_1565, %div3A_1567 : vector<16xi32>
    %sign3A_1569 = arith.constant 0 : i32
    %sign3A_1570 = vector.broadcast %sign3A_1569 : i32 to vector<16xi32>
    %sign3A_1571 = arith.cmpi sgt, %add3A_1565, %sign3A_1570 : vector<16xi32>
    %sign3A_1572 = arith.extui %sign3A_1571 : vector<16xi1> to vector<16xi32>
    %sign3A_1573 = arith.constant 0 : i32
    %sign3A_1574 = vector.broadcast %sign3A_1573 : i32 to vector<16xi32>
    %sign3A_1575 = arith.cmpi slt, %add3A_1565, %sign3A_1574 : vector<16xi32>
    %sign3A_1576 = arith.extui %sign3A_1575 : vector<16xi1> to vector<16xi32>
    %sign3A_1577 = arith.subi %sign3A_1572, %sign3A_1576 : vector<16xi32>
    %sign3A_1578 = arith.constant 0 : i32
    %sign3A_1579 = arith.cmpi sgt, %jit3A_1566, %sign3A_1578 : i32
    %sign3A_1580 = arith.extui %sign3A_1579 : i1 to i32
    %sign3A_1581 = arith.constant 0 : i32
    %sign3A_1582 = arith.cmpi slt, %jit3A_1566, %sign3A_1581 : i32
    %sign3A_1583 = arith.extui %sign3A_1582 : i1 to i32
    %sign3A_1584 = arith.subi %sign3A_1580, %sign3A_1583 : i32
    %ne3A_1585 = vector.broadcast %sign3A_1584 : i32 to vector<16xi32>
    %ne3A_1586 = arith.cmpi ne, %sign3A_1577, %ne3A_1585 : vector<16xi32>
    %rem3A_1587 = vector.broadcast %jit3A_1566 : i32 to vector<16xi32>
    %rem3A_1588 = arith.remsi %add3A_1565, %rem3A_1587 : vector<16xi32>
    %ne3A_1589 = arith.constant 0 : i32
    %ne3A_1590 = vector.broadcast %ne3A_1589 : i32 to vector<16xi32>
    %ne3A_1591 = arith.cmpi ne, %rem3A_1588, %ne3A_1590 : vector<16xi32>
    %and3A_1592 = arith.andi %ne3A_1586, %ne3A_1591 : vector<16xi1>
    %sub3A_1593 = arith.constant 1 : i32
    %sub3A_1594 = vector.broadcast %sub3A_1593 : i32 to vector<16xi32>
    %sub3A_1595 = arith.subi %div3A_1568, %sub3A_1594 : vector<16xi32>
    %select_n3A_1596 = arith.select %and3A_1592, %sub3A_1595, %div3A_1568 : vector<16xi1>, vector<16xi32>
    %sub3A_1597 = vector.broadcast %add3A_13 : i32 to vector<16xi32>
    %sub3A_1598 = arith.subi %select_n3A_1596, %sub3A_1597 : vector<16xi32>
    %get3A_1599 = arith.constant 224 : index
    %get3A_1600 = tpu.vector_load %arg5[%get3A_1599] {strides = array<i32>} : memref<768xi32, #tpu.memory_space<vmem>>, vector<16xi32>,
    tpu.vector_store_idx %arg7[%sub3A_1598, %get3A_1600], %broadcast_in_dim3A_3 : memref<128x800xf32, #tpu.memory_space<vmem>>[vector<16xi32>, vector<16xi32>], vector<16xf32>,
    %add3A_1601 = arith.constant 240 : i32
    %add3A_1602 = arith.addi %mul3A_2, %add3A_1601 : i32
    %add3A_1603 = vector.broadcast %add3A_1602 : i32 to vector<16xi32>
    %add3A_1604 = arith.addi %add3A_1603, %iota3A : vector<16xi32>
    %jit3A_1605 = arith.constant 3 : i32
    %div3A_1606 = vector.broadcast %jit3A_1605 : i32 to vector<16xi32>
    %div3A_1607 = arith.divsi %add3A_1604, %div3A_1606 : vector<16xi32>
    %sign3A_1608 = arith.constant 0 : i32
    %sign3A_1609 = vector.broadcast %sign3A_1608 : i32 to vector<16xi32>
    %sign3A_1610 = arith.cmpi sgt, %add3A_1604, %sign3A_1609 : vector<16xi32>
    %sign3A_1611 = arith.extui %sign3A_1610 : vector<16xi1> to vector<16xi32>
    %sign3A_1612 = arith.constant 0 : i32
    %sign3A_1613 = vector.broadcast %sign3A_1612 : i32 to vector<16xi32>
    %sign3A_1614 = arith.cmpi slt, %add3A_1604, %sign3A_1613 : vector<16xi32>
    %sign3A_1615 = arith.extui %sign3A_1614 : vector<16xi1> to vector<16xi32>
    %sign3A_1616 = arith.subi %sign3A_1611, %sign3A_1615 : vector<16xi32>
    %sign3A_1617 = arith.constant 0 : i32
    %sign3A_1618 = arith.cmpi sgt, %jit3A_1605, %sign3A_1617 : i32
    %sign3A_1619 = arith.extui %sign3A_1618 : i1 to i32
    %sign3A_1620 = arith.constant 0 : i32
    %sign3A_1621 = arith.cmpi slt, %jit3A_1605, %sign3A_1620 : i32
    %sign3A_1622 = arith.extui %sign3A_1621 : i1 to i32
    %sign3A_1623 = arith.subi %sign3A_1619, %sign3A_1622 : i32
    %ne3A_1624 = vector.broadcast %sign3A_1623 : i32 to vector<16xi32>
    %ne3A_1625 = arith.cmpi ne, %sign3A_1616, %ne3A_1624 : vector<16xi32>
    %rem3A_1626 = vector.broadcast %jit3A_1605 : i32 to vector<16xi32>
    %rem3A_1627 = arith.remsi %add3A_1604, %rem3A_1626 : vector<16xi32>
    %ne3A_1628 = arith.constant 0 : i32
    %ne3A_1629 = vector.broadcast %ne3A_1628 : i32 to vector<16xi32>
    %ne3A_1630 = arith.cmpi ne, %rem3A_1627, %ne3A_1629 : vector<16xi32>
    %and3A_1631 = arith.andi %ne3A_1625, %ne3A_1630 : vector<16xi1>
    %sub3A_1632 = arith.constant 1 : i32
    %sub3A_1633 = vector.broadcast %sub3A_1632 : i32 to vector<16xi32>
    %sub3A_1634 = arith.subi %div3A_1607, %sub3A_1633 : vector<16xi32>
    %select_n3A_1635 = arith.select %and3A_1631, %sub3A_1634, %div3A_1607 : vector<16xi1>, vector<16xi32>
    %sub3A_1636 = vector.broadcast %add3A_13 : i32 to vector<16xi32>
    %sub3A_1637 = arith.subi %select_n3A_1635, %sub3A_1636 : vector<16xi32>
    %get3A_1638 = arith.constant 240 : index
    %get3A_1639 = tpu.vector_load %arg5[%get3A_1638] {strides = array<i32>} : memref<768xi32, #tpu.memory_space<vmem>>, vector<16xi32>,
    tpu.vector_store_idx %arg7[%sub3A_1637, %get3A_1639], %broadcast_in_dim3A_3 : memref<128x800xf32, #tpu.memory_space<vmem>>[vector<16xi32>, vector<16xi32>], vector<16xf32>,
    %add3A_1640 = arith.constant 256 : i32
    %add3A_1641 = arith.addi %mul3A_2, %add3A_1640 : i32
    %add3A_1642 = vector.broadcast %add3A_1641 : i32 to vector<16xi32>
    %add3A_1643 = arith.addi %add3A_1642, %iota3A : vector<16xi32>
    %jit3A_1644 = arith.constant 3 : i32
    %div3A_1645 = vector.broadcast %jit3A_1644 : i32 to vector<16xi32>
    %div3A_1646 = arith.divsi %add3A_1643, %div3A_1645 : vector<16xi32>
    %sign3A_1647 = arith.constant 0 : i32
    %sign3A_1648 = vector.broadcast %sign3A_1647 : i32 to vector<16xi32>
    %sign3A_1649 = arith.cmpi sgt, %add3A_1643, %sign3A_1648 : vector<16xi32>
    %sign3A_1650 = arith.extui %sign3A_1649 : vector<16xi1> to vector<16xi32>
    %sign3A_1651 = arith.constant 0 : i32
    %sign3A_1652 = vector.broadcast %sign3A_1651 : i32 to vector<16xi32>
    %sign3A_1653 = arith.cmpi slt, %add3A_1643, %sign3A_1652 : vector<16xi32>
    %sign3A_1654 = arith.extui %sign3A_1653 : vector<16xi1> to vector<16xi32>
    %sign3A_1655 = arith.subi %sign3A_1650, %sign3A_1654 : vector<16xi32>
    %sign3A_1656 = arith.constant 0 : i32
    %sign3A_1657 = arith.cmpi sgt, %jit3A_1644, %sign3A_1656 : i32
    %sign3A_1658 = arith.extui %sign3A_1657 : i1 to i32
    %sign3A_1659 = arith.constant 0 : i32
    %sign3A_1660 = arith.cmpi slt, %jit3A_1644, %sign3A_1659 : i32
    %sign3A_1661 = arith.extui %sign3A_1660 : i1 to i32
    %sign3A_1662 = arith.subi %sign3A_1658, %sign3A_1661 : i32
    %ne3A_1663 = vector.broadcast %sign3A_1662 : i32 to vector<16xi32>
    %ne3A_1664 = arith.cmpi ne, %sign3A_1655, %ne3A_1663 : vector<16xi32>
    %rem3A_1665 = vector.broadcast %jit3A_1644 : i32 to vector<16xi32>
    %rem3A_1666 = arith.remsi %add3A_1643, %rem3A_1665 : vector<16xi32>
    %ne3A_1667 = arith.constant 0 : i32
    %ne3A_1668 = vector.broadcast %ne3A_1667 : i32 to vector<16xi32>
    %ne3A_1669 = arith.cmpi ne, %rem3A_1666, %ne3A_1668 : vector<16xi32>
    %and3A_1670 = arith.andi %ne3A_1664, %ne3A_1669 : vector<16xi1>
    %sub3A_1671 = arith.constant 1 : i32
    %sub3A_1672 = vector.broadcast %sub3A_1671 : i32 to vector<16xi32>
    %sub3A_1673 = arith.subi %div3A_1646, %sub3A_1672 : vector<16xi32>
    %select_n3A_1674 = arith.select %and3A_1670, %sub3A_1673, %div3A_1646 : vector<16xi1>, vector<16xi32>
    %sub3A_1675 = vector.broadcast %add3A_13 : i32 to vector<16xi32>
    %sub3A_1676 = arith.subi %select_n3A_1674, %sub3A_1675 : vector<16xi32>
    %get3A_1677 = arith.constant 256 : index
    %get3A_1678 = tpu.vector_load %arg5[%get3A_1677] {strides = array<i32>} : memref<768xi32, #tpu.memory_space<vmem>>, vector<16xi32>,
    tpu.vector_store_idx %arg7[%sub3A_1676, %get3A_1678], %broadcast_in_dim3A_3 : memref<128x800xf32, #tpu.memory_space<vmem>>[vector<16xi32>, vector<16xi32>], vector<16xf32>,
    %add3A_1679 = arith.constant 272 : i32
    %add3A_1680 = arith.addi %mul3A_2, %add3A_1679 : i32
    %add3A_1681 = vector.broadcast %add3A_1680 : i32 to vector<16xi32>
    %add3A_1682 = arith.addi %add3A_1681, %iota3A : vector<16xi32>
    %jit3A_1683 = arith.constant 3 : i32
    %div3A_1684 = vector.broadcast %jit3A_1683 : i32 to vector<16xi32>
    %div3A_1685 = arith.divsi %add3A_1682, %div3A_1684 : vector<16xi32>
    %sign3A_1686 = arith.constant 0 : i32
    %sign3A_1687 = vector.broadcast %sign3A_1686 : i32 to vector<16xi32>
    %sign3A_1688 = arith.cmpi sgt, %add3A_1682, %sign3A_1687 : vector<16xi32>
    %sign3A_1689 = arith.extui %sign3A_1688 : vector<16xi1> to vector<16xi32>
    %sign3A_1690 = arith.constant 0 : i32
    %sign3A_1691 = vector.broadcast %sign3A_1690 : i32 to vector<16xi32>
    %sign3A_1692 = arith.cmpi slt, %add3A_1682, %sign3A_1691 : vector<16xi32>
    %sign3A_1693 = arith.extui %sign3A_1692 : vector<16xi1> to vector<16xi32>
    %sign3A_1694 = arith.subi %sign3A_1689, %sign3A_1693 : vector<16xi32>
    %sign3A_1695 = arith.constant 0 : i32
    %sign3A_1696 = arith.cmpi sgt, %jit3A_1683, %sign3A_1695 : i32
    %sign3A_1697 = arith.extui %sign3A_1696 : i1 to i32
    %sign3A_1698 = arith.constant 0 : i32
    %sign3A_1699 = arith.cmpi slt, %jit3A_1683, %sign3A_1698 : i32
    %sign3A_1700 = arith.extui %sign3A_1699 : i1 to i32
    %sign3A_1701 = arith.subi %sign3A_1697, %sign3A_1700 : i32
    %ne3A_1702 = vector.broadcast %sign3A_1701 : i32 to vector<16xi32>
    %ne3A_1703 = arith.cmpi ne, %sign3A_1694, %ne3A_1702 : vector<16xi32>
    %rem3A_1704 = vector.broadcast %jit3A_1683 : i32 to vector<16xi32>
    %rem3A_1705 = arith.remsi %add3A_1682, %rem3A_1704 : vector<16xi32>
    %ne3A_1706 = arith.constant 0 : i32
    %ne3A_1707 = vector.broadcast %ne3A_1706 : i32 to vector<16xi32>
    %ne3A_1708 = arith.cmpi ne, %rem3A_1705, %ne3A_1707 : vector<16xi32>
    %and3A_1709 = arith.andi %ne3A_1703, %ne3A_1708 : vector<16xi1>
    %sub3A_1710 = arith.constant 1 : i32
    %sub3A_1711 = vector.broadcast %sub3A_1710 : i32 to vector<16xi32>
    %sub3A_1712 = arith.subi %div3A_1685, %sub3A_1711 : vector<16xi32>
    %select_n3A_1713 = arith.select %and3A_1709, %sub3A_1712, %div3A_1685 : vector<16xi1>, vector<16xi32>
    %sub3A_1714 = vector.broadcast %add3A_13 : i32 to vector<16xi32>
    %sub3A_1715 = arith.subi %select_n3A_1713, %sub3A_1714 : vector<16xi32>
    %get3A_1716 = arith.constant 272 : index
    %get3A_1717 = tpu.vector_load %arg5[%get3A_1716] {strides = array<i32>} : memref<768xi32, #tpu.memory_space<vmem>>, vector<16xi32>,
    tpu.vector_store_idx %arg7[%sub3A_1715, %get3A_1717], %broadcast_in_dim3A_3 : memref<128x800xf32, #tpu.memory_space<vmem>>[vector<16xi32>, vector<16xi32>], vector<16xf32>,
    %add3A_1718 = arith.constant 288 : i32
    %add3A_1719 = arith.addi %mul3A_2, %add3A_1718 : i32
    %add3A_1720 = vector.broadcast %add3A_1719 : i32 to vector<16xi32>
    %add3A_1721 = arith.addi %add3A_1720, %iota3A : vector<16xi32>
    %jit3A_1722 = arith.constant 3 : i32
    %div3A_1723 = vector.broadcast %jit3A_1722 : i32 to vector<16xi32>
    %div3A_1724 = arith.divsi %add3A_1721, %div3A_1723 : vector<16xi32>
    %sign3A_1725 = arith.constant 0 : i32
    %sign3A_1726 = vector.broadcast %sign3A_1725 : i32 to vector<16xi32>
    %sign3A_1727 = arith.cmpi sgt, %add3A_1721, %sign3A_1726 : vector<16xi32>
    %sign3A_1728 = arith.extui %sign3A_1727 : vector<16xi1> to vector<16xi32>
    %sign3A_1729 = arith.constant 0 : i32
    %sign3A_1730 = vector.broadcast %sign3A_1729 : i32 to vector<16xi32>
    %sign3A_1731 = arith.cmpi slt, %add3A_1721, %sign3A_1730 : vector<16xi32>
    %sign3A_1732 = arith.extui %sign3A_1731 : vector<16xi1> to vector<16xi32>
    %sign3A_1733 = arith.subi %sign3A_1728, %sign3A_1732 : vector<16xi32>
    %sign3A_1734 = arith.constant 0 : i32
    %sign3A_1735 = arith.cmpi sgt, %jit3A_1722, %sign3A_1734 : i32
    %sign3A_1736 = arith.extui %sign3A_1735 : i1 to i32
    %sign3A_1737 = arith.constant 0 : i32
    %sign3A_1738 = arith.cmpi slt, %jit3A_1722, %sign3A_1737 : i32
    %sign3A_1739 = arith.extui %sign3A_1738 : i1 to i32
    %sign3A_1740 = arith.subi %sign3A_1736, %sign3A_1739 : i32
    %ne3A_1741 = vector.broadcast %sign3A_1740 : i32 to vector<16xi32>
    %ne3A_1742 = arith.cmpi ne, %sign3A_1733, %ne3A_1741 : vector<16xi32>
    %rem3A_1743 = vector.broadcast %jit3A_1722 : i32 to vector<16xi32>
    %rem3A_1744 = arith.remsi %add3A_1721, %rem3A_1743 : vector<16xi32>
    %ne3A_1745 = arith.constant 0 : i32
    %ne3A_1746 = vector.broadcast %ne3A_1745 : i32 to vector<16xi32>
    %ne3A_1747 = arith.cmpi ne, %rem3A_1744, %ne3A_1746 : vector<16xi32>
    %and3A_1748 = arith.andi %ne3A_1742, %ne3A_1747 : vector<16xi1>
    %sub3A_1749 = arith.constant 1 : i32
    %sub3A_1750 = vector.broadcast %sub3A_1749 : i32 to vector<16xi32>
    %sub3A_1751 = arith.subi %div3A_1724, %sub3A_1750 : vector<16xi32>
    %select_n3A_1752 = arith.select %and3A_1748, %sub3A_1751, %div3A_1724 : vector<16xi1>, vector<16xi32>
    %sub3A_1753 = vector.broadcast %add3A_13 : i32 to vector<16xi32>
    %sub3A_1754 = arith.subi %select_n3A_1752, %sub3A_1753 : vector<16xi32>
    %get3A_1755 = arith.constant 288 : index
    %get3A_1756 = tpu.vector_load %arg5[%get3A_1755] {strides = array<i32>} : memref<768xi32, #tpu.memory_space<vmem>>, vector<16xi32>,
    tpu.vector_store_idx %arg7[%sub3A_1754, %get3A_1756], %broadcast_in_dim3A_3 : memref<128x800xf32, #tpu.memory_space<vmem>>[vector<16xi32>, vector<16xi32>], vector<16xf32>,
    %add3A_1757 = arith.constant 304 : i32
    %add3A_1758 = arith.addi %mul3A_2, %add3A_1757 : i32
    %add3A_1759 = vector.broadcast %add3A_1758 : i32 to vector<16xi32>
    %add3A_1760 = arith.addi %add3A_1759, %iota3A : vector<16xi32>
    %jit3A_1761 = arith.constant 3 : i32
    %div3A_1762 = vector.broadcast %jit3A_1761 : i32 to vector<16xi32>
    %div3A_1763 = arith.divsi %add3A_1760, %div3A_1762 : vector<16xi32>
    %sign3A_1764 = arith.constant 0 : i32
    %sign3A_1765 = vector.broadcast %sign3A_1764 : i32 to vector<16xi32>
    %sign3A_1766 = arith.cmpi sgt, %add3A_1760, %sign3A_1765 : vector<16xi32>
    %sign3A_1767 = arith.extui %sign3A_1766 : vector<16xi1> to vector<16xi32>
    %sign3A_1768 = arith.constant 0 : i32
    %sign3A_1769 = vector.broadcast %sign3A_1768 : i32 to vector<16xi32>
    %sign3A_1770 = arith.cmpi slt, %add3A_1760, %sign3A_1769 : vector<16xi32>
    %sign3A_1771 = arith.extui %sign3A_1770 : vector<16xi1> to vector<16xi32>
    %sign3A_1772 = arith.subi %sign3A_1767, %sign3A_1771 : vector<16xi32>
    %sign3A_1773 = arith.constant 0 : i32
    %sign3A_1774 = arith.cmpi sgt, %jit3A_1761, %sign3A_1773 : i32
    %sign3A_1775 = arith.extui %sign3A_1774 : i1 to i32
    %sign3A_1776 = arith.constant 0 : i32
    %sign3A_1777 = arith.cmpi slt, %jit3A_1761, %sign3A_1776 : i32
    %sign3A_1778 = arith.extui %sign3A_1777 : i1 to i32
    %sign3A_1779 = arith.subi %sign3A_1775, %sign3A_1778 : i32
    %ne3A_1780 = vector.broadcast %sign3A_1779 : i32 to vector<16xi32>
    %ne3A_1781 = arith.cmpi ne, %sign3A_1772, %ne3A_1780 : vector<16xi32>
    %rem3A_1782 = vector.broadcast %jit3A_1761 : i32 to vector<16xi32>
    %rem3A_1783 = arith.remsi %add3A_1760, %rem3A_1782 : vector<16xi32>
    %ne3A_1784 = arith.constant 0 : i32
    %ne3A_1785 = vector.broadcast %ne3A_1784 : i32 to vector<16xi32>
    %ne3A_1786 = arith.cmpi ne, %rem3A_1783, %ne3A_1785 : vector<16xi32>
    %and3A_1787 = arith.andi %ne3A_1781, %ne3A_1786 : vector<16xi1>
    %sub3A_1788 = arith.constant 1 : i32
    %sub3A_1789 = vector.broadcast %sub3A_1788 : i32 to vector<16xi32>
    %sub3A_1790 = arith.subi %div3A_1763, %sub3A_1789 : vector<16xi32>
    %select_n3A_1791 = arith.select %and3A_1787, %sub3A_1790, %div3A_1763 : vector<16xi1>, vector<16xi32>
    %sub3A_1792 = vector.broadcast %add3A_13 : i32 to vector<16xi32>
    %sub3A_1793 = arith.subi %select_n3A_1791, %sub3A_1792 : vector<16xi32>
    %get3A_1794 = arith.constant 304 : index
    %get3A_1795 = tpu.vector_load %arg5[%get3A_1794] {strides = array<i32>} : memref<768xi32, #tpu.memory_space<vmem>>, vector<16xi32>,
    tpu.vector_store_idx %arg7[%sub3A_1793, %get3A_1795], %broadcast_in_dim3A_3 : memref<128x800xf32, #tpu.memory_space<vmem>>[vector<16xi32>, vector<16xi32>], vector<16xf32>,
    %add3A_1796 = arith.constant 320 : i32
    %add3A_1797 = arith.addi %mul3A_2, %add3A_1796 : i32
    %add3A_1798 = vector.broadcast %add3A_1797 : i32 to vector<16xi32>
    %add3A_1799 = arith.addi %add3A_1798, %iota3A : vector<16xi32>
    %jit3A_1800 = arith.constant 3 : i32
    %div3A_1801 = vector.broadcast %jit3A_1800 : i32 to vector<16xi32>
    %div3A_1802 = arith.divsi %add3A_1799, %div3A_1801 : vector<16xi32>
    %sign3A_1803 = arith.constant 0 : i32
    %sign3A_1804 = vector.broadcast %sign3A_1803 : i32 to vector<16xi32>
    %sign3A_1805 = arith.cmpi sgt, %add3A_1799, %sign3A_1804 : vector<16xi32>
    %sign3A_1806 = arith.extui %sign3A_1805 : vector<16xi1> to vector<16xi32>
    %sign3A_1807 = arith.constant 0 : i32
    %sign3A_1808 = vector.broadcast %sign3A_1807 : i32 to vector<16xi32>
    %sign3A_1809 = arith.cmpi slt, %add3A_1799, %sign3A_1808 : vector<16xi32>
    %sign3A_1810 = arith.extui %sign3A_1809 : vector<16xi1> to vector<16xi32>
    %sign3A_1811 = arith.subi %sign3A_1806, %sign3A_1810 : vector<16xi32>
    %sign3A_1812 = arith.constant 0 : i32
    %sign3A_1813 = arith.cmpi sgt, %jit3A_1800, %sign3A_1812 : i32
    %sign3A_1814 = arith.extui %sign3A_1813 : i1 to i32
    %sign3A_1815 = arith.constant 0 : i32
    %sign3A_1816 = arith.cmpi slt, %jit3A_1800, %sign3A_1815 : i32
    %sign3A_1817 = arith.extui %sign3A_1816 : i1 to i32
    %sign3A_1818 = arith.subi %sign3A_1814, %sign3A_1817 : i32
    %ne3A_1819 = vector.broadcast %sign3A_1818 : i32 to vector<16xi32>
    %ne3A_1820 = arith.cmpi ne, %sign3A_1811, %ne3A_1819 : vector<16xi32>
    %rem3A_1821 = vector.broadcast %jit3A_1800 : i32 to vector<16xi32>
    %rem3A_1822 = arith.remsi %add3A_1799, %rem3A_1821 : vector<16xi32>
    %ne3A_1823 = arith.constant 0 : i32
    %ne3A_1824 = vector.broadcast %ne3A_1823 : i32 to vector<16xi32>
    %ne3A_1825 = arith.cmpi ne, %rem3A_1822, %ne3A_1824 : vector<16xi32>
    %and3A_1826 = arith.andi %ne3A_1820, %ne3A_1825 : vector<16xi1>
    %sub3A_1827 = arith.constant 1 : i32
    %sub3A_1828 = vector.broadcast %sub3A_1827 : i32 to vector<16xi32>
    %sub3A_1829 = arith.subi %div3A_1802, %sub3A_1828 : vector<16xi32>
    %select_n3A_1830 = arith.select %and3A_1826, %sub3A_1829, %div3A_1802 : vector<16xi1>, vector<16xi32>
    %sub3A_1831 = vector.broadcast %add3A_13 : i32 to vector<16xi32>
    %sub3A_1832 = arith.subi %select_n3A_1830, %sub3A_1831 : vector<16xi32>
    %get3A_1833 = arith.constant 320 : index
    %get3A_1834 = tpu.vector_load %arg5[%get3A_1833] {strides = array<i32>} : memref<768xi32, #tpu.memory_space<vmem>>, vector<16xi32>,
    tpu.vector_store_idx %arg7[%sub3A_1832, %get3A_1834], %broadcast_in_dim3A_3 : memref<128x800xf32, #tpu.memory_space<vmem>>[vector<16xi32>, vector<16xi32>], vector<16xf32>,
    %add3A_1835 = arith.constant 336 : i32
    %add3A_1836 = arith.addi %mul3A_2, %add3A_1835 : i32
    %add3A_1837 = vector.broadcast %add3A_1836 : i32 to vector<16xi32>
    %add3A_1838 = arith.addi %add3A_1837, %iota3A : vector<16xi32>
    %jit3A_1839 = arith.constant 3 : i32
    %div3A_1840 = vector.broadcast %jit3A_1839 : i32 to vector<16xi32>
    %div3A_1841 = arith.divsi %add3A_1838, %div3A_1840 : vector<16xi32>
    %sign3A_1842 = arith.constant 0 : i32
    %sign3A_1843 = vector.broadcast %sign3A_1842 : i32 to vector<16xi32>
    %sign3A_1844 = arith.cmpi sgt, %add3A_1838, %sign3A_1843 : vector<16xi32>
    %sign3A_1845 = arith.extui %sign3A_1844 : vector<16xi1> to vector<16xi32>
    %sign3A_1846 = arith.constant 0 : i32
    %sign3A_1847 = vector.broadcast %sign3A_1846 : i32 to vector<16xi32>
    %sign3A_1848 = arith.cmpi slt, %add3A_1838, %sign3A_1847 : vector<16xi32>
    %sign3A_1849 = arith.extui %sign3A_1848 : vector<16xi1> to vector<16xi32>
    %sign3A_1850 = arith.subi %sign3A_1845, %sign3A_1849 : vector<16xi32>
    %sign3A_1851 = arith.constant 0 : i32
    %sign3A_1852 = arith.cmpi sgt, %jit3A_1839, %sign3A_1851 : i32
    %sign3A_1853 = arith.extui %sign3A_1852 : i1 to i32
    %sign3A_1854 = arith.constant 0 : i32
    %sign3A_1855 = arith.cmpi slt, %jit3A_1839, %sign3A_1854 : i32
    %sign3A_1856 = arith.extui %sign3A_1855 : i1 to i32
    %sign3A_1857 = arith.subi %sign3A_1853, %sign3A_1856 : i32
    %ne3A_1858 = vector.broadcast %sign3A_1857 : i32 to vector<16xi32>
    %ne3A_1859 = arith.cmpi ne, %sign3A_1850, %ne3A_1858 : vector<16xi32>
    %rem3A_1860 = vector.broadcast %jit3A_1839 : i32 to vector<16xi32>
    %rem3A_1861 = arith.remsi %add3A_1838, %rem3A_1860 : vector<16xi32>
    %ne3A_1862 = arith.constant 0 : i32
    %ne3A_1863 = vector.broadcast %ne3A_1862 : i32 to vector<16xi32>
    %ne3A_1864 = arith.cmpi ne, %rem3A_1861, %ne3A_1863 : vector<16xi32>
    %and3A_1865 = arith.andi %ne3A_1859, %ne3A_1864 : vector<16xi1>
    %sub3A_1866 = arith.constant 1 : i32
    %sub3A_1867 = vector.broadcast %sub3A_1866 : i32 to vector<16xi32>
    %sub3A_1868 = arith.subi %div3A_1841, %sub3A_1867 : vector<16xi32>
    %select_n3A_1869 = arith.select %and3A_1865, %sub3A_1868, %div3A_1841 : vector<16xi1>, vector<16xi32>
    %sub3A_1870 = vector.broadcast %add3A_13 : i32 to vector<16xi32>
    %sub3A_1871 = arith.subi %select_n3A_1869, %sub3A_1870 : vector<16xi32>
    %get3A_1872 = arith.constant 336 : index
    %get3A_1873 = tpu.vector_load %arg5[%get3A_1872] {strides = array<i32>} : memref<768xi32, #tpu.memory_space<vmem>>, vector<16xi32>,
    tpu.vector_store_idx %arg7[%sub3A_1871, %get3A_1873], %broadcast_in_dim3A_3 : memref<128x800xf32, #tpu.memory_space<vmem>>[vector<16xi32>, vector<16xi32>], vector<16xf32>,
    %add3A_1874 = arith.constant 352 : i32
    %add3A_1875 = arith.addi %mul3A_2, %add3A_1874 : i32
    %add3A_1876 = vector.broadcast %add3A_1875 : i32 to vector<16xi32>
    %add3A_1877 = arith.addi %add3A_1876, %iota3A : vector<16xi32>
    %jit3A_1878 = arith.constant 3 : i32
    %div3A_1879 = vector.broadcast %jit3A_1878 : i32 to vector<16xi32>
    %div3A_1880 = arith.divsi %add3A_1877, %div3A_1879 : vector<16xi32>
    %sign3A_1881 = arith.constant 0 : i32
    %sign3A_1882 = vector.broadcast %sign3A_1881 : i32 to vector<16xi32>
    %sign3A_1883 = arith.cmpi sgt, %add3A_1877, %sign3A_1882 : vector<16xi32>
    %sign3A_1884 = arith.extui %sign3A_1883 : vector<16xi1> to vector<16xi32>
    %sign3A_1885 = arith.constant 0 : i32
    %sign3A_1886 = vector.broadcast %sign3A_1885 : i32 to vector<16xi32>
    %sign3A_1887 = arith.cmpi slt, %add3A_1877, %sign3A_1886 : vector<16xi32>
    %sign3A_1888 = arith.extui %sign3A_1887 : vector<16xi1> to vector<16xi32>
    %sign3A_1889 = arith.subi %sign3A_1884, %sign3A_1888 : vector<16xi32>
    %sign3A_1890 = arith.constant 0 : i32
    %sign3A_1891 = arith.cmpi sgt, %jit3A_1878, %sign3A_1890 : i32
    %sign3A_1892 = arith.extui %sign3A_1891 : i1 to i32
    %sign3A_1893 = arith.constant 0 : i32
    %sign3A_1894 = arith.cmpi slt, %jit3A_1878, %sign3A_1893 : i32
    %sign3A_1895 = arith.extui %sign3A_1894 : i1 to i32
    %sign3A_1896 = arith.subi %sign3A_1892, %sign3A_1895 : i32
    %ne3A_1897 = vector.broadcast %sign3A_1896 : i32 to vector<16xi32>
    %ne3A_1898 = arith.cmpi ne, %sign3A_1889, %ne3A_1897 : vector<16xi32>
    %rem3A_1899 = vector.broadcast %jit3A_1878 : i32 to vector<16xi32>
    %rem3A_1900 = arith.remsi %add3A_1877, %rem3A_1899 : vector<16xi32>
    %ne3A_1901 = arith.constant 0 : i32
    %ne3A_1902 = vector.broadcast %ne3A_1901 : i32 to vector<16xi32>
    %ne3A_1903 = arith.cmpi ne, %rem3A_1900, %ne3A_1902 : vector<16xi32>
    %and3A_1904 = arith.andi %ne3A_1898, %ne3A_1903 : vector<16xi1>
    %sub3A_1905 = arith.constant 1 : i32
    %sub3A_1906 = vector.broadcast %sub3A_1905 : i32 to vector<16xi32>
    %sub3A_1907 = arith.subi %div3A_1880, %sub3A_1906 : vector<16xi32>
    %select_n3A_1908 = arith.select %and3A_1904, %sub3A_1907, %div3A_1880 : vector<16xi1>, vector<16xi32>
    %sub3A_1909 = vector.broadcast %add3A_13 : i32 to vector<16xi32>
    %sub3A_1910 = arith.subi %select_n3A_1908, %sub3A_1909 : vector<16xi32>
    %get3A_1911 = arith.constant 352 : index
    %get3A_1912 = tpu.vector_load %arg5[%get3A_1911] {strides = array<i32>} : memref<768xi32, #tpu.memory_space<vmem>>, vector<16xi32>,
    tpu.vector_store_idx %arg7[%sub3A_1910, %get3A_1912], %broadcast_in_dim3A_3 : memref<128x800xf32, #tpu.memory_space<vmem>>[vector<16xi32>, vector<16xi32>], vector<16xf32>,
    %add3A_1913 = arith.constant 368 : i32
    %add3A_1914 = arith.addi %mul3A_2, %add3A_1913 : i32
    %add3A_1915 = vector.broadcast %add3A_1914 : i32 to vector<16xi32>
    %add3A_1916 = arith.addi %add3A_1915, %iota3A : vector<16xi32>
    %jit3A_1917 = arith.constant 3 : i32
    %div3A_1918 = vector.broadcast %jit3A_1917 : i32 to vector<16xi32>
    %div3A_1919 = arith.divsi %add3A_1916, %div3A_1918 : vector<16xi32>
    %sign3A_1920 = arith.constant 0 : i32
    %sign3A_1921 = vector.broadcast %sign3A_1920 : i32 to vector<16xi32>
    %sign3A_1922 = arith.cmpi sgt, %add3A_1916, %sign3A_1921 : vector<16xi32>
    %sign3A_1923 = arith.extui %sign3A_1922 : vector<16xi1> to vector<16xi32>
    %sign3A_1924 = arith.constant 0 : i32
    %sign3A_1925 = vector.broadcast %sign3A_1924 : i32 to vector<16xi32>
    %sign3A_1926 = arith.cmpi slt, %add3A_1916, %sign3A_1925 : vector<16xi32>
    %sign3A_1927 = arith.extui %sign3A_1926 : vector<16xi1> to vector<16xi32>
    %sign3A_1928 = arith.subi %sign3A_1923, %sign3A_1927 : vector<16xi32>
    %sign3A_1929 = arith.constant 0 : i32
    %sign3A_1930 = arith.cmpi sgt, %jit3A_1917, %sign3A_1929 : i32
    %sign3A_1931 = arith.extui %sign3A_1930 : i1 to i32
    %sign3A_1932 = arith.constant 0 : i32
    %sign3A_1933 = arith.cmpi slt, %jit3A_1917, %sign3A_1932 : i32
    %sign3A_1934 = arith.extui %sign3A_1933 : i1 to i32
    %sign3A_1935 = arith.subi %sign3A_1931, %sign3A_1934 : i32
    %ne3A_1936 = vector.broadcast %sign3A_1935 : i32 to vector<16xi32>
    %ne3A_1937 = arith.cmpi ne, %sign3A_1928, %ne3A_1936 : vector<16xi32>
    %rem3A_1938 = vector.broadcast %jit3A_1917 : i32 to vector<16xi32>
    %rem3A_1939 = arith.remsi %add3A_1916, %rem3A_1938 : vector<16xi32>
    %ne3A_1940 = arith.constant 0 : i32
    %ne3A_1941 = vector.broadcast %ne3A_1940 : i32 to vector<16xi32>
    %ne3A_1942 = arith.cmpi ne, %rem3A_1939, %ne3A_1941 : vector<16xi32>
    %and3A_1943 = arith.andi %ne3A_1937, %ne3A_1942 : vector<16xi1>
    %sub3A_1944 = arith.constant 1 : i32
    %sub3A_1945 = vector.broadcast %sub3A_1944 : i32 to vector<16xi32>
    %sub3A_1946 = arith.subi %div3A_1919, %sub3A_1945 : vector<16xi32>
    %select_n3A_1947 = arith.select %and3A_1943, %sub3A_1946, %div3A_1919 : vector<16xi1>, vector<16xi32>
    %sub3A_1948 = vector.broadcast %add3A_13 : i32 to vector<16xi32>
    %sub3A_1949 = arith.subi %select_n3A_1947, %sub3A_1948 : vector<16xi32>
    %get3A_1950 = arith.constant 368 : index
    %get3A_1951 = tpu.vector_load %arg5[%get3A_1950] {strides = array<i32>} : memref<768xi32, #tpu.memory_space<vmem>>, vector<16xi32>,
    tpu.vector_store_idx %arg7[%sub3A_1949, %get3A_1951], %broadcast_in_dim3A_3 : memref<128x800xf32, #tpu.memory_space<vmem>>[vector<16xi32>, vector<16xi32>], vector<16xf32>,
    %mul3A_1952 = arith.constant 256 : i32
    %mul3A_1953 = arith.muli %add3A, %mul3A_1952 : i32
    %add3A_1954 = arith.constant 128 : i32
    %add3A_1955 = arith.addi %mul3A_1953, %add3A_1954 : i32
    %add3A_1956 = arith.constant 384 : i32
    %add3A_1957 = arith.addi %mul3A_2, %add3A_1956 : i32
    %add3A_1958 = vector.broadcast %add3A_1957 : i32 to vector<16xi32>
    %add3A_1959 = arith.addi %add3A_1958, %iota3A : vector<16xi32>
    %jit3A_1960 = arith.constant 3 : i32
    %div3A_1961 = vector.broadcast %jit3A_1960 : i32 to vector<16xi32>
    %div3A_1962 = arith.divsi %add3A_1959, %div3A_1961 : vector<16xi32>
    %sign3A_1963 = arith.constant 0 : i32
    %sign3A_1964 = vector.broadcast %sign3A_1963 : i32 to vector<16xi32>
    %sign3A_1965 = arith.cmpi sgt, %add3A_1959, %sign3A_1964 : vector<16xi32>
    %sign3A_1966 = arith.extui %sign3A_1965 : vector<16xi1> to vector<16xi32>
    %sign3A_1967 = arith.constant 0 : i32
    %sign3A_1968 = vector.broadcast %sign3A_1967 : i32 to vector<16xi32>
    %sign3A_1969 = arith.cmpi slt, %add3A_1959, %sign3A_1968 : vector<16xi32>
    %sign3A_1970 = arith.extui %sign3A_1969 : vector<16xi1> to vector<16xi32>
    %sign3A_1971 = arith.subi %sign3A_1966, %sign3A_1970 : vector<16xi32>
    %sign3A_1972 = arith.constant 0 : i32
    %sign3A_1973 = arith.cmpi sgt, %jit3A_1960, %sign3A_1972 : i32
    %sign3A_1974 = arith.extui %sign3A_1973 : i1 to i32
    %sign3A_1975 = arith.constant 0 : i32
    %sign3A_1976 = arith.cmpi slt, %jit3A_1960, %sign3A_1975 : i32
    %sign3A_1977 = arith.extui %sign3A_1976 : i1 to i32
    %sign3A_1978 = arith.subi %sign3A_1974, %sign3A_1977 : i32
    %ne3A_1979 = vector.broadcast %sign3A_1978 : i32 to vector<16xi32>
    %ne3A_1980 = arith.cmpi ne, %sign3A_1971, %ne3A_1979 : vector<16xi32>
    %rem3A_1981 = vector.broadcast %jit3A_1960 : i32 to vector<16xi32>
    %rem3A_1982 = arith.remsi %add3A_1959, %rem3A_1981 : vector<16xi32>
    %ne3A_1983 = arith.constant 0 : i32
    %ne3A_1984 = vector.broadcast %ne3A_1983 : i32 to vector<16xi32>
    %ne3A_1985 = arith.cmpi ne, %rem3A_1982, %ne3A_1984 : vector<16xi32>
    %and3A_1986 = arith.andi %ne3A_1980, %ne3A_1985 : vector<16xi1>
    %sub3A_1987 = arith.constant 1 : i32
    %sub3A_1988 = vector.broadcast %sub3A_1987 : i32 to vector<16xi32>
    %sub3A_1989 = arith.subi %div3A_1962, %sub3A_1988 : vector<16xi32>
    %select_n3A_1990 = arith.select %and3A_1986, %sub3A_1989, %div3A_1962 : vector<16xi1>, vector<16xi32>
    %sub3A_1991 = vector.broadcast %add3A_1955 : i32 to vector<16xi32>
    %sub3A_1992 = arith.subi %select_n3A_1990, %sub3A_1991 : vector<16xi32>
    %get3A_1993 = arith.constant 384 : index
    %get3A_1994 = tpu.vector_load %arg5[%get3A_1993] {strides = array<i32>} : memref<768xi32, #tpu.memory_space<vmem>>, vector<16xi32>,
    %get3A_1995 = arith.constant 384 : index
    %get3A_1996 = tpu.vector_load %arg6[%get3A_1995] {strides = array<i32>} : memref<768xf32, #tpu.memory_space<vmem>>, vector<16xf32>,
    tpu.vector_store_idx %arg7[%sub3A_1992, %get3A_1994], %get3A_1996 : memref<128x800xf32, #tpu.memory_space<vmem>>[vector<16xi32>, vector<16xi32>], vector<16xf32>,
    %add3A_1997 = arith.constant 400 : i32
    %add3A_1998 = arith.addi %mul3A_2, %add3A_1997 : i32
    %add3A_1999 = vector.broadcast %add3A_1998 : i32 to vector<16xi32>
    %add3A_2000 = arith.addi %add3A_1999, %iota3A : vector<16xi32>
    %jit3A_2001 = arith.constant 3 : i32
    %div3A_2002 = vector.broadcast %jit3A_2001 : i32 to vector<16xi32>
    %div3A_2003 = arith.divsi %add3A_2000, %div3A_2002 : vector<16xi32>
    %sign3A_2004 = arith.constant 0 : i32
    %sign3A_2005 = vector.broadcast %sign3A_2004 : i32 to vector<16xi32>
    %sign3A_2006 = arith.cmpi sgt, %add3A_2000, %sign3A_2005 : vector<16xi32>
    %sign3A_2007 = arith.extui %sign3A_2006 : vector<16xi1> to vector<16xi32>
    %sign3A_2008 = arith.constant 0 : i32
    %sign3A_2009 = vector.broadcast %sign3A_2008 : i32 to vector<16xi32>
    %sign3A_2010 = arith.cmpi slt, %add3A_2000, %sign3A_2009 : vector<16xi32>
    %sign3A_2011 = arith.extui %sign3A_2010 : vector<16xi1> to vector<16xi32>
    %sign3A_2012 = arith.subi %sign3A_2007, %sign3A_2011 : vector<16xi32>
    %sign3A_2013 = arith.constant 0 : i32
    %sign3A_2014 = arith.cmpi sgt, %jit3A_2001, %sign3A_2013 : i32
    %sign3A_2015 = arith.extui %sign3A_2014 : i1 to i32
    %sign3A_2016 = arith.constant 0 : i32
    %sign3A_2017 = arith.cmpi slt, %jit3A_2001, %sign3A_2016 : i32
    %sign3A_2018 = arith.extui %sign3A_2017 : i1 to i32
    %sign3A_2019 = arith.subi %sign3A_2015, %sign3A_2018 : i32
    %ne3A_2020 = vector.broadcast %sign3A_2019 : i32 to vector<16xi32>
    %ne3A_2021 = arith.cmpi ne, %sign3A_2012, %ne3A_2020 : vector<16xi32>
    %rem3A_2022 = vector.broadcast %jit3A_2001 : i32 to vector<16xi32>
    %rem3A_2023 = arith.remsi %add3A_2000, %rem3A_2022 : vector<16xi32>
    %ne3A_2024 = arith.constant 0 : i32
    %ne3A_2025 = vector.broadcast %ne3A_2024 : i32 to vector<16xi32>
    %ne3A_2026 = arith.cmpi ne, %rem3A_2023, %ne3A_2025 : vector<16xi32>
    %and3A_2027 = arith.andi %ne3A_2021, %ne3A_2026 : vector<16xi1>
    %sub3A_2028 = arith.constant 1 : i32
    %sub3A_2029 = vector.broadcast %sub3A_2028 : i32 to vector<16xi32>
    %sub3A_2030 = arith.subi %div3A_2003, %sub3A_2029 : vector<16xi32>
    %select_n3A_2031 = arith.select %and3A_2027, %sub3A_2030, %div3A_2003 : vector<16xi1>, vector<16xi32>
    %sub3A_2032 = vector.broadcast %add3A_1955 : i32 to vector<16xi32>
    %sub3A_2033 = arith.subi %select_n3A_2031, %sub3A_2032 : vector<16xi32>
    %get3A_2034 = arith.constant 400 : index
    %get3A_2035 = tpu.vector_load %arg5[%get3A_2034] {strides = array<i32>} : memref<768xi32, #tpu.memory_space<vmem>>, vector<16xi32>,
    %get3A_2036 = arith.constant 400 : index
    %get3A_2037 = tpu.vector_load %arg6[%get3A_2036] {strides = array<i32>} : memref<768xf32, #tpu.memory_space<vmem>>, vector<16xf32>,
    tpu.vector_store_idx %arg7[%sub3A_2033, %get3A_2035], %get3A_2037 : memref<128x800xf32, #tpu.memory_space<vmem>>[vector<16xi32>, vector<16xi32>], vector<16xf32>,
    %add3A_2038 = arith.constant 416 : i32
    %add3A_2039 = arith.addi %mul3A_2, %add3A_2038 : i32
    %add3A_2040 = vector.broadcast %add3A_2039 : i32 to vector<16xi32>
    %add3A_2041 = arith.addi %add3A_2040, %iota3A : vector<16xi32>
    %jit3A_2042 = arith.constant 3 : i32
    %div3A_2043 = vector.broadcast %jit3A_2042 : i32 to vector<16xi32>
    %div3A_2044 = arith.divsi %add3A_2041, %div3A_2043 : vector<16xi32>
    %sign3A_2045 = arith.constant 0 : i32
    %sign3A_2046 = vector.broadcast %sign3A_2045 : i32 to vector<16xi32>
    %sign3A_2047 = arith.cmpi sgt, %add3A_2041, %sign3A_2046 : vector<16xi32>
    %sign3A_2048 = arith.extui %sign3A_2047 : vector<16xi1> to vector<16xi32>
    %sign3A_2049 = arith.constant 0 : i32
    %sign3A_2050 = vector.broadcast %sign3A_2049 : i32 to vector<16xi32>
    %sign3A_2051 = arith.cmpi slt, %add3A_2041, %sign3A_2050 : vector<16xi32>
    %sign3A_2052 = arith.extui %sign3A_2051 : vector<16xi1> to vector<16xi32>
    %sign3A_2053 = arith.subi %sign3A_2048, %sign3A_2052 : vector<16xi32>
    %sign3A_2054 = arith.constant 0 : i32
    %sign3A_2055 = arith.cmpi sgt, %jit3A_2042, %sign3A_2054 : i32
    %sign3A_2056 = arith.extui %sign3A_2055 : i1 to i32
    %sign3A_2057 = arith.constant 0 : i32
    %sign3A_2058 = arith.cmpi slt, %jit3A_2042, %sign3A_2057 : i32
    %sign3A_2059 = arith.extui %sign3A_2058 : i1 to i32
    %sign3A_2060 = arith.subi %sign3A_2056, %sign3A_2059 : i32
    %ne3A_2061 = vector.broadcast %sign3A_2060 : i32 to vector<16xi32>
    %ne3A_2062 = arith.cmpi ne, %sign3A_2053, %ne3A_2061 : vector<16xi32>
    %rem3A_2063 = vector.broadcast %jit3A_2042 : i32 to vector<16xi32>
    %rem3A_2064 = arith.remsi %add3A_2041, %rem3A_2063 : vector<16xi32>
    %ne3A_2065 = arith.constant 0 : i32
    %ne3A_2066 = vector.broadcast %ne3A_2065 : i32 to vector<16xi32>
    %ne3A_2067 = arith.cmpi ne, %rem3A_2064, %ne3A_2066 : vector<16xi32>
    %and3A_2068 = arith.andi %ne3A_2062, %ne3A_2067 : vector<16xi1>
    %sub3A_2069 = arith.constant 1 : i32
    %sub3A_2070 = vector.broadcast %sub3A_2069 : i32 to vector<16xi32>
    %sub3A_2071 = arith.subi %div3A_2044, %sub3A_2070 : vector<16xi32>
    %select_n3A_2072 = arith.select %and3A_2068, %sub3A_2071, %div3A_2044 : vector<16xi1>, vector<16xi32>
    %sub3A_2073 = vector.broadcast %add3A_1955 : i32 to vector<16xi32>
    %sub3A_2074 = arith.subi %select_n3A_2072, %sub3A_2073 : vector<16xi32>
    %get3A_2075 = arith.constant 416 : index
    %get3A_2076 = tpu.vector_load %arg5[%get3A_2075] {strides = array<i32>} : memref<768xi32, #tpu.memory_space<vmem>>, vector<16xi32>,
    %get3A_2077 = arith.constant 416 : index
    %get3A_2078 = tpu.vector_load %arg6[%get3A_2077] {strides = array<i32>} : memref<768xf32, #tpu.memory_space<vmem>>, vector<16xf32>,
    tpu.vector_store_idx %arg7[%sub3A_2074, %get3A_2076], %get3A_2078 : memref<128x800xf32, #tpu.memory_space<vmem>>[vector<16xi32>, vector<16xi32>], vector<16xf32>,
    %add3A_2079 = arith.constant 432 : i32
    %add3A_2080 = arith.addi %mul3A_2, %add3A_2079 : i32
    %add3A_2081 = vector.broadcast %add3A_2080 : i32 to vector<16xi32>
    %add3A_2082 = arith.addi %add3A_2081, %iota3A : vector<16xi32>
    %jit3A_2083 = arith.constant 3 : i32
    %div3A_2084 = vector.broadcast %jit3A_2083 : i32 to vector<16xi32>
    %div3A_2085 = arith.divsi %add3A_2082, %div3A_2084 : vector<16xi32>
    %sign3A_2086 = arith.constant 0 : i32
    %sign3A_2087 = vector.broadcast %sign3A_2086 : i32 to vector<16xi32>
    %sign3A_2088 = arith.cmpi sgt, %add3A_2082, %sign3A_2087 : vector<16xi32>
    %sign3A_2089 = arith.extui %sign3A_2088 : vector<16xi1> to vector<16xi32>
    %sign3A_2090 = arith.constant 0 : i32
    %sign3A_2091 = vector.broadcast %sign3A_2090 : i32 to vector<16xi32>
    %sign3A_2092 = arith.cmpi slt, %add3A_2082, %sign3A_2091 : vector<16xi32>
    %sign3A_2093 = arith.extui %sign3A_2092 : vector<16xi1> to vector<16xi32>
    %sign3A_2094 = arith.subi %sign3A_2089, %sign3A_2093 : vector<16xi32>
    %sign3A_2095 = arith.constant 0 : i32
    %sign3A_2096 = arith.cmpi sgt, %jit3A_2083, %sign3A_2095 : i32
    %sign3A_2097 = arith.extui %sign3A_2096 : i1 to i32
    %sign3A_2098 = arith.constant 0 : i32
    %sign3A_2099 = arith.cmpi slt, %jit3A_2083, %sign3A_2098 : i32
    %sign3A_2100 = arith.extui %sign3A_2099 : i1 to i32
    %sign3A_2101 = arith.subi %sign3A_2097, %sign3A_2100 : i32
    %ne3A_2102 = vector.broadcast %sign3A_2101 : i32 to vector<16xi32>
    %ne3A_2103 = arith.cmpi ne, %sign3A_2094, %ne3A_2102 : vector<16xi32>
    %rem3A_2104 = vector.broadcast %jit3A_2083 : i32 to vector<16xi32>
    %rem3A_2105 = arith.remsi %add3A_2082, %rem3A_2104 : vector<16xi32>
    %ne3A_2106 = arith.constant 0 : i32
    %ne3A_2107 = vector.broadcast %ne3A_2106 : i32 to vector<16xi32>
    %ne3A_2108 = arith.cmpi ne, %rem3A_2105, %ne3A_2107 : vector<16xi32>
    %and3A_2109 = arith.andi %ne3A_2103, %ne3A_2108 : vector<16xi1>
    %sub3A_2110 = arith.constant 1 : i32
    %sub3A_2111 = vector.broadcast %sub3A_2110 : i32 to vector<16xi32>
    %sub3A_2112 = arith.subi %div3A_2085, %sub3A_2111 : vector<16xi32>
    %select_n3A_2113 = arith.select %and3A_2109, %sub3A_2112, %div3A_2085 : vector<16xi1>, vector<16xi32>
    %sub3A_2114 = vector.broadcast %add3A_1955 : i32 to vector<16xi32>
    %sub3A_2115 = arith.subi %select_n3A_2113, %sub3A_2114 : vector<16xi32>
    %get3A_2116 = arith.constant 432 : index
    %get3A_2117 = tpu.vector_load %arg5[%get3A_2116] {strides = array<i32>} : memref<768xi32, #tpu.memory_space<vmem>>, vector<16xi32>,
    %get3A_2118 = arith.constant 432 : index
    %get3A_2119 = tpu.vector_load %arg6[%get3A_2118] {strides = array<i32>} : memref<768xf32, #tpu.memory_space<vmem>>, vector<16xf32>,
    tpu.vector_store_idx %arg7[%sub3A_2115, %get3A_2117], %get3A_2119 : memref<128x800xf32, #tpu.memory_space<vmem>>[vector<16xi32>, vector<16xi32>], vector<16xf32>,
    %add3A_2120 = arith.constant 448 : i32
    %add3A_2121 = arith.addi %mul3A_2, %add3A_2120 : i32
    %add3A_2122 = vector.broadcast %add3A_2121 : i32 to vector<16xi32>
    %add3A_2123 = arith.addi %add3A_2122, %iota3A : vector<16xi32>
    %jit3A_2124 = arith.constant 3 : i32
    %div3A_2125 = vector.broadcast %jit3A_2124 : i32 to vector<16xi32>
    %div3A_2126 = arith.divsi %add3A_2123, %div3A_2125 : vector<16xi32>
    %sign3A_2127 = arith.constant 0 : i32
    %sign3A_2128 = vector.broadcast %sign3A_2127 : i32 to vector<16xi32>
    %sign3A_2129 = arith.cmpi sgt, %add3A_2123, %sign3A_2128 : vector<16xi32>
    %sign3A_2130 = arith.extui %sign3A_2129 : vector<16xi1> to vector<16xi32>
    %sign3A_2131 = arith.constant 0 : i32
    %sign3A_2132 = vector.broadcast %sign3A_2131 : i32 to vector<16xi32>
    %sign3A_2133 = arith.cmpi slt, %add3A_2123, %sign3A_2132 : vector<16xi32>
    %sign3A_2134 = arith.extui %sign3A_2133 : vector<16xi1> to vector<16xi32>
    %sign3A_2135 = arith.subi %sign3A_2130, %sign3A_2134 : vector<16xi32>
    %sign3A_2136 = arith.constant 0 : i32
    %sign3A_2137 = arith.cmpi sgt, %jit3A_2124, %sign3A_2136 : i32
    %sign3A_2138 = arith.extui %sign3A_2137 : i1 to i32
    %sign3A_2139 = arith.constant 0 : i32
    %sign3A_2140 = arith.cmpi slt, %jit3A_2124, %sign3A_2139 : i32
    %sign3A_2141 = arith.extui %sign3A_2140 : i1 to i32
    %sign3A_2142 = arith.subi %sign3A_2138, %sign3A_2141 : i32
    %ne3A_2143 = vector.broadcast %sign3A_2142 : i32 to vector<16xi32>
    %ne3A_2144 = arith.cmpi ne, %sign3A_2135, %ne3A_2143 : vector<16xi32>
    %rem3A_2145 = vector.broadcast %jit3A_2124 : i32 to vector<16xi32>
    %rem3A_2146 = arith.remsi %add3A_2123, %rem3A_2145 : vector<16xi32>
    %ne3A_2147 = arith.constant 0 : i32
    %ne3A_2148 = vector.broadcast %ne3A_2147 : i32 to vector<16xi32>
    %ne3A_2149 = arith.cmpi ne, %rem3A_2146, %ne3A_2148 : vector<16xi32>
    %and3A_2150 = arith.andi %ne3A_2144, %ne3A_2149 : vector<16xi1>
    %sub3A_2151 = arith.constant 1 : i32
    %sub3A_2152 = vector.broadcast %sub3A_2151 : i32 to vector<16xi32>
    %sub3A_2153 = arith.subi %div3A_2126, %sub3A_2152 : vector<16xi32>
    %select_n3A_2154 = arith.select %and3A_2150, %sub3A_2153, %div3A_2126 : vector<16xi1>, vector<16xi32>
    %sub3A_2155 = vector.broadcast %add3A_1955 : i32 to vector<16xi32>
    %sub3A_2156 = arith.subi %select_n3A_2154, %sub3A_2155 : vector<16xi32>
    %get3A_2157 = arith.constant 448 : index
    %get3A_2158 = tpu.vector_load %arg5[%get3A_2157] {strides = array<i32>} : memref<768xi32, #tpu.memory_space<vmem>>, vector<16xi32>,
    %get3A_2159 = arith.constant 448 : index
    %get3A_2160 = tpu.vector_load %arg6[%get3A_2159] {strides = array<i32>} : memref<768xf32, #tpu.memory_space<vmem>>, vector<16xf32>,
    tpu.vector_store_idx %arg7[%sub3A_2156, %get3A_2158], %get3A_2160 : memref<128x800xf32, #tpu.memory_space<vmem>>[vector<16xi32>, vector<16xi32>], vector<16xf32>,
    %add3A_2161 = arith.constant 464 : i32
    %add3A_2162 = arith.addi %mul3A_2, %add3A_2161 : i32
    %add3A_2163 = vector.broadcast %add3A_2162 : i32 to vector<16xi32>
    %add3A_2164 = arith.addi %add3A_2163, %iota3A : vector<16xi32>
    %jit3A_2165 = arith.constant 3 : i32
    %div3A_2166 = vector.broadcast %jit3A_2165 : i32 to vector<16xi32>
    %div3A_2167 = arith.divsi %add3A_2164, %div3A_2166 : vector<16xi32>
    %sign3A_2168 = arith.constant 0 : i32
    %sign3A_2169 = vector.broadcast %sign3A_2168 : i32 to vector<16xi32>
    %sign3A_2170 = arith.cmpi sgt, %add3A_2164, %sign3A_2169 : vector<16xi32>
    %sign3A_2171 = arith.extui %sign3A_2170 : vector<16xi1> to vector<16xi32>
    %sign3A_2172 = arith.constant 0 : i32
    %sign3A_2173 = vector.broadcast %sign3A_2172 : i32 to vector<16xi32>
    %sign3A_2174 = arith.cmpi slt, %add3A_2164, %sign3A_2173 : vector<16xi32>
    %sign3A_2175 = arith.extui %sign3A_2174 : vector<16xi1> to vector<16xi32>
    %sign3A_2176 = arith.subi %sign3A_2171, %sign3A_2175 : vector<16xi32>
    %sign3A_2177 = arith.constant 0 : i32
    %sign3A_2178 = arith.cmpi sgt, %jit3A_2165, %sign3A_2177 : i32
    %sign3A_2179 = arith.extui %sign3A_2178 : i1 to i32
    %sign3A_2180 = arith.constant 0 : i32
    %sign3A_2181 = arith.cmpi slt, %jit3A_2165, %sign3A_2180 : i32
    %sign3A_2182 = arith.extui %sign3A_2181 : i1 to i32
    %sign3A_2183 = arith.subi %sign3A_2179, %sign3A_2182 : i32
    %ne3A_2184 = vector.broadcast %sign3A_2183 : i32 to vector<16xi32>
    %ne3A_2185 = arith.cmpi ne, %sign3A_2176, %ne3A_2184 : vector<16xi32>
    %rem3A_2186 = vector.broadcast %jit3A_2165 : i32 to vector<16xi32>
    %rem3A_2187 = arith.remsi %add3A_2164, %rem3A_2186 : vector<16xi32>
    %ne3A_2188 = arith.constant 0 : i32
    %ne3A_2189 = vector.broadcast %ne3A_2188 : i32 to vector<16xi32>
    %ne3A_2190 = arith.cmpi ne, %rem3A_2187, %ne3A_2189 : vector<16xi32>
    %and3A_2191 = arith.andi %ne3A_2185, %ne3A_2190 : vector<16xi1>
    %sub3A_2192 = arith.constant 1 : i32
    %sub3A_2193 = vector.broadcast %sub3A_2192 : i32 to vector<16xi32>
    %sub3A_2194 = arith.subi %div3A_2167, %sub3A_2193 : vector<16xi32>
    %select_n3A_2195 = arith.select %and3A_2191, %sub3A_2194, %div3A_2167 : vector<16xi1>, vector<16xi32>
    %sub3A_2196 = vector.broadcast %add3A_1955 : i32 to vector<16xi32>
    %sub3A_2197 = arith.subi %select_n3A_2195, %sub3A_2196 : vector<16xi32>
    %get3A_2198 = arith.constant 464 : index
    %get3A_2199 = tpu.vector_load %arg5[%get3A_2198] {strides = array<i32>} : memref<768xi32, #tpu.memory_space<vmem>>, vector<16xi32>,
    %get3A_2200 = arith.constant 464 : index
    %get3A_2201 = tpu.vector_load %arg6[%get3A_2200] {strides = array<i32>} : memref<768xf32, #tpu.memory_space<vmem>>, vector<16xf32>,
    tpu.vector_store_idx %arg7[%sub3A_2197, %get3A_2199], %get3A_2201 : memref<128x800xf32, #tpu.memory_space<vmem>>[vector<16xi32>, vector<16xi32>], vector<16xf32>,
    %add3A_2202 = arith.constant 480 : i32
    %add3A_2203 = arith.addi %mul3A_2, %add3A_2202 : i32
    %add3A_2204 = vector.broadcast %add3A_2203 : i32 to vector<16xi32>
    %add3A_2205 = arith.addi %add3A_2204, %iota3A : vector<16xi32>
    %jit3A_2206 = arith.constant 3 : i32
    %div3A_2207 = vector.broadcast %jit3A_2206 : i32 to vector<16xi32>
    %div3A_2208 = arith.divsi %add3A_2205, %div3A_2207 : vector<16xi32>
    %sign3A_2209 = arith.constant 0 : i32
    %sign3A_2210 = vector.broadcast %sign3A_2209 : i32 to vector<16xi32>
    %sign3A_2211 = arith.cmpi sgt, %add3A_2205, %sign3A_2210 : vector<16xi32>
    %sign3A_2212 = arith.extui %sign3A_2211 : vector<16xi1> to vector<16xi32>
    %sign3A_2213 = arith.constant 0 : i32
    %sign3A_2214 = vector.broadcast %sign3A_2213 : i32 to vector<16xi32>
    %sign3A_2215 = arith.cmpi slt, %add3A_2205, %sign3A_2214 : vector<16xi32>
    %sign3A_2216 = arith.extui %sign3A_2215 : vector<16xi1> to vector<16xi32>
    %sign3A_2217 = arith.subi %sign3A_2212, %sign3A_2216 : vector<16xi32>
    %sign3A_2218 = arith.constant 0 : i32
    %sign3A_2219 = arith.cmpi sgt, %jit3A_2206, %sign3A_2218 : i32
    %sign3A_2220 = arith.extui %sign3A_2219 : i1 to i32
    %sign3A_2221 = arith.constant 0 : i32
    %sign3A_2222 = arith.cmpi slt, %jit3A_2206, %sign3A_2221 : i32
    %sign3A_2223 = arith.extui %sign3A_2222 : i1 to i32
    %sign3A_2224 = arith.subi %sign3A_2220, %sign3A_2223 : i32
    %ne3A_2225 = vector.broadcast %sign3A_2224 : i32 to vector<16xi32>
    %ne3A_2226 = arith.cmpi ne, %sign3A_2217, %ne3A_2225 : vector<16xi32>
    %rem3A_2227 = vector.broadcast %jit3A_2206 : i32 to vector<16xi32>
    %rem3A_2228 = arith.remsi %add3A_2205, %rem3A_2227 : vector<16xi32>
    %ne3A_2229 = arith.constant 0 : i32
    %ne3A_2230 = vector.broadcast %ne3A_2229 : i32 to vector<16xi32>
    %ne3A_2231 = arith.cmpi ne, %rem3A_2228, %ne3A_2230 : vector<16xi32>
    %and3A_2232 = arith.andi %ne3A_2226, %ne3A_2231 : vector<16xi1>
    %sub3A_2233 = arith.constant 1 : i32
    %sub3A_2234 = vector.broadcast %sub3A_2233 : i32 to vector<16xi32>
    %sub3A_2235 = arith.subi %div3A_2208, %sub3A_2234 : vector<16xi32>
    %select_n3A_2236 = arith.select %and3A_2232, %sub3A_2235, %div3A_2208 : vector<16xi1>, vector<16xi32>
    %sub3A_2237 = vector.broadcast %add3A_1955 : i32 to vector<16xi32>
    %sub3A_2238 = arith.subi %select_n3A_2236, %sub3A_2237 : vector<16xi32>
    %get3A_2239 = arith.constant 480 : index
    %get3A_2240 = tpu.vector_load %arg5[%get3A_2239] {strides = array<i32>} : memref<768xi32, #tpu.memory_space<vmem>>, vector<16xi32>,
    %get3A_2241 = arith.constant 480 : index
    %get3A_2242 = tpu.vector_load %arg6[%get3A_2241] {strides = array<i32>} : memref<768xf32, #tpu.memory_space<vmem>>, vector<16xf32>,
    tpu.vector_store_idx %arg7[%sub3A_2238, %get3A_2240], %get3A_2242 : memref<128x800xf32, #tpu.memory_space<vmem>>[vector<16xi32>, vector<16xi32>], vector<16xf32>,
    %add3A_2243 = arith.constant 496 : i32
    %add3A_2244 = arith.addi %mul3A_2, %add3A_2243 : i32
    %add3A_2245 = vector.broadcast %add3A_2244 : i32 to vector<16xi32>
    %add3A_2246 = arith.addi %add3A_2245, %iota3A : vector<16xi32>
    %jit3A_2247 = arith.constant 3 : i32
    %div3A_2248 = vector.broadcast %jit3A_2247 : i32 to vector<16xi32>
    %div3A_2249 = arith.divsi %add3A_2246, %div3A_2248 : vector<16xi32>
    %sign3A_2250 = arith.constant 0 : i32
    %sign3A_2251 = vector.broadcast %sign3A_2250 : i32 to vector<16xi32>
    %sign3A_2252 = arith.cmpi sgt, %add3A_2246, %sign3A_2251 : vector<16xi32>
    %sign3A_2253 = arith.extui %sign3A_2252 : vector<16xi1> to vector<16xi32>
    %sign3A_2254 = arith.constant 0 : i32
    %sign3A_2255 = vector.broadcast %sign3A_2254 : i32 to vector<16xi32>
    %sign3A_2256 = arith.cmpi slt, %add3A_2246, %sign3A_2255 : vector<16xi32>
    %sign3A_2257 = arith.extui %sign3A_2256 : vector<16xi1> to vector<16xi32>
    %sign3A_2258 = arith.subi %sign3A_2253, %sign3A_2257 : vector<16xi32>
    %sign3A_2259 = arith.constant 0 : i32
    %sign3A_2260 = arith.cmpi sgt, %jit3A_2247, %sign3A_2259 : i32
    %sign3A_2261 = arith.extui %sign3A_2260 : i1 to i32
    %sign3A_2262 = arith.constant 0 : i32
    %sign3A_2263 = arith.cmpi slt, %jit3A_2247, %sign3A_2262 : i32
    %sign3A_2264 = arith.extui %sign3A_2263 : i1 to i32
    %sign3A_2265 = arith.subi %sign3A_2261, %sign3A_2264 : i32
    %ne3A_2266 = vector.broadcast %sign3A_2265 : i32 to vector<16xi32>
    %ne3A_2267 = arith.cmpi ne, %sign3A_2258, %ne3A_2266 : vector<16xi32>
    %rem3A_2268 = vector.broadcast %jit3A_2247 : i32 to vector<16xi32>
    %rem3A_2269 = arith.remsi %add3A_2246, %rem3A_2268 : vector<16xi32>
    %ne3A_2270 = arith.constant 0 : i32
    %ne3A_2271 = vector.broadcast %ne3A_2270 : i32 to vector<16xi32>
    %ne3A_2272 = arith.cmpi ne, %rem3A_2269, %ne3A_2271 : vector<16xi32>
    %and3A_2273 = arith.andi %ne3A_2267, %ne3A_2272 : vector<16xi1>
    %sub3A_2274 = arith.constant 1 : i32
    %sub3A_2275 = vector.broadcast %sub3A_2274 : i32 to vector<16xi32>
    %sub3A_2276 = arith.subi %div3A_2249, %sub3A_2275 : vector<16xi32>
    %select_n3A_2277 = arith.select %and3A_2273, %sub3A_2276, %div3A_2249 : vector<16xi1>, vector<16xi32>
    %sub3A_2278 = vector.broadcast %add3A_1955 : i32 to vector<16xi32>
    %sub3A_2279 = arith.subi %select_n3A_2277, %sub3A_2278 : vector<16xi32>
    %get3A_2280 = arith.constant 496 : index
    %get3A_2281 = tpu.vector_load %arg5[%get3A_2280] {strides = array<i32>} : memref<768xi32, #tpu.memory_space<vmem>>, vector<16xi32>,
    %get3A_2282 = arith.constant 496 : index
    %get3A_2283 = tpu.vector_load %arg6[%get3A_2282] {strides = array<i32>} : memref<768xf32, #tpu.memory_space<vmem>>, vector<16xf32>,
    tpu.vector_store_idx %arg7[%sub3A_2279, %get3A_2281], %get3A_2283 : memref<128x800xf32, #tpu.memory_space<vmem>>[vector<16xi32>, vector<16xi32>], vector<16xf32>,
    %add3A_2284 = arith.constant 512 : i32
    %add3A_2285 = arith.addi %mul3A_2, %add3A_2284 : i32
    %add3A_2286 = vector.broadcast %add3A_2285 : i32 to vector<16xi32>
    %add3A_2287 = arith.addi %add3A_2286, %iota3A : vector<16xi32>
    %jit3A_2288 = arith.constant 3 : i32
    %div3A_2289 = vector.broadcast %jit3A_2288 : i32 to vector<16xi32>
    %div3A_2290 = arith.divsi %add3A_2287, %div3A_2289 : vector<16xi32>
    %sign3A_2291 = arith.constant 0 : i32
    %sign3A_2292 = vector.broadcast %sign3A_2291 : i32 to vector<16xi32>
    %sign3A_2293 = arith.cmpi sgt, %add3A_2287, %sign3A_2292 : vector<16xi32>
    %sign3A_2294 = arith.extui %sign3A_2293 : vector<16xi1> to vector<16xi32>
    %sign3A_2295 = arith.constant 0 : i32
    %sign3A_2296 = vector.broadcast %sign3A_2295 : i32 to vector<16xi32>
    %sign3A_2297 = arith.cmpi slt, %add3A_2287, %sign3A_2296 : vector<16xi32>
    %sign3A_2298 = arith.extui %sign3A_2297 : vector<16xi1> to vector<16xi32>
    %sign3A_2299 = arith.subi %sign3A_2294, %sign3A_2298 : vector<16xi32>
    %sign3A_2300 = arith.constant 0 : i32
    %sign3A_2301 = arith.cmpi sgt, %jit3A_2288, %sign3A_2300 : i32
    %sign3A_2302 = arith.extui %sign3A_2301 : i1 to i32
    %sign3A_2303 = arith.constant 0 : i32
    %sign3A_2304 = arith.cmpi slt, %jit3A_2288, %sign3A_2303 : i32
    %sign3A_2305 = arith.extui %sign3A_2304 : i1 to i32
    %sign3A_2306 = arith.subi %sign3A_2302, %sign3A_2305 : i32
    %ne3A_2307 = vector.broadcast %sign3A_2306 : i32 to vector<16xi32>
    %ne3A_2308 = arith.cmpi ne, %sign3A_2299, %ne3A_2307 : vector<16xi32>
    %rem3A_2309 = vector.broadcast %jit3A_2288 : i32 to vector<16xi32>
    %rem3A_2310 = arith.remsi %add3A_2287, %rem3A_2309 : vector<16xi32>
    %ne3A_2311 = arith.constant 0 : i32
    %ne3A_2312 = vector.broadcast %ne3A_2311 : i32 to vector<16xi32>
    %ne3A_2313 = arith.cmpi ne, %rem3A_2310, %ne3A_2312 : vector<16xi32>
    %and3A_2314 = arith.andi %ne3A_2308, %ne3A_2313 : vector<16xi1>
    %sub3A_2315 = arith.constant 1 : i32
    %sub3A_2316 = vector.broadcast %sub3A_2315 : i32 to vector<16xi32>
    %sub3A_2317 = arith.subi %div3A_2290, %sub3A_2316 : vector<16xi32>
    %select_n3A_2318 = arith.select %and3A_2314, %sub3A_2317, %div3A_2290 : vector<16xi1>, vector<16xi32>
    %sub3A_2319 = vector.broadcast %add3A_1955 : i32 to vector<16xi32>
    %sub3A_2320 = arith.subi %select_n3A_2318, %sub3A_2319 : vector<16xi32>
    %get3A_2321 = arith.constant 512 : index
    %get3A_2322 = tpu.vector_load %arg5[%get3A_2321] {strides = array<i32>} : memref<768xi32, #tpu.memory_space<vmem>>, vector<16xi32>,
    %get3A_2323 = arith.constant 512 : index
    %get3A_2324 = tpu.vector_load %arg6[%get3A_2323] {strides = array<i32>} : memref<768xf32, #tpu.memory_space<vmem>>, vector<16xf32>,
    tpu.vector_store_idx %arg7[%sub3A_2320, %get3A_2322], %get3A_2324 : memref<128x800xf32, #tpu.memory_space<vmem>>[vector<16xi32>, vector<16xi32>], vector<16xf32>,
    %add3A_2325 = arith.constant 528 : i32
    %add3A_2326 = arith.addi %mul3A_2, %add3A_2325 : i32
    %add3A_2327 = vector.broadcast %add3A_2326 : i32 to vector<16xi32>
    %add3A_2328 = arith.addi %add3A_2327, %iota3A : vector<16xi32>
    %jit3A_2329 = arith.constant 3 : i32
    %div3A_2330 = vector.broadcast %jit3A_2329 : i32 to vector<16xi32>
    %div3A_2331 = arith.divsi %add3A_2328, %div3A_2330 : vector<16xi32>
    %sign3A_2332 = arith.constant 0 : i32
    %sign3A_2333 = vector.broadcast %sign3A_2332 : i32 to vector<16xi32>
    %sign3A_2334 = arith.cmpi sgt, %add3A_2328, %sign3A_2333 : vector<16xi32>
    %sign3A_2335 = arith.extui %sign3A_2334 : vector<16xi1> to vector<16xi32>
    %sign3A_2336 = arith.constant 0 : i32
    %sign3A_2337 = vector.broadcast %sign3A_2336 : i32 to vector<16xi32>
    %sign3A_2338 = arith.cmpi slt, %add3A_2328, %sign3A_2337 : vector<16xi32>
    %sign3A_2339 = arith.extui %sign3A_2338 : vector<16xi1> to vector<16xi32>
    %sign3A_2340 = arith.subi %sign3A_2335, %sign3A_2339 : vector<16xi32>
    %sign3A_2341 = arith.constant 0 : i32
    %sign3A_2342 = arith.cmpi sgt, %jit3A_2329, %sign3A_2341 : i32
    %sign3A_2343 = arith.extui %sign3A_2342 : i1 to i32
    %sign3A_2344 = arith.constant 0 : i32
    %sign3A_2345 = arith.cmpi slt, %jit3A_2329, %sign3A_2344 : i32
    %sign3A_2346 = arith.extui %sign3A_2345 : i1 to i32
    %sign3A_2347 = arith.subi %sign3A_2343, %sign3A_2346 : i32
    %ne3A_2348 = vector.broadcast %sign3A_2347 : i32 to vector<16xi32>
    %ne3A_2349 = arith.cmpi ne, %sign3A_2340, %ne3A_2348 : vector<16xi32>
    %rem3A_2350 = vector.broadcast %jit3A_2329 : i32 to vector<16xi32>
    %rem3A_2351 = arith.remsi %add3A_2328, %rem3A_2350 : vector<16xi32>
    %ne3A_2352 = arith.constant 0 : i32
    %ne3A_2353 = vector.broadcast %ne3A_2352 : i32 to vector<16xi32>
    %ne3A_2354 = arith.cmpi ne, %rem3A_2351, %ne3A_2353 : vector<16xi32>
    %and3A_2355 = arith.andi %ne3A_2349, %ne3A_2354 : vector<16xi1>
    %sub3A_2356 = arith.constant 1 : i32
    %sub3A_2357 = vector.broadcast %sub3A_2356 : i32 to vector<16xi32>
    %sub3A_2358 = arith.subi %div3A_2331, %sub3A_2357 : vector<16xi32>
    %select_n3A_2359 = arith.select %and3A_2355, %sub3A_2358, %div3A_2331 : vector<16xi1>, vector<16xi32>
    %sub3A_2360 = vector.broadcast %add3A_1955 : i32 to vector<16xi32>
    %sub3A_2361 = arith.subi %select_n3A_2359, %sub3A_2360 : vector<16xi32>
    %get3A_2362 = arith.constant 528 : index
    %get3A_2363 = tpu.vector_load %arg5[%get3A_2362] {strides = array<i32>} : memref<768xi32, #tpu.memory_space<vmem>>, vector<16xi32>,
    %get3A_2364 = arith.constant 528 : index
    %get3A_2365 = tpu.vector_load %arg6[%get3A_2364] {strides = array<i32>} : memref<768xf32, #tpu.memory_space<vmem>>, vector<16xf32>,
    tpu.vector_store_idx %arg7[%sub3A_2361, %get3A_2363], %get3A_2365 : memref<128x800xf32, #tpu.memory_space<vmem>>[vector<16xi32>, vector<16xi32>], vector<16xf32>,
    %add3A_2366 = arith.constant 544 : i32
    %add3A_2367 = arith.addi %mul3A_2, %add3A_2366 : i32
    %add3A_2368 = vector.broadcast %add3A_2367 : i32 to vector<16xi32>
    %add3A_2369 = arith.addi %add3A_2368, %iota3A : vector<16xi32>
    %jit3A_2370 = arith.constant 3 : i32
    %div3A_2371 = vector.broadcast %jit3A_2370 : i32 to vector<16xi32>
    %div3A_2372 = arith.divsi %add3A_2369, %div3A_2371 : vector<16xi32>
    %sign3A_2373 = arith.constant 0 : i32
    %sign3A_2374 = vector.broadcast %sign3A_2373 : i32 to vector<16xi32>
    %sign3A_2375 = arith.cmpi sgt, %add3A_2369, %sign3A_2374 : vector<16xi32>
    %sign3A_2376 = arith.extui %sign3A_2375 : vector<16xi1> to vector<16xi32>
    %sign3A_2377 = arith.constant 0 : i32
    %sign3A_2378 = vector.broadcast %sign3A_2377 : i32 to vector<16xi32>
    %sign3A_2379 = arith.cmpi slt, %add3A_2369, %sign3A_2378 : vector<16xi32>
    %sign3A_2380 = arith.extui %sign3A_2379 : vector<16xi1> to vector<16xi32>
    %sign3A_2381 = arith.subi %sign3A_2376, %sign3A_2380 : vector<16xi32>
    %sign3A_2382 = arith.constant 0 : i32
    %sign3A_2383 = arith.cmpi sgt, %jit3A_2370, %sign3A_2382 : i32
    %sign3A_2384 = arith.extui %sign3A_2383 : i1 to i32
    %sign3A_2385 = arith.constant 0 : i32
    %sign3A_2386 = arith.cmpi slt, %jit3A_2370, %sign3A_2385 : i32
    %sign3A_2387 = arith.extui %sign3A_2386 : i1 to i32
    %sign3A_2388 = arith.subi %sign3A_2384, %sign3A_2387 : i32
    %ne3A_2389 = vector.broadcast %sign3A_2388 : i32 to vector<16xi32>
    %ne3A_2390 = arith.cmpi ne, %sign3A_2381, %ne3A_2389 : vector<16xi32>
    %rem3A_2391 = vector.broadcast %jit3A_2370 : i32 to vector<16xi32>
    %rem3A_2392 = arith.remsi %add3A_2369, %rem3A_2391 : vector<16xi32>
    %ne3A_2393 = arith.constant 0 : i32
    %ne3A_2394 = vector.broadcast %ne3A_2393 : i32 to vector<16xi32>
    %ne3A_2395 = arith.cmpi ne, %rem3A_2392, %ne3A_2394 : vector<16xi32>
    %and3A_2396 = arith.andi %ne3A_2390, %ne3A_2395 : vector<16xi1>
    %sub3A_2397 = arith.constant 1 : i32
    %sub3A_2398 = vector.broadcast %sub3A_2397 : i32 to vector<16xi32>
    %sub3A_2399 = arith.subi %div3A_2372, %sub3A_2398 : vector<16xi32>
    %select_n3A_2400 = arith.select %and3A_2396, %sub3A_2399, %div3A_2372 : vector<16xi1>, vector<16xi32>
    %sub3A_2401 = vector.broadcast %add3A_1955 : i32 to vector<16xi32>
    %sub3A_2402 = arith.subi %select_n3A_2400, %sub3A_2401 : vector<16xi32>
    %get3A_2403 = arith.constant 544 : index
    %get3A_2404 = tpu.vector_load %arg5[%get3A_2403] {strides = array<i32>} : memref<768xi32, #tpu.memory_space<vmem>>, vector<16xi32>,
    %get3A_2405 = arith.constant 544 : index
    %get3A_2406 = tpu.vector_load %arg6[%get3A_2405] {strides = array<i32>} : memref<768xf32, #tpu.memory_space<vmem>>, vector<16xf32>,
    tpu.vector_store_idx %arg7[%sub3A_2402, %get3A_2404], %get3A_2406 : memref<128x800xf32, #tpu.memory_space<vmem>>[vector<16xi32>, vector<16xi32>], vector<16xf32>,
    %add3A_2407 = arith.constant 560 : i32
    %add3A_2408 = arith.addi %mul3A_2, %add3A_2407 : i32
    %add3A_2409 = vector.broadcast %add3A_2408 : i32 to vector<16xi32>
    %add3A_2410 = arith.addi %add3A_2409, %iota3A : vector<16xi32>
    %jit3A_2411 = arith.constant 3 : i32
    %div3A_2412 = vector.broadcast %jit3A_2411 : i32 to vector<16xi32>
    %div3A_2413 = arith.divsi %add3A_2410, %div3A_2412 : vector<16xi32>
    %sign3A_2414 = arith.constant 0 : i32
    %sign3A_2415 = vector.broadcast %sign3A_2414 : i32 to vector<16xi32>
    %sign3A_2416 = arith.cmpi sgt, %add3A_2410, %sign3A_2415 : vector<16xi32>
    %sign3A_2417 = arith.extui %sign3A_2416 : vector<16xi1> to vector<16xi32>
    %sign3A_2418 = arith.constant 0 : i32
    %sign3A_2419 = vector.broadcast %sign3A_2418 : i32 to vector<16xi32>
    %sign3A_2420 = arith.cmpi slt, %add3A_2410, %sign3A_2419 : vector<16xi32>
    %sign3A_2421 = arith.extui %sign3A_2420 : vector<16xi1> to vector<16xi32>
    %sign3A_2422 = arith.subi %sign3A_2417, %sign3A_2421 : vector<16xi32>
    %sign3A_2423 = arith.constant 0 : i32
    %sign3A_2424 = arith.cmpi sgt, %jit3A_2411, %sign3A_2423 : i32
    %sign3A_2425 = arith.extui %sign3A_2424 : i1 to i32
    %sign3A_2426 = arith.constant 0 : i32
    %sign3A_2427 = arith.cmpi slt, %jit3A_2411, %sign3A_2426 : i32
    %sign3A_2428 = arith.extui %sign3A_2427 : i1 to i32
    %sign3A_2429 = arith.subi %sign3A_2425, %sign3A_2428 : i32
    %ne3A_2430 = vector.broadcast %sign3A_2429 : i32 to vector<16xi32>
    %ne3A_2431 = arith.cmpi ne, %sign3A_2422, %ne3A_2430 : vector<16xi32>
    %rem3A_2432 = vector.broadcast %jit3A_2411 : i32 to vector<16xi32>
    %rem3A_2433 = arith.remsi %add3A_2410, %rem3A_2432 : vector<16xi32>
    %ne3A_2434 = arith.constant 0 : i32
    %ne3A_2435 = vector.broadcast %ne3A_2434 : i32 to vector<16xi32>
    %ne3A_2436 = arith.cmpi ne, %rem3A_2433, %ne3A_2435 : vector<16xi32>
    %and3A_2437 = arith.andi %ne3A_2431, %ne3A_2436 : vector<16xi1>
    %sub3A_2438 = arith.constant 1 : i32
    %sub3A_2439 = vector.broadcast %sub3A_2438 : i32 to vector<16xi32>
    %sub3A_2440 = arith.subi %div3A_2413, %sub3A_2439 : vector<16xi32>
    %select_n3A_2441 = arith.select %and3A_2437, %sub3A_2440, %div3A_2413 : vector<16xi1>, vector<16xi32>
    %sub3A_2442 = vector.broadcast %add3A_1955 : i32 to vector<16xi32>
    %sub3A_2443 = arith.subi %select_n3A_2441, %sub3A_2442 : vector<16xi32>
    %get3A_2444 = arith.constant 560 : index
    %get3A_2445 = tpu.vector_load %arg5[%get3A_2444] {strides = array<i32>} : memref<768xi32, #tpu.memory_space<vmem>>, vector<16xi32>,
    %get3A_2446 = arith.constant 560 : index
    %get3A_2447 = tpu.vector_load %arg6[%get3A_2446] {strides = array<i32>} : memref<768xf32, #tpu.memory_space<vmem>>, vector<16xf32>,
    tpu.vector_store_idx %arg7[%sub3A_2443, %get3A_2445], %get3A_2447 : memref<128x800xf32, #tpu.memory_space<vmem>>[vector<16xi32>, vector<16xi32>], vector<16xf32>,
    %add3A_2448 = arith.constant 576 : i32
    %add3A_2449 = arith.addi %mul3A_2, %add3A_2448 : i32
    %add3A_2450 = vector.broadcast %add3A_2449 : i32 to vector<16xi32>
    %add3A_2451 = arith.addi %add3A_2450, %iota3A : vector<16xi32>
    %jit3A_2452 = arith.constant 3 : i32
    %div3A_2453 = vector.broadcast %jit3A_2452 : i32 to vector<16xi32>
    %div3A_2454 = arith.divsi %add3A_2451, %div3A_2453 : vector<16xi32>
    %sign3A_2455 = arith.constant 0 : i32
    %sign3A_2456 = vector.broadcast %sign3A_2455 : i32 to vector<16xi32>
    %sign3A_2457 = arith.cmpi sgt, %add3A_2451, %sign3A_2456 : vector<16xi32>
    %sign3A_2458 = arith.extui %sign3A_2457 : vector<16xi1> to vector<16xi32>
    %sign3A_2459 = arith.constant 0 : i32
    %sign3A_2460 = vector.broadcast %sign3A_2459 : i32 to vector<16xi32>
    %sign3A_2461 = arith.cmpi slt, %add3A_2451, %sign3A_2460 : vector<16xi32>
    %sign3A_2462 = arith.extui %sign3A_2461 : vector<16xi1> to vector<16xi32>
    %sign3A_2463 = arith.subi %sign3A_2458, %sign3A_2462 : vector<16xi32>
    %sign3A_2464 = arith.constant 0 : i32
    %sign3A_2465 = arith.cmpi sgt, %jit3A_2452, %sign3A_2464 : i32
    %sign3A_2466 = arith.extui %sign3A_2465 : i1 to i32
    %sign3A_2467 = arith.constant 0 : i32
    %sign3A_2468 = arith.cmpi slt, %jit3A_2452, %sign3A_2467 : i32
    %sign3A_2469 = arith.extui %sign3A_2468 : i1 to i32
    %sign3A_2470 = arith.subi %sign3A_2466, %sign3A_2469 : i32
    %ne3A_2471 = vector.broadcast %sign3A_2470 : i32 to vector<16xi32>
    %ne3A_2472 = arith.cmpi ne, %sign3A_2463, %ne3A_2471 : vector<16xi32>
    %rem3A_2473 = vector.broadcast %jit3A_2452 : i32 to vector<16xi32>
    %rem3A_2474 = arith.remsi %add3A_2451, %rem3A_2473 : vector<16xi32>
    %ne3A_2475 = arith.constant 0 : i32
    %ne3A_2476 = vector.broadcast %ne3A_2475 : i32 to vector<16xi32>
    %ne3A_2477 = arith.cmpi ne, %rem3A_2474, %ne3A_2476 : vector<16xi32>
    %and3A_2478 = arith.andi %ne3A_2472, %ne3A_2477 : vector<16xi1>
    %sub3A_2479 = arith.constant 1 : i32
    %sub3A_2480 = vector.broadcast %sub3A_2479 : i32 to vector<16xi32>
    %sub3A_2481 = arith.subi %div3A_2454, %sub3A_2480 : vector<16xi32>
    %select_n3A_2482 = arith.select %and3A_2478, %sub3A_2481, %div3A_2454 : vector<16xi1>, vector<16xi32>
    %sub3A_2483 = vector.broadcast %add3A_1955 : i32 to vector<16xi32>
    %sub3A_2484 = arith.subi %select_n3A_2482, %sub3A_2483 : vector<16xi32>
    %get3A_2485 = arith.constant 576 : index
    %get3A_2486 = tpu.vector_load %arg5[%get3A_2485] {strides = array<i32>} : memref<768xi32, #tpu.memory_space<vmem>>, vector<16xi32>,
    %get3A_2487 = arith.constant 576 : index
    %get3A_2488 = tpu.vector_load %arg6[%get3A_2487] {strides = array<i32>} : memref<768xf32, #tpu.memory_space<vmem>>, vector<16xf32>,
    tpu.vector_store_idx %arg7[%sub3A_2484, %get3A_2486], %get3A_2488 : memref<128x800xf32, #tpu.memory_space<vmem>>[vector<16xi32>, vector<16xi32>], vector<16xf32>,
    %add3A_2489 = arith.constant 592 : i32
    %add3A_2490 = arith.addi %mul3A_2, %add3A_2489 : i32
    %add3A_2491 = vector.broadcast %add3A_2490 : i32 to vector<16xi32>
    %add3A_2492 = arith.addi %add3A_2491, %iota3A : vector<16xi32>
    %jit3A_2493 = arith.constant 3 : i32
    %div3A_2494 = vector.broadcast %jit3A_2493 : i32 to vector<16xi32>
    %div3A_2495 = arith.divsi %add3A_2492, %div3A_2494 : vector<16xi32>
    %sign3A_2496 = arith.constant 0 : i32
    %sign3A_2497 = vector.broadcast %sign3A_2496 : i32 to vector<16xi32>
    %sign3A_2498 = arith.cmpi sgt, %add3A_2492, %sign3A_2497 : vector<16xi32>
    %sign3A_2499 = arith.extui %sign3A_2498 : vector<16xi1> to vector<16xi32>
    %sign3A_2500 = arith.constant 0 : i32
    %sign3A_2501 = vector.broadcast %sign3A_2500 : i32 to vector<16xi32>
    %sign3A_2502 = arith.cmpi slt, %add3A_2492, %sign3A_2501 : vector<16xi32>
    %sign3A_2503 = arith.extui %sign3A_2502 : vector<16xi1> to vector<16xi32>
    %sign3A_2504 = arith.subi %sign3A_2499, %sign3A_2503 : vector<16xi32>
    %sign3A_2505 = arith.constant 0 : i32
    %sign3A_2506 = arith.cmpi sgt, %jit3A_2493, %sign3A_2505 : i32
    %sign3A_2507 = arith.extui %sign3A_2506 : i1 to i32
    %sign3A_2508 = arith.constant 0 : i32
    %sign3A_2509 = arith.cmpi slt, %jit3A_2493, %sign3A_2508 : i32
    %sign3A_2510 = arith.extui %sign3A_2509 : i1 to i32
    %sign3A_2511 = arith.subi %sign3A_2507, %sign3A_2510 : i32
    %ne3A_2512 = vector.broadcast %sign3A_2511 : i32 to vector<16xi32>
    %ne3A_2513 = arith.cmpi ne, %sign3A_2504, %ne3A_2512 : vector<16xi32>
    %rem3A_2514 = vector.broadcast %jit3A_2493 : i32 to vector<16xi32>
    %rem3A_2515 = arith.remsi %add3A_2492, %rem3A_2514 : vector<16xi32>
    %ne3A_2516 = arith.constant 0 : i32
    %ne3A_2517 = vector.broadcast %ne3A_2516 : i32 to vector<16xi32>
    %ne3A_2518 = arith.cmpi ne, %rem3A_2515, %ne3A_2517 : vector<16xi32>
    %and3A_2519 = arith.andi %ne3A_2513, %ne3A_2518 : vector<16xi1>
    %sub3A_2520 = arith.constant 1 : i32
    %sub3A_2521 = vector.broadcast %sub3A_2520 : i32 to vector<16xi32>
    %sub3A_2522 = arith.subi %div3A_2495, %sub3A_2521 : vector<16xi32>
    %select_n3A_2523 = arith.select %and3A_2519, %sub3A_2522, %div3A_2495 : vector<16xi1>, vector<16xi32>
    %sub3A_2524 = vector.broadcast %add3A_1955 : i32 to vector<16xi32>
    %sub3A_2525 = arith.subi %select_n3A_2523, %sub3A_2524 : vector<16xi32>
    %get3A_2526 = arith.constant 592 : index
    %get3A_2527 = tpu.vector_load %arg5[%get3A_2526] {strides = array<i32>} : memref<768xi32, #tpu.memory_space<vmem>>, vector<16xi32>,
    %get3A_2528 = arith.constant 592 : index
    %get3A_2529 = tpu.vector_load %arg6[%get3A_2528] {strides = array<i32>} : memref<768xf32, #tpu.memory_space<vmem>>, vector<16xf32>,
    tpu.vector_store_idx %arg7[%sub3A_2525, %get3A_2527], %get3A_2529 : memref<128x800xf32, #tpu.memory_space<vmem>>[vector<16xi32>, vector<16xi32>], vector<16xf32>,
    %add3A_2530 = arith.constant 608 : i32
    %add3A_2531 = arith.addi %mul3A_2, %add3A_2530 : i32
    %add3A_2532 = vector.broadcast %add3A_2531 : i32 to vector<16xi32>
    %add3A_2533 = arith.addi %add3A_2532, %iota3A : vector<16xi32>
    %jit3A_2534 = arith.constant 3 : i32
    %div3A_2535 = vector.broadcast %jit3A_2534 : i32 to vector<16xi32>
    %div3A_2536 = arith.divsi %add3A_2533, %div3A_2535 : vector<16xi32>
    %sign3A_2537 = arith.constant 0 : i32
    %sign3A_2538 = vector.broadcast %sign3A_2537 : i32 to vector<16xi32>
    %sign3A_2539 = arith.cmpi sgt, %add3A_2533, %sign3A_2538 : vector<16xi32>
    %sign3A_2540 = arith.extui %sign3A_2539 : vector<16xi1> to vector<16xi32>
    %sign3A_2541 = arith.constant 0 : i32
    %sign3A_2542 = vector.broadcast %sign3A_2541 : i32 to vector<16xi32>
    %sign3A_2543 = arith.cmpi slt, %add3A_2533, %sign3A_2542 : vector<16xi32>
    %sign3A_2544 = arith.extui %sign3A_2543 : vector<16xi1> to vector<16xi32>
    %sign3A_2545 = arith.subi %sign3A_2540, %sign3A_2544 : vector<16xi32>
    %sign3A_2546 = arith.constant 0 : i32
    %sign3A_2547 = arith.cmpi sgt, %jit3A_2534, %sign3A_2546 : i32
    %sign3A_2548 = arith.extui %sign3A_2547 : i1 to i32
    %sign3A_2549 = arith.constant 0 : i32
    %sign3A_2550 = arith.cmpi slt, %jit3A_2534, %sign3A_2549 : i32
    %sign3A_2551 = arith.extui %sign3A_2550 : i1 to i32
    %sign3A_2552 = arith.subi %sign3A_2548, %sign3A_2551 : i32
    %ne3A_2553 = vector.broadcast %sign3A_2552 : i32 to vector<16xi32>
    %ne3A_2554 = arith.cmpi ne, %sign3A_2545, %ne3A_2553 : vector<16xi32>
    %rem3A_2555 = vector.broadcast %jit3A_2534 : i32 to vector<16xi32>
    %rem3A_2556 = arith.remsi %add3A_2533, %rem3A_2555 : vector<16xi32>
    %ne3A_2557 = arith.constant 0 : i32
    %ne3A_2558 = vector.broadcast %ne3A_2557 : i32 to vector<16xi32>
    %ne3A_2559 = arith.cmpi ne, %rem3A_2556, %ne3A_2558 : vector<16xi32>
    %and3A_2560 = arith.andi %ne3A_2554, %ne3A_2559 : vector<16xi1>
    %sub3A_2561 = arith.constant 1 : i32
    %sub3A_2562 = vector.broadcast %sub3A_2561 : i32 to vector<16xi32>
    %sub3A_2563 = arith.subi %div3A_2536, %sub3A_2562 : vector<16xi32>
    %select_n3A_2564 = arith.select %and3A_2560, %sub3A_2563, %div3A_2536 : vector<16xi1>, vector<16xi32>
    %sub3A_2565 = vector.broadcast %add3A_1955 : i32 to vector<16xi32>
    %sub3A_2566 = arith.subi %select_n3A_2564, %sub3A_2565 : vector<16xi32>
    %get3A_2567 = arith.constant 608 : index
    %get3A_2568 = tpu.vector_load %arg5[%get3A_2567] {strides = array<i32>} : memref<768xi32, #tpu.memory_space<vmem>>, vector<16xi32>,
    %get3A_2569 = arith.constant 608 : index
    %get3A_2570 = tpu.vector_load %arg6[%get3A_2569] {strides = array<i32>} : memref<768xf32, #tpu.memory_space<vmem>>, vector<16xf32>,
    tpu.vector_store_idx %arg7[%sub3A_2566, %get3A_2568], %get3A_2570 : memref<128x800xf32, #tpu.memory_space<vmem>>[vector<16xi32>, vector<16xi32>], vector<16xf32>,
    %add3A_2571 = arith.constant 624 : i32
    %add3A_2572 = arith.addi %mul3A_2, %add3A_2571 : i32
    %add3A_2573 = vector.broadcast %add3A_2572 : i32 to vector<16xi32>
    %add3A_2574 = arith.addi %add3A_2573, %iota3A : vector<16xi32>
    %jit3A_2575 = arith.constant 3 : i32
    %div3A_2576 = vector.broadcast %jit3A_2575 : i32 to vector<16xi32>
    %div3A_2577 = arith.divsi %add3A_2574, %div3A_2576 : vector<16xi32>
    %sign3A_2578 = arith.constant 0 : i32
    %sign3A_2579 = vector.broadcast %sign3A_2578 : i32 to vector<16xi32>
    %sign3A_2580 = arith.cmpi sgt, %add3A_2574, %sign3A_2579 : vector<16xi32>
    %sign3A_2581 = arith.extui %sign3A_2580 : vector<16xi1> to vector<16xi32>
    %sign3A_2582 = arith.constant 0 : i32
    %sign3A_2583 = vector.broadcast %sign3A_2582 : i32 to vector<16xi32>
    %sign3A_2584 = arith.cmpi slt, %add3A_2574, %sign3A_2583 : vector<16xi32>
    %sign3A_2585 = arith.extui %sign3A_2584 : vector<16xi1> to vector<16xi32>
    %sign3A_2586 = arith.subi %sign3A_2581, %sign3A_2585 : vector<16xi32>
    %sign3A_2587 = arith.constant 0 : i32
    %sign3A_2588 = arith.cmpi sgt, %jit3A_2575, %sign3A_2587 : i32
    %sign3A_2589 = arith.extui %sign3A_2588 : i1 to i32
    %sign3A_2590 = arith.constant 0 : i32
    %sign3A_2591 = arith.cmpi slt, %jit3A_2575, %sign3A_2590 : i32
    %sign3A_2592 = arith.extui %sign3A_2591 : i1 to i32
    %sign3A_2593 = arith.subi %sign3A_2589, %sign3A_2592 : i32
    %ne3A_2594 = vector.broadcast %sign3A_2593 : i32 to vector<16xi32>
    %ne3A_2595 = arith.cmpi ne, %sign3A_2586, %ne3A_2594 : vector<16xi32>
    %rem3A_2596 = vector.broadcast %jit3A_2575 : i32 to vector<16xi32>
    %rem3A_2597 = arith.remsi %add3A_2574, %rem3A_2596 : vector<16xi32>
    %ne3A_2598 = arith.constant 0 : i32
    %ne3A_2599 = vector.broadcast %ne3A_2598 : i32 to vector<16xi32>
    %ne3A_2600 = arith.cmpi ne, %rem3A_2597, %ne3A_2599 : vector<16xi32>
    %and3A_2601 = arith.andi %ne3A_2595, %ne3A_2600 : vector<16xi1>
    %sub3A_2602 = arith.constant 1 : i32
    %sub3A_2603 = vector.broadcast %sub3A_2602 : i32 to vector<16xi32>
    %sub3A_2604 = arith.subi %div3A_2577, %sub3A_2603 : vector<16xi32>
    %select_n3A_2605 = arith.select %and3A_2601, %sub3A_2604, %div3A_2577 : vector<16xi1>, vector<16xi32>
    %sub3A_2606 = vector.broadcast %add3A_1955 : i32 to vector<16xi32>
    %sub3A_2607 = arith.subi %select_n3A_2605, %sub3A_2606 : vector<16xi32>
    %get3A_2608 = arith.constant 624 : index
    %get3A_2609 = tpu.vector_load %arg5[%get3A_2608] {strides = array<i32>} : memref<768xi32, #tpu.memory_space<vmem>>, vector<16xi32>,
    %get3A_2610 = arith.constant 624 : index
    %get3A_2611 = tpu.vector_load %arg6[%get3A_2610] {strides = array<i32>} : memref<768xf32, #tpu.memory_space<vmem>>, vector<16xf32>,
    tpu.vector_store_idx %arg7[%sub3A_2607, %get3A_2609], %get3A_2611 : memref<128x800xf32, #tpu.memory_space<vmem>>[vector<16xi32>, vector<16xi32>], vector<16xf32>,
    %add3A_2612 = arith.constant 640 : i32
    %add3A_2613 = arith.addi %mul3A_2, %add3A_2612 : i32
    %add3A_2614 = vector.broadcast %add3A_2613 : i32 to vector<16xi32>
    %add3A_2615 = arith.addi %add3A_2614, %iota3A : vector<16xi32>
    %jit3A_2616 = arith.constant 3 : i32
    %div3A_2617 = vector.broadcast %jit3A_2616 : i32 to vector<16xi32>
    %div3A_2618 = arith.divsi %add3A_2615, %div3A_2617 : vector<16xi32>
    %sign3A_2619 = arith.constant 0 : i32
    %sign3A_2620 = vector.broadcast %sign3A_2619 : i32 to vector<16xi32>
    %sign3A_2621 = arith.cmpi sgt, %add3A_2615, %sign3A_2620 : vector<16xi32>
    %sign3A_2622 = arith.extui %sign3A_2621 : vector<16xi1> to vector<16xi32>
    %sign3A_2623 = arith.constant 0 : i32
    %sign3A_2624 = vector.broadcast %sign3A_2623 : i32 to vector<16xi32>
    %sign3A_2625 = arith.cmpi slt, %add3A_2615, %sign3A_2624 : vector<16xi32>
    %sign3A_2626 = arith.extui %sign3A_2625 : vector<16xi1> to vector<16xi32>
    %sign3A_2627 = arith.subi %sign3A_2622, %sign3A_2626 : vector<16xi32>
    %sign3A_2628 = arith.constant 0 : i32
    %sign3A_2629 = arith.cmpi sgt, %jit3A_2616, %sign3A_2628 : i32
    %sign3A_2630 = arith.extui %sign3A_2629 : i1 to i32
    %sign3A_2631 = arith.constant 0 : i32
    %sign3A_2632 = arith.cmpi slt, %jit3A_2616, %sign3A_2631 : i32
    %sign3A_2633 = arith.extui %sign3A_2632 : i1 to i32
    %sign3A_2634 = arith.subi %sign3A_2630, %sign3A_2633 : i32
    %ne3A_2635 = vector.broadcast %sign3A_2634 : i32 to vector<16xi32>
    %ne3A_2636 = arith.cmpi ne, %sign3A_2627, %ne3A_2635 : vector<16xi32>
    %rem3A_2637 = vector.broadcast %jit3A_2616 : i32 to vector<16xi32>
    %rem3A_2638 = arith.remsi %add3A_2615, %rem3A_2637 : vector<16xi32>
    %ne3A_2639 = arith.constant 0 : i32
    %ne3A_2640 = vector.broadcast %ne3A_2639 : i32 to vector<16xi32>
    %ne3A_2641 = arith.cmpi ne, %rem3A_2638, %ne3A_2640 : vector<16xi32>
    %and3A_2642 = arith.andi %ne3A_2636, %ne3A_2641 : vector<16xi1>
    %sub3A_2643 = arith.constant 1 : i32
    %sub3A_2644 = vector.broadcast %sub3A_2643 : i32 to vector<16xi32>
    %sub3A_2645 = arith.subi %div3A_2618, %sub3A_2644 : vector<16xi32>
    %select_n3A_2646 = arith.select %and3A_2642, %sub3A_2645, %div3A_2618 : vector<16xi1>, vector<16xi32>
    %sub3A_2647 = vector.broadcast %add3A_1955 : i32 to vector<16xi32>
    %sub3A_2648 = arith.subi %select_n3A_2646, %sub3A_2647 : vector<16xi32>
    %get3A_2649 = arith.constant 640 : index
    %get3A_2650 = tpu.vector_load %arg5[%get3A_2649] {strides = array<i32>} : memref<768xi32, #tpu.memory_space<vmem>>, vector<16xi32>,
    %get3A_2651 = arith.constant 640 : index
    %get3A_2652 = tpu.vector_load %arg6[%get3A_2651] {strides = array<i32>} : memref<768xf32, #tpu.memory_space<vmem>>, vector<16xf32>,
    tpu.vector_store_idx %arg7[%sub3A_2648, %get3A_2650], %get3A_2652 : memref<128x800xf32, #tpu.memory_space<vmem>>[vector<16xi32>, vector<16xi32>], vector<16xf32>,
    %add3A_2653 = arith.constant 656 : i32
    %add3A_2654 = arith.addi %mul3A_2, %add3A_2653 : i32
    %add3A_2655 = vector.broadcast %add3A_2654 : i32 to vector<16xi32>
    %add3A_2656 = arith.addi %add3A_2655, %iota3A : vector<16xi32>
    %jit3A_2657 = arith.constant 3 : i32
    %div3A_2658 = vector.broadcast %jit3A_2657 : i32 to vector<16xi32>
    %div3A_2659 = arith.divsi %add3A_2656, %div3A_2658 : vector<16xi32>
    %sign3A_2660 = arith.constant 0 : i32
    %sign3A_2661 = vector.broadcast %sign3A_2660 : i32 to vector<16xi32>
    %sign3A_2662 = arith.cmpi sgt, %add3A_2656, %sign3A_2661 : vector<16xi32>
    %sign3A_2663 = arith.extui %sign3A_2662 : vector<16xi1> to vector<16xi32>
    %sign3A_2664 = arith.constant 0 : i32
    %sign3A_2665 = vector.broadcast %sign3A_2664 : i32 to vector<16xi32>
    %sign3A_2666 = arith.cmpi slt, %add3A_2656, %sign3A_2665 : vector<16xi32>
    %sign3A_2667 = arith.extui %sign3A_2666 : vector<16xi1> to vector<16xi32>
    %sign3A_2668 = arith.subi %sign3A_2663, %sign3A_2667 : vector<16xi32>
    %sign3A_2669 = arith.constant 0 : i32
    %sign3A_2670 = arith.cmpi sgt, %jit3A_2657, %sign3A_2669 : i32
    %sign3A_2671 = arith.extui %sign3A_2670 : i1 to i32
    %sign3A_2672 = arith.constant 0 : i32
    %sign3A_2673 = arith.cmpi slt, %jit3A_2657, %sign3A_2672 : i32
    %sign3A_2674 = arith.extui %sign3A_2673 : i1 to i32
    %sign3A_2675 = arith.subi %sign3A_2671, %sign3A_2674 : i32
    %ne3A_2676 = vector.broadcast %sign3A_2675 : i32 to vector<16xi32>
    %ne3A_2677 = arith.cmpi ne, %sign3A_2668, %ne3A_2676 : vector<16xi32>
    %rem3A_2678 = vector.broadcast %jit3A_2657 : i32 to vector<16xi32>
    %rem3A_2679 = arith.remsi %add3A_2656, %rem3A_2678 : vector<16xi32>
    %ne3A_2680 = arith.constant 0 : i32
    %ne3A_2681 = vector.broadcast %ne3A_2680 : i32 to vector<16xi32>
    %ne3A_2682 = arith.cmpi ne, %rem3A_2679, %ne3A_2681 : vector<16xi32>
    %and3A_2683 = arith.andi %ne3A_2677, %ne3A_2682 : vector<16xi1>
    %sub3A_2684 = arith.constant 1 : i32
    %sub3A_2685 = vector.broadcast %sub3A_2684 : i32 to vector<16xi32>
    %sub3A_2686 = arith.subi %div3A_2659, %sub3A_2685 : vector<16xi32>
    %select_n3A_2687 = arith.select %and3A_2683, %sub3A_2686, %div3A_2659 : vector<16xi1>, vector<16xi32>
    %sub3A_2688 = vector.broadcast %add3A_1955 : i32 to vector<16xi32>
    %sub3A_2689 = arith.subi %select_n3A_2687, %sub3A_2688 : vector<16xi32>
    %get3A_2690 = arith.constant 656 : index
    %get3A_2691 = tpu.vector_load %arg5[%get3A_2690] {strides = array<i32>} : memref<768xi32, #tpu.memory_space<vmem>>, vector<16xi32>,
    %get3A_2692 = arith.constant 656 : index
    %get3A_2693 = tpu.vector_load %arg6[%get3A_2692] {strides = array<i32>} : memref<768xf32, #tpu.memory_space<vmem>>, vector<16xf32>,
    tpu.vector_store_idx %arg7[%sub3A_2689, %get3A_2691], %get3A_2693 : memref<128x800xf32, #tpu.memory_space<vmem>>[vector<16xi32>, vector<16xi32>], vector<16xf32>,
    %add3A_2694 = arith.constant 672 : i32
    %add3A_2695 = arith.addi %mul3A_2, %add3A_2694 : i32
    %add3A_2696 = vector.broadcast %add3A_2695 : i32 to vector<16xi32>
    %add3A_2697 = arith.addi %add3A_2696, %iota3A : vector<16xi32>
    %jit3A_2698 = arith.constant 3 : i32
    %div3A_2699 = vector.broadcast %jit3A_2698 : i32 to vector<16xi32>
    %div3A_2700 = arith.divsi %add3A_2697, %div3A_2699 : vector<16xi32>
    %sign3A_2701 = arith.constant 0 : i32
    %sign3A_2702 = vector.broadcast %sign3A_2701 : i32 to vector<16xi32>
    %sign3A_2703 = arith.cmpi sgt, %add3A_2697, %sign3A_2702 : vector<16xi32>
    %sign3A_2704 = arith.extui %sign3A_2703 : vector<16xi1> to vector<16xi32>
    %sign3A_2705 = arith.constant 0 : i32
    %sign3A_2706 = vector.broadcast %sign3A_2705 : i32 to vector<16xi32>
    %sign3A_2707 = arith.cmpi slt, %add3A_2697, %sign3A_2706 : vector<16xi32>
    %sign3A_2708 = arith.extui %sign3A_2707 : vector<16xi1> to vector<16xi32>
    %sign3A_2709 = arith.subi %sign3A_2704, %sign3A_2708 : vector<16xi32>
    %sign3A_2710 = arith.constant 0 : i32
    %sign3A_2711 = arith.cmpi sgt, %jit3A_2698, %sign3A_2710 : i32
    %sign3A_2712 = arith.extui %sign3A_2711 : i1 to i32
    %sign3A_2713 = arith.constant 0 : i32
    %sign3A_2714 = arith.cmpi slt, %jit3A_2698, %sign3A_2713 : i32
    %sign3A_2715 = arith.extui %sign3A_2714 : i1 to i32
    %sign3A_2716 = arith.subi %sign3A_2712, %sign3A_2715 : i32
    %ne3A_2717 = vector.broadcast %sign3A_2716 : i32 to vector<16xi32>
    %ne3A_2718 = arith.cmpi ne, %sign3A_2709, %ne3A_2717 : vector<16xi32>
    %rem3A_2719 = vector.broadcast %jit3A_2698 : i32 to vector<16xi32>
    %rem3A_2720 = arith.remsi %add3A_2697, %rem3A_2719 : vector<16xi32>
    %ne3A_2721 = arith.constant 0 : i32
    %ne3A_2722 = vector.broadcast %ne3A_2721 : i32 to vector<16xi32>
    %ne3A_2723 = arith.cmpi ne, %rem3A_2720, %ne3A_2722 : vector<16xi32>
    %and3A_2724 = arith.andi %ne3A_2718, %ne3A_2723 : vector<16xi1>
    %sub3A_2725 = arith.constant 1 : i32
    %sub3A_2726 = vector.broadcast %sub3A_2725 : i32 to vector<16xi32>
    %sub3A_2727 = arith.subi %div3A_2700, %sub3A_2726 : vector<16xi32>
    %select_n3A_2728 = arith.select %and3A_2724, %sub3A_2727, %div3A_2700 : vector<16xi1>, vector<16xi32>
    %sub3A_2729 = vector.broadcast %add3A_1955 : i32 to vector<16xi32>
    %sub3A_2730 = arith.subi %select_n3A_2728, %sub3A_2729 : vector<16xi32>
    %get3A_2731 = arith.constant 672 : index
    %get3A_2732 = tpu.vector_load %arg5[%get3A_2731] {strides = array<i32>} : memref<768xi32, #tpu.memory_space<vmem>>, vector<16xi32>,
    %get3A_2733 = arith.constant 672 : index
    %get3A_2734 = tpu.vector_load %arg6[%get3A_2733] {strides = array<i32>} : memref<768xf32, #tpu.memory_space<vmem>>, vector<16xf32>,
    tpu.vector_store_idx %arg7[%sub3A_2730, %get3A_2732], %get3A_2734 : memref<128x800xf32, #tpu.memory_space<vmem>>[vector<16xi32>, vector<16xi32>], vector<16xf32>,
    %add3A_2735 = arith.constant 688 : i32
    %add3A_2736 = arith.addi %mul3A_2, %add3A_2735 : i32
    %add3A_2737 = vector.broadcast %add3A_2736 : i32 to vector<16xi32>
    %add3A_2738 = arith.addi %add3A_2737, %iota3A : vector<16xi32>
    %jit3A_2739 = arith.constant 3 : i32
    %div3A_2740 = vector.broadcast %jit3A_2739 : i32 to vector<16xi32>
    %div3A_2741 = arith.divsi %add3A_2738, %div3A_2740 : vector<16xi32>
    %sign3A_2742 = arith.constant 0 : i32
    %sign3A_2743 = vector.broadcast %sign3A_2742 : i32 to vector<16xi32>
    %sign3A_2744 = arith.cmpi sgt, %add3A_2738, %sign3A_2743 : vector<16xi32>
    %sign3A_2745 = arith.extui %sign3A_2744 : vector<16xi1> to vector<16xi32>
    %sign3A_2746 = arith.constant 0 : i32
    %sign3A_2747 = vector.broadcast %sign3A_2746 : i32 to vector<16xi32>
    %sign3A_2748 = arith.cmpi slt, %add3A_2738, %sign3A_2747 : vector<16xi32>
    %sign3A_2749 = arith.extui %sign3A_2748 : vector<16xi1> to vector<16xi32>
    %sign3A_2750 = arith.subi %sign3A_2745, %sign3A_2749 : vector<16xi32>
    %sign3A_2751 = arith.constant 0 : i32
    %sign3A_2752 = arith.cmpi sgt, %jit3A_2739, %sign3A_2751 : i32
    %sign3A_2753 = arith.extui %sign3A_2752 : i1 to i32
    %sign3A_2754 = arith.constant 0 : i32
    %sign3A_2755 = arith.cmpi slt, %jit3A_2739, %sign3A_2754 : i32
    %sign3A_2756 = arith.extui %sign3A_2755 : i1 to i32
    %sign3A_2757 = arith.subi %sign3A_2753, %sign3A_2756 : i32
    %ne3A_2758 = vector.broadcast %sign3A_2757 : i32 to vector<16xi32>
    %ne3A_2759 = arith.cmpi ne, %sign3A_2750, %ne3A_2758 : vector<16xi32>
    %rem3A_2760 = vector.broadcast %jit3A_2739 : i32 to vector<16xi32>
    %rem3A_2761 = arith.remsi %add3A_2738, %rem3A_2760 : vector<16xi32>
    %ne3A_2762 = arith.constant 0 : i32
    %ne3A_2763 = vector.broadcast %ne3A_2762 : i32 to vector<16xi32>
    %ne3A_2764 = arith.cmpi ne, %rem3A_2761, %ne3A_2763 : vector<16xi32>
    %and3A_2765 = arith.andi %ne3A_2759, %ne3A_2764 : vector<16xi1>
    %sub3A_2766 = arith.constant 1 : i32
    %sub3A_2767 = vector.broadcast %sub3A_2766 : i32 to vector<16xi32>
    %sub3A_2768 = arith.subi %div3A_2741, %sub3A_2767 : vector<16xi32>
    %select_n3A_2769 = arith.select %and3A_2765, %sub3A_2768, %div3A_2741 : vector<16xi1>, vector<16xi32>
    %sub3A_2770 = vector.broadcast %add3A_1955 : i32 to vector<16xi32>
    %sub3A_2771 = arith.subi %select_n3A_2769, %sub3A_2770 : vector<16xi32>
    %get3A_2772 = arith.constant 688 : index
    %get3A_2773 = tpu.vector_load %arg5[%get3A_2772] {strides = array<i32>} : memref<768xi32, #tpu.memory_space<vmem>>, vector<16xi32>,
    %get3A_2774 = arith.constant 688 : index
    %get3A_2775 = tpu.vector_load %arg6[%get3A_2774] {strides = array<i32>} : memref<768xf32, #tpu.memory_space<vmem>>, vector<16xf32>,
    tpu.vector_store_idx %arg7[%sub3A_2771, %get3A_2773], %get3A_2775 : memref<128x800xf32, #tpu.memory_space<vmem>>[vector<16xi32>, vector<16xi32>], vector<16xf32>,
    %add3A_2776 = arith.constant 704 : i32
    %add3A_2777 = arith.addi %mul3A_2, %add3A_2776 : i32
    %add3A_2778 = vector.broadcast %add3A_2777 : i32 to vector<16xi32>
    %add3A_2779 = arith.addi %add3A_2778, %iota3A : vector<16xi32>
    %jit3A_2780 = arith.constant 3 : i32
    %div3A_2781 = vector.broadcast %jit3A_2780 : i32 to vector<16xi32>
    %div3A_2782 = arith.divsi %add3A_2779, %div3A_2781 : vector<16xi32>
    %sign3A_2783 = arith.constant 0 : i32
    %sign3A_2784 = vector.broadcast %sign3A_2783 : i32 to vector<16xi32>
    %sign3A_2785 = arith.cmpi sgt, %add3A_2779, %sign3A_2784 : vector<16xi32>
    %sign3A_2786 = arith.extui %sign3A_2785 : vector<16xi1> to vector<16xi32>
    %sign3A_2787 = arith.constant 0 : i32
    %sign3A_2788 = vector.broadcast %sign3A_2787 : i32 to vector<16xi32>
    %sign3A_2789 = arith.cmpi slt, %add3A_2779, %sign3A_2788 : vector<16xi32>
    %sign3A_2790 = arith.extui %sign3A_2789 : vector<16xi1> to vector<16xi32>
    %sign3A_2791 = arith.subi %sign3A_2786, %sign3A_2790 : vector<16xi32>
    %sign3A_2792 = arith.constant 0 : i32
    %sign3A_2793 = arith.cmpi sgt, %jit3A_2780, %sign3A_2792 : i32
    %sign3A_2794 = arith.extui %sign3A_2793 : i1 to i32
    %sign3A_2795 = arith.constant 0 : i32
    %sign3A_2796 = arith.cmpi slt, %jit3A_2780, %sign3A_2795 : i32
    %sign3A_2797 = arith.extui %sign3A_2796 : i1 to i32
    %sign3A_2798 = arith.subi %sign3A_2794, %sign3A_2797 : i32
    %ne3A_2799 = vector.broadcast %sign3A_2798 : i32 to vector<16xi32>
    %ne3A_2800 = arith.cmpi ne, %sign3A_2791, %ne3A_2799 : vector<16xi32>
    %rem3A_2801 = vector.broadcast %jit3A_2780 : i32 to vector<16xi32>
    %rem3A_2802 = arith.remsi %add3A_2779, %rem3A_2801 : vector<16xi32>
    %ne3A_2803 = arith.constant 0 : i32
    %ne3A_2804 = vector.broadcast %ne3A_2803 : i32 to vector<16xi32>
    %ne3A_2805 = arith.cmpi ne, %rem3A_2802, %ne3A_2804 : vector<16xi32>
    %and3A_2806 = arith.andi %ne3A_2800, %ne3A_2805 : vector<16xi1>
    %sub3A_2807 = arith.constant 1 : i32
    %sub3A_2808 = vector.broadcast %sub3A_2807 : i32 to vector<16xi32>
    %sub3A_2809 = arith.subi %div3A_2782, %sub3A_2808 : vector<16xi32>
    %select_n3A_2810 = arith.select %and3A_2806, %sub3A_2809, %div3A_2782 : vector<16xi1>, vector<16xi32>
    %sub3A_2811 = vector.broadcast %add3A_1955 : i32 to vector<16xi32>
    %sub3A_2812 = arith.subi %select_n3A_2810, %sub3A_2811 : vector<16xi32>
    %get3A_2813 = arith.constant 704 : index
    %get3A_2814 = tpu.vector_load %arg5[%get3A_2813] {strides = array<i32>} : memref<768xi32, #tpu.memory_space<vmem>>, vector<16xi32>,
    %get3A_2815 = arith.constant 704 : index
    %get3A_2816 = tpu.vector_load %arg6[%get3A_2815] {strides = array<i32>} : memref<768xf32, #tpu.memory_space<vmem>>, vector<16xf32>,
    tpu.vector_store_idx %arg7[%sub3A_2812, %get3A_2814], %get3A_2816 : memref<128x800xf32, #tpu.memory_space<vmem>>[vector<16xi32>, vector<16xi32>], vector<16xf32>,
    %add3A_2817 = arith.constant 720 : i32
    %add3A_2818 = arith.addi %mul3A_2, %add3A_2817 : i32
    %add3A_2819 = vector.broadcast %add3A_2818 : i32 to vector<16xi32>
    %add3A_2820 = arith.addi %add3A_2819, %iota3A : vector<16xi32>
    %jit3A_2821 = arith.constant 3 : i32
    %div3A_2822 = vector.broadcast %jit3A_2821 : i32 to vector<16xi32>
    %div3A_2823 = arith.divsi %add3A_2820, %div3A_2822 : vector<16xi32>
    %sign3A_2824 = arith.constant 0 : i32
    %sign3A_2825 = vector.broadcast %sign3A_2824 : i32 to vector<16xi32>
    %sign3A_2826 = arith.cmpi sgt, %add3A_2820, %sign3A_2825 : vector<16xi32>
    %sign3A_2827 = arith.extui %sign3A_2826 : vector<16xi1> to vector<16xi32>
    %sign3A_2828 = arith.constant 0 : i32
    %sign3A_2829 = vector.broadcast %sign3A_2828 : i32 to vector<16xi32>
    %sign3A_2830 = arith.cmpi slt, %add3A_2820, %sign3A_2829 : vector<16xi32>
    %sign3A_2831 = arith.extui %sign3A_2830 : vector<16xi1> to vector<16xi32>
    %sign3A_2832 = arith.subi %sign3A_2827, %sign3A_2831 : vector<16xi32>
    %sign3A_2833 = arith.constant 0 : i32
    %sign3A_2834 = arith.cmpi sgt, %jit3A_2821, %sign3A_2833 : i32
    %sign3A_2835 = arith.extui %sign3A_2834 : i1 to i32
    %sign3A_2836 = arith.constant 0 : i32
    %sign3A_2837 = arith.cmpi slt, %jit3A_2821, %sign3A_2836 : i32
    %sign3A_2838 = arith.extui %sign3A_2837 : i1 to i32
    %sign3A_2839 = arith.subi %sign3A_2835, %sign3A_2838 : i32
    %ne3A_2840 = vector.broadcast %sign3A_2839 : i32 to vector<16xi32>
    %ne3A_2841 = arith.cmpi ne, %sign3A_2832, %ne3A_2840 : vector<16xi32>
    %rem3A_2842 = vector.broadcast %jit3A_2821 : i32 to vector<16xi32>
    %rem3A_2843 = arith.remsi %add3A_2820, %rem3A_2842 : vector<16xi32>
    %ne3A_2844 = arith.constant 0 : i32
    %ne3A_2845 = vector.broadcast %ne3A_2844 : i32 to vector<16xi32>
    %ne3A_2846 = arith.cmpi ne, %rem3A_2843, %ne3A_2845 : vector<16xi32>
    %and3A_2847 = arith.andi %ne3A_2841, %ne3A_2846 : vector<16xi1>
    %sub3A_2848 = arith.constant 1 : i32
    %sub3A_2849 = vector.broadcast %sub3A_2848 : i32 to vector<16xi32>
    %sub3A_2850 = arith.subi %div3A_2823, %sub3A_2849 : vector<16xi32>
    %select_n3A_2851 = arith.select %and3A_2847, %sub3A_2850, %div3A_2823 : vector<16xi1>, vector<16xi32>
    %sub3A_2852 = vector.broadcast %add3A_1955 : i32 to vector<16xi32>
    %sub3A_2853 = arith.subi %select_n3A_2851, %sub3A_2852 : vector<16xi32>
    %get3A_2854 = arith.constant 720 : index
    %get3A_2855 = tpu.vector_load %arg5[%get3A_2854] {strides = array<i32>} : memref<768xi32, #tpu.memory_space<vmem>>, vector<16xi32>,
    %get3A_2856 = arith.constant 720 : index
    %get3A_2857 = tpu.vector_load %arg6[%get3A_2856] {strides = array<i32>} : memref<768xf32, #tpu.memory_space<vmem>>, vector<16xf32>,
    tpu.vector_store_idx %arg7[%sub3A_2853, %get3A_2855], %get3A_2857 : memref<128x800xf32, #tpu.memory_space<vmem>>[vector<16xi32>, vector<16xi32>], vector<16xf32>,
    %add3A_2858 = arith.constant 736 : i32
    %add3A_2859 = arith.addi %mul3A_2, %add3A_2858 : i32
    %add3A_2860 = vector.broadcast %add3A_2859 : i32 to vector<16xi32>
    %add3A_2861 = arith.addi %add3A_2860, %iota3A : vector<16xi32>
    %jit3A_2862 = arith.constant 3 : i32
    %div3A_2863 = vector.broadcast %jit3A_2862 : i32 to vector<16xi32>
    %div3A_2864 = arith.divsi %add3A_2861, %div3A_2863 : vector<16xi32>
    %sign3A_2865 = arith.constant 0 : i32
    %sign3A_2866 = vector.broadcast %sign3A_2865 : i32 to vector<16xi32>
    %sign3A_2867 = arith.cmpi sgt, %add3A_2861, %sign3A_2866 : vector<16xi32>
    %sign3A_2868 = arith.extui %sign3A_2867 : vector<16xi1> to vector<16xi32>
    %sign3A_2869 = arith.constant 0 : i32
    %sign3A_2870 = vector.broadcast %sign3A_2869 : i32 to vector<16xi32>
    %sign3A_2871 = arith.cmpi slt, %add3A_2861, %sign3A_2870 : vector<16xi32>
    %sign3A_2872 = arith.extui %sign3A_2871 : vector<16xi1> to vector<16xi32>
    %sign3A_2873 = arith.subi %sign3A_2868, %sign3A_2872 : vector<16xi32>
    %sign3A_2874 = arith.constant 0 : i32
    %sign3A_2875 = arith.cmpi sgt, %jit3A_2862, %sign3A_2874 : i32
    %sign3A_2876 = arith.extui %sign3A_2875 : i1 to i32
    %sign3A_2877 = arith.constant 0 : i32
    %sign3A_2878 = arith.cmpi slt, %jit3A_2862, %sign3A_2877 : i32
    %sign3A_2879 = arith.extui %sign3A_2878 : i1 to i32
    %sign3A_2880 = arith.subi %sign3A_2876, %sign3A_2879 : i32
    %ne3A_2881 = vector.broadcast %sign3A_2880 : i32 to vector<16xi32>
    %ne3A_2882 = arith.cmpi ne, %sign3A_2873, %ne3A_2881 : vector<16xi32>
    %rem3A_2883 = vector.broadcast %jit3A_2862 : i32 to vector<16xi32>
    %rem3A_2884 = arith.remsi %add3A_2861, %rem3A_2883 : vector<16xi32>
    %ne3A_2885 = arith.constant 0 : i32
    %ne3A_2886 = vector.broadcast %ne3A_2885 : i32 to vector<16xi32>
    %ne3A_2887 = arith.cmpi ne, %rem3A_2884, %ne3A_2886 : vector<16xi32>
    %and3A_2888 = arith.andi %ne3A_2882, %ne3A_2887 : vector<16xi1>
    %sub3A_2889 = arith.constant 1 : i32
    %sub3A_2890 = vector.broadcast %sub3A_2889 : i32 to vector<16xi32>
    %sub3A_2891 = arith.subi %div3A_2864, %sub3A_2890 : vector<16xi32>
    %select_n3A_2892 = arith.select %and3A_2888, %sub3A_2891, %div3A_2864 : vector<16xi1>, vector<16xi32>
    %sub3A_2893 = vector.broadcast %add3A_1955 : i32 to vector<16xi32>
    %sub3A_2894 = arith.subi %select_n3A_2892, %sub3A_2893 : vector<16xi32>
    %get3A_2895 = arith.constant 736 : index
    %get3A_2896 = tpu.vector_load %arg5[%get3A_2895] {strides = array<i32>} : memref<768xi32, #tpu.memory_space<vmem>>, vector<16xi32>,
    %get3A_2897 = arith.constant 736 : index
    %get3A_2898 = tpu.vector_load %arg6[%get3A_2897] {strides = array<i32>} : memref<768xf32, #tpu.memory_space<vmem>>, vector<16xf32>,
    tpu.vector_store_idx %arg7[%sub3A_2894, %get3A_2896], %get3A_2898 : memref<128x800xf32, #tpu.memory_space<vmem>>[vector<16xi32>, vector<16xi32>], vector<16xf32>,
    %add3A_2899 = arith.constant 752 : i32
    %add3A_2900 = arith.addi %mul3A_2, %add3A_2899 : i32
    %add3A_2901 = vector.broadcast %add3A_2900 : i32 to vector<16xi32>
    %add3A_2902 = arith.addi %add3A_2901, %iota3A : vector<16xi32>
    %jit3A_2903 = arith.constant 3 : i32
    %div3A_2904 = vector.broadcast %jit3A_2903 : i32 to vector<16xi32>
    %div3A_2905 = arith.divsi %add3A_2902, %div3A_2904 : vector<16xi32>
    %sign3A_2906 = arith.constant 0 : i32
    %sign3A_2907 = vector.broadcast %sign3A_2906 : i32 to vector<16xi32>
    %sign3A_2908 = arith.cmpi sgt, %add3A_2902, %sign3A_2907 : vector<16xi32>
    %sign3A_2909 = arith.extui %sign3A_2908 : vector<16xi1> to vector<16xi32>
    %sign3A_2910 = arith.constant 0 : i32
    %sign3A_2911 = vector.broadcast %sign3A_2910 : i32 to vector<16xi32>
    %sign3A_2912 = arith.cmpi slt, %add3A_2902, %sign3A_2911 : vector<16xi32>
    %sign3A_2913 = arith.extui %sign3A_2912 : vector<16xi1> to vector<16xi32>
    %sign3A_2914 = arith.subi %sign3A_2909, %sign3A_2913 : vector<16xi32>
    %sign3A_2915 = arith.constant 0 : i32
    %sign3A_2916 = arith.cmpi sgt, %jit3A_2903, %sign3A_2915 : i32
    %sign3A_2917 = arith.extui %sign3A_2916 : i1 to i32
    %sign3A_2918 = arith.constant 0 : i32
    %sign3A_2919 = arith.cmpi slt, %jit3A_2903, %sign3A_2918 : i32
    %sign3A_2920 = arith.extui %sign3A_2919 : i1 to i32
    %sign3A_2921 = arith.subi %sign3A_2917, %sign3A_2920 : i32
    %ne3A_2922 = vector.broadcast %sign3A_2921 : i32 to vector<16xi32>
    %ne3A_2923 = arith.cmpi ne, %sign3A_2914, %ne3A_2922 : vector<16xi32>
    %rem3A_2924 = vector.broadcast %jit3A_2903 : i32 to vector<16xi32>
    %rem3A_2925 = arith.remsi %add3A_2902, %rem3A_2924 : vector<16xi32>
    %ne3A_2926 = arith.constant 0 : i32
    %ne3A_2927 = vector.broadcast %ne3A_2926 : i32 to vector<16xi32>
    %ne3A_2928 = arith.cmpi ne, %rem3A_2925, %ne3A_2927 : vector<16xi32>
    %and3A_2929 = arith.andi %ne3A_2923, %ne3A_2928 : vector<16xi1>
    %sub3A_2930 = arith.constant 1 : i32
    %sub3A_2931 = vector.broadcast %sub3A_2930 : i32 to vector<16xi32>
    %sub3A_2932 = arith.subi %div3A_2905, %sub3A_2931 : vector<16xi32>
    %select_n3A_2933 = arith.select %and3A_2929, %sub3A_2932, %div3A_2905 : vector<16xi1>, vector<16xi32>
    %sub3A_2934 = vector.broadcast %add3A_1955 : i32 to vector<16xi32>
    %sub3A_2935 = arith.subi %select_n3A_2933, %sub3A_2934 : vector<16xi32>
    %get3A_2936 = arith.constant 752 : index
    %get3A_2937 = tpu.vector_load %arg5[%get3A_2936] {strides = array<i32>} : memref<768xi32, #tpu.memory_space<vmem>>, vector<16xi32>,
    %get3A_2938 = arith.constant 752 : index
    %get3A_2939 = tpu.vector_load %arg6[%get3A_2938] {strides = array<i32>} : memref<768xf32, #tpu.memory_space<vmem>>, vector<16xf32>,
    tpu.vector_store_idx %arg7[%sub3A_2935, %get3A_2937], %get3A_2939 : memref<128x800xf32, #tpu.memory_space<vmem>>[vector<16xi32>, vector<16xi32>], vector<16xf32>,
    %jit3A_2940 = arith.constant 2048 : i32
    %div3A_2941 = arith.divsi %add3A_1955, %jit3A_2940 : i32
    %sign3A_2942 = arith.constant 0 : i32
    %sign3A_2943 = arith.cmpi sgt, %add3A_1955, %sign3A_2942 : i32
    %sign3A_2944 = arith.extui %sign3A_2943 : i1 to i32
    %sign3A_2945 = arith.constant 0 : i32
    %sign3A_2946 = arith.cmpi slt, %add3A_1955, %sign3A_2945 : i32
    %sign3A_2947 = arith.extui %sign3A_2946 : i1 to i32
    %sign3A_2948 = arith.subi %sign3A_2944, %sign3A_2947 : i32
    %sign3A_2949 = arith.constant 0 : i32
    %sign3A_2950 = arith.cmpi sgt, %jit3A_2940, %sign3A_2949 : i32
    %sign3A_2951 = arith.extui %sign3A_2950 : i1 to i32
    %sign3A_2952 = arith.constant 0 : i32
    %sign3A_2953 = arith.cmpi slt, %jit3A_2940, %sign3A_2952 : i32
    %sign3A_2954 = arith.extui %sign3A_2953 : i1 to i32
    %sign3A_2955 = arith.subi %sign3A_2951, %sign3A_2954 : i32
    %ne3A_2956 = arith.cmpi ne, %sign3A_2948, %sign3A_2955 : i32
    %rem3A_2957 = arith.remsi %add3A_1955, %jit3A_2940 : i32
    %ne3A_2958 = arith.constant 0 : i32
    %ne3A_2959 = arith.cmpi ne, %rem3A_2957, %ne3A_2958 : i32
    %and3A_2960 = arith.andi %ne3A_2956, %ne3A_2959 : i1
    %sub3A_2961 = arith.constant 1 : i32
    %sub3A_2962 = arith.subi %div3A_2941, %sub3A_2961 : i32
    %select_n3A_2963 = arith.select %and3A_2960, %sub3A_2962, %div3A_2941 : i32
    %mul3A_2964 = arith.constant 2048 : i32
    %mul3A_2965 = arith.muli %select_n3A_2963, %mul3A_2964 : i32
    %sub3A_2966 = arith.subi %add3A_1955, %mul3A_2965 : i32
    "tpu.region"() ({
      %run_scoped3A = tpu.sem_alloc : memref<!tpu.dma_semaphore, #tpu.memory_space<semaphore_mem>>
      %dma_start3A = arith.constant 0 : i32
      %dma_start3A_2967 = tpu.memref_slice %arg4[%select_n3A_2963, %sub3A_2966, %dma_start3A] : memref<4x2048x800xf32, #tpu.memory_space<hbm>> -> memref<1x128x800xf32, #tpu.memory_space<hbm>>
      %dma_start3A_2968 = tpu.memref_squeeze %dma_start3A_2967 : memref<1x128x800xf32, #tpu.memory_space<hbm>> -> memref<128x800xf32, #tpu.memory_space<hbm>>
      %dma_start3A_2969 = arith.constant 0 : i32
      %dma_start3A_2970 = tpu.memref_slice %arg4[%select_n3A_2963, %sub3A_2966, %dma_start3A_2969] : memref<4x2048x800xf32, #tpu.memory_space<hbm>> -> memref<1x128x800xf32, #tpu.memory_space<hbm>>
      %dma_start3A_2971 = tpu.memref_squeeze %dma_start3A_2970 : memref<1x128x800xf32, #tpu.memory_space<hbm>> -> memref<128x800xf32, #tpu.memory_space<hbm>>
      tpu.enqueue_dma source(%arg7 : memref<128x800xf32, #tpu.memory_space<vmem>>) target(%dma_start3A_2971 : memref<128x800xf32, #tpu.memory_space<hbm>>) target_semaphore(%run_scoped3A : memref<!tpu.dma_semaphore, #tpu.memory_space<semaphore_mem>>)
      %dma_wait3A = arith.constant 0 : i32
      %dma_wait3A_2972 = tpu.memref_slice %arg4[%select_n3A_2963, %sub3A_2966, %dma_wait3A] : memref<4x2048x800xf32, #tpu.memory_space<hbm>> -> memref<1x128x800xf32, #tpu.memory_space<hbm>>
      %dma_wait3A_2973 = tpu.memref_squeeze %dma_wait3A_2972 : memref<1x128x800xf32, #tpu.memory_space<hbm>> -> memref<128x800xf32, #tpu.memory_space<hbm>>
      %dma_wait3A_2974 = arith.constant 0 : i32
      %dma_wait3A_2975 = tpu.memref_slice %arg4[%select_n3A_2963, %sub3A_2966, %dma_wait3A_2974] : memref<4x2048x800xf32, #tpu.memory_space<hbm>> -> memref<1x128x800xf32, #tpu.memory_space<hbm>>
      %dma_wait3A_2976 = tpu.memref_squeeze %dma_wait3A_2975 : memref<1x128x800xf32, #tpu.memory_space<hbm>> -> memref<128x800xf32, #tpu.memory_space<hbm>>
      tpu.wait_dma2 semaphore(%run_scoped3A : memref<!tpu.dma_semaphore, #tpu.memory_space<semaphore_mem>>) src(%arg7 : memref<128x800xf32, #tpu.memory_space<vmem>>) dst(%dma_wait3A_2976 : memref<128x800xf32, #tpu.memory_space<hbm>>)
      tpu.yield
    }) : () -> ()
    return
  }
}

module attributes {stable_mosaic.version = 14 : i64} {
  func.func @_view_body(%arg0: i32, %arg1: memref<1x3x2048x3xf32, #tpu.memory_space<vmem>>, %arg2: memref<3x800xf32, #tpu.memory_space<vmem>>, %arg3: memref<1x2048x3xf32, #tpu.memory_space<vmem>>, %arg4: memref<1x2048x3xi32, #tpu.memory_space<vmem>>, %arg5: memref<1x2048x3xf32, #tpu.memory_space<vmem>>) attributes {dimension_semantics = [#tpu.dimension_semantics<parallel>], iteration_bounds = array<i64: 4>, scalar_prefetch = 0 : i64, scratch_operands = 0 : i64, tpu.core_type = #tpu.core_type<tc>, window_params = [{transform_indices = @transform_0, window_bounds = array<i64: 1, 3, 2048, 3>}, {pipeline_mode = #tpu.pipeline_mode<synchronous>, transform_indices = @transform_1, window_bounds = array<i64: 3, 800>}, {transform_indices = @transform_2, window_bounds = array<i64: 1, 2048, 3>}, {transform_indices = @transform_3, window_bounds = array<i64: 1, 2048, 3>}, {transform_indices = @transform_4, window_bounds = array<i64: 1, 2048, 3>}]} {
    %get3A = arith.constant 0 : index
    %get3A_0 = arith.constant 0 : index
    %get3A_1 = vector.load %arg2[%get3A, %get3A_0] : memref<3x800xf32, #tpu.memory_space<vmem>>, vector<3x800xf32>
    %mul3A = arith.mulf %get3A_1, %get3A_1 : vector<3x800xf32>
    %reduce_sum3A = arith.constant dense<0.000000e+00> : vector<800xf32>
    %reduce_sum3A_2 = vector.multi_reduction <add>, %mul3A, %reduce_sum3A [0] : vector<3x800xf32> to vector<800xf32>
    %broadcast_in_dim3A = vector.shape_cast %reduce_sum3A_2 : vector<800xf32> to vector<1x800xf32>
    %get3A_3 = arith.constant 0 : index
    %get3A_4 = arith.constant 0 : index
    %get3A_5 = arith.constant 0 : index
    %get3A_6 = vector.load %arg3[%get3A_3, %get3A_4, %get3A_5] : memref<1x2048x3xf32, #tpu.memory_space<vmem>>, vector<1x2048x3xf32>
    %get3A_7 = vector.shape_cast %get3A_6 : vector<1x2048x3xf32> to vector<2048x3xf32>
    %iota3A = tpu.iota {dimensions = array<i32: 1>} : vector<2048x800xi32>
    %get3A_8 = arith.constant 0 : index
    %get3A_9 = arith.constant 0 : index
    %get3A_10 = arith.constant 0 : index
    %get3A_11 = arith.constant 0 : index
    %get3A_12 = vector.load %arg1[%get3A_8, %get3A_9, %get3A_10, %get3A_11] : memref<1x3x2048x3xf32, #tpu.memory_space<vmem>>, vector<1x1x2048x3xf32>
    %get3A_13 = vector.shape_cast %get3A_12 : vector<1x1x2048x3xf32> to vector<2048x3xf32>
    %mul3A_14 = arith.mulf %get3A_13, %get3A_13 : vector<2048x3xf32>
    %reduce_sum3A_15 = arith.constant dense<0.000000e+00> : vector<2048xf32>
    %reduce_sum3A_16 = vector.multi_reduction <add>, %mul3A_14, %reduce_sum3A_15 [1] : vector<2048x3xf32> to vector<2048xf32>
    %broadcast_in_dim3A_17 = vector.shape_cast %reduce_sum3A_16 : vector<2048xf32> to vector<2048x1xf32>
    %dot_general3A = arith.constant dense<0.000000e+00> : vector<2048x800xf32>
    %dot_general3A_18 = tpu.matmul %get3A_13, %get3A_1, %dot_general3A {dimension_numbers = #tpu.dot_dimension_numbers<[1], [0], [0], [1], [0, 0, 1, 1], [], []>, transpose_lhs_hint = false} : vector<2048x3xf32>, vector<3x800xf32>, vector<2048x800xf32> -> vector<2048x800xf32>
    %add3A = vector.broadcast %broadcast_in_dim3A_17 : vector<2048x1xf32> to vector<2048x800xf32>
    %add3A_19 = vector.broadcast %broadcast_in_dim3A : vector<1x800xf32> to vector<2048x800xf32>
    %add3A_20 = arith.addf %add3A, %add3A_19 : vector<2048x800xf32>
    %mul3A_21 = arith.constant 2.000000e+00 : f32
    %mul3A_22 = vector.broadcast %mul3A_21 : f32 to vector<2048x800xf32>
    %mul3A_23 = arith.mulf %mul3A_22, %dot_general3A_18 : vector<2048x800xf32>
    %sub3A = arith.subf %add3A_20, %mul3A_23 : vector<2048x800xf32>
    %max3A = arith.constant 0.000000e+00 : f32
    %max3A_24 = vector.broadcast %max3A : f32 to vector<2048x800xf32>
    %max3A_25 = arith.maximumf %sub3A, %max3A_24 : vector<2048x800xf32>
    %sqrt3A = math.sqrt %max3A_25 : vector<2048x800xf32>
    %reduce_min3A = arith.constant dense<0x7F800000> : vector<2048xf32>
    %reduce_min3A_26 = vector.multi_reduction <minimumf>, %sqrt3A, %reduce_min3A [1] : vector<2048x800xf32> to vector<2048xf32>
    %broadcast_in_dim3A_27 = vector.shape_cast %reduce_min3A_26 : vector<2048xf32> to vector<2048x1xf32>
    %eq3A = vector.broadcast %broadcast_in_dim3A_27 : vector<2048x1xf32> to vector<2048x800xf32>
    %eq3A_28 = arith.cmpf oeq, %sqrt3A, %eq3A : vector<2048x800xf32>
    %jit3A = arith.constant 800 : i32
    %broadcast_in_dim3A_29 = vector.broadcast %jit3A : i32 to vector<2048x800xi32>
    %select_n3A = arith.select %eq3A_28, %iota3A, %broadcast_in_dim3A_29 : vector<2048x800xi1>, vector<2048x800xi32>
    %reduce_min3A_30 = arith.constant dense<2147483647> : vector<2048xi32>
    %reduce_min3A_31 = vector.multi_reduction <minsi>, %select_n3A, %reduce_min3A_30 [1] : vector<2048x800xi32> to vector<2048xi32>
    %broadcast_in_dim3A_32 = vector.shape_cast %reduce_min3A_31 : vector<2048xi32> to vector<2048x1xi32>
    %get3A_33 = arith.constant 0 : index
    %get3A_34 = arith.constant 1 : index
    %get3A_35 = arith.constant 0 : index
    %get3A_36 = arith.constant 0 : index
    %get3A_37 = vector.load %arg1[%get3A_33, %get3A_34, %get3A_35, %get3A_36] : memref<1x3x2048x3xf32, #tpu.memory_space<vmem>>, vector<1x1x2048x3xf32>
    %get3A_38 = vector.shape_cast %get3A_37 : vector<1x1x2048x3xf32> to vector<2048x3xf32>
    %mul3A_39 = arith.mulf %get3A_38, %get3A_38 : vector<2048x3xf32>
    %reduce_sum3A_40 = arith.constant dense<0.000000e+00> : vector<2048xf32>
    %reduce_sum3A_41 = vector.multi_reduction <add>, %mul3A_39, %reduce_sum3A_40 [1] : vector<2048x3xf32> to vector<2048xf32>
    %broadcast_in_dim3A_42 = vector.shape_cast %reduce_sum3A_41 : vector<2048xf32> to vector<2048x1xf32>
    %dot_general3A_43 = arith.constant dense<0.000000e+00> : vector<2048x800xf32>
    %dot_general3A_44 = tpu.matmul %get3A_38, %get3A_1, %dot_general3A_43 {dimension_numbers = #tpu.dot_dimension_numbers<[1], [0], [0], [1], [0, 0, 1, 1], [], []>, transpose_lhs_hint = false} : vector<2048x3xf32>, vector<3x800xf32>, vector<2048x800xf32> -> vector<2048x800xf32>
    %add3A_45 = vector.broadcast %broadcast_in_dim3A_42 : vector<2048x1xf32> to vector<2048x800xf32>
    %add3A_46 = vector.broadcast %broadcast_in_dim3A : vector<1x800xf32> to vector<2048x800xf32>
    %add3A_47 = arith.addf %add3A_45, %add3A_46 : vector<2048x800xf32>
    %mul3A_48 = arith.constant 2.000000e+00 : f32
    %mul3A_49 = vector.broadcast %mul3A_48 : f32 to vector<2048x800xf32>
    %mul3A_50 = arith.mulf %mul3A_49, %dot_general3A_44 : vector<2048x800xf32>
    %sub3A_51 = arith.subf %add3A_47, %mul3A_50 : vector<2048x800xf32>
    %max3A_52 = arith.constant 0.000000e+00 : f32
    %max3A_53 = vector.broadcast %max3A_52 : f32 to vector<2048x800xf32>
    %max3A_54 = arith.maximumf %sub3A_51, %max3A_53 : vector<2048x800xf32>
    %sqrt3A_55 = math.sqrt %max3A_54 : vector<2048x800xf32>
    %reduce_min3A_56 = arith.constant dense<0x7F800000> : vector<2048xf32>
    %reduce_min3A_57 = vector.multi_reduction <minimumf>, %sqrt3A_55, %reduce_min3A_56 [1] : vector<2048x800xf32> to vector<2048xf32>
    %broadcast_in_dim3A_58 = vector.shape_cast %reduce_min3A_57 : vector<2048xf32> to vector<2048x1xf32>
    %eq3A_59 = vector.broadcast %broadcast_in_dim3A_58 : vector<2048x1xf32> to vector<2048x800xf32>
    %eq3A_60 = arith.cmpf oeq, %sqrt3A_55, %eq3A_59 : vector<2048x800xf32>
    %jit3A_61 = arith.constant 800 : i32
    %broadcast_in_dim3A_62 = vector.broadcast %jit3A_61 : i32 to vector<2048x800xi32>
    %select_n3A_63 = arith.select %eq3A_60, %iota3A, %broadcast_in_dim3A_62 : vector<2048x800xi1>, vector<2048x800xi32>
    %reduce_min3A_64 = arith.constant dense<2147483647> : vector<2048xi32>
    %reduce_min3A_65 = vector.multi_reduction <minsi>, %select_n3A_63, %reduce_min3A_64 [1] : vector<2048x800xi32> to vector<2048xi32>
    %broadcast_in_dim3A_66 = vector.shape_cast %reduce_min3A_65 : vector<2048xi32> to vector<2048x1xi32>
    %get3A_67 = arith.constant 0 : index
    %get3A_68 = arith.constant 2 : index
    %get3A_69 = arith.constant 0 : index
    %get3A_70 = arith.constant 0 : index
    %get3A_71 = vector.load %arg1[%get3A_67, %get3A_68, %get3A_69, %get3A_70] : memref<1x3x2048x3xf32, #tpu.memory_space<vmem>>, vector<1x1x2048x3xf32>
    %get3A_72 = vector.shape_cast %get3A_71 : vector<1x1x2048x3xf32> to vector<2048x3xf32>
    %mul3A_73 = arith.mulf %get3A_72, %get3A_72 : vector<2048x3xf32>
    %reduce_sum3A_74 = arith.constant dense<0.000000e+00> : vector<2048xf32>
    %reduce_sum3A_75 = vector.multi_reduction <add>, %mul3A_73, %reduce_sum3A_74 [1] : vector<2048x3xf32> to vector<2048xf32>
    %broadcast_in_dim3A_76 = vector.shape_cast %reduce_sum3A_75 : vector<2048xf32> to vector<2048x1xf32>
    %dot_general3A_77 = arith.constant dense<0.000000e+00> : vector<2048x800xf32>
    %dot_general3A_78 = tpu.matmul %get3A_72, %get3A_1, %dot_general3A_77 {dimension_numbers = #tpu.dot_dimension_numbers<[1], [0], [0], [1], [0, 0, 1, 1], [], []>, transpose_lhs_hint = false} : vector<2048x3xf32>, vector<3x800xf32>, vector<2048x800xf32> -> vector<2048x800xf32>
    %add3A_79 = vector.broadcast %broadcast_in_dim3A_76 : vector<2048x1xf32> to vector<2048x800xf32>
    %add3A_80 = vector.broadcast %broadcast_in_dim3A : vector<1x800xf32> to vector<2048x800xf32>
    %add3A_81 = arith.addf %add3A_79, %add3A_80 : vector<2048x800xf32>
    %mul3A_82 = arith.constant 2.000000e+00 : f32
    %mul3A_83 = vector.broadcast %mul3A_82 : f32 to vector<2048x800xf32>
    %mul3A_84 = arith.mulf %mul3A_83, %dot_general3A_78 : vector<2048x800xf32>
    %sub3A_85 = arith.subf %add3A_81, %mul3A_84 : vector<2048x800xf32>
    %max3A_86 = arith.constant 0.000000e+00 : f32
    %max3A_87 = vector.broadcast %max3A_86 : f32 to vector<2048x800xf32>
    %max3A_88 = arith.maximumf %sub3A_85, %max3A_87 : vector<2048x800xf32>
    %sqrt3A_89 = math.sqrt %max3A_88 : vector<2048x800xf32>
    %reduce_min3A_90 = arith.constant dense<0x7F800000> : vector<2048xf32>
    %reduce_min3A_91 = vector.multi_reduction <minimumf>, %sqrt3A_89, %reduce_min3A_90 [1] : vector<2048x800xf32> to vector<2048xf32>
    %broadcast_in_dim3A_92 = vector.shape_cast %reduce_min3A_91 : vector<2048xf32> to vector<2048x1xf32>
    %eq3A_93 = vector.broadcast %broadcast_in_dim3A_92 : vector<2048x1xf32> to vector<2048x800xf32>
    %eq3A_94 = arith.cmpf oeq, %sqrt3A_89, %eq3A_93 : vector<2048x800xf32>
    %jit3A_95 = arith.constant 800 : i32
    %broadcast_in_dim3A_96 = vector.broadcast %jit3A_95 : i32 to vector<2048x800xi32>
    %select_n3A_97 = arith.select %eq3A_94, %iota3A, %broadcast_in_dim3A_96 : vector<2048x800xi1>, vector<2048x800xi32>
    %reduce_min3A_98 = arith.constant dense<2147483647> : vector<2048xi32>
    %reduce_min3A_99 = vector.multi_reduction <minsi>, %select_n3A_97, %reduce_min3A_98 [1] : vector<2048x800xi32> to vector<2048xi32>
    %broadcast_in_dim3A_100 = vector.shape_cast %reduce_min3A_99 : vector<2048xi32> to vector<2048x1xi32>
    %slice3A = vector.extract_strided_slice %get3A_7 {offsets = [0, 0], sizes = [2048, 1], strides = [1, 1]} : vector<2048x3xf32> to vector<2048x1xf32>
    %slice3A_101 = vector.extract_strided_slice %get3A_7 {offsets = [0, 1], sizes = [2048, 1], strides = [1, 1]} : vector<2048x3xf32> to vector<2048x1xf32>
    %slice3A_102 = vector.extract_strided_slice %get3A_7 {offsets = [0, 2], sizes = [2048, 1], strides = [1, 1]} : vector<2048x3xf32> to vector<2048x1xf32>
    %eq3A_103 = arith.cmpi eq, %broadcast_in_dim3A_32, %broadcast_in_dim3A_100 : vector<2048x1xi32>
    %eq3A_104 = arith.cmpi eq, %broadcast_in_dim3A_32, %broadcast_in_dim3A_66 : vector<2048x1xi32>
    %select_n3A_105 = arith.select %eq3A_104, %slice3A_101, %slice3A : vector<2048x1xi1>, vector<2048x1xf32>
    %select_n3A_106 = arith.select %eq3A_103, %slice3A_102, %select_n3A_105 : vector<2048x1xi1>, vector<2048x1xf32>
    %eq3A_107 = arith.cmpi eq, %broadcast_in_dim3A_66, %broadcast_in_dim3A_100 : vector<2048x1xi32>
    %select_n3A_108 = arith.select %eq3A_107, %slice3A_102, %slice3A_101 : vector<2048x1xi1>, vector<2048x1xf32>
    %concatenate3A = tpu.concatenate %broadcast_in_dim3A_32, %broadcast_in_dim3A_66, %broadcast_in_dim3A_100 in 1 : vector<2048x1xi32>, vector<2048x1xi32>, vector<2048x1xi32> -> vector<2048x3xi32>
    %swap3A = arith.constant 0 : index
    %swap3A_109 = arith.constant 0 : index
    %swap3A_110 = arith.constant 0 : index
    %swap3A_111 = vector.load %arg4[%swap3A, %swap3A_109, %swap3A_110] : memref<1x2048x3xi32, #tpu.memory_space<vmem>>, vector<1x2048x3xi32>
    %swap3A_112 = vector.shape_cast %swap3A_111 : vector<1x2048x3xi32> to vector<2048x3xi32>
    %swap3A_113 = vector.shape_cast %concatenate3A : vector<2048x3xi32> to vector<1x2048x3xi32>
    tpu.vector_store %arg4[%swap3A, %swap3A_109, %swap3A_110], %swap3A_113 {strides = array<i32>} : memref<1x2048x3xi32, #tpu.memory_space<vmem>>, vector<1x2048x3xi32>,
    %concatenate3A_114 = tpu.concatenate %select_n3A_106, %select_n3A_108, %slice3A_102 in 1 : vector<2048x1xf32>, vector<2048x1xf32>, vector<2048x1xf32> -> vector<2048x3xf32>
    %swap3A_115 = arith.constant 0 : index
    %swap3A_116 = arith.constant 0 : index
    %swap3A_117 = arith.constant 0 : index
    %swap3A_118 = vector.load %arg5[%swap3A_115, %swap3A_116, %swap3A_117] : memref<1x2048x3xf32, #tpu.memory_space<vmem>>, vector<1x2048x3xf32>
    %swap3A_119 = vector.shape_cast %swap3A_118 : vector<1x2048x3xf32> to vector<2048x3xf32>
    %swap3A_120 = vector.shape_cast %concatenate3A_114 : vector<2048x3xf32> to vector<1x2048x3xf32>
    tpu.vector_store %arg5[%swap3A_115, %swap3A_116, %swap3A_117], %swap3A_120 {strides = array<i32>} : memref<1x2048x3xf32, #tpu.memory_space<vmem>>, vector<1x2048x3xf32>,
    return
  }
  func.func @transform_0(%arg0: i32) -> (i32, i32, i32, i32) {
    %c0_i32 = arith.constant 0 : i32
    %c0_i32_0 = arith.constant 0 : i32
    %c0_i32_1 = arith.constant 0 : i32
    %c0_i32_2 = arith.constant 0 : i32
    return %arg0, %c0_i32, %c0_i32_0, %c0_i32_1 : i32, i32, i32, i32
  }
  func.func @transform_1(%arg0: i32) -> (i32, i32) {
    %c0_i32 = arith.constant 0 : i32
    %c0_i32_0 = arith.constant 0 : i32
    %c0_i32_1 = arith.constant 0 : i32
    return %c0_i32, %c0_i32_0 : i32, i32
  }
  func.func @transform_2(%arg0: i32) -> (i32, i32, i32) {
    %c0_i32 = arith.constant 0 : i32
    %c0_i32_0 = arith.constant 0 : i32
    %c0_i32_1 = arith.constant 0 : i32
    return %arg0, %c0_i32, %c0_i32_0 : i32, i32, i32
  }
  func.func @transform_3(%arg0: i32) -> (i32, i32, i32) {
    %c0_i32 = arith.constant 0 : i32
    %c0_i32_0 = arith.constant 0 : i32
    %c0_i32_1 = arith.constant 0 : i32
    return %arg0, %c0_i32, %c0_i32_0 : i32, i32, i32
  }
  func.func @transform_4(%arg0: i32) -> (i32, i32, i32) {
    %c0_i32 = arith.constant 0 : i32
    %c0_i32_0 = arith.constant 0 : i32
    %c0_i32_1 = arith.constant 0 : i32
    return %arg0, %c0_i32, %c0_i32_0 : i32, i32, i32
  }
}

module attributes {stable_mosaic.version = 14 : i64} {
  func.func @_aff_body(%arg0: i32, %arg1: i32, %arg2: memref<1x1x3x2000xf32, #tpu.memory_space<vmem>>, %arg3: memref<1x2048x3xf32, #tpu.memory_space<vmem>>, %arg4: memref<1x2048x1xf32, #tpu.memory_space<vmem>>, %arg5: memref<1x1x1x2000xf32, #tpu.memory_space<vmem>>) attributes {dimension_semantics = [#tpu.dimension_semantics<parallel>, #tpu.dimension_semantics<parallel>], iteration_bounds = array<i64: 4, 5>, scalar_prefetch = 0 : i64, scratch_operands = 0 : i64, tpu.core_type = #tpu.core_type<tc>, window_params = [{transform_indices = @transform_0, window_bounds = array<i64: 1, 1, 3, 2000>}, {transform_indices = @transform_1, window_bounds = array<i64: 1, 2048, 3>}, {transform_indices = @transform_2, window_bounds = array<i64: 1, 2048, 1>}, {transform_indices = @transform_3, window_bounds = array<i64: 1, 1, 1, 2000>}]} {
    %get3A = arith.constant 0 : index
    %get3A_0 = arith.constant 0 : index
    %get3A_1 = arith.constant 0 : index
    %get3A_2 = arith.constant 0 : index
    %get3A_3 = vector.load %arg2[%get3A, %get3A_0, %get3A_1, %get3A_2] : memref<1x1x3x2000xf32, #tpu.memory_space<vmem>>, vector<1x1x3x2000xf32>
    %get3A_4 = vector.shape_cast %get3A_3 : vector<1x1x3x2000xf32> to vector<3x2000xf32>
    %get3A_5 = arith.constant 0 : index
    %get3A_6 = arith.constant 0 : index
    %get3A_7 = arith.constant 0 : index
    %get3A_8 = vector.load %arg3[%get3A_5, %get3A_6, %get3A_7] : memref<1x2048x3xf32, #tpu.memory_space<vmem>>, vector<1x2048x3xf32>
    %get3A_9 = vector.shape_cast %get3A_8 : vector<1x2048x3xf32> to vector<2048x3xf32>
    %get3A_10 = arith.constant 0 : index
    %get3A_11 = arith.constant 0 : index
    %get3A_12 = arith.constant 0 : index
    %get3A_13 = vector.load %arg4[%get3A_10, %get3A_11, %get3A_12] : memref<1x2048x1xf32, #tpu.memory_space<vmem>>, vector<1x2048x1xf32>
    %get3A_14 = vector.shape_cast %get3A_13 : vector<1x2048x1xf32> to vector<2048x1xf32>
    %mul3A = arith.mulf %get3A_4, %get3A_4 : vector<3x2000xf32>
    %reduce_sum3A = arith.constant dense<0.000000e+00> : vector<2000xf32>
    %reduce_sum3A_15 = vector.multi_reduction <add>, %mul3A, %reduce_sum3A [0] : vector<3x2000xf32> to vector<2000xf32>
    %broadcast_in_dim3A = vector.shape_cast %reduce_sum3A_15 : vector<2000xf32> to vector<1x2000xf32>
    %mul3A_16 = arith.mulf %get3A_9, %get3A_9 : vector<2048x3xf32>
    %reduce_sum3A_17 = arith.constant dense<0.000000e+00> : vector<2048xf32>
    %reduce_sum3A_18 = vector.multi_reduction <add>, %mul3A_16, %reduce_sum3A_17 [1] : vector<2048x3xf32> to vector<2048xf32>
    %broadcast_in_dim3A_19 = vector.shape_cast %reduce_sum3A_18 : vector<2048xf32> to vector<2048x1xf32>
    %dot_general3A = arith.constant dense<0.000000e+00> : vector<2048x2000xf32>
    %dot_general3A_20 = tpu.matmul %get3A_9, %get3A_4, %dot_general3A {dimension_numbers = #tpu.dot_dimension_numbers<[1], [0], [0], [1], [0, 0, 1, 1], [], []>, transpose_lhs_hint = false} : vector<2048x3xf32>, vector<3x2000xf32>, vector<2048x2000xf32> -> vector<2048x2000xf32>
    %add3A = vector.broadcast %broadcast_in_dim3A : vector<1x2000xf32> to vector<2048x2000xf32>
    %add3A_21 = vector.broadcast %broadcast_in_dim3A_19 : vector<2048x1xf32> to vector<2048x2000xf32>
    %add3A_22 = arith.addf %add3A, %add3A_21 : vector<2048x2000xf32>
    %mul3A_23 = arith.constant 2.000000e+00 : f32
    %mul3A_24 = vector.broadcast %mul3A_23 : f32 to vector<2048x2000xf32>
    %mul3A_25 = arith.mulf %mul3A_24, %dot_general3A_20 : vector<2048x2000xf32>
    %sub3A = arith.subf %add3A_22, %mul3A_25 : vector<2048x2000xf32>
    %reduce_min3A = arith.constant dense<0x7F800000> : vector<2000xf32>
    %reduce_min3A_26 = vector.multi_reduction <minimumf>, %sub3A, %reduce_min3A [0] : vector<2048x2000xf32> to vector<2000xf32>
    %broadcast_in_dim3A_27 = vector.shape_cast %reduce_min3A_26 : vector<2000xf32> to vector<1x2000xf32>
    %eq3A = vector.broadcast %broadcast_in_dim3A_27 : vector<1x2000xf32> to vector<2048x2000xf32>
    %eq3A_28 = arith.cmpf oeq, %sub3A, %eq3A : vector<2048x2000xf32>
    %jit3A = arith.constant 0x7F800000 : f32
    %broadcast_in_dim3A_29 = vector.broadcast %jit3A : f32 to vector<2048x2000xf32>
    %select_n3A = arith.select %eq3A_28, %broadcast_in_dim3A_29, %sub3A : vector<2048x2000xi1>, vector<2048x2000xf32>
    %reduce_min3A_30 = arith.constant dense<0x7F800000> : vector<2000xf32>
    %reduce_min3A_31 = vector.multi_reduction <minimumf>, %select_n3A, %reduce_min3A_30 [0] : vector<2048x2000xf32> to vector<2000xf32>
    %broadcast_in_dim3A_32 = vector.shape_cast %reduce_min3A_31 : vector<2000xf32> to vector<1x2000xf32>
    %le3A = vector.broadcast %broadcast_in_dim3A_32 : vector<1x2000xf32> to vector<2048x2000xf32>
    %le3A_33 = arith.cmpf ole, %sub3A, %le3A : vector<2048x2000xf32>
    %convert_element_type3A = arith.extui %le3A_33 : vector<2048x2000xi1> to vector<2048x2000xi32>
    %convert_element_type3A_34 = arith.sitofp %convert_element_type3A : vector<2048x2000xi32> to vector<2048x2000xf32>
    %dot_general3A_35 = arith.constant dense<0.000000e+00> : vector<1x2000xf32>
    %dot_general3A_36 = tpu.matmul %get3A_14, %convert_element_type3A_34, %dot_general3A_35 {dimension_numbers = #tpu.dot_dimension_numbers<[0], [0], [1], [1], [0, 1, 1, 1], [], []>, transpose_lhs_hint = false} : vector<2048x1xf32>, vector<2048x2000xf32>, vector<1x2000xf32> -> vector<1x2000xf32>
    %mul3A_37 = arith.constant 5.000000e-01 : f32
    %mul3A_38 = vector.broadcast %mul3A_37 : f32 to vector<1x2000xf32>
    %mul3A_39 = arith.mulf %dot_general3A_36, %mul3A_38 : vector<1x2000xf32>
    %swap3A = arith.constant 0 : index
    %swap3A_40 = arith.constant 0 : index
    %swap3A_41 = arith.constant 0 : index
    %swap3A_42 = arith.constant 0 : index
    %swap3A_43 = vector.load %arg5[%swap3A, %swap3A_40, %swap3A_41, %swap3A_42] : memref<1x1x1x2000xf32, #tpu.memory_space<vmem>>, vector<1x1x1x2000xf32>
    %swap3A_44 = vector.shape_cast %swap3A_43 : vector<1x1x1x2000xf32> to vector<1x2000xf32>
    %swap3A_45 = vector.shape_cast %mul3A_39 : vector<1x2000xf32> to vector<1x1x1x2000xf32>
    tpu.vector_store %arg5[%swap3A, %swap3A_40, %swap3A_41, %swap3A_42], %swap3A_45 {strides = array<i32>} : memref<1x1x1x2000xf32, #tpu.memory_space<vmem>>, vector<1x1x1x2000xf32>,
    return
  }
  func.func @transform_0(%arg0: i32, %arg1: i32) -> (i32, i32, i32, i32) {
    %c0_i32 = arith.constant 0 : i32
    %c0_i32_0 = arith.constant 0 : i32
    %c0_i32_1 = arith.constant 0 : i32
    return %arg0, %arg1, %c0_i32, %c0_i32_0 : i32, i32, i32, i32
  }
  func.func @transform_1(%arg0: i32, %arg1: i32) -> (i32, i32, i32) {
    %c0_i32 = arith.constant 0 : i32
    %c0_i32_0 = arith.constant 0 : i32
    %c0_i32_1 = arith.constant 0 : i32
    return %arg0, %c0_i32, %c0_i32_0 : i32, i32, i32
  }
  func.func @transform_2(%arg0: i32, %arg1: i32) -> (i32, i32, i32) {
    %c0_i32 = arith.constant 0 : i32
    %c0_i32_0 = arith.constant 0 : i32
    %c0_i32_1 = arith.constant 0 : i32
    return %arg0, %c0_i32, %c0_i32_0 : i32, i32, i32
  }
  func.func @transform_3(%arg0: i32, %arg1: i32) -> (i32, i32, i32, i32) {
    %c0_i32 = arith.constant 0 : i32
    %c0_i32_0 = arith.constant 0 : i32
    %c0_i32_1 = arith.constant 0 : i32
    return %arg0, %arg1, %c0_i32, %c0_i32_0 : i32, i32, i32, i32
  }
}

</mosaic_0001>

<sc_bundles>
// kernel: kernel.5.cloned.1.call-start
scs
__scs_entry_jumppad:
0x0: {  	(pc) =	sbr.rel $0x88, $3  }
0x1: {  	(tag) =	ssettag $0x0;
	lr =	simm.s32 $0x1  }
0x2: {  	[smem:$0x3F9B] =	sst lr;
	_ =	strace $0xD0000000  }
0x3: {  	_ = 	snop  }
0x4: {  	_ = 	snop  }
0x5: {  	_ = 	snop  }
0x6: {  	_ = 	snop  }
0x7: {  	_ = 	snop  }
__scs_overlays_trampoline_lowered:
0x8: {  	[smem:$0x3FAA] =	sst s0  }
0x9: {  	[smem:$0x3FAB] =	sst s1  }
0xa: {  	[smem:$0x3FAC] =	sst s2  }
0xb: {  	[smem:$0x3FAD] =	sst s3  }
0xc: {  	[smem:$0x3FAE] =	sst s4  }
0xd: {  	[smem:$0x3FAF] =	sst s5  }
0xe: {  	[smem:$0x3FB0] =	sst s6  }
0xf: {  	[smem:$0x3FB1] =	sst s7  }
0x10: {  	[smem:$0x3FB2] =	sst s8  }
0x11: {  	[smem:$0x3FB3] =	sst s9;
	s0 =	simm.s32 @!p0 $0x0  }
0x12: {  	s1 =	sld [smem:$0x3F99];
	s0 =	simm.s32 @p0 $0x1  }
0x13: {  	[smem:$0x3FB4] =	sst s0;
	s0 =	simm.s32 @!p1 $0x0  }
0x14: {  	s2 =	sld [smem:$0x3F98];
	s0 =	simm.s32 @p1 $0x1  }
0x15: {  	[smem:$0x3FB5] =	sst s0;
	s0 =	simm.s32 @!p2 $0x0  }
0x16: {  	s3 =	sld [smem:$0x3FDB];
	s0 =	simm.s32 @p2 $0x1  }
0x17: {  	s4 =	simm.s32 $0x1BF5;
	[smem:$0x3FB7] =	sst s0  }
0x18: {  	s0 =	sld [smem:$0x3F9A];
	_ =	swait.ge [sflag:s4], $0x0  }
0x19: {  	s7 =	sld [smem:$0x3F9B]  }
0x1a: {  	s8 =	sadd.s32 $0xFFFFE003, lr  }
0x1b: {  	s9 =	sadd.s32 $0xFFFFFEF7, lr;
	s5 =	simm.s32 $0xFFFFFFFF;
	p2 =	slt.u32 s8, $0xFFFFF086  }
0x1c: {  	p1 =	slt.u32 s9, $0xF7A;
	s5 =	simm.s32 @!p2 $0x0  }
0x1d: {  	s5 =	simm.s32 @p1 $0x1;
	p0 =	seq.s32 s7, s2  }
0x1e: {  	s7 =	smul.u32 @!p0 $0xF7A, s2;
	p2 =	seq.s32 @!p0 s5, $0x0  }
0x1f: {  	s9 =	smul.u32 $0xF7A, s1;
	s8 =	simm.s32 @!p0 $0x1BF5;
	p2 =	por !p2, p0  }
0x20: {  	[sflag:s8] =	ssyncset.s32 @!p0 $0xFFFFF086;
	s6 =	sadd.s32 @!p0 s3, s7;
	s7 =	simm.s32 @!p0 $0x108  }
0x21: {  	s3 =	sadd.s32 s3, s9;
	s6 =	sadd.s32 @!p0 $0x88, s6;
	s7 =	simm.s32 @p2 $0x1082  }
0x22: {  	[simem:s7], [sflag:s8] =	dma.local @!p0 [hbm:s6], $0xF7A  }
0x23: {  	s9 =	sor.u32 $0xD0000000, s2;
	s6 =	simm.s32 $0x108;
	_ =	swait.ge @!p0 [sflag:s8], $0x0  }
0x24: {  	s3 =	sadd.s32 $0x88, s3;
	s6 =	simm.s32 @!p1 $0x1082;
	[sflag:s4] =	ssyncset.s32 $0xFFFFF086  }
0x25: {  	[simem:s6], [sflag:s4] =	dma.local [hbm:s3], $0xF7A  }
0x26: {  	[smem:$0x3F9B] =	sst s1;
	(tag) =	ssettag s2;
	_ =	strace s9  }
0x27: {  	s1 =	sld [smem:$0x3FAB]  }
0x28: {  	s2 =	sld [smem:$0x3FAC]  }
0x29: {  	s4 =	sld [smem:$0x3FAE]  }
0x2a: {  	p0 =	seq.s32 s5, $0x0;
	s5 =	sld [smem:$0x3FAF]  }
0x2b: {  	s6 =	sld [smem:$0x3FB0]  }
0x2c: {  	s7 =	sld [smem:$0x3FB1]  }
0x2d: {  	s3 =	simm.s32 $0x108;
	s8 =	sld [smem:$0x3FB2]  }
0x2e: {  	s3 =	simm.s32 @!p0 $0x1082;
	s9 =	sld [smem:$0x3FB3]  }
0x2f: {  	lr =	sadd.s32 s0, s3;
	s0 =	sld [smem:$0x3FAA]  }
0x30: {  	s3 =	sld [smem:$0x3FAD]  }
0x31: {  	[smem:$0x3FB6] =	sst s10  }
0x32: {  	s10 =	sld [smem:$0x3FB4];
	_ =	sdelay $0x3  }
0x33: {  	p0 =	seq.s32 s10, $0x1;
	s10 =	sld [smem:$0x3FB6];
	_ =	sdelay $0x3  }
0x34: {  	[smem:$0x3FB6] =	sst s10  }
0x35: {  	s10 =	sld [smem:$0x3FB5];
	_ =	sdelay $0x3  }
0x36: {  	p1 =	seq.s32 s10, $0x1;
	s10 =	sld [smem:$0x3FB6];
	_ =	sdelay $0x3  }
0x37: {  	[smem:$0x3FB6] =	sst s10  }
0x38: {  	s10 =	sld [smem:$0x3FB7]  }
0x39: {  	_ = 	snop;
	(pc) =	sbr.ind lr, $3  }
0x3a: {  	_ = 	snop  }
0x3b: {  	_ = 	snop  }
0x3c: {  	p2 =	seq.s32 s10, $0x1;
	s10 =	sld [smem:$0x3FB6]  }
0x3d: {  	_ =	shalt  }
0x3e: {  	_ =	shalt  }
0x3f: {  	_ =	shalt  }
0x40: {  	_ =	shalt  }
0x41: {  	_ =	shalt  }
0x42: {  	_ =	shalt  }
0x43: {  	_ =	shalt  }
0x44: {  	_ =	shalt  }
0x45: {  	_ =	shalt  }
0x46: {  	_ =	shalt  }
0x47: {  	_ =	shalt  }
0x48: {  	_ =	shalt  }
0x49: {  	_ =	shalt  }
0x4a: {  	_ =	shalt  }
0x4b: {  	_ =	shalt  }
0x4c: {  	_ =	shalt  }
0x4d: {  	_ =	shalt  }
0x4e: {  	_ =	shalt  }
0x4f: {  	_ =	shalt  }
0x50: {  	_ =	shalt  }
0x51: {  	_ =	shalt  }
0x52: {  	_ =	shalt  }
0x53: {  	_ =	shalt  }
0x54: {  	_ =	shalt  }
0x55: {  	_ =	shalt  }
0x56: {  	_ =	shalt  }
0x57: {  	_ =	shalt  }
0x58: {  	_ =	shalt  }
0x59: {  	_ =	shalt  }
0x5a: {  	_ =	shalt  }
0x5b: {  	_ =	shalt  }
0x5c: {  	_ =	shalt  }
0x5d: {  	_ =	shalt  }
0x5e: {  	_ =	shalt  }
0x5f: {  	_ =	shalt  }
0x60: {  	_ =	shalt  }
0x61: {  	_ =	shalt  }
0x62: {  	_ =	shalt  }
0x63: {  	_ =	shalt  }
0x64: {  	_ =	shalt  }
0x65: {  	_ =	shalt  }
0x66: {  	_ =	shalt  }
0x67: {  	_ =	shalt  }
0x68: {  	_ =	shalt  }
0x69: {  	_ =	shalt  }
0x6a: {  	_ =	shalt  }
0x6b: {  	_ =	shalt  }
0x6c: {  	_ =	shalt  }
0x6d: {  	_ =	shalt  }
0x6e: {  	_ =	shalt  }
0x6f: {  	_ =	shalt  }
0x70: {  	_ =	shalt  }
0x71: {  	_ =	shalt  }
0x72: {  	_ =	shalt  }
0x73: {  	_ =	shalt  }
0x74: {  	_ =	shalt  }
0x75: {  	_ =	shalt  }
0x76: {  	_ =	shalt  }
0x77: {  	_ =	shalt  }
0x78: {  	_ =	shalt  }
0x79: {  	_ =	shalt  }
0x7a: {  	_ =	shalt  }
0x7b: {  	_ =	shalt  }
0x7c: {  	_ =	shalt  }
0x7d: {  	_ =	shalt  }
0x7e: {  	_ =	shalt  }
0x7f: {  	_ =	shalt  }
0x80: {  	_ =	shalt  }
0x81: {  	_ =	shalt  }
0x82: {  	_ =	shalt  }
0x83: {  	_ =	shalt  }
0x84: {  	_ =	shalt  }
0x85: {  	_ =	shalt  }
0x86: {  	_ =	shalt  }
0x87: {  	_ =	shalt  }
.Lfunc_end0:
.L_simem_size_0:
called_computation_lowered:
.L_overlay_start_0:
0x88: {  	s2 =	sld [smem:$0x3FD9]  }
0x89: {  	s3 =	sld [smem:$0x3FFE];
	_ =	sdelay $0x1  }
0x8a: {  	s1 =	srdreg.scid  }
0x8b: {  	s0 =	sand.u32 $0x1, s1  }
0x8c: {  	s14 =	sshll.u32 s0, $0xA;
	s2 =	sadd.s32 s3, s2  }
0x8d: {  	s2 =	sadd.s32 s2, s14  }
0x8e: {  	[smem:$0x3FC2] =	sst s2  }
0x8f: {  	_ = 	snop  }
0x90: {  	s2 =	sld [smem:$0x3FD0];
	_ =	sdelay $0x2  }
0x91: {  	s15 =	simm.s32 $0xA;
	s4 =	simm.s32 $0x10  }
0x92: {  	[smem:s4], [sflag:s15] =	dma.local [hbm:s2], $0x1  }
0x93: {  	_ =	swait.eq [sflag:s15], $0x1  }
0x94: {  	[sflag:s15] =	ssyncset.done $0x0  }
0x95: {  	[sflag:s15] =	ssyncadd.s32 $0xFFFFFFFF  }
0x96: {  	s16 =	sld [smem:$0x11];
	(tm) =	ssettm $0x1  }
0x97: {  	s17 =	sld [smem:$0x3FFB];
	_ =	sdelay $0x3  }
0x98: {  	_ =	strace s17  }
0x99: {  	s3 =	sld [smem:$0x3FFC];
	_ =	sdelay $0x3  }
0x9a: {  	_ =	strace s3  }
0x9b: {  	s3 =	sld [smem:$0x3FFD];
	_ =	sdelay $0x3  }
0x9c: {  	_ =	strace s3  }
0x9d: {  	_ =	strace $0x8FFFFFFF  }
0x9e: {  	s18 =	sld [smem:$0x3FDB];
	_ =	sdelay $0x1  }
0x9f: {  	s19 =	simm.s32 $_scs_section_size  }
0xa0: {  	s5 =	simm.s32 $_size__tile_overlayer_lowered;
	s6 =	simm.s32 $_tile_overlayer_lowered  }
0xa1: {  	s22 =	simm.s32 $0x1BFF;
	s21 =	sshll.u32 s6, $0x1;
	s3 =	sadd.s32 s19, s18  }
0xa2: {  	s7 =	simm.s32 $0x0;
	s20 =	sshll.u32 s5, $0x1;
	s5 =	sadd.s32 s21, s3  }
0xa3: {  	[timem:s7], [sflag:s22] =	dma.local [hbm:s5], s20  }
0xa4: {  	_ =	swait.ge [sflag:s22], s20  }
0xa5: {  	s4 =	ssub.s32 $0x0, s20;
	[sflag:s22] =	ssyncset.done $0x0  }
0xa6: {  	[sflag:s22] =	ssyncadd.s32 s4;
	_ =	sdelay $0x1  }
0xa7: {  	s23 =	simm.s32 $0x1B8B  }
0xa8: {  	_ =	swait.ge [sflag:s23], $0x1  }
0xa9: {  	[sflag:s23] =	ssyncset.done $0x0  }
0xaa: {  	s25 =	simm.s32 $0x1B8E;
	s24 =	sld [smem:$0x3FFE];
	[sflag:s23] =	ssyncadd.s32 $0xFFFFFFFF  }
0xab: {  	s26 =	simm.s32 $execute0_lowered;
	[smem:$0x3FD2] =	sst s25  }
0xac: {  	s5 =	sshll.u32 s26, $0x1;
	_ =	strace $0x80000046;
	[dreg:$0x1] =	wrdreg $0xFFFFFFFF  }
0xad: {  	s28 =	simm.s32 $_size_execute0_lowered;
	s3 =	sadd.s32 s3, s5;
	[dreg:$0x0] =	wrdreg $0x0  }
0xae: {  	s5 =	sshll.u32 s28, $0x1;
	[dreg:$0x2] =	wrdreg s3  }
0xaf: {  	[dreg:$0x3] =	wrdreg s5  }
0xb0: {  	[dreg:$0x4] =	wrdreg $0xC0  }
0xb1: {  	_ =	task [dreg:s7], $0x5FFFF  }
0xb2: {  	[dreg:$0x1] =	wrdreg $0xFFFFFFFF  }
0xb3: {  	[dreg:$0x0] =	wrdreg $0x60  }
0xb4: {  	[dreg:$0x2] =	wrdreg s16  }
0xb5: {  	[dreg:$0x3] =	wrdreg s24  }
0xb6: {  	[dreg:$0x4] =	wrdreg $0x9  }
0xb7: {  	_ =	task.clear_ibuf [dreg:s7], $0x5FFFF;
	_ =	strace $0x90000046  }
0xb8: {  	s29 =	simm.s32 $0x9;
	_ =	strace $0x80000048  }
0xb9: {  	_ =	swait.ge [sflag:s29], $0x1  }
0xba: {  	[sflag:s29] =	ssyncadd.s32 $0xFFFFFFFF  }
0xbb: {  	_ =	strace $0x90000048  }
0xbc: {  	_ =	sfence  }
0xbd: {  	s30 =	sld [smem:$0x0];
	_ =	sdelay $0x2  }
0xbe: {  	s31 =	sshll.u32 s1, $0xD;
	s1 =	sshrl.u32 s1, $0x2  }
0xbf: {  	s3 =	sand.u32 $0x4000, s31;
	s1 =	sadd.s32 s1, s30  }
0xc0: {  	s0 =	sor.u32 s3, s0;
	s1 =	sshll.u32 s1, $0x11  }
0xc1: {  	s0 =	sor.u32 s1, s0  }
0xc2: {  	s0 =	sadd.s32 $0x8F2B, s0  }
0xc3: {  	[sflag:s0] =	ssyncadd.remote.s32 $0x1  }
0xc4: {  	_ =	sfence.sel $0xFFFF  }
0xc5: {  	[dreg:$0x0] =	wrdreg $0xFFFFFFFF;
	(pc) =	sbr.abs _section_cstart, $3  }
0xc6: {  	[dreg:$0x1] =	wrdreg $0xFFFFFFFF  }
0xc7: {  	_ =	task.clear_ibuf [dreg:s7], $0x2FFFF;
	_ =	strace $0x9FFFFFFF  }
0xc8: {  	(tm) =	ssettm $0x7FFFFFFF  }
0xc9: {  	_ =	shalt  }
tec
execute0_lowered:
.L_overlay_start_1:
0x0: {  	(tag) =	ssettag $0x1  }
0x1: {  	s1 =	srdreg.scid;
	s0 =	stileid.u32  }
0x2: {  	s3 =	sand.u32 $0x1, s1;
	s8 =	sshll.u32 s0, $0x1  }
0x3: {  	s1 =	sor.u32 s3, s8  }
0x4: {  	s4 =	smul.u32 $0x300, s1;
	_ =	sdelay $0x1  }
0x5: {  	v0 =	vmov s4  }
0x6: {  	v0 =	vbroadcast v0, $0x0  }
0x7: {  	v22 =	vlaneseq.u32  }
0x8: {  	s5 =	sshll.u32 s1, $0x8;
	v1 =	vor.u32 v22, v0  }
0x9: {  	s6 =	sor.u32 $0x80, s5;
	s26 =	sadd.s32 $0x110, s4;
	v2 =	vmulhi.u32 $0xAAAAAAAB, v1  }
0xa: {  	v23 =	vmov s5;
	v26 =	vmov s6;
	s29 =	sadd.s32 $0x1A0, s4;
	v6 =	vor.u32 s26, v22  }
0xb: {  	s30 =	sadd.s32 $0x1B0, s4;
	v7 =	vor.u32 s29, v22;
	v58 =	vmulhi.u32 $0xAAAAAAAB, v6;
	v2 =	vshrl.u32 v2, $0x1  }
0xc: {  	s28 =	sadd.s32 $0x120, s4;
	v9 =	vor.u32 s30, v22;
	v7 =	vmulhi.u32 $0xAAAAAAAB, v7;
	v3 =	vmul.u32 $0xFFFFFFFD, v2  }
0xd: {  	v27 =	vor.u32 s28, v22;
	v9 =	vmulhi.u32 $0xAAAAAAAB, v9;
	v1 =	vsub.s32 $0x0, v1  }
0xe: {  	s2 =	sor.u32 $0x10, s4;
	v61 =	vmulhi.u32 $0xAAAAAAAB, v27;
	vm0 =	veq.s32 v0, v22;
	vm1 =	vne.s32 v3, v1  }
0xf: {  	v0 =	vimm.s32 $0x0;
	v1 =	vor.u32 s2, v22;
	s2 =	sadd.s32 $0x1D0, s4;
	vm0 =	vmand vm0, vm1  }
0x10: {  	s9 =	sor.u32 $0x20, s4;
	v33 =	vmulhi.u32 $0xAAAAAAAB, v1;
	v10 =	vor.u32 s2, v22;
	v0 =	vsel vm0, $0xFFFFFFFF, v0  }
0x11: {  	s10 =	sor.u32 $0x30, s4;
	v10 =	vmulhi.u32 $0xAAAAAAAB, v10;
	v29 =	vadd.s32 v0, v2;
	v0 =	vor.u32 s9, v22  }
0x12: {  	s11 =	sor.u32 $0x40, s4;
	v2 =	vshrl.u32 v33, $0x1;
	v32 =	vmulhi.u32 $0xAAAAAAAB, v0;
	v0 =	vor.u32 s10, v22  }
0x13: {  	s12 =	sor.u32 $0x50, s4;
	v25 =	vsub.s32 v2, v23;
	v31 =	vmulhi.u32 $0xAAAAAAAB, v0;
	v0 =	vor.u32 s11, v22  }
0x14: {  	v36 =	vmulhi.u32 $0xAAAAAAAB, v0;
	v0 =	vor.u32 s12, v22;
	v3 =	vshrl.u32 v32, $0x1  }
0x15: {  	s13 =	sor.u32 $0x60, s4;
	v5 =	vshrl.u32 v31, $0x1;
	v34 =	vmulhi.u32 $0xAAAAAAAB, v0;
	v28 =	vsub.s32 v3, v23  }
0x16: {  	v0 =	vor.u32 s13, v22;
	v30 =	vsub.s32 v5, v23;
	v3 =	vshrl.u32 v36, $0x1  }
0x17: {  	v38 =	vmulhi.u32 $0xAAAAAAAB, v0;
	v5 =	vshrl.u32 v34, $0x1;
	v0 =	vsub.s32 v3, v23  }
0x18: {  	s14 =	sor.u32 $0x70, s4;
	v31 =	vshll.u32 v31, $0x6;
	v28 =	vshrl.u32 v28, $0x3;
	[tilespmem:$0x1FFD0] =	vst v0;
	v0 =	vsub.s32 v5, v23  }
0x19: {  	s15 =	sor.u32 $0x80, s4;
	v31 =	vand.u32 $0x380, v31;
	v36 =	vshll.u32 v36, $0x6;
	[tilespmem:$0x1FFE0] =	vst v0;
	v0 =	vor.u32 s14, v22  }
0x1a: {  	s16 =	sor.u32 $0x90, s4;
	v3 =	vshrl.u32 v38, $0x1;
	v39 =	vmulhi.u32 $0xAAAAAAAB, v0;
	v0 =	vor.u32 s15, v22  }
0x1b: {  	s17 =	sor.u32 $0xA0, s4;
	v1 =	vsub.s32 v3, v23;
	v40 =	vmulhi.u32 $0xAAAAAAAB, v0;
	v0 =	vor.u32 s16, v22  }
0x1c: {  	v3 =	vshrl.u32 v39, $0x1;
	v8 =	vmulhi.u32 $0xAAAAAAAB, v0;
	v0 =	vor.u32 s17, v22  }
0x1d: {  	s18 =	sor.u32 $0xB0, s4;
	v28 =	vmul.u32 $0x1C00, v28;
	v37 =	vsub.s32 v3, v23;
	v45 =	vmulhi.u32 $0xAAAAAAAB, v0  }
0x1e: {  	s19 =	sor.u32 $0xC0, s4;
	v0 =	vor.u32 s18, v22;
	v3 =	vshrl.u32 v40, $0x1;
	v5 =	vshrl.u32 v8, $0x1  }
0x1f: {  	v46 =	vmulhi.u32 $0xAAAAAAAB, v0;
	v41 =	vsub.s32 v3, v23;
	v0 =	vor.u32 s19, v22  }
0x20: {  	s20 =	sor.u32 $0xD0, s4;
	v42 =	vsub.s32 v5, v23;
	v3 =	vshrl.u32 v45, $0x1;
	v49 =	vmulhi.u32 $0xAAAAAAAB, v0  }
0x21: {  	s21 =	sor.u32 $0xE0, s4;
	v0 =	vor.u32 s20, v22;
	v5 =	vshrl.u32 v46, $0x1;
	v43 =	vsub.s32 v3, v23  }
0x22: {  	s22 =	sor.u32 $0xF0, s4;
	v51 =	vmulhi.u32 $0xAAAAAAAB, v0;
	v0 =	vor.u32 s21, v22;
	v47 =	vsub.s32 v5, v23  }
0x23: {  	s23 =	sadd.s32 $0x100, s4;
	v3 =	vshrl.u32 v49, $0x1;
	v52 =	vmulhi.u32 $0xAAAAAAAB, v0;
	v0 =	vor.u32 s22, v22  }
0x24: {  	s24 =	sadd.s32 $0x180, s4;
	v48 =	vsub.s32 v3, v23;
	v55 =	vmulhi.u32 $0xAAAAAAAB, v0;
	v0 =	vor.u32 s23, v22  }
0x25: {  	v3 =	vshrl.u32 v51, $0x1;
	v57 =	vmulhi.u32 $0xAAAAAAAB, v0;
	v0 =	vor.u32 s24, v22  }
0x26: {  	s25 =	sadd.s32 $0x190, s4;
	v50 =	vsub.s32 v3, v23;
	v5 =	vshrl.u32 v55, $0x1;
	v0 =	vmulhi.u32 $0xAAAAAAAB, v0  }
0x27: {  	v3 =	vshrl.u32 v52, $0x1;
	v54 =	vsub.s32 v5, v23;
	v5 =	vor.u32 s25, v22  }
0x28: {  	s14 =	sadd.s32 $0x250, s4;
	v53 =	vsub.s32 v3, v23;
	v3 =	vshrl.u32 v0, $0x1;
	v5 =	vmulhi.u32 $0xAAAAAAAB, v5  }
0x29: {  	v30 =	vshrl.u32 v30, $0x3;
	v11 =	vor.u32 s14, v22;
	v3 =	vsub.s32 v3, v26  }
0x2a: {  	v13 =	vmulhi.u32 $0xAAAAAAAB, v11;
	v3 =	vshrl.u32 v3, $0x3;
	v6 =	vshrl.u32 v5, $0x1  }
0x2b: {  	s18 =	sadd.s32 $0x290, s4;
	v0 =	vshll.u32 v0, $0x6;
	v3 =	vmul.u32 $0x1C00, v3;
	v6 =	vsub.s32 v6, v26  }
0x2c: {  	v15 =	vor.u32 s18, v22;
	v0 =	vand.u32 $0x380, v0;
	v6 =	vshrl.u32 v6, $0x3  }
0x2d: {  	s22 =	sadd.s32 $0x2D0, s4;
	v5 =	vshll.u32 v5, $0x6;
	v6 =	vmul.u32 $0x1C00, v6;
	v0 =	vor.u32 v0, v3  }
0x2e: {  	v17 =	vmulhi.u32 $0xAAAAAAAB, v15;
	v19 =	vor.u32 s22, v22;
	[tilespmem:$0x1FF10] =	vst v0;
	v0 =	vand.u32 $0x380, v5  }
0x2f: {  	s31 =	sadd.s32 $0x1C0, s4;
	v21 =	vmulhi.u32 $0xAAAAAAAB, v19;
	v3 =	vshrl.u32 v7, $0x1;
	v0 =	vor.u32 v0, v6  }
0x30: {  	v5 =	vor.u32 s31, v22;
	[tilespmem:$0x1FF20] =	vst v0;
	v0 =	vsub.s32 v3, v26;
	v3 =	vshrl.u32 v9, $0x1  }
0x31: {  	v6 =	vshll.u32 v7, $0x6;
	v0 =	vshrl.u32 v0, $0x3;
	v3 =	vsub.s32 v3, v26  }
0x32: {  	v5 =	vmulhi.u32 $0xAAAAAAAB, v5;
	v3 =	vshrl.u32 v3, $0x3;
	v0 =	vmul.u32 $0x1C00, v0  }
0x33: {  	v7 =	vshll.u32 v9, $0x6;
	v6 =	vand.u32 $0x380, v6;
	v3 =	vmul.u32 $0x1C00, v3  }
0x34: {  	s7 =	sadd.s32 $0x1E0, s4;
	v7 =	vand.u32 $0x380, v7;
	v9 =	vshrl.u32 v5, $0x1;
	v0 =	vor.u32 v6, v0  }
0x35: {  	v9 =	vsub.s32 v9, v26;
	v6 =	vor.u32 s7, v22;
	[tilespmem:$0x1FF30] =	vst v0;
	v0 =	vor.u32 v7, v3  }
0x36: {  	v3 =	vshll.u32 v5, $0x6;
	v5 =	vshrl.u32 v10, $0x1;
	[tilespmem:$0x1FF40] =	vst v0;
	v0 =	vshrl.u32 v9, $0x3  }
0x37: {  	s8 =	sadd.s32 $0x1F0, s4;
	v6 =	vmulhi.u32 $0xAAAAAAAB, v6;
	v5 =	vsub.s32 v5, v26;
	v0 =	vmul.u32 $0x1C00, v0  }
0x38: {  	v7 =	vor.u32 s8, v22;
	v3 =	vand.u32 $0x380, v3;
	v5 =	vshrl.u32 v5, $0x3  }
0x39: {  	s10 =	sadd.s32 $0x210, s4;
	v9 =	vshll.u32 v10, $0x6;
	v5 =	vmul.u32 $0x1C00, v5;
	v0 =	vor.u32 v3, v0  }
0x3a: {  	v7 =	vmulhi.u32 $0xAAAAAAAB, v7;
	v10 =	vor.u32 s10, v22;
	[tilespmem:$0x1FF50] =	vst v0;
	v0 =	vand.u32 $0x380, v9  }
0x3b: {  	v10 =	vmulhi.u32 $0xAAAAAAAB, v10;
	v3 =	vshrl.u32 v6, $0x1;
	v0 =	vor.u32 v0, v5  }
0x3c: {  	s9 =	sadd.s32 $0x200, s4;
	v6 =	vshll.u32 v6, $0x6;
	[tilespmem:$0x1FF60] =	vst v0;
	v0 =	vsub.s32 v3, v26;
	v3 =	vshrl.u32 v7, $0x1  }
0x3d: {  	v5 =	vor.u32 s9, v22;
	v0 =	vshrl.u32 v0, $0x3;
	v3 =	vsub.s32 v3, v26  }
0x3e: {  	v5 =	vmulhi.u32 $0xAAAAAAAB, v5;
	v3 =	vshrl.u32 v3, $0x3;
	v0 =	vmul.u32 $0x1C00, v0  }
0x3f: {  	v6 =	vand.u32 $0x380, v6;
	v7 =	vshll.u32 v7, $0x6;
	v3 =	vmul.u32 $0x1C00, v3  }
0x40: {  	s11 =	sadd.s32 $0x220, s4;
	v7 =	vand.u32 $0x380, v7;
	v9 =	vshrl.u32 v5, $0x1;
	v0 =	vor.u32 v6, v0  }
0x41: {  	v9 =	vsub.s32 v9, v26;
	v6 =	vor.u32 s11, v22;
	[tilespmem:$0x1FF70] =	vst v0;
	v0 =	vor.u32 v7, v3  }
0x42: {  	v3 =	vshll.u32 v5, $0x6;
	v5 =	vshrl.u32 v10, $0x1;
	[tilespmem:$0x1FF80] =	vst v0;
	v0 =	vshrl.u32 v9, $0x3  }
0x43: {  	s12 =	sadd.s32 $0x230, s4;
	v6 =	vmulhi.u32 $0xAAAAAAAB, v6;
	v5 =	vsub.s32 v5, v26;
	v0 =	vmul.u32 $0x1C00, v0  }
0x44: {  	v7 =	vor.u32 s12, v22;
	v3 =	vand.u32 $0x380, v3;
	v5 =	vshrl.u32 v5, $0x3  }
0x45: {  	v9 =	vshll.u32 v10, $0x6;
	v5 =	vmul.u32 $0x1C00, v5;
	v0 =	vor.u32 v3, v0  }
0x46: {  	v30 =	vmul.u32 $0x1C00, v30;
	v7 =	vmulhi.u32 $0xAAAAAAAB, v7;
	[tilespmem:$0x1FF90] =	vst v0;
	v0 =	vand.u32 $0x380, v9  }
0x47: {  	v24 =	vshrl.u32 v57, $0x1;
	v3 =	vshrl.u32 v6, $0x1;
	v0 =	vor.u32 v0, v5  }
0x48: {  	s13 =	sadd.s32 $0x240, s4;
	v6 =	vshll.u32 v6, $0x6;
	[tilespmem:$0x1FFA0] =	vst v0;
	v0 =	vsub.s32 v3, v26;
	v3 =	vshrl.u32 v7, $0x1  }
0x49: {  	v5 =	vor.u32 s13, v22;
	v0 =	vshrl.u32 v0, $0x3;
	v3 =	vsub.s32 v3, v26  }
0x4a: {  	v5 =	vmulhi.u32 $0xAAAAAAAB, v5;
	v3 =	vshrl.u32 v3, $0x3;
	v0 =	vmul.u32 $0x1C00, v0  }
0x4b: {  	v6 =	vand.u32 $0x380, v6;
	v7 =	vshll.u32 v7, $0x6;
	v3 =	vmul.u32 $0x1C00, v3  }
0x4c: {  	s15 =	sadd.s32 $0x260, s4;
	v7 =	vand.u32 $0x380, v7;
	v10 =	vshrl.u32 v5, $0x1;
	v0 =	vor.u32 v6, v0  }
0x4d: {  	v12 =	vsub.s32 v10, v26;
	v6 =	vor.u32 s15, v22;
	[tilespmem:$0x1FFB0] =	vst v0;
	v0 =	vor.u32 v7, v3  }
0x4e: {  	s16 =	sadd.s32 $0x270, s4;
	v3 =	vshll.u32 v5, $0x6;
	v5 =	vshrl.u32 v13, $0x1;
	v6 =	vmulhi.u32 $0xAAAAAAAB, v6  }
0x4f: {  	v7 =	vor.u32 s16, v22;
	[tilespmem:$0x1FFC0] =	vst v0;
	v0 =	vshrl.u32 v12, $0x3;
	v5 =	vsub.s32 v5, v26  }
0x50: {  	v13 =	vshll.u32 v13, $0x6;
	v0 =	vmul.u32 $0x1C00, v0;
	v5 =	vshrl.u32 v5, $0x3  }
0x51: {  	v3 =	vand.u32 $0x380, v3;
	v7 =	vmulhi.u32 $0xAAAAAAAB, v7;
	v5 =	vmul.u32 $0x1C00, v5  }
0x52: {  	v12 =	vor.u32 v3, v0;
	v0 =	vand.u32 $0x380, v13;
	v3 =	vshrl.u32 v6, $0x1  }
0x53: {  	s17 =	sadd.s32 $0x280, s4;
	v6 =	vshll.u32 v6, $0x6;
	v13 =	vor.u32 v0, v5;
	v0 =	vsub.s32 v3, v26  }
0x54: {  	v3 =	vshrl.u32 v7, $0x1;
	v5 =	vor.u32 s17, v22;
	v6 =	vand.u32 $0x380, v6  }
0x55: {  	v0 =	vshrl.u32 v0, $0x3;
	v3 =	vsub.s32 v3, v26;
	v5 =	vmulhi.u32 $0xAAAAAAAB, v5  }
0x56: {  	v7 =	vshll.u32 v7, $0x6;
	v3 =	vshrl.u32 v3, $0x3;
	v0 =	vmul.u32 $0x1C00, v0  }
0x57: {  	s19 =	sadd.s32 $0x2A0, s4;
	v7 =	vand.u32 $0x380, v7;
	v3 =	vmul.u32 $0x1C00, v3;
	v14 =	vshrl.u32 v5, $0x1  }
0x58: {  	v16 =	vsub.s32 v14, v26;
	v14 =	vor.u32 v6, v0;
	v6 =	vor.u32 s19, v22  }
0x59: {  	v15 =	vor.u32 v7, v3;
	v3 =	vshll.u32 v5, $0x6;
	v5 =	vshrl.u32 v17, $0x1  }
0x5a: {  	s20 =	sadd.s32 $0x2B0, s4;
	v0 =	vshrl.u32 v16, $0x3;
	v6 =	vmulhi.u32 $0xAAAAAAAB, v6;
	v5 =	vsub.s32 v5, v26  }
0x5b: {  	v7 =	vor.u32 s20, v22;
	v0 =	vmul.u32 $0x1C00, v0;
	v5 =	vshrl.u32 v5, $0x3  }
0x5c: {  	v17 =	vshll.u32 v17, $0x6;
	v3 =	vand.u32 $0x380, v3;
	v5 =	vmul.u32 $0x1C00, v5  }
0x5d: {  	v7 =	vmulhi.u32 $0xAAAAAAAB, v7;
	v16 =	vor.u32 v3, v0;
	v0 =	vand.u32 $0x380, v17  }
0x5e: {  	s21 =	sadd.s32 $0x2C0, s4;
	v56 =	vsub.s32 v24, v23;
	v3 =	vshrl.u32 v6, $0x1;
	v17 =	vor.u32 v0, v5  }
0x5f: {  	v0 =	vsub.s32 v3, v26;
	v3 =	vshrl.u32 v7, $0x1;
	v5 =	vor.u32 s21, v22  }
0x60: {  	v6 =	vshll.u32 v6, $0x6;
	v3 =	vsub.s32 v3, v26;
	v5 =	vmulhi.u32 $0xAAAAAAAB, v5  }
0x61: {  	v7 =	vshll.u32 v7, $0x6;
	v0 =	vshrl.u32 v0, $0x3;
	v3 =	vshrl.u32 v3, $0x3  }
0x62: {  	v0 =	vmul.u32 $0x1C00, v0;
	v3 =	vmul.u32 $0x1C00, v3;
	v18 =	vshrl.u32 v5, $0x1  }
0x63: {  	s23 =	sadd.s32 $0x2E0, s4;
	v6 =	vand.u32 $0x380, v6;
	v7 =	vand.u32 $0x380, v7;
	v20 =	vsub.s32 v18, v26  }
0x64: {  	v18 =	vor.u32 v6, v0;
	v6 =	vor.u32 s23, v22;
	v19 =	vor.u32 v7, v3  }
0x65: {  	s24 =	sadd.s32 $0x2F0, s4;
	v0 =	vshrl.u32 v20, $0x3;
	v3 =	vshll.u32 v5, $0x6;
	v5 =	vshrl.u32 v21, $0x1  }
0x66: {  	v35 =	vmulhi.u32 $0xAAAAAAAB, v6;
	v6 =	vor.u32 s24, v22;
	v5 =	vsub.s32 v5, v26  }
0x67: {  	v7 =	vshll.u32 v21, $0x6;
	v0 =	vmul.u32 $0x1C00, v0;
	v5 =	vshrl.u32 v5, $0x3  }
0x68: {  	s29 =	sadd.s32 $0x160, s4;
	v3 =	vand.u32 $0x380, v3;
	v44 =	vmulhi.u32 $0xAAAAAAAB, v6;
	v5 =	vmul.u32 $0x1C00, v5  }
0x69: {  	v6 =	vor.u32 s29, v22;
	v20 =	vor.u32 v3, v0;
	v0 =	vand.u32 $0x380, v7  }
0x6a: {  	v3 =	vshrl.u32 v35, $0x1;
	v21 =	vor.u32 v0, v5;
	v0 =	vshrl.u32 v44, $0x1  }
0x6b: {  	s25 =	sadd.s32 $0x130, s4;
	v7 =	vsub.s32 v3, v26;
	v26 =	vsub.s32 v0, v26;
	v0 =	vshrl.u32 v58, $0x1  }
0x6c: {  	s26 =	sadd.s32 $0x140, s4;
	v27 =	vshll.u32 v44, $0x6;
	v59 =	vsub.s32 v0, v23;
	v0 =	vor.u32 s25, v22  }
0x6d: {  	s28 =	sadd.s32 $0x150, s4;
	v3 =	vor.u32 s26, v22;
	v63 =	vmulhi.u32 $0xAAAAAAAB, v0;
	v0 =	vshrl.u32 v61, $0x1  }
0x6e: {  	v60 =	vsub.s32 v0, v23;
	v0 =	vmulhi.u32 $0xAAAAAAAB, v3;
	v3 =	vor.u32 s28, v22  }
0x6f: {  	s30 =	sadd.s32 $0x170, s4;
	v44 =	vsub.s32 v29, v23;
	v3 =	vmulhi.u32 $0xAAAAAAAB, v3;
	v5 =	vshrl.u32 v63, $0x1  }
0x70: {  	v62 =	vsub.s32 v5, v23;
	v5 =	vmulhi.u32 $0xAAAAAAAB, v6;
	v6 =	vor.u32 s30, v22  }
0x71: {  	v22 =	vshrl.u32 v0, $0x1;
	v6 =	vmulhi.u32 $0xAAAAAAAB, v6;
	v24 =	vshrl.u32 v3, $0x1  }
0x72: {  	[tilespmem:$0x1FFF0] =	vst v1;
	v9 =	vld [tilespmem:$0x1FFD0];
	v1 =	vsub.s32 v22, v23;
	v2 =	vsub.s32 v24, v23;
	v22 =	vshrl.u32 v5, $0x1  }
0x73: {  	v24 =	vshrl.u32 v26, $0x3;
	v4 =	vsub.s32 v22, v23;
	v22 =	vshrl.u32 v7, $0x3  }
0x74: {  	v26 =	vshll.u32 v35, $0x6;
	v7 =	vshrl.u32 v6, $0x1;
	v22 =	vmul.u32 $0x1C00, v22  }
0x75: {  	v24 =	vmul.u32 $0x1C00, v24;
	v7 =	vsub.s32 v7, v23;
	v23 =	vand.u32 $0x380, v26  }
0x76: {  	v39 =	vshll.u32 v39, $0x6;
	v26 =	vand.u32 $0x380, v27;
	v22 =	vor.u32 v23, v22  }
0x77: {  	v23 =	vor.u32 v26, v24;
	v24 =	vshrl.u32 v44, $0x3;
	v44 =	vshrl.u32 v9, $0x3;
	v9 =	vld [tilespmem:$0x1FFE0]  }
0x78: {  	v38 =	vshll.u32 v38, $0x6;
	v39 =	vand.u32 $0x380, v39;
	v8 =	vshll.u32 v8, $0x6  }
0x79: {  	v41 =	vshrl.u32 v41, $0x3;
	v42 =	vshrl.u32 v42, $0x3;
	v50 =	vshrl.u32 v50, $0x3  }
0x7a: {  	v42 =	vmul.u32 $0x1C00, v42;
	v50 =	vmul.u32 $0x1C00, v50;
	v56 =	vshrl.u32 v56, $0x3  }
0x7b: {  	v56 =	vmul.u32 $0x1C00, v56;
	v62 =	vshrl.u32 v62, $0x3;
	v3 =	vshll.u32 v3, $0x6  }
0x7c: {  	v62 =	vmul.u32 $0x1C00, v62;
	v1 =	vshrl.u32 v1, $0x3;
	v35 =	vshrl.u32 v9, $0x3;
	v9 =	vld [tilespmem:$0x1FFF0]  }
0x7d: {  	v3 =	vand.u32 $0x380, v3;
	v5 =	vshll.u32 v5, $0x6;
	v2 =	vshrl.u32 v2, $0x3  }
0x7e: {  	v5 =	vand.u32 $0x380, v5;
	v27 =	vshrl.u32 v25, $0x3;
	v26 =	vshll.u32 v29, $0x7  }
0x7f: {  	v29 =	vshll.u32 v32, $0x6;
	v25 =	vand.u32 $0x380, v26;
	v26 =	vmul.u32 $0x1C00, v27  }
0x80: {  	v27 =	vshll.u32 v33, $0x6;
	v32 =	vmul.u32 $0x1C00, v44;
	v44 =	vshll.u32 v34, $0x6  }
0x81: {  	v34 =	vmul.u32 $0x1C00, v35;
	v35 =	vand.u32 $0x380, v44;
	v44 =	vshrl.u32 v9, $0x3  }
0x82: {  	v33 =	vand.u32 $0x380, v36;
	v36 =	vmul.u32 $0x1C00, v44;
	v44 =	vshrl.u32 v37, $0x3  }
0x83: {  	v37 =	vand.u32 $0x380, v38;
	v38 =	vmul.u32 $0x1C00, v44;
	v44 =	vshll.u32 v40, $0x6  }
0x84: {  	v2 =	vmul.u32 $0x1C00, v2;
	v40 =	vmul.u32 $0x1C00, v41;
	v41 =	vand.u32 $0x380, v44  }
0x85: {  	v44 =	vshrl.u32 v43, $0x3;
	v43 =	vand.u32 $0x380, v8;
	v8 =	vshll.u32 v45, $0x6  }
0x86: {  	v4 =	vshrl.u32 v4, $0x3;
	v45 =	vand.u32 $0x380, v8;
	v8 =	vshrl.u32 v47, $0x3  }
0x87: {  	v47 =	vshll.u32 v46, $0x6;
	v46 =	vmul.u32 $0x1C00, v8;
	v8 =	vshrl.u32 v48, $0x3  }
0x88: {  	v4 =	vmul.u32 $0x1C00, v4;
	v48 =	vmul.u32 $0x1C00, v8;
	v8 =	vshll.u32 v49, $0x6  }
0x89: {  	s1 =	rddreg [dreg:$0x2];
	s2 =	simm.s32 $0x0;
	v7 =	vshrl.u32 v7, $0x3;
	v49 =	vand.u32 $0x380, v8;
	v8 =	vshll.u32 v51, $0x6  }
0x8a: {  	[smem:$0x7FF] =	sst s2;
	s9 =	sshrl.u32 s0, $0x2;
	v24 =	vmul.u32 $0x1C00, v24;
	v51 =	vand.u32 $0x380, v8;
	v8 =	vshrl.u32 v53, $0x3  }
0x8b: {  	s3 =	ssub.s32 $0x2, s3;
	s7 =	rddreg [dreg:$0x0];
	s10 =	sshll.u32 s9, $0xB;
	v53 =	vshll.u32 v52, $0x6;
	v52 =	vmul.u32 $0x1C00, v8;
	v8 =	vshrl.u32 v54, $0x3  }
0x8c: {  	s4 =	sshrl.u32 s4, $0x3;
	s8 =	rddreg [dreg:$0x1];
	s5 =	ssub.s32 s5, s10;
	v29 =	vand.u32 $0x380, v29;
	v54 =	vmul.u32 $0x1C00, v8;
	v8 =	vshll.u32 v55, $0x6  }
0x8d: {  	s9 =	smul.u32 $0x1C0000, s9;
	s6 =	ssub.s32 s6, s10;
	s5 =	sshrl.u32 s5, $0x3;
	v27 =	vand.u32 $0x380, v27;
	v55 =	vand.u32 $0x380, v8;
	v8 =	vshll.u32 v57, $0x6  }
0x8e: {  	s31 =	sadd.s32 s4, s8;
	s6 =	sshrl.u32 s6, $0x3;
	s5 =	smul.u32 $0x1C00, s5;
	v44 =	vmul.u32 $0x1C00, v44;
	v57 =	vand.u32 $0x380, v8;
	v8 =	vshrl.u32 v59, $0x3  }
0x8f: {  	s8 =	sadd.s32 $0x1800, s8;
	s6 =	smul.u32 $0x1C00, s6;
	s11 =	sshrl.u32 s3, $0x1;
	v59 =	vshll.u32 v58, $0x6;
	v58 =	vmul.u32 $0x1C00, v8;
	v8 =	vshrl.u32 v60, $0x3  }
0x90: {  	s10 =	simm.s32 $0x600;
	s11 =	ssub.s32 s3, s11;
	s5 =	sadd.s32 s9, s5;
	v47 =	vand.u32 $0x380, v47;
	v60 =	vmul.u32 $0x1C00, v8;
	v8 =	vshll.u32 v61, $0x6  }
0x91: {  	s3 =	sadd.s32 s7, s4;
	s6 =	sadd.s32 s9, s6;
	s4 =	sadd.s32 $0xC00, s31;
	v53 =	vand.u32 $0x380, v53;
	v61 =	vand.u32 $0x380, v8;
	v8 =	vshll.u32 v63, $0x6  }
0x92: {  	s9 =	simm.s32 $0x300;
	s5 =	sshrl.u32 s5, $0x3;
	s6 =	sshrl.u32 s6, $0x3;
	v59 =	vand.u32 $0x380, v59;
	v63 =	vand.u32 $0x380, v8;
	v8 =	vshll.u32 v0, $0x6  }
0x93: {  	s7 =	smax.u32 s11, $0x1;
	s11 =	simm.s32 $0x0;
	s5 =	sadd.s32 s8, s5;
	v0 =	vmul.u32 $0x1C00, v1;
	v1 =	vand.u32 $0x380, v8;
	v8 =	vshll.u32 v6, $0x6  }
0x94: {  	s6 =	sadd.s32 s8, s6;
	s8 =	simm.s32 $0x1;
	_ =	strace $0x80000047;
	v6 =	vmul.u32 $0x1C00, v7;
	v7 =	vand.u32 $0x380, v8;
	v8 =	vimm.f32 $0.0e+00  }
.LBB2_1:
0x95: {  	[tilespmem:s2], [sflag:$0x1] =	stream.linear.gather [hbm4b:s3+s2], $0x300, $0x38;
	[tilespmem:$0x1C600] =	vst v63  }
0x96: {  	_ =	swait.ge [sflag:s8], $0x300  }
0x97: {  	s12 =	simm.s32 $0x0;
	[sflag:s8] =	ssyncset.done $0x0  }
0x98: {  	s12 =	smul.u32 $0x7000, s12;
	[sflag:s8] =	ssyncadd.s32 $0xFFFFFD00  }
0x99: {  	[tilespmem:s9], [sflag:$0x1] =	stream.linear.gather [hbm4b:s4+s2], $0x300, $0x38;
	[tilespmem:$0x1C600] =	vst v63  }
0x9a: {  	_ =	swait.ge [sflag:s8], $0x300  }
0x9b: {  	s13 =	sand.u32 $0x380, s2;
	s12 =	sshra.s32 s12, $0x2;
	[sflag:s8] =	ssyncset.done $0x0  }
0x9c: {  	s12 =	sor.u32 s13, s12;
	[sflag:s8] =	ssyncadd.s32 $0xFFFFFD00  }
0x9d: {  	[tilespmem:s12+$0x1E10] =	vst v8  }
0x9e: {  	[tilespmem:s12+$0x600] =	vst v8  }
0x9f: {  	[tilespmem:s12+$0x610] =	vst v8  }
0xa0: {  	[tilespmem:s12+$0x620] =	vst v8  }
0xa1: {  	[tilespmem:s12+$0x630] =	vst v8  }
0xa2: {  	[tilespmem:s12+$0x640] =	vst v8  }
0xa3: {  	[tilespmem:s12+$0x650] =	vst v8  }
0xa4: {  	[tilespmem:s12+$0x660] =	vst v8  }
0xa5: {  	[tilespmem:s12+$0x670] =	vst v8  }
0xa6: {  	[tilespmem:s12+$0xA00] =	vst v8  }
0xa7: {  	[tilespmem:s12+$0xA10] =	vst v8  }
0xa8: {  	[tilespmem:s12+$0xA20] =	vst v8  }
0xa9: {  	[tilespmem:s12+$0xA30] =	vst v8  }
0xaa: {  	[tilespmem:s12+$0xA40] =	vst v8  }
0xab: {  	[tilespmem:s12+$0xA50] =	vst v8  }
0xac: {  	[tilespmem:s12+$0xA60] =	vst v8  }
0xad: {  	[tilespmem:s12+$0xA70] =	vst v8  }
0xae: {  	[tilespmem:s12+$0xE00] =	vst v8  }
0xaf: {  	[tilespmem:s12+$0xE10] =	vst v8  }
0xb0: {  	[tilespmem:s12+$0xE20] =	vst v8  }
0xb1: {  	[tilespmem:s12+$0xE30] =	vst v8  }
0xb2: {  	[tilespmem:s12+$0xE40] =	vst v8  }
0xb3: {  	[tilespmem:s12+$0xE50] =	vst v8  }
0xb4: {  	[tilespmem:s12+$0xE60] =	vst v8  }
0xb5: {  	[tilespmem:s12+$0xE70] =	vst v8  }
0xb6: {  	[tilespmem:s12+$0x1200] =	vst v8  }
0xb7: {  	[tilespmem:s12+$0x1210] =	vst v8  }
0xb8: {  	[tilespmem:s12+$0x1220] =	vst v8  }
0xb9: {  	[tilespmem:s12+$0x1230] =	vst v8  }
0xba: {  	[tilespmem:s12+$0x1240] =	vst v8  }
0xbb: {  	[tilespmem:s12+$0x1250] =	vst v8  }
0xbc: {  	[tilespmem:s12+$0x1260] =	vst v8  }
0xbd: {  	[tilespmem:s12+$0x1270] =	vst v8  }
0xbe: {  	[tilespmem:s12+$0x1600] =	vst v8  }
0xbf: {  	[tilespmem:s12+$0x1610] =	vst v8  }
0xc0: {  	[tilespmem:s12+$0x1620] =	vst v8  }
0xc1: {  	[tilespmem:s12+$0x1630] =	vst v8  }
0xc2: {  	[tilespmem:s12+$0x1640] =	vst v8  }
0xc3: {  	[tilespmem:s12+$0x1650] =	vst v8  }
0xc4: {  	[tilespmem:s12+$0x1660] =	vst v8  }
0xc5: {  	[tilespmem:s12+$0x1670] =	vst v8  }
0xc6: {  	[tilespmem:s12+$0x1A00] =	vst v8  }
0xc7: {  	[tilespmem:s12+$0x1A10] =	vst v8  }
0xc8: {  	[tilespmem:s12+$0x1A20] =	vst v8  }
0xc9: {  	[tilespmem:s12+$0x1A30] =	vst v8  }
0xca: {  	s15 =	simm.s32 $0x0;
	s14 =	simm.s32 $0x2;
	s13 =	simm.s32 $0x0;
	[tilespmem:s12+$0x1A40] =	vst v8  }
.LBB2_2:
0xcb: {  	p0 =	sne.s32 s14, $0x7F;
	s15 =	smul.u32 $0x7000, s15;
	[tilespmem:s12+$0x1A50] =	vst v8  }
0xcc: {  	s13 =	sadd.s32 $0x80, s13;
	[tilespmem:s12+$0x1A60] =	vst v8  }
0xcd: {  	s16 =	sand.u32 $0x380, s13;
	s15 =	sshra.s32 s15, $0x2;
	[tilespmem:s12+$0x1A70] =	vst v8  }
0xce: {  	[tilespmem:s12+$0x1E00] =	vst v8;
	s12 =	sor.u32 s16, s15  }
0xcf: {  	[tilespmem:s12+$0x1E10] =	vst v8  }
0xd0: {  	[tilespmem:s12+$0x600] =	vst v8  }
0xd1: {  	[tilespmem:s12+$0x610] =	vst v8  }
0xd2: {  	[tilespmem:s12+$0x620] =	vst v8  }
0xd3: {  	[tilespmem:s12+$0x630] =	vst v8  }
0xd4: {  	[tilespmem:s12+$0x640] =	vst v8  }
0xd5: {  	[tilespmem:s12+$0x650] =	vst v8  }
0xd6: {  	[tilespmem:s12+$0x660] =	vst v8  }
0xd7: {  	[tilespmem:s12+$0x670] =	vst v8  }
0xd8: {  	[tilespmem:s12+$0xA00] =	vst v8  }
0xd9: {  	[tilespmem:s12+$0xA10] =	vst v8  }
0xda: {  	[tilespmem:s12+$0xA20] =	vst v8  }
0xdb: {  	[tilespmem:s12+$0xA30] =	vst v8  }
0xdc: {  	[tilespmem:s12+$0xA40] =	vst v8  }
0xdd: {  	[tilespmem:s12+$0xA50] =	vst v8  }
0xde: {  	[tilespmem:s12+$0xA60] =	vst v8  }
0xdf: {  	[tilespmem:s12+$0xA70] =	vst v8  }
0xe0: {  	[tilespmem:s12+$0xE00] =	vst v8  }
0xe1: {  	[tilespmem:s12+$0xE10] =	vst v8  }
0xe2: {  	[tilespmem:s12+$0xE20] =	vst v8  }
0xe3: {  	[tilespmem:s12+$0xE30] =	vst v8  }
0xe4: {  	[tilespmem:s12+$0xE40] =	vst v8  }
0xe5: {  	[tilespmem:s12+$0xE50] =	vst v8  }
0xe6: {  	[tilespmem:s12+$0xE60] =	vst v8  }
0xe7: {  	[tilespmem:s12+$0xE70] =	vst v8  }
0xe8: {  	[tilespmem:s12+$0x1200] =	vst v8  }
0xe9: {  	[tilespmem:s12+$0x1210] =	vst v8  }
0xea: {  	[tilespmem:s12+$0x1220] =	vst v8  }
0xeb: {  	[tilespmem:s12+$0x1230] =	vst v8  }
0xec: {  	[tilespmem:s12+$0x1240] =	vst v8  }
0xed: {  	[tilespmem:s12+$0x1250] =	vst v8  }
0xee: {  	[tilespmem:s12+$0x1260] =	vst v8  }
0xef: {  	[tilespmem:s12+$0x1270] =	vst v8  }
0xf0: {  	[tilespmem:s12+$0x1600] =	vst v8  }
0xf1: {  	[tilespmem:s12+$0x1610] =	vst v8  }
0xf2: {  	[tilespmem:s12+$0x1620] =	vst v8  }
0xf3: {  	[tilespmem:s12+$0x1630] =	vst v8  }
0xf4: {  	[tilespmem:s12+$0x1640] =	vst v8  }
0xf5: {  	[tilespmem:s12+$0x1650] =	vst v8  }
0xf6: {  	[tilespmem:s12+$0x1660] =	vst v8  }
0xf7: {  	[tilespmem:s12+$0x1670] =	vst v8  }
.Ltmp0:
0xf8: {  	[tilespmem:s12+$0x1A00] =	vst v8;
	(pc) =	sbr.rel @p0 .LBB2_2-.Ltmp0, $4  }
0xf9: {  	[tilespmem:s12+$0x1A10] =	vst v8  }
0xfa: {  	[tilespmem:s12+$0x1A20] =	vst v8  }
0xfb: {  	[tilespmem:s12+$0x1A30] =	vst v8  }
0xfc: {  	s15 =	sshrl.u32 s14, $0x3;
	s14 =	sadd.s32 $0x1, s14;
	[tilespmem:s12+$0x1A40] =	vst v8  }
0xfd: {  	s14 =	smul.u32 $0x7000, s15;
	[tilespmem:s12+$0x1A50] =	vst v8  }
0xfe: {  	[tilespmem:s12+$0x1A60] =	vst v8;
	s13 =	sadd.s32 $0x80, s13  }
0xff: {  	[tilespmem:s12+$0x1A70] =	vst v8;
	s13 =	sand.u32 $0x380, s13;
	s14 =	sshra.s32 s14, $0x2  }
0x100: {  	[tilespmem:s12+$0x1E00] =	vst v8;
	s13 =	sor.u32 s13, s14  }
0x101: {  	[tilespmem:s13+$0x1E10] =	vst v8  }
0x102: {  	[tilespmem:s13+$0x600] =	vst v8  }
0x103: {  	[tilespmem:s13+$0x610] =	vst v8  }
0x104: {  	[tilespmem:s13+$0x620] =	vst v8  }
0x105: {  	[tilespmem:s13+$0x630] =	vst v8  }
0x106: {  	[tilespmem:s13+$0x640] =	vst v8  }
0x107: {  	[tilespmem:s13+$0x650] =	vst v8  }
0x108: {  	[tilespmem:s13+$0x660] =	vst v8  }
0x109: {  	[tilespmem:s13+$0x670] =	vst v8  }
0x10a: {  	[tilespmem:s13+$0xA00] =	vst v8  }
0x10b: {  	[tilespmem:s13+$0xA10] =	vst v8  }
0x10c: {  	[tilespmem:s13+$0xA20] =	vst v8  }
0x10d: {  	[tilespmem:s13+$0xA30] =	vst v8  }
0x10e: {  	[tilespmem:s13+$0xA40] =	vst v8  }
0x10f: {  	[tilespmem:s13+$0xA50] =	vst v8  }
0x110: {  	[tilespmem:s13+$0xA60] =	vst v8  }
0x111: {  	[tilespmem:s13+$0xA70] =	vst v8  }
0x112: {  	[tilespmem:s13+$0xE00] =	vst v8  }
0x113: {  	[tilespmem:s13+$0xE10] =	vst v8  }
0x114: {  	[tilespmem:s13+$0xE20] =	vst v8  }
0x115: {  	[tilespmem:s13+$0xE30] =	vst v8  }
0x116: {  	[tilespmem:s13+$0xE40] =	vst v8  }
0x117: {  	[tilespmem:s13+$0xE50] =	vst v8  }
0x118: {  	[tilespmem:s13+$0xE60] =	vst v8  }
0x119: {  	[tilespmem:s13+$0xE70] =	vst v8  }
0x11a: {  	[tilespmem:s13+$0x1200] =	vst v8  }
0x11b: {  	[tilespmem:s13+$0x1210] =	vst v8  }
0x11c: {  	[tilespmem:s13+$0x1220] =	vst v8  }
0x11d: {  	[tilespmem:s13+$0x1230] =	vst v8  }
0x11e: {  	[tilespmem:s13+$0x1240] =	vst v8  }
0x11f: {  	[tilespmem:s13+$0x1250] =	vst v8  }
0x120: {  	[tilespmem:s13+$0x1260] =	vst v8  }
0x121: {  	[tilespmem:s13+$0x1270] =	vst v8  }
0x122: {  	[tilespmem:s13+$0x1600] =	vst v8  }
0x123: {  	[tilespmem:s13+$0x1610] =	vst v8  }
0x124: {  	[tilespmem:s13+$0x1620] =	vst v8  }
0x125: {  	[tilespmem:s13+$0x1630] =	vst v8  }
0x126: {  	[tilespmem:s13+$0x1640] =	vst v8  }
0x127: {  	[tilespmem:s13+$0x1650] =	vst v8  }
0x128: {  	[tilespmem:s13+$0x1660] =	vst v8  }
0x129: {  	[tilespmem:s13+$0x1670] =	vst v8  }
0x12a: {  	[tilespmem:s13+$0x1A00] =	vst v8  }
0x12b: {  	[tilespmem:s13+$0x1A10] =	vst v8  }
0x12c: {  	[tilespmem:s13+$0x1A20] =	vst v8  }
0x12d: {  	[tilespmem:s13+$0x1A30] =	vst v8  }
0x12e: {  	[tilespmem:s13+$0x1A40] =	vst v8  }
0x12f: {  	[tilespmem:s13+$0x1A50] =	vst v8  }
0x130: {  	[tilespmem:s13+$0x1A60] =	vst v8  }
0x131: {  	[tilespmem:s13+$0x1A70] =	vst v8  }
0x132: {  	[tilespmem:s13+$0x1E00] =	vst v8  }
0x133: {  	v9 =	vld [tilespmem:$0x0];
	_ =	sdelay $0x4  }
0x134: {  	v10 =	vshll.u32 v9, $0x3  }
0x135: {  	v10 =	vand.u32 $0xFFFFFC00, v10  }
0x136: {  	v9 =	vand.u32 $0x7F, v9;
	v10 =	vadd.s32 v24, v10  }
0x137: {  	v9 =	vor.u32 v9, v10  }
0x138: {  	v10 =	vld [tilespmem:$0x300];
	v9 =	vor.u32 v25, v9;
	_ =	sdelay $0x4  }
0x139: {  	[tilespmem:v9+s10+$0x0] =	vst.idx.msk $0xffff, v10  }
0x13a: {  	v9 =	vld [tilespmem:$0x10];
	_ =	sdelay $0x4  }
0x13b: {  	v10 =	vshll.u32 v9, $0x3  }
0x13c: {  	v10 =	vand.u32 $0xFFFFFC00, v10  }
0x13d: {  	v9 =	vand.u32 $0x7F, v9;
	v10 =	vadd.s32 v26, v10  }
0x13e: {  	v9 =	vor.u32 v9, v10  }
0x13f: {  	v10 =	vld [tilespmem:$0x310];
	v9 =	vor.u32 v27, v9;
	_ =	sdelay $0x4  }
0x140: {  	[tilespmem:v9+s10+$0x0] =	vst.idx.msk $0xffff, v10  }
0x141: {  	v9 =	vld [tilespmem:$0x20];
	_ =	sdelay $0x4  }
0x142: {  	v10 =	vshll.u32 v9, $0x3  }
0x143: {  	v10 =	vand.u32 $0xFFFFFC00, v10  }
0x144: {  	v9 =	vand.u32 $0x7F, v9;
	v10 =	vadd.s32 v28, v10  }
0x145: {  	v9 =	vor.u32 v9, v10  }
0x146: {  	v10 =	vld [tilespmem:$0x320];
	v9 =	vor.u32 v29, v9;
	_ =	sdelay $0x4  }
0x147: {  	[tilespmem:v9+s10+$0x0] =	vst.idx.msk $0xffff, v10  }
0x148: {  	v9 =	vld [tilespmem:$0x30];
	_ =	sdelay $0x4  }
0x149: {  	v10 =	vshll.u32 v9, $0x3  }
0x14a: {  	v10 =	vand.u32 $0xFFFFFC00, v10  }
0x14b: {  	v9 =	vand.u32 $0x7F, v9;
	v10 =	vadd.s32 v30, v10  }
0x14c: {  	v9 =	vor.u32 v9, v10  }
0x14d: {  	v10 =	vld [tilespmem:$0x330];
	v9 =	vor.u32 v31, v9;
	_ =	sdelay $0x4  }
0x14e: {  	[tilespmem:v9+s10+$0x0] =	vst.idx.msk $0xffff, v10  }
0x14f: {  	v9 =	vld [tilespmem:$0x40];
	_ =	sdelay $0x4  }
0x150: {  	v10 =	vshll.u32 v9, $0x3  }
0x151: {  	v10 =	vand.u32 $0xFFFFFC00, v10  }
0x152: {  	v9 =	vand.u32 $0x7F, v9;
	v10 =	vadd.s32 v32, v10  }
0x153: {  	v9 =	vor.u32 v9, v10  }
0x154: {  	v10 =	vld [tilespmem:$0x340];
	v9 =	vor.u32 v33, v9;
	_ =	sdelay $0x4  }
0x155: {  	[tilespmem:v9+s10+$0x0] =	vst.idx.msk $0xffff, v10  }
0x156: {  	v9 =	vld [tilespmem:$0x50];
	_ =	sdelay $0x4  }
0x157: {  	v10 =	vshll.u32 v9, $0x3  }
0x158: {  	v10 =	vand.u32 $0xFFFFFC00, v10  }
0x159: {  	v9 =	vand.u32 $0x7F, v9;
	v10 =	vadd.s32 v34, v10  }
0x15a: {  	v9 =	vor.u32 v9, v10  }
0x15b: {  	v10 =	vld [tilespmem:$0x350];
	v9 =	vor.u32 v35, v9;
	_ =	sdelay $0x4  }
0x15c: {  	[tilespmem:v9+s10+$0x0] =	vst.idx.msk $0xffff, v10  }
0x15d: {  	v9 =	vld [tilespmem:$0x60];
	_ =	sdelay $0x4  }
0x15e: {  	v10 =	vshll.u32 v9, $0x3  }
0x15f: {  	v10 =	vand.u32 $0xFFFFFC00, v10  }
0x160: {  	v9 =	vand.u32 $0x7F, v9;
	v10 =	vadd.s32 v36, v10  }
0x161: {  	v9 =	vor.u32 v9, v10  }
0x162: {  	v10 =	vld [tilespmem:$0x360];
	v9 =	vor.u32 v37, v9;
	_ =	sdelay $0x4  }
0x163: {  	[tilespmem:v9+s10+$0x0] =	vst.idx.msk $0xffff, v10  }
0x164: {  	v9 =	vld [tilespmem:$0x70];
	_ =	sdelay $0x4  }
0x165: {  	v10 =	vshll.u32 v9, $0x3  }
0x166: {  	v10 =	vand.u32 $0xFFFFFC00, v10  }
0x167: {  	v9 =	vand.u32 $0x7F, v9;
	v10 =	vadd.s32 v38, v10  }
0x168: {  	v9 =	vor.u32 v9, v10  }
0x169: {  	v10 =	vld [tilespmem:$0x370];
	v9 =	vor.u32 v39, v9;
	_ =	sdelay $0x4  }
0x16a: {  	[tilespmem:v9+s10+$0x0] =	vst.idx.msk $0xffff, v10  }
0x16b: {  	v9 =	vld [tilespmem:$0x80];
	_ =	sdelay $0x4  }
0x16c: {  	v10 =	vshll.u32 v9, $0x3  }
0x16d: {  	v10 =	vand.u32 $0xFFFFFC00, v10  }
0x16e: {  	v9 =	vand.u32 $0x7F, v9;
	v10 =	vadd.s32 v40, v10  }
0x16f: {  	v9 =	vor.u32 v9, v10  }
0x170: {  	v10 =	vld [tilespmem:$0x380];
	v9 =	vor.u32 v41, v9;
	_ =	sdelay $0x4  }
0x171: {  	[tilespmem:v9+s10+$0x0] =	vst.idx.msk $0xffff, v10  }
0x172: {  	v9 =	vld [tilespmem:$0x90];
	_ =	sdelay $0x4  }
0x173: {  	v10 =	vshll.u32 v9, $0x3  }
0x174: {  	v10 =	vand.u32 $0xFFFFFC00, v10  }
0x175: {  	v9 =	vand.u32 $0x7F, v9;
	v10 =	vadd.s32 v42, v10  }
0x176: {  	v9 =	vor.u32 v9, v10  }
0x177: {  	v10 =	vld [tilespmem:$0x390];
	v9 =	vor.u32 v43, v9;
	_ =	sdelay $0x4  }
0x178: {  	[tilespmem:v9+s10+$0x0] =	vst.idx.msk $0xffff, v10  }
0x179: {  	v9 =	vld [tilespmem:$0xA0];
	_ =	sdelay $0x4  }
0x17a: {  	v10 =	vshll.u32 v9, $0x3  }
0x17b: {  	v10 =	vand.u32 $0xFFFFFC00, v10  }
0x17c: {  	v9 =	vand.u32 $0x7F, v9;
	v10 =	vadd.s32 v44, v10  }
0x17d: {  	v9 =	vor.u32 v9, v10  }
0x17e: {  	v10 =	vld [tilespmem:$0x3A0];
	v9 =	vor.u32 v45, v9;
	_ =	sdelay $0x4  }
0x17f: {  	[tilespmem:v9+s10+$0x0] =	vst.idx.msk $0xffff, v10  }
0x180: {  	v9 =	vld [tilespmem:$0xB0];
	_ =	sdelay $0x4  }
0x181: {  	v10 =	vshll.u32 v9, $0x3  }
0x182: {  	v10 =	vand.u32 $0xFFFFFC00, v10  }
0x183: {  	v9 =	vand.u32 $0x7F, v9;
	v10 =	vadd.s32 v46, v10  }
0x184: {  	v9 =	vor.u32 v9, v10  }
0x185: {  	v10 =	vld [tilespmem:$0x3B0];
	v9 =	vor.u32 v47, v9;
	_ =	sdelay $0x4  }
0x186: {  	[tilespmem:v9+s10+$0x0] =	vst.idx.msk $0xffff, v10  }
0x187: {  	v9 =	vld [tilespmem:$0xC0];
	_ =	sdelay $0x4  }
0x188: {  	v10 =	vshll.u32 v9, $0x3  }
0x189: {  	v10 =	vand.u32 $0xFFFFFC00, v10  }
0x18a: {  	v9 =	vand.u32 $0x7F, v9;
	v10 =	vadd.s32 v48, v10  }
0x18b: {  	v9 =	vor.u32 v9, v10  }
0x18c: {  	v10 =	vld [tilespmem:$0x3C0];
	v9 =	vor.u32 v49, v9;
	_ =	sdelay $0x4  }
0x18d: {  	[tilespmem:v9+s10+$0x0] =	vst.idx.msk $0xffff, v10  }
0x18e: {  	v9 =	vld [tilespmem:$0xD0];
	_ =	sdelay $0x4  }
0x18f: {  	v10 =	vshll.u32 v9, $0x3  }
0x190: {  	v10 =	vand.u32 $0xFFFFFC00, v10  }
0x191: {  	v9 =	vand.u32 $0x7F, v9;
	v10 =	vadd.s32 v50, v10  }
0x192: {  	v9 =	vor.u32 v9, v10  }
0x193: {  	v10 =	vld [tilespmem:$0x3D0];
	v9 =	vor.u32 v51, v9;
	_ =	sdelay $0x4  }
0x194: {  	[tilespmem:v9+s10+$0x0] =	vst.idx.msk $0xffff, v10  }
0x195: {  	v9 =	vld [tilespmem:$0xE0];
	_ =	sdelay $0x4  }
0x196: {  	v10 =	vshll.u32 v9, $0x3  }
0x197: {  	v10 =	vand.u32 $0xFFFFFC00, v10  }
0x198: {  	v9 =	vand.u32 $0x7F, v9;
	v10 =	vadd.s32 v52, v10  }
0x199: {  	v9 =	vor.u32 v9, v10  }
0x19a: {  	v10 =	vld [tilespmem:$0x3E0];
	v9 =	vor.u32 v53, v9;
	_ =	sdelay $0x4  }
0x19b: {  	[tilespmem:v9+s10+$0x0] =	vst.idx.msk $0xffff, v10  }
0x19c: {  	v9 =	vld [tilespmem:$0xF0];
	_ =	sdelay $0x4  }
0x19d: {  	v10 =	vshll.u32 v9, $0x3  }
0x19e: {  	v10 =	vand.u32 $0xFFFFFC00, v10  }
0x19f: {  	v9 =	vand.u32 $0x7F, v9;
	v10 =	vadd.s32 v54, v10  }
0x1a0: {  	v9 =	vor.u32 v9, v10  }
0x1a1: {  	v10 =	vld [tilespmem:$0x3F0];
	v9 =	vor.u32 v55, v9;
	_ =	sdelay $0x4  }
0x1a2: {  	[tilespmem:v9+s10+$0x0] =	vst.idx.msk $0xffff, v10  }
0x1a3: {  	v9 =	vld [tilespmem:$0x100];
	_ =	sdelay $0x4  }
0x1a4: {  	v10 =	vshll.u32 v9, $0x3  }
0x1a5: {  	v10 =	vand.u32 $0xFFFFFC00, v10  }
0x1a6: {  	v9 =	vand.u32 $0x7F, v9;
	v10 =	vadd.s32 v56, v10  }
0x1a7: {  	v9 =	vor.u32 v9, v10  }
0x1a8: {  	v10 =	vld [tilespmem:$0x400];
	v9 =	vor.u32 v57, v9;
	_ =	sdelay $0x4  }
0x1a9: {  	[tilespmem:v9+s10+$0x0] =	vst.idx.msk $0xffff, v10  }
0x1aa: {  	v9 =	vld [tilespmem:$0x110];
	_ =	sdelay $0x4  }
0x1ab: {  	v10 =	vshll.u32 v9, $0x3  }
0x1ac: {  	v10 =	vand.u32 $0xFFFFFC00, v10  }
0x1ad: {  	v9 =	vand.u32 $0x7F, v9;
	v10 =	vadd.s32 v58, v10  }
0x1ae: {  	v9 =	vor.u32 v9, v10  }
0x1af: {  	v10 =	vld [tilespmem:$0x410];
	v9 =	vor.u32 v59, v9;
	_ =	sdelay $0x4  }
0x1b0: {  	[tilespmem:v9+s10+$0x0] =	vst.idx.msk $0xffff, v10  }
0x1b1: {  	v9 =	vld [tilespmem:$0x120];
	_ =	sdelay $0x4  }
0x1b2: {  	v10 =	vshll.u32 v9, $0x3  }
0x1b3: {  	v10 =	vand.u32 $0xFFFFFC00, v10  }
0x1b4: {  	v9 =	vand.u32 $0x7F, v9;
	v10 =	vadd.s32 v60, v10  }
0x1b5: {  	v9 =	vor.u32 v9, v10  }
0x1b6: {  	v10 =	vld [tilespmem:$0x420];
	v9 =	vor.u32 v61, v9;
	_ =	sdelay $0x4  }
0x1b7: {  	[tilespmem:v9+s10+$0x0] =	vst.idx.msk $0xffff, v10  }
0x1b8: {  	v9 =	vld [tilespmem:$0x130];
	_ =	sdelay $0x4  }
0x1b9: {  	v10 =	vshll.u32 v9, $0x3  }
0x1ba: {  	v10 =	vand.u32 $0xFFFFFC00, v10  }
0x1bb: {  	v9 =	vand.u32 $0x7F, v9;
	v10 =	vadd.s32 v62, v10  }
0x1bc: {  	v9 =	vor.u32 v9, v10  }
0x1bd: {  	v10 =	vld [tilespmem:$0x430];
	v9 =	vor.u32 v63, v9;
	_ =	sdelay $0x4  }
0x1be: {  	[tilespmem:v9+s10+$0x0] =	vst.idx.msk $0xffff, v10  }
0x1bf: {  	v9 =	vld [tilespmem:$0x140];
	_ =	sdelay $0x4  }
0x1c0: {  	v10 =	vshll.u32 v9, $0x3  }
0x1c1: {  	v10 =	vand.u32 $0xFFFFFC00, v10  }
0x1c2: {  	v9 =	vand.u32 $0x7F, v9;
	v10 =	vadd.s32 v0, v10  }
0x1c3: {  	v9 =	vor.u32 v9, v10  }
0x1c4: {  	v10 =	vld [tilespmem:$0x440];
	v9 =	vor.u32 v1, v9;
	_ =	sdelay $0x4  }
0x1c5: {  	[tilespmem:v9+s10+$0x0] =	vst.idx.msk $0xffff, v10  }
0x1c6: {  	v9 =	vld [tilespmem:$0x150];
	_ =	sdelay $0x4  }
0x1c7: {  	v10 =	vshll.u32 v9, $0x3  }
0x1c8: {  	v10 =	vand.u32 $0xFFFFFC00, v10  }
0x1c9: {  	v9 =	vand.u32 $0x7F, v9;
	v10 =	vadd.s32 v2, v10  }
0x1ca: {  	v9 =	vor.u32 v9, v10  }
0x1cb: {  	v10 =	vld [tilespmem:$0x450];
	v9 =	vor.u32 v3, v9;
	_ =	sdelay $0x4  }
0x1cc: {  	[tilespmem:v9+s10+$0x0] =	vst.idx.msk $0xffff, v10  }
0x1cd: {  	v9 =	vld [tilespmem:$0x160];
	_ =	sdelay $0x4  }
0x1ce: {  	v10 =	vshll.u32 v9, $0x3  }
0x1cf: {  	v10 =	vand.u32 $0xFFFFFC00, v10  }
0x1d0: {  	v9 =	vand.u32 $0x7F, v9;
	v10 =	vadd.s32 v4, v10  }
0x1d1: {  	v9 =	vor.u32 v9, v10  }
0x1d2: {  	v10 =	vld [tilespmem:$0x460];
	v9 =	vor.u32 v5, v9;
	_ =	sdelay $0x4  }
0x1d3: {  	[tilespmem:v9+s10+$0x0] =	vst.idx.msk $0xffff, v10  }
0x1d4: {  	v9 =	vld [tilespmem:$0x170];
	_ =	sdelay $0x4  }
0x1d5: {  	v10 =	vshll.u32 v9, $0x3  }
0x1d6: {  	v10 =	vand.u32 $0xFFFFFC00, v10  }
0x1d7: {  	v9 =	vand.u32 $0x7F, v9;
	v10 =	vadd.s32 v6, v10  }
0x1d8: {  	v9 =	vor.u32 v9, v10  }
0x1d9: {  	v10 =	vld [tilespmem:$0x470];
	v9 =	vor.u32 v7, v9;
	_ =	sdelay $0x4  }
0x1da: {  	[tilespmem:v9+s10+$0x0] =	vst.idx.msk $0xffff, v10  }
0x1db: {  	[hbm4b:s5+s2] =	stream.linear.scatter [tilespmem:s10], [sflag:$0x1], $0x1C000, $0x38;
	[tilespmem:$0x1C600] =	vst v63  }
0x1dc: {  	_ =	swait.ge [sflag:s8], $0x1C000  }
0x1dd: {  	[sflag:s8] =	ssyncset.done $0x0  }
0x1de: {  	[sflag:s8] =	ssyncadd.s32 $0xFFFE4000  }
0x1df: {  	v9 =	vld [tilespmem:$0x0];
	_ =	sdelay $0x4  }
0x1e0: {  	v10 =	vshll.u32 v9, $0x3  }
0x1e1: {  	v10 =	vand.u32 $0xFFFFFC00, v10  }
0x1e2: {  	v9 =	vand.u32 $0x7F, v9;
	v10 =	vadd.s32 v24, v10  }
0x1e3: {  	v9 =	vor.u32 v9, v10  }
0x1e4: {  	v9 =	vor.u32 v25, v9;
	_ =	sdelay $0x4  }
0x1e5: {  	[tilespmem:v9+s10+$0x0] =	vst.idx.msk $0xffff, v8  }
0x1e6: {  	v9 =	vld [tilespmem:$0x10];
	_ =	sdelay $0x4  }
0x1e7: {  	v10 =	vshll.u32 v9, $0x3  }
0x1e8: {  	v10 =	vand.u32 $0xFFFFFC00, v10  }
0x1e9: {  	v9 =	vand.u32 $0x7F, v9;
	v10 =	vadd.s32 v26, v10  }
0x1ea: {  	v9 =	vor.u32 v9, v10  }
0x1eb: {  	v9 =	vor.u32 v27, v9;
	_ =	sdelay $0x4  }
0x1ec: {  	[tilespmem:v9+s10+$0x0] =	vst.idx.msk $0xffff, v8  }
0x1ed: {  	v9 =	vld [tilespmem:$0x20];
	_ =	sdelay $0x4  }
0x1ee: {  	v10 =	vshll.u32 v9, $0x3  }
0x1ef: {  	v10 =	vand.u32 $0xFFFFFC00, v10  }
0x1f0: {  	v9 =	vand.u32 $0x7F, v9;
	v10 =	vadd.s32 v28, v10  }
0x1f1: {  	v9 =	vor.u32 v9, v10  }
0x1f2: {  	v9 =	vor.u32 v29, v9;
	_ =	sdelay $0x4  }
0x1f3: {  	[tilespmem:v9+s10+$0x0] =	vst.idx.msk $0xffff, v8  }
0x1f4: {  	v9 =	vld [tilespmem:$0x30];
	_ =	sdelay $0x4  }
0x1f5: {  	v10 =	vshll.u32 v9, $0x3  }
0x1f6: {  	v10 =	vand.u32 $0xFFFFFC00, v10  }
0x1f7: {  	v9 =	vand.u32 $0x7F, v9;
	v10 =	vadd.s32 v30, v10  }
0x1f8: {  	v9 =	vor.u32 v9, v10  }
0x1f9: {  	v9 =	vor.u32 v31, v9;
	_ =	sdelay $0x4  }
0x1fa: {  	[tilespmem:v9+s10+$0x0] =	vst.idx.msk $0xffff, v8  }
0x1fb: {  	v9 =	vld [tilespmem:$0x40];
	_ =	sdelay $0x4  }
0x1fc: {  	v10 =	vshll.u32 v9, $0x3  }
0x1fd: {  	v10 =	vand.u32 $0xFFFFFC00, v10  }
0x1fe: {  	v9 =	vand.u32 $0x7F, v9;
	v10 =	vadd.s32 v32, v10  }
0x1ff: {  	v9 =	vor.u32 v9, v10  }
0x200: {  	v9 =	vor.u32 v33, v9;
	_ =	sdelay $0x4  }
0x201: {  	[tilespmem:v9+s10+$0x0] =	vst.idx.msk $0xffff, v8  }
0x202: {  	v9 =	vld [tilespmem:$0x50];
	_ =	sdelay $0x4  }
0x203: {  	v10 =	vshll.u32 v9, $0x3  }
0x204: {  	v10 =	vand.u32 $0xFFFFFC00, v10  }
0x205: {  	v9 =	vand.u32 $0x7F, v9;
	v10 =	vadd.s32 v34, v10  }
0x206: {  	v9 =	vor.u32 v9, v10  }
0x207: {  	v9 =	vor.u32 v35, v9;
	_ =	sdelay $0x4  }
0x208: {  	[tilespmem:v9+s10+$0x0] =	vst.idx.msk $0xffff, v8  }
0x209: {  	v9 =	vld [tilespmem:$0x60];
	_ =	sdelay $0x4  }
0x20a: {  	v10 =	vshll.u32 v9, $0x3  }
0x20b: {  	v10 =	vand.u32 $0xFFFFFC00, v10  }
0x20c: {  	v9 =	vand.u32 $0x7F, v9;
	v10 =	vadd.s32 v36, v10  }
0x20d: {  	v9 =	vor.u32 v9, v10  }
0x20e: {  	v9 =	vor.u32 v37, v9;
	_ =	sdelay $0x4  }
0x20f: {  	[tilespmem:v9+s10+$0x0] =	vst.idx.msk $0xffff, v8  }
0x210: {  	v9 =	vld [tilespmem:$0x70];
	_ =	sdelay $0x4  }
0x211: {  	v10 =	vshll.u32 v9, $0x3  }
0x212: {  	v10 =	vand.u32 $0xFFFFFC00, v10  }
0x213: {  	v9 =	vand.u32 $0x7F, v9;
	v10 =	vadd.s32 v38, v10  }
0x214: {  	v9 =	vor.u32 v9, v10  }
0x215: {  	v9 =	vor.u32 v39, v9;
	_ =	sdelay $0x4  }
0x216: {  	[tilespmem:v9+s10+$0x0] =	vst.idx.msk $0xffff, v8  }
0x217: {  	v9 =	vld [tilespmem:$0x80];
	_ =	sdelay $0x4  }
0x218: {  	v10 =	vshll.u32 v9, $0x3  }
0x219: {  	v10 =	vand.u32 $0xFFFFFC00, v10  }
0x21a: {  	v9 =	vand.u32 $0x7F, v9;
	v10 =	vadd.s32 v40, v10  }
0x21b: {  	v9 =	vor.u32 v9, v10  }
0x21c: {  	v9 =	vor.u32 v41, v9;
	_ =	sdelay $0x4  }
0x21d: {  	[tilespmem:v9+s10+$0x0] =	vst.idx.msk $0xffff, v8  }
0x21e: {  	v9 =	vld [tilespmem:$0x90];
	_ =	sdelay $0x4  }
0x21f: {  	v10 =	vshll.u32 v9, $0x3  }
0x220: {  	v10 =	vand.u32 $0xFFFFFC00, v10  }
0x221: {  	v9 =	vand.u32 $0x7F, v9;
	v10 =	vadd.s32 v42, v10  }
0x222: {  	v9 =	vor.u32 v9, v10  }
0x223: {  	v9 =	vor.u32 v43, v9;
	_ =	sdelay $0x4  }
0x224: {  	[tilespmem:v9+s10+$0x0] =	vst.idx.msk $0xffff, v8  }
0x225: {  	v9 =	vld [tilespmem:$0xA0];
	_ =	sdelay $0x4  }
0x226: {  	v10 =	vshll.u32 v9, $0x3  }
0x227: {  	v10 =	vand.u32 $0xFFFFFC00, v10  }
0x228: {  	v9 =	vand.u32 $0x7F, v9;
	v10 =	vadd.s32 v44, v10  }
0x229: {  	v9 =	vor.u32 v9, v10  }
0x22a: {  	v9 =	vor.u32 v45, v9;
	_ =	sdelay $0x4  }
0x22b: {  	[tilespmem:v9+s10+$0x0] =	vst.idx.msk $0xffff, v8  }
0x22c: {  	v9 =	vld [tilespmem:$0xB0];
	_ =	sdelay $0x4  }
0x22d: {  	v10 =	vshll.u32 v9, $0x3  }
0x22e: {  	v10 =	vand.u32 $0xFFFFFC00, v10  }
0x22f: {  	v9 =	vand.u32 $0x7F, v9;
	v10 =	vadd.s32 v46, v10  }
0x230: {  	v9 =	vor.u32 v9, v10  }
0x231: {  	v9 =	vor.u32 v47, v9;
	_ =	sdelay $0x4  }
0x232: {  	[tilespmem:v9+s10+$0x0] =	vst.idx.msk $0xffff, v8  }
0x233: {  	v9 =	vld [tilespmem:$0xC0];
	_ =	sdelay $0x4  }
0x234: {  	v10 =	vshll.u32 v9, $0x3  }
0x235: {  	v10 =	vand.u32 $0xFFFFFC00, v10  }
0x236: {  	v9 =	vand.u32 $0x7F, v9;
	v10 =	vadd.s32 v48, v10  }
0x237: {  	v9 =	vor.u32 v9, v10  }
0x238: {  	v9 =	vor.u32 v49, v9;
	_ =	sdelay $0x4  }
0x239: {  	[tilespmem:v9+s10+$0x0] =	vst.idx.msk $0xffff, v8  }
0x23a: {  	v9 =	vld [tilespmem:$0xD0];
	_ =	sdelay $0x4  }
0x23b: {  	v10 =	vshll.u32 v9, $0x3  }
0x23c: {  	v10 =	vand.u32 $0xFFFFFC00, v10  }
0x23d: {  	v9 =	vand.u32 $0x7F, v9;
	v10 =	vadd.s32 v50, v10  }
0x23e: {  	v9 =	vor.u32 v9, v10  }
0x23f: {  	v9 =	vor.u32 v51, v9;
	_ =	sdelay $0x4  }
0x240: {  	[tilespmem:v9+s10+$0x0] =	vst.idx.msk $0xffff, v8  }
0x241: {  	v9 =	vld [tilespmem:$0xE0];
	_ =	sdelay $0x4  }
0x242: {  	v10 =	vshll.u32 v9, $0x3  }
0x243: {  	v10 =	vand.u32 $0xFFFFFC00, v10  }
0x244: {  	v9 =	vand.u32 $0x7F, v9;
	v10 =	vadd.s32 v52, v10  }
0x245: {  	v9 =	vor.u32 v9, v10  }
0x246: {  	v9 =	vor.u32 v53, v9;
	_ =	sdelay $0x4  }
0x247: {  	[tilespmem:v9+s10+$0x0] =	vst.idx.msk $0xffff, v8  }
0x248: {  	v9 =	vld [tilespmem:$0xF0];
	_ =	sdelay $0x4  }
0x249: {  	v10 =	vshll.u32 v9, $0x3  }
0x24a: {  	v10 =	vand.u32 $0xFFFFFC00, v10  }
0x24b: {  	v9 =	vand.u32 $0x7F, v9;
	v10 =	vadd.s32 v54, v10  }
0x24c: {  	v9 =	vor.u32 v9, v10  }
0x24d: {  	v9 =	vor.u32 v55, v9;
	_ =	sdelay $0x4  }
0x24e: {  	[tilespmem:v9+s10+$0x0] =	vst.idx.msk $0xffff, v8  }
0x24f: {  	v9 =	vld [tilespmem:$0x100];
	_ =	sdelay $0x4  }
0x250: {  	v10 =	vshll.u32 v9, $0x3  }
0x251: {  	v10 =	vand.u32 $0xFFFFFC00, v10  }
0x252: {  	v9 =	vand.u32 $0x7F, v9;
	v10 =	vadd.s32 v56, v10  }
0x253: {  	v9 =	vor.u32 v9, v10  }
0x254: {  	v9 =	vor.u32 v57, v9;
	_ =	sdelay $0x4  }
0x255: {  	[tilespmem:v9+s10+$0x0] =	vst.idx.msk $0xffff, v8  }
0x256: {  	v9 =	vld [tilespmem:$0x110];
	_ =	sdelay $0x4  }
0x257: {  	v10 =	vshll.u32 v9, $0x3  }
0x258: {  	v10 =	vand.u32 $0xFFFFFC00, v10  }
0x259: {  	v9 =	vand.u32 $0x7F, v9;
	v10 =	vadd.s32 v58, v10  }
0x25a: {  	v9 =	vor.u32 v9, v10  }
0x25b: {  	v9 =	vor.u32 v59, v9;
	_ =	sdelay $0x4  }
0x25c: {  	[tilespmem:v9+s10+$0x0] =	vst.idx.msk $0xffff, v8  }
0x25d: {  	v9 =	vld [tilespmem:$0x120];
	_ =	sdelay $0x4  }
0x25e: {  	v10 =	vshll.u32 v9, $0x3  }
0x25f: {  	v10 =	vand.u32 $0xFFFFFC00, v10  }
0x260: {  	v9 =	vand.u32 $0x7F, v9;
	v10 =	vadd.s32 v60, v10  }
0x261: {  	v9 =	vor.u32 v9, v10  }
0x262: {  	v9 =	vor.u32 v61, v9;
	_ =	sdelay $0x4  }
0x263: {  	[tilespmem:v9+s10+$0x0] =	vst.idx.msk $0xffff, v8  }
0x264: {  	v9 =	vld [tilespmem:$0x130];
	_ =	sdelay $0x4  }
0x265: {  	v10 =	vshll.u32 v9, $0x3  }
0x266: {  	v10 =	vand.u32 $0xFFFFFC00, v10  }
0x267: {  	v9 =	vand.u32 $0x7F, v9;
	v10 =	vadd.s32 v62, v10  }
0x268: {  	v9 =	vor.u32 v9, v10  }
0x269: {  	v9 =	vor.u32 v63, v9;
	_ =	sdelay $0x4  }
0x26a: {  	[tilespmem:v9+s10+$0x0] =	vst.idx.msk $0xffff, v8  }
0x26b: {  	v9 =	vld [tilespmem:$0x140];
	_ =	sdelay $0x4  }
0x26c: {  	v10 =	vshll.u32 v9, $0x3  }
0x26d: {  	v10 =	vand.u32 $0xFFFFFC00, v10  }
0x26e: {  	v9 =	vand.u32 $0x7F, v9;
	v10 =	vadd.s32 v0, v10  }
0x26f: {  	v9 =	vor.u32 v9, v10  }
0x270: {  	v9 =	vor.u32 v1, v9;
	_ =	sdelay $0x4  }
0x271: {  	[tilespmem:v9+s10+$0x0] =	vst.idx.msk $0xffff, v8  }
0x272: {  	v9 =	vld [tilespmem:$0x150];
	_ =	sdelay $0x4  }
0x273: {  	v10 =	vshll.u32 v9, $0x3  }
0x274: {  	v10 =	vand.u32 $0xFFFFFC00, v10  }
0x275: {  	v9 =	vand.u32 $0x7F, v9;
	v10 =	vadd.s32 v2, v10  }
0x276: {  	v9 =	vor.u32 v9, v10  }
0x277: {  	v9 =	vor.u32 v3, v9;
	_ =	sdelay $0x4  }
0x278: {  	[tilespmem:v9+s10+$0x0] =	vst.idx.msk $0xffff, v8  }
0x279: {  	v9 =	vld [tilespmem:$0x160];
	_ =	sdelay $0x4  }
0x27a: {  	v10 =	vshll.u32 v9, $0x3  }
0x27b: {  	v10 =	vand.u32 $0xFFFFFC00, v10  }
0x27c: {  	v9 =	vand.u32 $0x7F, v9;
	v10 =	vadd.s32 v4, v10  }
0x27d: {  	v9 =	vor.u32 v9, v10  }
0x27e: {  	v9 =	vor.u32 v5, v9;
	_ =	sdelay $0x4  }
0x27f: {  	[tilespmem:v9+s10+$0x0] =	vst.idx.msk $0xffff, v8  }
0x280: {  	v9 =	vld [tilespmem:$0x170];
	_ =	sdelay $0x4  }
0x281: {  	v10 =	vshll.u32 v9, $0x3  }
0x282: {  	v10 =	vand.u32 $0xFFFFFC00, v10  }
0x283: {  	v9 =	vand.u32 $0x7F, v9;
	v10 =	vadd.s32 v6, v10  }
0x284: {  	v9 =	vor.u32 v9, v10  }
0x285: {  	v9 =	vor.u32 v7, v9;
	_ =	sdelay $0x4  }
0x286: {  	[tilespmem:v9+s10+$0x0] =	vst.idx.msk $0xffff, v8  }
0x287: {  	v9 =	vld [tilespmem:$0x180];
	_ =	sdelay $0x1  }
0x288: {  	v11 =	vld [tilespmem:$0x1FF10];
	_ =	sdelay $0x2  }
0x289: {  	v10 =	vshll.u32 v9, $0x3  }
0x28a: {  	v10 =	vand.u32 $0xFFFFFC00, v10  }
0x28b: {  	v9 =	vand.u32 $0x7F, v9;
	v10 =	vadd.s32 v11, v10  }
0x28c: {  	v9 =	vor.u32 v9, v10;
	v10 =	vld [tilespmem:$0x480];
	_ =	sdelay $0x4  }
0x28d: {  	[tilespmem:v9+s10+$0x0] =	vst.idx.msk $0xffff, v10  }
0x28e: {  	v9 =	vld [tilespmem:$0x190];
	_ =	sdelay $0x1  }
0x28f: {  	v11 =	vld [tilespmem:$0x1FF20];
	_ =	sdelay $0x2  }
0x290: {  	v10 =	vshll.u32 v9, $0x3  }
0x291: {  	v10 =	vand.u32 $0xFFFFFC00, v10  }
0x292: {  	v9 =	vand.u32 $0x7F, v9;
	v10 =	vadd.s32 v11, v10  }
0x293: {  	v9 =	vor.u32 v9, v10;
	v10 =	vld [tilespmem:$0x490];
	_ =	sdelay $0x4  }
0x294: {  	[tilespmem:v9+s10+$0x0] =	vst.idx.msk $0xffff, v10  }
0x295: {  	v9 =	vld [tilespmem:$0x1A0];
	_ =	sdelay $0x1  }
0x296: {  	v11 =	vld [tilespmem:$0x1FF30];
	_ =	sdelay $0x2  }
0x297: {  	v10 =	vshll.u32 v9, $0x3  }
0x298: {  	v10 =	vand.u32 $0xFFFFFC00, v10  }
0x299: {  	v9 =	vand.u32 $0x7F, v9;
	v10 =	vadd.s32 v11, v10  }
0x29a: {  	v9 =	vor.u32 v9, v10;
	v10 =	vld [tilespmem:$0x4A0];
	_ =	sdelay $0x4  }
0x29b: {  	[tilespmem:v9+s10+$0x0] =	vst.idx.msk $0xffff, v10  }
0x29c: {  	v9 =	vld [tilespmem:$0x1B0];
	_ =	sdelay $0x1  }
0x29d: {  	v11 =	vld [tilespmem:$0x1FF40];
	_ =	sdelay $0x2  }
0x29e: {  	v10 =	vshll.u32 v9, $0x3  }
0x29f: {  	v10 =	vand.u32 $0xFFFFFC00, v10  }
0x2a0: {  	v9 =	vand.u32 $0x7F, v9;
	v10 =	vadd.s32 v11, v10  }
0x2a1: {  	v9 =	vor.u32 v9, v10;
	v10 =	vld [tilespmem:$0x4B0];
	_ =	sdelay $0x4  }
0x2a2: {  	[tilespmem:v9+s10+$0x0] =	vst.idx.msk $0xffff, v10  }
0x2a3: {  	v9 =	vld [tilespmem:$0x1C0];
	_ =	sdelay $0x1  }
0x2a4: {  	v11 =	vld [tilespmem:$0x1FF50];
	_ =	sdelay $0x2  }
0x2a5: {  	v10 =	vshll.u32 v9, $0x3  }
0x2a6: {  	v10 =	vand.u32 $0xFFFFFC00, v10  }
0x2a7: {  	v9 =	vand.u32 $0x7F, v9;
	v10 =	vadd.s32 v11, v10  }
0x2a8: {  	v9 =	vor.u32 v9, v10;
	v10 =	vld [tilespmem:$0x4C0];
	_ =	sdelay $0x4  }
0x2a9: {  	[tilespmem:v9+s10+$0x0] =	vst.idx.msk $0xffff, v10  }
0x2aa: {  	v9 =	vld [tilespmem:$0x1D0];
	_ =	sdelay $0x1  }
0x2ab: {  	v11 =	vld [tilespmem:$0x1FF60];
	_ =	sdelay $0x2  }
0x2ac: {  	v10 =	vshll.u32 v9, $0x3  }
0x2ad: {  	v10 =	vand.u32 $0xFFFFFC00, v10  }
0x2ae: {  	v9 =	vand.u32 $0x7F, v9;
	v10 =	vadd.s32 v11, v10  }
0x2af: {  	v9 =	vor.u32 v9, v10;
	v10 =	vld [tilespmem:$0x4D0];
	_ =	sdelay $0x4  }
0x2b0: {  	[tilespmem:v9+s10+$0x0] =	vst.idx.msk $0xffff, v10  }
0x2b1: {  	v9 =	vld [tilespmem:$0x1E0];
	_ =	sdelay $0x1  }
0x2b2: {  	v11 =	vld [tilespmem:$0x1FF70];
	_ =	sdelay $0x2  }
0x2b3: {  	v10 =	vshll.u32 v9, $0x3  }
0x2b4: {  	v10 =	vand.u32 $0xFFFFFC00, v10  }
0x2b5: {  	v9 =	vand.u32 $0x7F, v9;
	v10 =	vadd.s32 v11, v10  }
0x2b6: {  	v9 =	vor.u32 v9, v10;
	v10 =	vld [tilespmem:$0x4E0];
	_ =	sdelay $0x4  }
0x2b7: {  	[tilespmem:v9+s10+$0x0] =	vst.idx.msk $0xffff, v10  }
0x2b8: {  	v9 =	vld [tilespmem:$0x1F0];
	_ =	sdelay $0x1  }
0x2b9: {  	v11 =	vld [tilespmem:$0x1FF80];
	_ =	sdelay $0x2  }
0x2ba: {  	v10 =	vshll.u32 v9, $0x3  }
0x2bb: {  	v10 =	vand.u32 $0xFFFFFC00, v10  }
0x2bc: {  	v9 =	vand.u32 $0x7F, v9;
	v10 =	vadd.s32 v11, v10  }
0x2bd: {  	v9 =	vor.u32 v9, v10;
	v10 =	vld [tilespmem:$0x4F0];
	_ =	sdelay $0x4  }
0x2be: {  	[tilespmem:v9+s10+$0x0] =	vst.idx.msk $0xffff, v10  }
0x2bf: {  	v9 =	vld [tilespmem:$0x200];
	_ =	sdelay $0x1  }
0x2c0: {  	v11 =	vld [tilespmem:$0x1FF90];
	_ =	sdelay $0x2  }
0x2c1: {  	v10 =	vshll.u32 v9, $0x3  }
0x2c2: {  	v10 =	vand.u32 $0xFFFFFC00, v10  }
0x2c3: {  	v9 =	vand.u32 $0x7F, v9;
	v10 =	vadd.s32 v11, v10  }
0x2c4: {  	v9 =	vor.u32 v9, v10;
	v10 =	vld [tilespmem:$0x500];
	_ =	sdelay $0x4  }
0x2c5: {  	[tilespmem:v9+s10+$0x0] =	vst.idx.msk $0xffff, v10  }
0x2c6: {  	v9 =	vld [tilespmem:$0x210];
	_ =	sdelay $0x1  }
0x2c7: {  	v11 =	vld [tilespmem:$0x1FFA0];
	_ =	sdelay $0x2  }
0x2c8: {  	v10 =	vshll.u32 v9, $0x3  }
0x2c9: {  	v10 =	vand.u32 $0xFFFFFC00, v10  }
0x2ca: {  	v9 =	vand.u32 $0x7F, v9;
	v10 =	vadd.s32 v11, v10  }
0x2cb: {  	v9 =	vor.u32 v9, v10;
	v10 =	vld [tilespmem:$0x510];
	_ =	sdelay $0x4  }
0x2cc: {  	[tilespmem:v9+s10+$0x0] =	vst.idx.msk $0xffff, v10  }
0x2cd: {  	v9 =	vld [tilespmem:$0x220];
	_ =	sdelay $0x1  }
0x2ce: {  	v11 =	vld [tilespmem:$0x1FFB0];
	_ =	sdelay $0x2  }
0x2cf: {  	v10 =	vshll.u32 v9, $0x3  }
0x2d0: {  	v10 =	vand.u32 $0xFFFFFC00, v10  }
0x2d1: {  	v9 =	vand.u32 $0x7F, v9;
	v10 =	vadd.s32 v11, v10  }
0x2d2: {  	v9 =	vor.u32 v9, v10;
	v10 =	vld [tilespmem:$0x520];
	_ =	sdelay $0x4  }
0x2d3: {  	[tilespmem:v9+s10+$0x0] =	vst.idx.msk $0xffff, v10  }
0x2d4: {  	v9 =	vld [tilespmem:$0x230];
	_ =	sdelay $0x1  }
0x2d5: {  	v11 =	vld [tilespmem:$0x1FFC0];
	_ =	sdelay $0x2  }
0x2d6: {  	v10 =	vshll.u32 v9, $0x3  }
0x2d7: {  	v10 =	vand.u32 $0xFFFFFC00, v10  }
0x2d8: {  	v9 =	vand.u32 $0x7F, v9;
	v10 =	vadd.s32 v11, v10  }
0x2d9: {  	v9 =	vor.u32 v9, v10;
	v10 =	vld [tilespmem:$0x530];
	_ =	sdelay $0x4  }
0x2da: {  	[tilespmem:v9+s10+$0x0] =	vst.idx.msk $0xffff, v10  }
0x2db: {  	v9 =	vld [tilespmem:$0x240];
	_ =	sdelay $0x4  }
0x2dc: {  	v10 =	vshll.u32 v9, $0x3  }
0x2dd: {  	v10 =	vand.u32 $0xFFFFFC00, v10  }
0x2de: {  	v9 =	vand.u32 $0x7F, v9;
	v10 =	vadd.s32 v12, v10  }
0x2df: {  	v9 =	vor.u32 v9, v10;
	v10 =	vld [tilespmem:$0x540];
	_ =	sdelay $0x4  }
0x2e0: {  	[tilespmem:v9+s10+$0x0] =	vst.idx.msk $0xffff, v10  }
0x2e1: {  	v9 =	vld [tilespmem:$0x250];
	_ =	sdelay $0x4  }
0x2e2: {  	v10 =	vshll.u32 v9, $0x3  }
0x2e3: {  	v10 =	vand.u32 $0xFFFFFC00, v10  }
0x2e4: {  	v9 =	vand.u32 $0x7F, v9;
	v10 =	vadd.s32 v13, v10  }
0x2e5: {  	v9 =	vor.u32 v9, v10;
	v10 =	vld [tilespmem:$0x550];
	_ =	sdelay $0x4  }
0x2e6: {  	[tilespmem:v9+s10+$0x0] =	vst.idx.msk $0xffff, v10  }
0x2e7: {  	v9 =	vld [tilespmem:$0x260];
	_ =	sdelay $0x4  }
0x2e8: {  	v10 =	vshll.u32 v9, $0x3  }
0x2e9: {  	v10 =	vand.u32 $0xFFFFFC00, v10  }
0x2ea: {  	v9 =	vand.u32 $0x7F, v9;
	v10 =	vadd.s32 v14, v10  }
0x2eb: {  	v9 =	vor.u32 v9, v10;
	v10 =	vld [tilespmem:$0x560];
	_ =	sdelay $0x4  }
0x2ec: {  	[tilespmem:v9+s10+$0x0] =	vst.idx.msk $0xffff, v10  }
0x2ed: {  	v9 =	vld [tilespmem:$0x270];
	_ =	sdelay $0x4  }
0x2ee: {  	v10 =	vshll.u32 v9, $0x3  }
0x2ef: {  	v10 =	vand.u32 $0xFFFFFC00, v10  }
0x2f0: {  	v9 =	vand.u32 $0x7F, v9;
	v10 =	vadd.s32 v15, v10  }
0x2f1: {  	v9 =	vor.u32 v9, v10;
	v10 =	vld [tilespmem:$0x570];
	_ =	sdelay $0x4  }
0x2f2: {  	[tilespmem:v9+s10+$0x0] =	vst.idx.msk $0xffff, v10  }
0x2f3: {  	v9 =	vld [tilespmem:$0x280];
	_ =	sdelay $0x4  }
0x2f4: {  	v10 =	vshll.u32 v9, $0x3  }
0x2f5: {  	v10 =	vand.u32 $0xFFFFFC00, v10  }
0x2f6: {  	v9 =	vand.u32 $0x7F, v9;
	v10 =	vadd.s32 v16, v10  }
0x2f7: {  	v9 =	vor.u32 v9, v10;
	v10 =	vld [tilespmem:$0x580];
	_ =	sdelay $0x4  }
0x2f8: {  	[tilespmem:v9+s10+$0x0] =	vst.idx.msk $0xffff, v10  }
0x2f9: {  	v9 =	vld [tilespmem:$0x290];
	_ =	sdelay $0x4  }
0x2fa: {  	v10 =	vshll.u32 v9, $0x3  }
0x2fb: {  	v10 =	vand.u32 $0xFFFFFC00, v10  }
0x2fc: {  	v9 =	vand.u32 $0x7F, v9;
	v10 =	vadd.s32 v17, v10  }
0x2fd: {  	v9 =	vor.u32 v9, v10;
	v10 =	vld [tilespmem:$0x590];
	_ =	sdelay $0x4  }
0x2fe: {  	[tilespmem:v9+s10+$0x0] =	vst.idx.msk $0xffff, v10  }
0x2ff: {  	v9 =	vld [tilespmem:$0x2A0];
	_ =	sdelay $0x4  }
0x300: {  	v10 =	vshll.u32 v9, $0x3  }
0x301: {  	v10 =	vand.u32 $0xFFFFFC00, v10  }
0x302: {  	v9 =	vand.u32 $0x7F, v9;
	v10 =	vadd.s32 v18, v10  }
0x303: {  	v9 =	vor.u32 v9, v10;
	v10 =	vld [tilespmem:$0x5A0];
	_ =	sdelay $0x4  }
0x304: {  	[tilespmem:v9+s10+$0x0] =	vst.idx.msk $0xffff, v10  }
0x305: {  	v9 =	vld [tilespmem:$0x2B0];
	_ =	sdelay $0x4  }
0x306: {  	v10 =	vshll.u32 v9, $0x3  }
0x307: {  	v10 =	vand.u32 $0xFFFFFC00, v10  }
0x308: {  	v9 =	vand.u32 $0x7F, v9;
	v10 =	vadd.s32 v19, v10  }
0x309: {  	v9 =	vor.u32 v9, v10;
	v10 =	vld [tilespmem:$0x5B0];
	_ =	sdelay $0x4  }
0x30a: {  	[tilespmem:v9+s10+$0x0] =	vst.idx.msk $0xffff, v10  }
0x30b: {  	v9 =	vld [tilespmem:$0x2C0];
	_ =	sdelay $0x4  }
0x30c: {  	v10 =	vshll.u32 v9, $0x3  }
0x30d: {  	v10 =	vand.u32 $0xFFFFFC00, v10  }
0x30e: {  	v9 =	vand.u32 $0x7F, v9;
	v10 =	vadd.s32 v20, v10  }
0x30f: {  	v9 =	vor.u32 v9, v10;
	v10 =	vld [tilespmem:$0x5C0];
	_ =	sdelay $0x4  }
0x310: {  	[tilespmem:v9+s10+$0x0] =	vst.idx.msk $0xffff, v10  }
0x311: {  	v9 =	vld [tilespmem:$0x2D0];
	_ =	sdelay $0x4  }
0x312: {  	v10 =	vshll.u32 v9, $0x3  }
0x313: {  	v10 =	vand.u32 $0xFFFFFC00, v10  }
0x314: {  	v9 =	vand.u32 $0x7F, v9;
	v10 =	vadd.s32 v21, v10  }
0x315: {  	v9 =	vor.u32 v9, v10;
	v10 =	vld [tilespmem:$0x5D0];
	_ =	sdelay $0x4  }
0x316: {  	[tilespmem:v9+s10+$0x0] =	vst.idx.msk $0xffff, v10  }
0x317: {  	v9 =	vld [tilespmem:$0x2E0];
	_ =	sdelay $0x4  }
0x318: {  	v10 =	vshll.u32 v9, $0x3  }
0x319: {  	v10 =	vand.u32 $0xFFFFFC00, v10  }
0x31a: {  	v9 =	vand.u32 $0x7F, v9;
	v10 =	vadd.s32 v22, v10  }
0x31b: {  	v9 =	vor.u32 v9, v10;
	v10 =	vld [tilespmem:$0x5E0];
	_ =	sdelay $0x4  }
0x31c: {  	[tilespmem:v9+s10+$0x0] =	vst.idx.msk $0xffff, v10  }
0x31d: {  	v9 =	vld [tilespmem:$0x2F0];
	_ =	sdelay $0x4  }
0x31e: {  	v10 =	vshll.u32 v9, $0x3  }
0x31f: {  	v10 =	vand.u32 $0xFFFFFC00, v10  }
0x320: {  	v9 =	vand.u32 $0x7F, v9;
	v10 =	vadd.s32 v23, v10  }
0x321: {  	v9 =	vor.u32 v9, v10;
	v10 =	vld [tilespmem:$0x5F0];
	_ =	sdelay $0x2  }
0x322: {  	s11 =	sadd.s32 $0x1, s11  }
0x323: {  	p0 =	sne.s32 s11, s7  }
.Ltmp1:
0x324: {  	[tilespmem:v9+s10+$0x0] =	vst.idx.msk $0xffff, v10;
	(pc) =	sbr.rel @p0 .LBB2_1-.Ltmp1, $4  }
0x325: {  	[hbm4b:s6+s2] =	stream.linear.scatter [tilespmem:s10], [sflag:$0x1], $0x1C000, $0x38;
	[tilespmem:$0x1C600] =	vst v63  }
0x326: {  	_ =	swait.ge [sflag:s8], $0x1C000  }
0x327: {  	[sflag:s8] =	ssyncset.done $0x0  }
0x328: {  	[sflag:s8] =	ssyncadd.s32 $0xFFFE4000  }
0x329: {  	_ =	sfence.sel $0x180000  }
0x32a: {  	[bflag:$0x0] =	sbarrier.arrive $0xFFFF  }
0x32b: {  	p0 =	sne.s32 s0, $0x0;
	_ =	strace $0x90000047  }
0x32c: {  	s0 =	sadd.s32 @!p0 $0x100000, s1;
	[bflag:$0x2] =	sbarrier.arrive $0xFFFF  }
0x32d: {  	[sflag:s0] =	ssyncadd.tile.s32 @!p0 $0x1;
	_ =	shalt  }
.Lfunc_end2:
_tile_overlayer_lowered:
.L_overlay_start_2:
0x32e: {  	(tag) =	ssettag $0x2  }
0x32f: {  	s0 =	rddreg [dreg:$0x0];
	s2 =	stileid.u32  }
0x330: {  	s1 =	rddreg [dreg:$0x1];
	p0 =	sne.s32 s2, $0x0  }
0x331: {  	s3 =	rddreg [dreg:$0x2];
	[bflag:$0x3] =	sbarrier.arrive $0xFFFF;
	s2 =	simm.s32 @!p0 $0x1C01  }
0x332: {  	[timem:s3], [sflag:s2] =	dma.local @!p0 [hbm:s0], s1  }
0x333: {  	s0 =	simm.s32 @!p0 $0x1  }
0x334: {  	_ =	swait.ge @!p0 [sflag:s0], s1  }
0x335: {  	s1 =	ssub.s32 @!p0 $0x0, s1;
	[sflag:s0] =	ssyncset.done @!p0 $0x0  }
0x336: {  	[sflag:s0] =	ssyncadd.s32 @!p0 s1  }
0x337: {  	[bflag:$0x3] =	sbarrier.arrive $0xFFFF  }
0x338: {  	_ =	shalt  }

</sc_bundles>
